<compile_context>
chip_gen: v7x
topology: tpu7x:2x2x1
jax: 0.10.2.dev20260603
libtpu: 0.0.44.dev20260713+nightly
codegen_flags: <defaults>
</compile_context>

<pallas_src>
import functools

import jax
import jax.numpy as jnp
from jax import lax
from jax.experimental import pallas as pl
from jax.experimental.pallas import tpu as pltpu
from jax.experimental.pallas import tpu_sc as plsc

T = 2048
D = 768
E = 64
DFF = 2048
TM = 128
NT = 96
P = NT * TM
RB = 128
FFC = 2048
NK = DFF // FFC
NW = 32
PAIRS_W = (2 * T) // NW
TOK_W = T // NW


def _routing_body(xf_ref, gw_ref, gb_ref,
                  d0_ref, d1_ref, s0_ref, s1_ref, te_ref, tv_ref):
    xf = xf_ref[...]
    logits = jnp.dot(xf, gw_ref[...], preferred_element_type=jnp.float32)
    logits = logits + gb_ref[...]
    m = jnp.max(logits, axis=1, keepdims=True)
    ex = jnp.exp(logits - m)
    sm = ex / jnp.sum(ex, axis=1, keepdims=True)

    eidx = lax.broadcasted_iota(jnp.int32, (T, E), 1)
    m0 = jnp.max(sm, axis=1, keepdims=True)
    a0 = jnp.min(jnp.where(sm == m0, eidx, E), axis=1, keepdims=True)
    oh0 = (eidx == a0).astype(jnp.float32)
    sm1 = jnp.where(eidx == a0, -1.0, sm)
    m1 = jnp.max(sm1, axis=1, keepdims=True)
    a1 = jnp.min(jnp.where(sm1 == m1, eidx, E), axis=1, keepdims=True)
    oh1 = (eidx == a1).astype(jnp.float32)

    cnt = jnp.sum(oh0, axis=0, keepdims=True) + jnp.sum(oh1, axis=0, keepdims=True)
    tp = jnp.floor((cnt + (TM - 1)) * (1.0 / TM))
    er = lax.broadcasted_iota(jnp.int32, (E, E), 0)
    ec = lax.broadcasted_iota(jnp.int32, (E, E), 1)
    ltmask = (er < ec).astype(jnp.float32)
    tile_start = jnp.dot(tp, ltmask, preferred_element_type=jnp.float32)
    row_start = tile_start * TM

    ir = lax.broadcasted_iota(jnp.int32, (RB, RB), 0)
    ic = lax.broadcasted_iota(jnp.int32, (RB, RB), 1)
    strict_lt = (ic < ir).astype(jnp.float32)
    pref = jnp.zeros((1, E), jnp.float32)
    ranks = []
    for oh in (oh0, oh1):
        rblocks = []
        for i in range(T // RB):
            ohb = oh[i * RB:(i + 1) * RB]
            gram = lax.dot_general(ohb, ohb, (((1,), (1,)), ((), ())),
                                   preferred_element_type=jnp.float32)
            within = jnp.sum(gram * strict_lt, axis=1, keepdims=True)
            carry = jnp.sum(ohb * pref, axis=1, keepdims=True)
            rblocks.append(within + carry)
            pref = pref + jnp.sum(ohb, axis=0, keepdims=True)
        ranks.append(jnp.concatenate(rblocks, axis=0))
    r0, r1 = ranks

    rs0 = jnp.sum(oh0 * row_start, axis=1, keepdims=True)
    rs1 = jnp.sum(oh1 * row_start, axis=1, keepdims=True)
    d0_ref[...] = (rs0 + r0).astype(jnp.int32)
    d1_ref[...] = (rs1 + r1).astype(jnp.int32)
    s0_ref[...] = m0
    s1_ref[...] = m1

    tt = lax.broadcasted_iota(jnp.int32, (NT, E), 0).astype(jnp.float32)
    ind = ((tt >= tile_start) & (tt < tile_start + tp)).astype(jnp.float32)
    ecol = lax.broadcasted_iota(jnp.int32, (NT, E), 1).astype(jnp.float32)
    te = jnp.sum(ind * ecol, axis=1, keepdims=True)
    tv = jnp.sum(ind, axis=1, keepdims=True)
    te_last = jnp.max(ind * ecol)
    te_ref[...] = jnp.where(tv > 0.0, te, te_last).astype(jnp.int32)
    tv_ref[...] = tv.astype(jnp.int32)


def _routing(xf, gate_W, gate_b):
    f32 = jnp.float32
    return pl.pallas_call(
        _routing_body,
        out_shape=(
            jax.ShapeDtypeStruct((T, 1), jnp.int32),
            jax.ShapeDtypeStruct((T, 1), jnp.int32),
            jax.ShapeDtypeStruct((T, 1), f32),
            jax.ShapeDtypeStruct((T, 1), f32),
            jax.ShapeDtypeStruct((NT, 1), jnp.int32),
            jax.ShapeDtypeStruct((NT, 1), jnp.int32),
        ),
    )(xf, gate_W, gate_b)


def _ffn_body(te_ref, tv_ref, x_ref, w1_ref, b1_ref, w2_ref, b2_ref, y_ref):
    t = pl.program_id(0)
    k = pl.program_id(1)

    @pl.when(tv_ref[t] > 0)
    def _():
        xb = x_ref[...].astype(jnp.bfloat16)
        h = jnp.dot(xb, w1_ref[0].astype(jnp.bfloat16),
                    preferred_element_type=jnp.float32)
        h = jnp.maximum(h + b1_ref[0], 0.0)
        part = jnp.dot(h.astype(jnp.bfloat16), w2_ref[0].astype(jnp.bfloat16),
                       preferred_element_type=jnp.float32)

        @pl.when(k == 0)
        def _():
            y_ref[...] = part + b2_ref[0]

        @pl.when(k > 0)
        def _():
            y_ref[...] = y_ref[...] + part


def _ffn(te, tv, xs, W1, b1, W2, b2):
    grid_spec = pltpu.PrefetchScalarGridSpec(
        num_scalar_prefetch=2,
        grid=(NT, NK),
        in_specs=[
            pl.BlockSpec((TM, D), lambda t, k, te, tv: (jnp.where(tv[t] > 0, t, 0), 0)),
            pl.BlockSpec((1, D, FFC),
                         lambda t, k, te, tv: (te[t], 0, jnp.where(tv[t] > 0, k, NK - 1))),
            pl.BlockSpec((1, 1, FFC),
                         lambda t, k, te, tv: (te[t] * NK + jnp.where(tv[t] > 0, k, NK - 1), 0, 0)),
            pl.BlockSpec((1, FFC, D),
                         lambda t, k, te, tv: (te[t], jnp.where(tv[t] > 0, k, NK - 1), 0)),
            pl.BlockSpec((1, 1, D), lambda t, k, te, tv: (te[t], 0, 0)),
        ],
        out_specs=pl.BlockSpec((TM, D),
                               lambda t, k, te, tv: (jnp.where(tv[t] > 0, t, NT - 1), 0)),
    )
    return pl.pallas_call(
        _ffn_body,
        grid_spec=grid_spec,
        out_shape=jax.ShapeDtypeStruct((P, D), jnp.float32),
    )(te, tv, xs, W1, b1.reshape(E * NK, 1, FFC), W2, b2.reshape(E, 1, D))


def _dispatch(xf, dest):
    mesh = plsc.VectorSubcoreMesh(core_axis_name="c", subcore_axis_name="s")

    @functools.partial(
        pl.kernel,
        out_type=jax.ShapeDtypeStruct((P, D), jnp.float32),
        mesh=mesh,
        scratch_types=[
            pltpu.VMEM((2, PAIRS_W // 2), jnp.int32),
            pltpu.VMEM((PAIRS_W, D), jnp.float32),
            pltpu.SemaphoreType.DMA,
            pltpu.SemaphoreType.DMA,
            pltpu.SemaphoreType.DMA,
        ],
    )
    def disp(xf_hbm, dest_hbm, xs_hbm, idx_v, rows_v, sem0, sem1, sem2):
        wid = lax.axis_index("s") * 2 + lax.axis_index("c")
        base = wid * PAIRS_W
        half = PAIRS_W // 2
        pltpu.sync_copy(dest_hbm.at[pl.ds(base, half)], idx_v.at[0])
        pltpu.sync_copy(dest_hbm.at[pl.ds(base + half, half)], idx_v.at[1])
        src = lax.rem(base, T)
        c0 = pltpu.async_copy(xf_hbm.at[pl.ds(src, half)],
                              rows_v.at[pl.ds(0, half)], sem0)
        c1 = pltpu.async_copy(xf_hbm.at[pl.ds(src + half, half)],
                              rows_v.at[pl.ds(half, half)], sem1)
        c0.wait()
        s0c = pltpu.async_copy(rows_v.at[pl.ds(0, half)],
                               xs_hbm.at[idx_v.at[0]], sem2)
        c1.wait()
        s1c = pltpu.async_copy(rows_v.at[pl.ds(half, half)],
                               xs_hbm.at[idx_v.at[1]], sem0)
        s0c.wait()
        s1c.wait()

    return disp(xf, dest)


def _combine(y, dest, sflat):
    mesh = plsc.VectorSubcoreMesh(core_axis_name="c", subcore_axis_name="s")

    @functools.partial(
        pl.kernel,
        out_type=jax.ShapeDtypeStruct((T, D), jnp.float32),
        mesh=mesh,
        scratch_types=[
            pltpu.VMEM((TOK_W,), jnp.int32),
            pltpu.VMEM((TOK_W,), jnp.int32),
            pltpu.VMEM((TOK_W + 16,), jnp.float32),
            pltpu.VMEM((TOK_W + 16,), jnp.float32),
            pltpu.VMEM((TOK_W, D), jnp.float32),
            pltpu.VMEM((TOK_W, D), jnp.float32),
            pltpu.SemaphoreType.DMA,
            pltpu.SemaphoreType.DMA,
        ],
    )
    def comb(y_hbm, dest_hbm, s_hbm, out_hbm,
             d0_v, d1_v, s0_v, s1_v, r0_v, r1_v, sem, semb):
        wid = lax.axis_index("s") * 2 + lax.axis_index("c")
        tb = wid * TOK_W
        pltpu.sync_copy(dest_hbm.at[pl.ds(tb, TOK_W)], d0_v)
        pltpu.sync_copy(dest_hbm.at[pl.ds(T + tb, TOK_W)], d1_v)
        pltpu.sync_copy(s_hbm.at[pl.ds(tb, TOK_W)], s0_v.at[pl.ds(0, TOK_W)])
        pltpu.sync_copy(s_hbm.at[pl.ds(T + tb, TOK_W)], s1_v.at[pl.ds(0, TOK_W)])
        half = TOK_W // 2
        g0a = pltpu.async_copy(y_hbm.at[d0_v.at[pl.ds(0, half)]],
                               r0_v.at[pl.ds(0, half)], sem)
        g0b = pltpu.async_copy(y_hbm.at[d1_v.at[pl.ds(0, half)]],
                               r1_v.at[pl.ds(0, half)], sem)
        g1a = pltpu.async_copy(y_hbm.at[d0_v.at[pl.ds(half, half)]],
                               r0_v.at[pl.ds(half, half)], semb)
        g1b = pltpu.async_copy(y_hbm.at[d1_v.at[pl.ds(half, half)]],
                               r1_v.at[pl.ds(half, half)], semb)

        def tok_body(tok, carry):
            s0b = jnp.full((16,), s0_v[pl.ds(tok, 16)][0], jnp.float32)
            s1b = jnp.full((16,), s1_v[pl.ds(tok, 16)][0], jnp.float32)
            for j in range(D // 16):
                sl = pl.ds(j * 16, 16)
                r0_v[tok, sl] = r0_v[tok, sl] * s0b + r1_v[tok, sl] * s1b
            return carry

        g0a.wait()
        g0b.wait()
        lax.fori_loop(0, half, tok_body, 0)
        w0 = pltpu.async_copy(r0_v.at[pl.ds(0, half)],
                              out_hbm.at[pl.ds(tb, half)], sem)
        g1a.wait()
        g1b.wait()
        lax.fori_loop(half, TOK_W, tok_body, 0)
        w1 = pltpu.async_copy(r0_v.at[pl.ds(half, half)],
                              out_hbm.at[pl.ds(tb + half, half)], semb)
        w0.wait()
        w1.wait()

    return comb(y, dest, sflat)


def kernel(x, gate_W, gate_b, W1, b1, W2, b2):
    xf = x.reshape(T, D)
    d0, d1, s0, s1, te, tv = _routing(xf, gate_W, gate_b.reshape(1, E))
    dest = jnp.concatenate([d0[:, 0], d1[:, 0]])
    sflat = jnp.concatenate([s0[:, 0], s1[:, 0]])
    xs = _dispatch(xf, dest)
    y = _ffn(te[:, 0], tv[:, 0], xs, W1, b1, W2, b2)
    out = _combine(y, dest, sflat)
    return out.reshape(1, T, D)

# --- scband reference (transcript-rebuilt; emitter-appended) ---
"""Pipeline reference for scband-mo-efeed-forward-top2-4097398800712 (READ-ONLY COPY).

The authoritative reference and input builder live on the scoring server;
editing this copy changes nothing except your own understanding.
"""

import jax, jax.numpy as jnp
import numpy as np

B, T, D_MODEL, D_FF, E = 1, 2048, 768, 2048, 64

def setup_inputs(seed: int = 0):
    key = jax.random.key(seed)
    ks = jax.random.split(key, 7)
    x = jax.random.normal(ks[0], (B, T, D_MODEL), dtype=jnp.float32)
    s1 = 1.0 / np.sqrt(D_MODEL)
    s2 = 1.0 / np.sqrt(D_FF)
    gate_W = jax.random.uniform(ks[1], (D_MODEL, E), jnp.float32, -s1, s1)
    gate_b = jax.random.uniform(ks[2], (E,), jnp.float32, -s1, s1)
    W1 = jax.random.uniform(ks[3], (E, D_MODEL, D_FF), jnp.float32, -s1, s1)
    b1 = jax.random.uniform(ks[4], (E, D_FF), jnp.float32, -s1, s1)
    W2 = jax.random.uniform(ks[5], (E, D_FF, D_MODEL), jnp.float32, -s2, s2)
    b2 = jax.random.uniform(ks[6], (E, D_MODEL), jnp.float32, -s2, s2)
    return {"x": x, "gate_W": gate_W, "gate_b": gate_b, "W1": W1, "b1": b1, "W2": W2, "b2": b2}

def reference(x, gate_W, gate_b, W1, b1, W2, b2):
    Bq, Tq, d = x.shape
    nE = W1.shape[0]
    xf = x.reshape(-1, d)
    logits = xf @ gate_W + gate_b
    scores = jax.nn.softmax(logits, axis=-1)
    top2_scores, top2_experts = jax.lax.top_k(scores, 2)
    out = jnp.zeros_like(xf)
    for rank in range(2):
        eidx = top2_experts[:, rank]
        w = top2_scores[:, rank][:, None]
        def body(e, acc):
            mask = (eidx == e)
            h = jax.nn.relu(xf @ W1[e] + b1[e])
            eo = h @ W2[e] + b2[e]
            contrib = jnp.where(mask[:, None], w * eo, jnp.zeros_like(eo))
            return acc + contrib
        out = jax.lax.fori_loop(0, nE, body, out)
    return out.reshape(Bq, Tq, d)

if __name__ == "__main__":
    import jax
    _d = setup_inputs()
    print(jax.jit(kernel)(*tuple(_d.values())))

</pallas_src>

<mosaic_0001>
#map = affine_map<(d0, d1) -> (0, 0)>
#map1 = affine_map<(d0, d1) -> (0)>
module attributes {stable_mosaic.version = 14 : i64} {
  func.func @disp(%arg0: i32, %arg1: i32, %arg2: memref<2048x768xf32, #tpu.memory_space<hbm>>, %arg3: memref<4096xi32, #tpu.memory_space<hbm>>, %arg4: memref<12288x768xf32, #tpu.memory_space<hbm>>, %arg5: memref<2x64xi32, #tpu.memory_space<vmem>>, %arg6: memref<128x768xf32, #tpu.memory_space<vmem>>, %arg7: memref<!tpu.dma_semaphore, #tpu.memory_space<semaphore_mem>>, %arg8: memref<!tpu.dma_semaphore, #tpu.memory_space<semaphore_mem>>, %arg9: memref<!tpu.dma_semaphore, #tpu.memory_space<semaphore_mem>>) attributes {dimension_semantics = [#tpu.dimension_semantics<core_parallel>, #tpu.dimension_semantics<subcore_parallel>], iteration_bounds = array<i64: 2, 16>, scalar_prefetch = 0 : i64, scratch_operands = 5 : i64, tpu.core_type = #tpu.core_type<sc_vector_subcore>, window_params = [{transform_indices = #map}, {transform_indices = #map1}, {transform_indices = #map}]} {
    %mul3A = arith.constant 2 : i32
    %mul3A_0 = arith.muli %arg1, %mul3A : i32
    %add3A = arith.addi %mul3A_0, %arg0 : i32
    %mul3A_1 = arith.constant 128 : i32
    %mul3A_2 = arith.muli %add3A, %mul3A_1 : i32
    %run_scoped3A = arith.constant 0 : i32
    "tpu.region"() ({
      %run_scoped3A_87 = tpu.sem_alloc : memref<!tpu.dma_semaphore, #tpu.memory_space<semaphore_mem>>
      %dma_start3A_88 = arith.constant 0 : i32
      %dma_start3A_89 = tpu.memref_slice %arg5[%run_scoped3A, %dma_start3A_88] : memref<2x64xi32, #tpu.memory_space<vmem>> -> memref<1x64xi32, #tpu.memory_space<vmem>>
      %dma_start3A_90 = tpu.memref_squeeze %dma_start3A_89 : memref<1x64xi32, #tpu.memory_space<vmem>> -> memref<64xi32, #tpu.memory_space<vmem>>
      %dma_start3A_91 = tpu.memref_slice %arg3[%mul3A_2] : memref<4096xi32, #tpu.memory_space<hbm>> -> memref<64xi32, #tpu.memory_space<hbm>>
      %dma_start3A_92 = arith.constant 0 : i32
      %dma_start3A_93 = tpu.memref_slice %arg5[%run_scoped3A, %dma_start3A_92] : memref<2x64xi32, #tpu.memory_space<vmem>> -> memref<1x64xi32, #tpu.memory_space<vmem>>
      %dma_start3A_94 = tpu.memref_squeeze %dma_start3A_93 : memref<1x64xi32, #tpu.memory_space<vmem>> -> memref<64xi32, #tpu.memory_space<vmem>>
      %dma_start3A_95 = tpu.memref_slice %arg3[%mul3A_2] : memref<4096xi32, #tpu.memory_space<hbm>> -> memref<64xi32, #tpu.memory_space<hbm>>
      tpu.enqueue_dma source(%dma_start3A_95 : memref<64xi32, #tpu.memory_space<hbm>>) target(%dma_start3A_94 : memref<64xi32, #tpu.memory_space<vmem>>) target_semaphore(%run_scoped3A_87 : memref<!tpu.dma_semaphore, #tpu.memory_space<semaphore_mem>>)
      %dma_wait3A_96 = arith.constant 0 : i32
      %dma_wait3A_97 = tpu.memref_slice %arg5[%run_scoped3A, %dma_wait3A_96] : memref<2x64xi32, #tpu.memory_space<vmem>> -> memref<1x64xi32, #tpu.memory_space<vmem>>
      %dma_wait3A_98 = tpu.memref_squeeze %dma_wait3A_97 : memref<1x64xi32, #tpu.memory_space<vmem>> -> memref<64xi32, #tpu.memory_space<vmem>>
      %dma_wait3A_99 = tpu.memref_slice %arg3[%mul3A_2] : memref<4096xi32, #tpu.memory_space<hbm>> -> memref<64xi32, #tpu.memory_space<hbm>>
      %dma_wait3A_100 = arith.constant 0 : i32
      %dma_wait3A_101 = tpu.memref_slice %arg5[%run_scoped3A, %dma_wait3A_100] : memref<2x64xi32, #tpu.memory_space<vmem>> -> memref<1x64xi32, #tpu.memory_space<vmem>>
      %dma_wait3A_102 = tpu.memref_squeeze %dma_wait3A_101 : memref<1x64xi32, #tpu.memory_space<vmem>> -> memref<64xi32, #tpu.memory_space<vmem>>
      %dma_wait3A_103 = tpu.memref_slice %arg3[%mul3A_2] : memref<4096xi32, #tpu.memory_space<hbm>> -> memref<64xi32, #tpu.memory_space<hbm>>
      tpu.wait_dma2 semaphore(%run_scoped3A_87 : memref<!tpu.dma_semaphore, #tpu.memory_space<semaphore_mem>>) src(%dma_wait3A_103 : memref<64xi32, #tpu.memory_space<hbm>>) dst(%dma_wait3A_102 : memref<64xi32, #tpu.memory_space<vmem>>)
      tpu.yield
    }) : () -> ()
    %add3A_3 = arith.constant 64 : i32
    %add3A_4 = arith.addi %mul3A_2, %add3A_3 : i32
    %run_scoped3A_5 = arith.constant 1 : i32
    "tpu.region"() ({
      %run_scoped3A_87 = tpu.sem_alloc : memref<!tpu.dma_semaphore, #tpu.memory_space<semaphore_mem>>
      %dma_start3A_88 = arith.constant 0 : i32
      %dma_start3A_89 = tpu.memref_slice %arg5[%run_scoped3A_5, %dma_start3A_88] : memref<2x64xi32, #tpu.memory_space<vmem>> -> memref<1x64xi32, #tpu.memory_space<vmem>>
      %dma_start3A_90 = tpu.memref_squeeze %dma_start3A_89 : memref<1x64xi32, #tpu.memory_space<vmem>> -> memref<64xi32, #tpu.memory_space<vmem>>
      %dma_start3A_91 = tpu.memref_slice %arg3[%add3A_4] : memref<4096xi32, #tpu.memory_space<hbm>> -> memref<64xi32, #tpu.memory_space<hbm>>
      %dma_start3A_92 = arith.constant 0 : i32
      %dma_start3A_93 = tpu.memref_slice %arg5[%run_scoped3A_5, %dma_start3A_92] : memref<2x64xi32, #tpu.memory_space<vmem>> -> memref<1x64xi32, #tpu.memory_space<vmem>>
      %dma_start3A_94 = tpu.memref_squeeze %dma_start3A_93 : memref<1x64xi32, #tpu.memory_space<vmem>> -> memref<64xi32, #tpu.memory_space<vmem>>
      %dma_start3A_95 = tpu.memref_slice %arg3[%add3A_4] : memref<4096xi32, #tpu.memory_space<hbm>> -> memref<64xi32, #tpu.memory_space<hbm>>
      tpu.enqueue_dma source(%dma_start3A_95 : memref<64xi32, #tpu.memory_space<hbm>>) target(%dma_start3A_94 : memref<64xi32, #tpu.memory_space<vmem>>) target_semaphore(%run_scoped3A_87 : memref<!tpu.dma_semaphore, #tpu.memory_space<semaphore_mem>>)
      %dma_wait3A_96 = arith.constant 0 : i32
      %dma_wait3A_97 = tpu.memref_slice %arg5[%run_scoped3A_5, %dma_wait3A_96] : memref<2x64xi32, #tpu.memory_space<vmem>> -> memref<1x64xi32, #tpu.memory_space<vmem>>
      %dma_wait3A_98 = tpu.memref_squeeze %dma_wait3A_97 : memref<1x64xi32, #tpu.memory_space<vmem>> -> memref<64xi32, #tpu.memory_space<vmem>>
      %dma_wait3A_99 = tpu.memref_slice %arg3[%add3A_4] : memref<4096xi32, #tpu.memory_space<hbm>> -> memref<64xi32, #tpu.memory_space<hbm>>
      %dma_wait3A_100 = arith.constant 0 : i32
      %dma_wait3A_101 = tpu.memref_slice %arg5[%run_scoped3A_5, %dma_wait3A_100] : memref<2x64xi32, #tpu.memory_space<vmem>> -> memref<1x64xi32, #tpu.memory_space<vmem>>
      %dma_wait3A_102 = tpu.memref_squeeze %dma_wait3A_101 : memref<1x64xi32, #tpu.memory_space<vmem>> -> memref<64xi32, #tpu.memory_space<vmem>>
      %dma_wait3A_103 = tpu.memref_slice %arg3[%add3A_4] : memref<4096xi32, #tpu.memory_space<hbm>> -> memref<64xi32, #tpu.memory_space<hbm>>
      tpu.wait_dma2 semaphore(%run_scoped3A_87 : memref<!tpu.dma_semaphore, #tpu.memory_space<semaphore_mem>>) src(%dma_wait3A_103 : memref<64xi32, #tpu.memory_space<hbm>>) dst(%dma_wait3A_102 : memref<64xi32, #tpu.memory_space<vmem>>)
      tpu.yield
    }) : () -> ()
    %rem3A = arith.constant 2048 : i32
    %rem3A_6 = arith.remsi %mul3A_2, %rem3A : i32
    %dma_start3A = arith.constant 0 : i32
    %dma_start3A_7 = arith.constant 0 : i32
    %dma_start3A_8 = tpu.memref_slice %arg6[%dma_start3A, %dma_start3A_7] : memref<128x768xf32, #tpu.memory_space<vmem>> -> memref<64x768xf32, #tpu.memory_space<vmem>>
    %dma_start3A_9 = arith.constant 0 : i32
    %dma_start3A_10 = tpu.memref_slice %arg2[%rem3A_6, %dma_start3A_9] : memref<2048x768xf32, #tpu.memory_space<hbm>> -> memref<64x768xf32, #tpu.memory_space<hbm>>
    %dma_start3A_11 = arith.constant 0 : i32
    %dma_start3A_12 = arith.constant 0 : i32
    %dma_start3A_13 = tpu.memref_slice %arg6[%dma_start3A_11, %dma_start3A_12] : memref<128x768xf32, #tpu.memory_space<vmem>> -> memref<64x768xf32, #tpu.memory_space<vmem>>
    %dma_start3A_14 = arith.constant 0 : i32
    %dma_start3A_15 = tpu.memref_slice %arg2[%rem3A_6, %dma_start3A_14] : memref<2048x768xf32, #tpu.memory_space<hbm>> -> memref<64x768xf32, #tpu.memory_space<hbm>>
    tpu.enqueue_dma source(%dma_start3A_15 : memref<64x768xf32, #tpu.memory_space<hbm>>) target(%dma_start3A_13 : memref<64x768xf32, #tpu.memory_space<vmem>>) target_semaphore(%arg7 : memref<!tpu.dma_semaphore, #tpu.memory_space<semaphore_mem>>)
    %add3A_16 = arith.constant 64 : i32
    %add3A_17 = arith.addi %rem3A_6, %add3A_16 : i32
    %dma_start3A_18 = arith.constant 64 : i32
    %dma_start3A_19 = arith.constant 0 : i32
    %dma_start3A_20 = tpu.memref_slice %arg6[%dma_start3A_18, %dma_start3A_19] : memref<128x768xf32, #tpu.memory_space<vmem>> -> memref<64x768xf32, #tpu.memory_space<vmem>>
    %dma_start3A_21 = arith.constant 0 : i32
    %dma_start3A_22 = tpu.memref_slice %arg2[%add3A_17, %dma_start3A_21] : memref<2048x768xf32, #tpu.memory_space<hbm>> -> memref<64x768xf32, #tpu.memory_space<hbm>>
    %dma_start3A_23 = arith.constant 64 : i32
    %dma_start3A_24 = arith.constant 0 : i32
    %dma_start3A_25 = tpu.memref_slice %arg6[%dma_start3A_23, %dma_start3A_24] : memref<128x768xf32, #tpu.memory_space<vmem>> -> memref<64x768xf32, #tpu.memory_space<vmem>>
    %dma_start3A_26 = arith.constant 0 : i32
    %dma_start3A_27 = tpu.memref_slice %arg2[%add3A_17, %dma_start3A_26] : memref<2048x768xf32, #tpu.memory_space<hbm>> -> memref<64x768xf32, #tpu.memory_space<hbm>>
    tpu.enqueue_dma source(%dma_start3A_27 : memref<64x768xf32, #tpu.memory_space<hbm>>) target(%dma_start3A_25 : memref<64x768xf32, #tpu.memory_space<vmem>>) target_semaphore(%arg8 : memref<!tpu.dma_semaphore, #tpu.memory_space<semaphore_mem>>)
    %dma_wait3A = arith.constant 0 : i32
    %dma_wait3A_28 = arith.constant 0 : i32
    %dma_wait3A_29 = tpu.memref_slice %arg6[%dma_wait3A, %dma_wait3A_28] : memref<128x768xf32, #tpu.memory_space<vmem>> -> memref<64x768xf32, #tpu.memory_space<vmem>>
    %dma_wait3A_30 = arith.constant 0 : i32
    %dma_wait3A_31 = tpu.memref_slice %arg2[%rem3A_6, %dma_wait3A_30] : memref<2048x768xf32, #tpu.memory_space<hbm>> -> memref<64x768xf32, #tpu.memory_space<hbm>>
    %dma_wait3A_32 = arith.constant 0 : i32
    %dma_wait3A_33 = arith.constant 0 : i32
    %dma_wait3A_34 = tpu.memref_slice %arg6[%dma_wait3A_32, %dma_wait3A_33] : memref<128x768xf32, #tpu.memory_space<vmem>> -> memref<64x768xf32, #tpu.memory_space<vmem>>
    %dma_wait3A_35 = arith.constant 0 : i32
    %dma_wait3A_36 = tpu.memref_slice %arg2[%rem3A_6, %dma_wait3A_35] : memref<2048x768xf32, #tpu.memory_space<hbm>> -> memref<64x768xf32, #tpu.memory_space<hbm>>
    tpu.wait_dma2 semaphore(%arg7 : memref<!tpu.dma_semaphore, #tpu.memory_space<semaphore_mem>>) src(%dma_wait3A_36 : memref<64x768xf32, #tpu.memory_space<hbm>>) dst(%dma_wait3A_34 : memref<64x768xf32, #tpu.memory_space<vmem>>)
    %dma_start3A_37 = arith.constant 0 : i32
    %dma_start3A_38 = arith.constant 0 : i32
    %dma_start3A_39 = arith.constant 0 : i32
    %dma_start3A_40 = tpu.memref_slice %arg6[%dma_start3A_38, %dma_start3A_39] : memref<128x768xf32, #tpu.memory_space<vmem>> -> memref<64x768xf32, #tpu.memory_space<vmem>>
    %dma_start3A_41 = arith.constant 0 : i32
    %dma_start3A_42 = tpu.memref_slice %arg5[%dma_start3A_37, %dma_start3A_41] : memref<2x64xi32, #tpu.memory_space<vmem>> -> memref<1x64xi32, #tpu.memory_space<vmem>>
    %dma_start3A_43 = tpu.memref_squeeze %dma_start3A_42 : memref<1x64xi32, #tpu.memory_space<vmem>> -> memref<64xi32, #tpu.memory_space<vmem>>
    %dma_start3A_44 = arith.constant 0 : i32
    %dma_start3A_45 = arith.constant 0 : i32
    %dma_start3A_46 = tpu.memref_slice %arg4[%dma_start3A_44, %dma_start3A_45] : memref<12288x768xf32, #tpu.memory_space<hbm>> -> memref<12288x768xf32, #tpu.memory_space<hbm>>
    tpu.enqueue_indirect_dma source(%dma_start3A_40 : memref<64x768xf32, #tpu.memory_space<vmem>>) target(%dma_start3A_46 : memref<12288x768xf32, #tpu.memory_space<hbm>>) offsets(%dma_start3A_43 : memref<64xi32, #tpu.memory_space<vmem>>) semaphore(%arg9 : memref<!tpu.dma_semaphore, #tpu.memory_space<semaphore_mem>>)
    %dma_wait3A_47 = arith.constant 64 : i32
    %dma_wait3A_48 = arith.constant 0 : i32
    %dma_wait3A_49 = tpu.memref_slice %arg6[%dma_wait3A_47, %dma_wait3A_48] : memref<128x768xf32, #tpu.memory_space<vmem>> -> memref<64x768xf32, #tpu.memory_space<vmem>>
    %dma_wait3A_50 = arith.constant 0 : i32
    %dma_wait3A_51 = tpu.memref_slice %arg2[%add3A_17, %dma_wait3A_50] : memref<2048x768xf32, #tpu.memory_space<hbm>> -> memref<64x768xf32, #tpu.memory_space<hbm>>
    %dma_wait3A_52 = arith.constant 64 : i32
    %dma_wait3A_53 = arith.constant 0 : i32
    %dma_wait3A_54 = tpu.memref_slice %arg6[%dma_wait3A_52, %dma_wait3A_53] : memref<128x768xf32, #tpu.memory_space<vmem>> -> memref<64x768xf32, #tpu.memory_space<vmem>>
    %dma_wait3A_55 = arith.constant 0 : i32
    %dma_wait3A_56 = tpu.memref_slice %arg2[%add3A_17, %dma_wait3A_55] : memref<2048x768xf32, #tpu.memory_space<hbm>> -> memref<64x768xf32, #tpu.memory_space<hbm>>
    tpu.wait_dma2 semaphore(%arg8 : memref<!tpu.dma_semaphore, #tpu.memory_space<semaphore_mem>>) src(%dma_wait3A_56 : memref<64x768xf32, #tpu.memory_space<hbm>>) dst(%dma_wait3A_54 : memref<64x768xf32, #tpu.memory_space<vmem>>)
    %dma_start3A_57 = arith.constant 1 : i32
    %dma_start3A_58 = arith.constant 64 : i32
    %dma_start3A_59 = arith.constant 0 : i32
    %dma_start3A_60 = tpu.memref_slice %arg6[%dma_start3A_58, %dma_start3A_59] : memref<128x768xf32, #tpu.memory_space<vmem>> -> memref<64x768xf32, #tpu.memory_space<vmem>>
    %dma_start3A_61 = arith.constant 0 : i32
    %dma_start3A_62 = tpu.memref_slice %arg5[%dma_start3A_57, %dma_start3A_61] : memref<2x64xi32, #tpu.memory_space<vmem>> -> memref<1x64xi32, #tpu.memory_space<vmem>>
    %dma_start3A_63 = tpu.memref_squeeze %dma_start3A_62 : memref<1x64xi32, #tpu.memory_space<vmem>> -> memref<64xi32, #tpu.memory_space<vmem>>
    %dma_start3A_64 = arith.constant 0 : i32
    %dma_start3A_65 = arith.constant 0 : i32
    %dma_start3A_66 = tpu.memref_slice %arg4[%dma_start3A_64, %dma_start3A_65] : memref<12288x768xf32, #tpu.memory_space<hbm>> -> memref<12288x768xf32, #tpu.memory_space<hbm>>
    tpu.enqueue_indirect_dma source(%dma_start3A_60 : memref<64x768xf32, #tpu.memory_space<vmem>>) target(%dma_start3A_66 : memref<12288x768xf32, #tpu.memory_space<hbm>>) offsets(%dma_start3A_63 : memref<64xi32, #tpu.memory_space<vmem>>) semaphore(%arg7 : memref<!tpu.dma_semaphore, #tpu.memory_space<semaphore_mem>>)
    %dma_wait3A_67 = arith.constant 0 : i32
    %dma_wait3A_68 = arith.constant 0 : i32
    %dma_wait3A_69 = arith.constant 0 : i32
    %dma_wait3A_70 = tpu.memref_slice %arg6[%dma_wait3A_68, %dma_wait3A_69] : memref<128x768xf32, #tpu.memory_space<vmem>> -> memref<64x768xf32, #tpu.memory_space<vmem>>
    %dma_wait3A_71 = arith.constant 0 : i32
    %dma_wait3A_72 = tpu.memref_slice %arg5[%dma_wait3A_67, %dma_wait3A_71] : memref<2x64xi32, #tpu.memory_space<vmem>> -> memref<1x64xi32, #tpu.memory_space<vmem>>
    %dma_wait3A_73 = tpu.memref_squeeze %dma_wait3A_72 : memref<1x64xi32, #tpu.memory_space<vmem>> -> memref<64xi32, #tpu.memory_space<vmem>>
    %dma_wait3A_74 = arith.constant 0 : i32
    %dma_wait3A_75 = arith.constant 0 : i32
    %dma_wait3A_76 = tpu.memref_slice %arg4[%dma_wait3A_74, %dma_wait3A_75] : memref<12288x768xf32, #tpu.memory_space<hbm>> -> memref<12288x768xf32, #tpu.memory_space<hbm>>
    tpu.wait_indirect_dma semaphore(%arg9 : memref<!tpu.dma_semaphore, #tpu.memory_space<semaphore_mem>>) src(%dma_wait3A_70 : memref<64x768xf32, #tpu.memory_space<vmem>>) dst(%dma_wait3A_76 : memref<12288x768xf32, #tpu.memory_space<hbm>>)
    %dma_wait3A_77 = arith.constant 1 : i32
    %dma_wait3A_78 = arith.constant 64 : i32
    %dma_wait3A_79 = arith.constant 0 : i32
    %dma_wait3A_80 = tpu.memref_slice %arg6[%dma_wait3A_78, %dma_wait3A_79] : memref<128x768xf32, #tpu.memory_space<vmem>> -> memref<64x768xf32, #tpu.memory_space<vmem>>
    %dma_wait3A_81 = arith.constant 0 : i32
    %dma_wait3A_82 = tpu.memref_slice %arg5[%dma_wait3A_77, %dma_wait3A_81] : memref<2x64xi32, #tpu.memory_space<vmem>> -> memref<1x64xi32, #tpu.memory_space<vmem>>
    %dma_wait3A_83 = tpu.memref_squeeze %dma_wait3A_82 : memref<1x64xi32, #tpu.memory_space<vmem>> -> memref<64xi32, #tpu.memory_space<vmem>>
    %dma_wait3A_84 = arith.constant 0 : i32
    %dma_wait3A_85 = arith.constant 0 : i32
    %dma_wait3A_86 = tpu.memref_slice %arg4[%dma_wait3A_84, %dma_wait3A_85] : memref<12288x768xf32, #tpu.memory_space<hbm>> -> memref<12288x768xf32, #tpu.memory_space<hbm>>
    tpu.wait_indirect_dma semaphore(%arg7 : memref<!tpu.dma_semaphore, #tpu.memory_space<semaphore_mem>>) src(%dma_wait3A_80 : memref<64x768xf32, #tpu.memory_space<vmem>>) dst(%dma_wait3A_86 : memref<12288x768xf32, #tpu.memory_space<hbm>>)
    return
  }
}

#map = affine_map<(d0, d1) -> (0, 0)>
#map1 = affine_map<(d0, d1) -> (0)>
module attributes {stable_mosaic.version = 14 : i64} {
  func.func @comb(%arg0: i32, %arg1: i32, %arg2: memref<12288x768xf32, #tpu.memory_space<hbm>>, %arg3: memref<4096xi32, #tpu.memory_space<hbm>>, %arg4: memref<4096xf32, #tpu.memory_space<hbm>>, %arg5: memref<2048x768xf32, #tpu.memory_space<hbm>>, %arg6: memref<64xi32, #tpu.memory_space<vmem>>, %arg7: memref<64xi32, #tpu.memory_space<vmem>>, %arg8: memref<80xf32, #tpu.memory_space<vmem>>, %arg9: memref<80xf32, #tpu.memory_space<vmem>>, %arg10: memref<64x768xf32, #tpu.memory_space<vmem>>, %arg11: memref<64x768xf32, #tpu.memory_space<vmem>>, %arg12: memref<!tpu.dma_semaphore, #tpu.memory_space<semaphore_mem>>, %arg13: memref<!tpu.dma_semaphore, #tpu.memory_space<semaphore_mem>>) attributes {dimension_semantics = [#tpu.dimension_semantics<core_parallel>, #tpu.dimension_semantics<subcore_parallel>], iteration_bounds = array<i64: 2, 16>, scalar_prefetch = 0 : i64, scratch_operands = 8 : i64, tpu.core_type = #tpu.core_type<sc_vector_subcore>, window_params = [{transform_indices = #map}, {transform_indices = #map1}, {transform_indices = #map1}, {transform_indices = #map}]} {
    %mul3A = arith.constant 2 : i32
    %mul3A_0 = arith.muli %arg1, %mul3A : i32
    %add3A = arith.addi %mul3A_0, %arg0 : i32
    %mul3A_1 = arith.constant 64 : i32
    %mul3A_2 = arith.muli %add3A, %mul3A_1 : i32
    "tpu.region"() ({
      %run_scoped3A = tpu.sem_alloc : memref<!tpu.dma_semaphore, #tpu.memory_space<semaphore_mem>>
      %dma_start3A_122 = tpu.memref_slice %arg3[%mul3A_2] : memref<4096xi32, #tpu.memory_space<hbm>> -> memref<64xi32, #tpu.memory_space<hbm>>
      %dma_start3A_123 = tpu.memref_slice %arg3[%mul3A_2] : memref<4096xi32, #tpu.memory_space<hbm>> -> memref<64xi32, #tpu.memory_space<hbm>>
      tpu.enqueue_dma source(%dma_start3A_123 : memref<64xi32, #tpu.memory_space<hbm>>) target(%arg6 : memref<64xi32, #tpu.memory_space<vmem>>) target_semaphore(%run_scoped3A : memref<!tpu.dma_semaphore, #tpu.memory_space<semaphore_mem>>)
      %dma_wait3A_124 = tpu.memref_slice %arg3[%mul3A_2] : memref<4096xi32, #tpu.memory_space<hbm>> -> memref<64xi32, #tpu.memory_space<hbm>>
      %dma_wait3A_125 = tpu.memref_slice %arg3[%mul3A_2] : memref<4096xi32, #tpu.memory_space<hbm>> -> memref<64xi32, #tpu.memory_space<hbm>>
      tpu.wait_dma2 semaphore(%run_scoped3A : memref<!tpu.dma_semaphore, #tpu.memory_space<semaphore_mem>>) src(%dma_wait3A_125 : memref<64xi32, #tpu.memory_space<hbm>>) dst(%arg6 : memref<64xi32, #tpu.memory_space<vmem>>)
      tpu.yield
    }) : () -> ()
    %add3A_3 = arith.constant 2048 : i32
    %add3A_4 = arith.addi %add3A_3, %mul3A_2 : i32
    "tpu.region"() ({
      %run_scoped3A = tpu.sem_alloc : memref<!tpu.dma_semaphore, #tpu.memory_space<semaphore_mem>>
      %dma_start3A_122 = tpu.memref_slice %arg3[%add3A_4] : memref<4096xi32, #tpu.memory_space<hbm>> -> memref<64xi32, #tpu.memory_space<hbm>>
      %dma_start3A_123 = tpu.memref_slice %arg3[%add3A_4] : memref<4096xi32, #tpu.memory_space<hbm>> -> memref<64xi32, #tpu.memory_space<hbm>>
      tpu.enqueue_dma source(%dma_start3A_123 : memref<64xi32, #tpu.memory_space<hbm>>) target(%arg7 : memref<64xi32, #tpu.memory_space<vmem>>) target_semaphore(%run_scoped3A : memref<!tpu.dma_semaphore, #tpu.memory_space<semaphore_mem>>)
      %dma_wait3A_124 = tpu.memref_slice %arg3[%add3A_4] : memref<4096xi32, #tpu.memory_space<hbm>> -> memref<64xi32, #tpu.memory_space<hbm>>
      %dma_wait3A_125 = tpu.memref_slice %arg3[%add3A_4] : memref<4096xi32, #tpu.memory_space<hbm>> -> memref<64xi32, #tpu.memory_space<hbm>>
      tpu.wait_dma2 semaphore(%run_scoped3A : memref<!tpu.dma_semaphore, #tpu.memory_space<semaphore_mem>>) src(%dma_wait3A_125 : memref<64xi32, #tpu.memory_space<hbm>>) dst(%arg7 : memref<64xi32, #tpu.memory_space<vmem>>)
      tpu.yield
    }) : () -> ()
    "tpu.region"() ({
      %run_scoped3A = tpu.sem_alloc : memref<!tpu.dma_semaphore, #tpu.memory_space<semaphore_mem>>
      %dma_start3A_122 = arith.constant 0 : i32
      %dma_start3A_123 = tpu.memref_slice %arg8[%dma_start3A_122] : memref<80xf32, #tpu.memory_space<vmem>> -> memref<64xf32, #tpu.memory_space<vmem>>
      %dma_start3A_124 = tpu.memref_slice %arg4[%mul3A_2] : memref<4096xf32, #tpu.memory_space<hbm>> -> memref<64xf32, #tpu.memory_space<hbm>>
      %dma_start3A_125 = arith.constant 0 : i32
      %dma_start3A_126 = tpu.memref_slice %arg8[%dma_start3A_125] : memref<80xf32, #tpu.memory_space<vmem>> -> memref<64xf32, #tpu.memory_space<vmem>>
      %dma_start3A_127 = tpu.memref_slice %arg4[%mul3A_2] : memref<4096xf32, #tpu.memory_space<hbm>> -> memref<64xf32, #tpu.memory_space<hbm>>
      tpu.enqueue_dma source(%dma_start3A_127 : memref<64xf32, #tpu.memory_space<hbm>>) target(%dma_start3A_126 : memref<64xf32, #tpu.memory_space<vmem>>) target_semaphore(%run_scoped3A : memref<!tpu.dma_semaphore, #tpu.memory_space<semaphore_mem>>)
      %dma_wait3A_128 = arith.constant 0 : i32
      %dma_wait3A_129 = tpu.memref_slice %arg8[%dma_wait3A_128] : memref<80xf32, #tpu.memory_space<vmem>> -> memref<64xf32, #tpu.memory_space<vmem>>
      %dma_wait3A_130 = tpu.memref_slice %arg4[%mul3A_2] : memref<4096xf32, #tpu.memory_space<hbm>> -> memref<64xf32, #tpu.memory_space<hbm>>
      %dma_wait3A_131 = arith.constant 0 : i32
      %dma_wait3A_132 = tpu.memref_slice %arg8[%dma_wait3A_131] : memref<80xf32, #tpu.memory_space<vmem>> -> memref<64xf32, #tpu.memory_space<vmem>>
      %dma_wait3A_133 = tpu.memref_slice %arg4[%mul3A_2] : memref<4096xf32, #tpu.memory_space<hbm>> -> memref<64xf32, #tpu.memory_space<hbm>>
      tpu.wait_dma2 semaphore(%run_scoped3A : memref<!tpu.dma_semaphore, #tpu.memory_space<semaphore_mem>>) src(%dma_wait3A_133 : memref<64xf32, #tpu.memory_space<hbm>>) dst(%dma_wait3A_132 : memref<64xf32, #tpu.memory_space<vmem>>)
      tpu.yield
    }) : () -> ()
    %add3A_5 = arith.constant 2048 : i32
    %add3A_6 = arith.addi %add3A_5, %mul3A_2 : i32
    "tpu.region"() ({
      %run_scoped3A = tpu.sem_alloc : memref<!tpu.dma_semaphore, #tpu.memory_space<semaphore_mem>>
      %dma_start3A_122 = arith.constant 0 : i32
      %dma_start3A_123 = tpu.memref_slice %arg9[%dma_start3A_122] : memref<80xf32, #tpu.memory_space<vmem>> -> memref<64xf32, #tpu.memory_space<vmem>>
      %dma_start3A_124 = tpu.memref_slice %arg4[%add3A_6] : memref<4096xf32, #tpu.memory_space<hbm>> -> memref<64xf32, #tpu.memory_space<hbm>>
      %dma_start3A_125 = arith.constant 0 : i32
      %dma_start3A_126 = tpu.memref_slice %arg9[%dma_start3A_125] : memref<80xf32, #tpu.memory_space<vmem>> -> memref<64xf32, #tpu.memory_space<vmem>>
      %dma_start3A_127 = tpu.memref_slice %arg4[%add3A_6] : memref<4096xf32, #tpu.memory_space<hbm>> -> memref<64xf32, #tpu.memory_space<hbm>>
      tpu.enqueue_dma source(%dma_start3A_127 : memref<64xf32, #tpu.memory_space<hbm>>) target(%dma_start3A_126 : memref<64xf32, #tpu.memory_space<vmem>>) target_semaphore(%run_scoped3A : memref<!tpu.dma_semaphore, #tpu.memory_space<semaphore_mem>>)
      %dma_wait3A_128 = arith.constant 0 : i32
      %dma_wait3A_129 = tpu.memref_slice %arg9[%dma_wait3A_128] : memref<80xf32, #tpu.memory_space<vmem>> -> memref<64xf32, #tpu.memory_space<vmem>>
      %dma_wait3A_130 = tpu.memref_slice %arg4[%add3A_6] : memref<4096xf32, #tpu.memory_space<hbm>> -> memref<64xf32, #tpu.memory_space<hbm>>
      %dma_wait3A_131 = arith.constant 0 : i32
      %dma_wait3A_132 = tpu.memref_slice %arg9[%dma_wait3A_131] : memref<80xf32, #tpu.memory_space<vmem>> -> memref<64xf32, #tpu.memory_space<vmem>>
      %dma_wait3A_133 = tpu.memref_slice %arg4[%add3A_6] : memref<4096xf32, #tpu.memory_space<hbm>> -> memref<64xf32, #tpu.memory_space<hbm>>
      tpu.wait_dma2 semaphore(%run_scoped3A : memref<!tpu.dma_semaphore, #tpu.memory_space<semaphore_mem>>) src(%dma_wait3A_133 : memref<64xf32, #tpu.memory_space<hbm>>) dst(%dma_wait3A_132 : memref<64xf32, #tpu.memory_space<vmem>>)
      tpu.yield
    }) : () -> ()
    %dma_start3A = arith.constant 0 : i32
    %dma_start3A_7 = arith.constant 0 : i32
    %dma_start3A_8 = tpu.memref_slice %arg10[%dma_start3A, %dma_start3A_7] : memref<64x768xf32, #tpu.memory_space<vmem>> -> memref<32x768xf32, #tpu.memory_space<vmem>>
    %dma_start3A_9 = arith.constant 0 : i32
    %dma_start3A_10 = tpu.memref_slice %arg6[%dma_start3A_9] : memref<64xi32, #tpu.memory_space<vmem>> -> memref<32xi32, #tpu.memory_space<vmem>>
    %dma_start3A_11 = arith.constant 0 : i32
    %dma_start3A_12 = arith.constant 0 : i32
    %dma_start3A_13 = tpu.memref_slice %arg2[%dma_start3A_11, %dma_start3A_12] : memref<12288x768xf32, #tpu.memory_space<hbm>> -> memref<12288x768xf32, #tpu.memory_space<hbm>>
    tpu.enqueue_indirect_dma source(%dma_start3A_13 : memref<12288x768xf32, #tpu.memory_space<hbm>>) target(%dma_start3A_8 : memref<32x768xf32, #tpu.memory_space<vmem>>) offsets(%dma_start3A_10 : memref<32xi32, #tpu.memory_space<vmem>>) semaphore(%arg12 : memref<!tpu.dma_semaphore, #tpu.memory_space<semaphore_mem>>)
    %dma_start3A_14 = arith.constant 0 : i32
    %dma_start3A_15 = arith.constant 0 : i32
    %dma_start3A_16 = tpu.memref_slice %arg11[%dma_start3A_14, %dma_start3A_15] : memref<64x768xf32, #tpu.memory_space<vmem>> -> memref<32x768xf32, #tpu.memory_space<vmem>>
    %dma_start3A_17 = arith.constant 0 : i32
    %dma_start3A_18 = tpu.memref_slice %arg7[%dma_start3A_17] : memref<64xi32, #tpu.memory_space<vmem>> -> memref<32xi32, #tpu.memory_space<vmem>>
    %dma_start3A_19 = arith.constant 0 : i32
    %dma_start3A_20 = arith.constant 0 : i32
    %dma_start3A_21 = tpu.memref_slice %arg2[%dma_start3A_19, %dma_start3A_20] : memref<12288x768xf32, #tpu.memory_space<hbm>> -> memref<12288x768xf32, #tpu.memory_space<hbm>>
    tpu.enqueue_indirect_dma source(%dma_start3A_21 : memref<12288x768xf32, #tpu.memory_space<hbm>>) target(%dma_start3A_16 : memref<32x768xf32, #tpu.memory_space<vmem>>) offsets(%dma_start3A_18 : memref<32xi32, #tpu.memory_space<vmem>>) semaphore(%arg12 : memref<!tpu.dma_semaphore, #tpu.memory_space<semaphore_mem>>)
    %dma_start3A_22 = arith.constant 32 : i32
    %dma_start3A_23 = arith.constant 0 : i32
    %dma_start3A_24 = tpu.memref_slice %arg10[%dma_start3A_22, %dma_start3A_23] : memref<64x768xf32, #tpu.memory_space<vmem>> -> memref<32x768xf32, #tpu.memory_space<vmem>>
    %dma_start3A_25 = arith.constant 32 : i32
    %dma_start3A_26 = tpu.memref_slice %arg6[%dma_start3A_25] : memref<64xi32, #tpu.memory_space<vmem>> -> memref<32xi32, #tpu.memory_space<vmem>>
    %dma_start3A_27 = arith.constant 0 : i32
    %dma_start3A_28 = arith.constant 0 : i32
    %dma_start3A_29 = tpu.memref_slice %arg2[%dma_start3A_27, %dma_start3A_28] : memref<12288x768xf32, #tpu.memory_space<hbm>> -> memref<12288x768xf32, #tpu.memory_space<hbm>>
    tpu.enqueue_indirect_dma source(%dma_start3A_29 : memref<12288x768xf32, #tpu.memory_space<hbm>>) target(%dma_start3A_24 : memref<32x768xf32, #tpu.memory_space<vmem>>) offsets(%dma_start3A_26 : memref<32xi32, #tpu.memory_space<vmem>>) semaphore(%arg13 : memref<!tpu.dma_semaphore, #tpu.memory_space<semaphore_mem>>)
    %dma_start3A_30 = arith.constant 32 : i32
    %dma_start3A_31 = arith.constant 0 : i32
    %dma_start3A_32 = tpu.memref_slice %arg11[%dma_start3A_30, %dma_start3A_31] : memref<64x768xf32, #tpu.memory_space<vmem>> -> memref<32x768xf32, #tpu.memory_space<vmem>>
    %dma_start3A_33 = arith.constant 32 : i32
    %dma_start3A_34 = tpu.memref_slice %arg7[%dma_start3A_33] : memref<64xi32, #tpu.memory_space<vmem>> -> memref<32xi32, #tpu.memory_space<vmem>>
    %dma_start3A_35 = arith.constant 0 : i32
    %dma_start3A_36 = arith.constant 0 : i32
    %dma_start3A_37 = tpu.memref_slice %arg2[%dma_start3A_35, %dma_start3A_36] : memref<12288x768xf32, #tpu.memory_space<hbm>> -> memref<12288x768xf32, #tpu.memory_space<hbm>>
    tpu.enqueue_indirect_dma source(%dma_start3A_37 : memref<12288x768xf32, #tpu.memory_space<hbm>>) target(%dma_start3A_32 : memref<32x768xf32, #tpu.memory_space<vmem>>) offsets(%dma_start3A_34 : memref<32xi32, #tpu.memory_space<vmem>>) semaphore(%arg13 : memref<!tpu.dma_semaphore, #tpu.memory_space<semaphore_mem>>)
    %dma_wait3A = arith.constant 0 : i32
    %dma_wait3A_38 = arith.constant 0 : i32
    %dma_wait3A_39 = tpu.memref_slice %arg10[%dma_wait3A, %dma_wait3A_38] : memref<64x768xf32, #tpu.memory_space<vmem>> -> memref<32x768xf32, #tpu.memory_space<vmem>>
    %dma_wait3A_40 = arith.constant 0 : i32
    %dma_wait3A_41 = tpu.memref_slice %arg6[%dma_wait3A_40] : memref<64xi32, #tpu.memory_space<vmem>> -> memref<32xi32, #tpu.memory_space<vmem>>
    %dma_wait3A_42 = arith.constant 0 : i32
    %dma_wait3A_43 = arith.constant 0 : i32
    %dma_wait3A_44 = tpu.memref_slice %arg2[%dma_wait3A_42, %dma_wait3A_43] : memref<12288x768xf32, #tpu.memory_space<hbm>> -> memref<12288x768xf32, #tpu.memory_space<hbm>>
    tpu.wait_indirect_dma semaphore(%arg12 : memref<!tpu.dma_semaphore, #tpu.memory_space<semaphore_mem>>) src(%dma_wait3A_44 : memref<12288x768xf32, #tpu.memory_space<hbm>>) dst(%dma_wait3A_39 : memref<32x768xf32, #tpu.memory_space<vmem>>)
    %dma_wait3A_45 = arith.constant 0 : i32
    %dma_wait3A_46 = arith.constant 0 : i32
    %dma_wait3A_47 = tpu.memref_slice %arg11[%dma_wait3A_45, %dma_wait3A_46] : memref<64x768xf32, #tpu.memory_space<vmem>> -> memref<32x768xf32, #tpu.memory_space<vmem>>
    %dma_wait3A_48 = arith.constant 0 : i32
    %dma_wait3A_49 = tpu.memref_slice %arg7[%dma_wait3A_48] : memref<64xi32, #tpu.memory_space<vmem>> -> memref<32xi32, #tpu.memory_space<vmem>>
    %dma_wait3A_50 = arith.constant 0 : i32
    %dma_wait3A_51 = arith.constant 0 : i32
    %dma_wait3A_52 = tpu.memref_slice %arg2[%dma_wait3A_50, %dma_wait3A_51] : memref<12288x768xf32, #tpu.memory_space<hbm>> -> memref<12288x768xf32, #tpu.memory_space<hbm>>
    tpu.wait_indirect_dma semaphore(%arg12 : memref<!tpu.dma_semaphore, #tpu.memory_space<semaphore_mem>>) src(%dma_wait3A_52 : memref<12288x768xf32, #tpu.memory_space<hbm>>) dst(%dma_wait3A_47 : memref<32x768xf32, #tpu.memory_space<vmem>>)
    %scan3A = arith.constant 0 : i32
    %scan3A_53 = arith.constant 0 : i32
    %scan3A_54 = arith.constant 32 : i32
    %scan3A_55 = arith.addi %scan3A_53, %scan3A_54 : i32
    %scan3A_56 = arith.constant 1 : i32
    scf.for %scan3A_122 = %scan3A_53 to %scan3A_55 step %scan3A_56  : i32 {
      %get3A = arith.index_cast %scan3A_122 : i32 to index
      %get3A_123 = tpu.vector_load %arg8[%get3A] {strides = array<i32>} : memref<80xf32, #tpu.memory_space<vmem>>, vector<16xf32>,
      %get3A_124 = vector.shape_cast %get3A_123 : vector<16xf32> to vector<16xf32>
      %slice3A = vector.extract_strided_slice %get3A_124 {offsets = [0], sizes = [1], strides = [1]} : vector<16xf32> to vector<1xf32>
      %squeeze3A = vector.extract %slice3A[0] : f32 from vector<1xf32>
      %broadcast_in_dim3A = vector.broadcast %squeeze3A : f32 to vector<16xf32>
      %get3A_125 = arith.index_cast %scan3A_122 : i32 to index
      %get3A_126 = tpu.vector_load %arg9[%get3A_125] {strides = array<i32>} : memref<80xf32, #tpu.memory_space<vmem>>, vector<16xf32>,
      %get3A_127 = vector.shape_cast %get3A_126 : vector<16xf32> to vector<16xf32>
      %slice3A_128 = vector.extract_strided_slice %get3A_127 {offsets = [0], sizes = [1], strides = [1]} : vector<16xf32> to vector<1xf32>
      %squeeze3A_129 = vector.extract %slice3A_128[0] : f32 from vector<1xf32>
      %broadcast_in_dim3A_130 = vector.broadcast %squeeze3A_129 : f32 to vector<16xf32>
      %get3A_131 = arith.index_cast %scan3A_122 : i32 to index
      %get3A_132 = arith.constant 0 : index
      %get3A_133 = tpu.vector_load %arg10[%get3A_131, %get3A_132] {strides = array<i32>} : memref<64x768xf32, #tpu.memory_space<vmem>>, vector<1x16xf32>,
      %get3A_134 = vector.shape_cast %get3A_133 : vector<1x16xf32> to vector<16xf32>
      %mul3A_135 = arith.mulf %get3A_134, %broadcast_in_dim3A : vector<16xf32>
      %get3A_136 = arith.index_cast %scan3A_122 : i32 to index
      %get3A_137 = arith.constant 0 : index
      %get3A_138 = tpu.vector_load %arg11[%get3A_136, %get3A_137] {strides = array<i32>} : memref<64x768xf32, #tpu.memory_space<vmem>>, vector<1x16xf32>,
      %get3A_139 = vector.shape_cast %get3A_138 : vector<1x16xf32> to vector<16xf32>
      %mul3A_140 = arith.mulf %get3A_139, %broadcast_in_dim3A_130 : vector<16xf32>
      %add3A_141 = arith.addf %mul3A_135, %mul3A_140 : vector<16xf32>
      %swap3A = arith.index_cast %scan3A_122 : i32 to index
      %swap3A_142 = arith.constant 0 : index
      %swap3A_143 = tpu.vector_load %arg10[%swap3A, %swap3A_142] {strides = array<i32>} : memref<64x768xf32, #tpu.memory_space<vmem>>, vector<1x16xf32>,
      %swap3A_144 = vector.shape_cast %swap3A_143 : vector<1x16xf32> to vector<16xf32>
      %swap3A_145 = vector.shape_cast %add3A_141 : vector<16xf32> to vector<1x16xf32>
      tpu.vector_store %arg10[%swap3A, %swap3A_142], %swap3A_145 {strides = array<i32>} : memref<64x768xf32, #tpu.memory_space<vmem>>, vector<1x16xf32>,
      %get3A_146 = arith.index_cast %scan3A_122 : i32 to index
      %get3A_147 = arith.constant 16 : index
      %get3A_148 = tpu.vector_load %arg10[%get3A_146, %get3A_147] {strides = array<i32>} : memref<64x768xf32, #tpu.memory_space<vmem>>, vector<1x16xf32>,
      %get3A_149 = vector.shape_cast %get3A_148 : vector<1x16xf32> to vector<16xf32>
      %mul3A_150 = arith.mulf %get3A_149, %broadcast_in_dim3A : vector<16xf32>
      %get3A_151 = arith.index_cast %scan3A_122 : i32 to index
      %get3A_152 = arith.constant 16 : index
      %get3A_153 = tpu.vector_load %arg11[%get3A_151, %get3A_152] {strides = array<i32>} : memref<64x768xf32, #tpu.memory_space<vmem>>, vector<1x16xf32>,
      %get3A_154 = vector.shape_cast %get3A_153 : vector<1x16xf32> to vector<16xf32>
      %mul3A_155 = arith.mulf %get3A_154, %broadcast_in_dim3A_130 : vector<16xf32>
      %add3A_156 = arith.addf %mul3A_150, %mul3A_155 : vector<16xf32>
      %swap3A_157 = arith.index_cast %scan3A_122 : i32 to index
      %swap3A_158 = arith.constant 16 : index
      %swap3A_159 = tpu.vector_load %arg10[%swap3A_157, %swap3A_158] {strides = array<i32>} : memref<64x768xf32, #tpu.memory_space<vmem>>, vector<1x16xf32>,
      %swap3A_160 = vector.shape_cast %swap3A_159 : vector<1x16xf32> to vector<16xf32>
      %swap3A_161 = vector.shape_cast %add3A_156 : vector<16xf32> to vector<1x16xf32>
      tpu.vector_store %arg10[%swap3A_157, %swap3A_158], %swap3A_161 {strides = array<i32>} : memref<64x768xf32, #tpu.memory_space<vmem>>, vector<1x16xf32>,
      %get3A_162 = arith.index_cast %scan3A_122 : i32 to index
      %get3A_163 = arith.constant 32 : index
      %get3A_164 = tpu.vector_load %arg10[%get3A_162, %get3A_163] {strides = array<i32>} : memref<64x768xf32, #tpu.memory_space<vmem>>, vector<1x16xf32>,
      %get3A_165 = vector.shape_cast %get3A_164 : vector<1x16xf32> to vector<16xf32>
      %mul3A_166 = arith.mulf %get3A_165, %broadcast_in_dim3A : vector<16xf32>
      %get3A_167 = arith.index_cast %scan3A_122 : i32 to index
      %get3A_168 = arith.constant 32 : index
      %get3A_169 = tpu.vector_load %arg11[%get3A_167, %get3A_168] {strides = array<i32>} : memref<64x768xf32, #tpu.memory_space<vmem>>, vector<1x16xf32>,
      %get3A_170 = vector.shape_cast %get3A_169 : vector<1x16xf32> to vector<16xf32>
      %mul3A_171 = arith.mulf %get3A_170, %broadcast_in_dim3A_130 : vector<16xf32>
      %add3A_172 = arith.addf %mul3A_166, %mul3A_171 : vector<16xf32>
      %swap3A_173 = arith.index_cast %scan3A_122 : i32 to index
      %swap3A_174 = arith.constant 32 : index
      %swap3A_175 = tpu.vector_load %arg10[%swap3A_173, %swap3A_174] {strides = array<i32>} : memref<64x768xf32, #tpu.memory_space<vmem>>, vector<1x16xf32>,
      %swap3A_176 = vector.shape_cast %swap3A_175 : vector<1x16xf32> to vector<16xf32>
      %swap3A_177 = vector.shape_cast %add3A_172 : vector<16xf32> to vector<1x16xf32>
      tpu.vector_store %arg10[%swap3A_173, %swap3A_174], %swap3A_177 {strides = array<i32>} : memref<64x768xf32, #tpu.memory_space<vmem>>, vector<1x16xf32>,
      %get3A_178 = arith.index_cast %scan3A_122 : i32 to index
      %get3A_179 = arith.constant 48 : index
      %get3A_180 = tpu.vector_load %arg10[%get3A_178, %get3A_179] {strides = array<i32>} : memref<64x768xf32, #tpu.memory_space<vmem>>, vector<1x16xf32>,
      %get3A_181 = vector.shape_cast %get3A_180 : vector<1x16xf32> to vector<16xf32>
      %mul3A_182 = arith.mulf %get3A_181, %broadcast_in_dim3A : vector<16xf32>
      %get3A_183 = arith.index_cast %scan3A_122 : i32 to index
      %get3A_184 = arith.constant 48 : index
      %get3A_185 = tpu.vector_load %arg11[%get3A_183, %get3A_184] {strides = array<i32>} : memref<64x768xf32, #tpu.memory_space<vmem>>, vector<1x16xf32>,
      %get3A_186 = vector.shape_cast %get3A_185 : vector<1x16xf32> to vector<16xf32>
      %mul3A_187 = arith.mulf %get3A_186, %broadcast_in_dim3A_130 : vector<16xf32>
      %add3A_188 = arith.addf %mul3A_182, %mul3A_187 : vector<16xf32>
      %swap3A_189 = arith.index_cast %scan3A_122 : i32 to index
      %swap3A_190 = arith.constant 48 : index
      %swap3A_191 = tpu.vector_load %arg10[%swap3A_189, %swap3A_190] {strides = array<i32>} : memref<64x768xf32, #tpu.memory_space<vmem>>, vector<1x16xf32>,
      %swap3A_192 = vector.shape_cast %swap3A_191 : vector<1x16xf32> to vector<16xf32>
      %swap3A_193 = vector.shape_cast %add3A_188 : vector<16xf32> to vector<1x16xf32>
      tpu.vector_store %arg10[%swap3A_189, %swap3A_190], %swap3A_193 {strides = array<i32>} : memref<64x768xf32, #tpu.memory_space<vmem>>, vector<1x16xf32>,
      %get3A_194 = arith.index_cast %scan3A_122 : i32 to index
      %get3A_195 = arith.constant 64 : index
      %get3A_196 = tpu.vector_load %arg10[%get3A_194, %get3A_195] {strides = array<i32>} : memref<64x768xf32, #tpu.memory_space<vmem>>, vector<1x16xf32>,
      %get3A_197 = vector.shape_cast %get3A_196 : vector<1x16xf32> to vector<16xf32>
      %mul3A_198 = arith.mulf %get3A_197, %broadcast_in_dim3A : vector<16xf32>
      %get3A_199 = arith.index_cast %scan3A_122 : i32 to index
      %get3A_200 = arith.constant 64 : index
      %get3A_201 = tpu.vector_load %arg11[%get3A_199, %get3A_200] {strides = array<i32>} : memref<64x768xf32, #tpu.memory_space<vmem>>, vector<1x16xf32>,
      %get3A_202 = vector.shape_cast %get3A_201 : vector<1x16xf32> to vector<16xf32>
      %mul3A_203 = arith.mulf %get3A_202, %broadcast_in_dim3A_130 : vector<16xf32>
      %add3A_204 = arith.addf %mul3A_198, %mul3A_203 : vector<16xf32>
      %swap3A_205 = arith.index_cast %scan3A_122 : i32 to index
      %swap3A_206 = arith.constant 64 : index
      %swap3A_207 = tpu.vector_load %arg10[%swap3A_205, %swap3A_206] {strides = array<i32>} : memref<64x768xf32, #tpu.memory_space<vmem>>, vector<1x16xf32>,
      %swap3A_208 = vector.shape_cast %swap3A_207 : vector<1x16xf32> to vector<16xf32>
      %swap3A_209 = vector.shape_cast %add3A_204 : vector<16xf32> to vector<1x16xf32>
      tpu.vector_store %arg10[%swap3A_205, %swap3A_206], %swap3A_209 {strides = array<i32>} : memref<64x768xf32, #tpu.memory_space<vmem>>, vector<1x16xf32>,
      %get3A_210 = arith.index_cast %scan3A_122 : i32 to index
      %get3A_211 = arith.constant 80 : index
      %get3A_212 = tpu.vector_load %arg10[%get3A_210, %get3A_211] {strides = array<i32>} : memref<64x768xf32, #tpu.memory_space<vmem>>, vector<1x16xf32>,
      %get3A_213 = vector.shape_cast %get3A_212 : vector<1x16xf32> to vector<16xf32>
      %mul3A_214 = arith.mulf %get3A_213, %broadcast_in_dim3A : vector<16xf32>
      %get3A_215 = arith.index_cast %scan3A_122 : i32 to index
      %get3A_216 = arith.constant 80 : index
      %get3A_217 = tpu.vector_load %arg11[%get3A_215, %get3A_216] {strides = array<i32>} : memref<64x768xf32, #tpu.memory_space<vmem>>, vector<1x16xf32>,
      %get3A_218 = vector.shape_cast %get3A_217 : vector<1x16xf32> to vector<16xf32>
      %mul3A_219 = arith.mulf %get3A_218, %broadcast_in_dim3A_130 : vector<16xf32>
      %add3A_220 = arith.addf %mul3A_214, %mul3A_219 : vector<16xf32>
      %swap3A_221 = arith.index_cast %scan3A_122 : i32 to index
      %swap3A_222 = arith.constant 80 : index
      %swap3A_223 = tpu.vector_load %arg10[%swap3A_221, %swap3A_222] {strides = array<i32>} : memref<64x768xf32, #tpu.memory_space<vmem>>, vector<1x16xf32>,
      %swap3A_224 = vector.shape_cast %swap3A_223 : vector<1x16xf32> to vector<16xf32>
      %swap3A_225 = vector.shape_cast %add3A_220 : vector<16xf32> to vector<1x16xf32>
      tpu.vector_store %arg10[%swap3A_221, %swap3A_222], %swap3A_225 {strides = array<i32>} : memref<64x768xf32, #tpu.memory_space<vmem>>, vector<1x16xf32>,
      %get3A_226 = arith.index_cast %scan3A_122 : i32 to index
      %get3A_227 = arith.constant 96 : index
      %get3A_228 = tpu.vector_load %arg10[%get3A_226, %get3A_227] {strides = array<i32>} : memref<64x768xf32, #tpu.memory_space<vmem>>, vector<1x16xf32>,
      %get3A_229 = vector.shape_cast %get3A_228 : vector<1x16xf32> to vector<16xf32>
      %mul3A_230 = arith.mulf %get3A_229, %broadcast_in_dim3A : vector<16xf32>
      %get3A_231 = arith.index_cast %scan3A_122 : i32 to index
      %get3A_232 = arith.constant 96 : index
      %get3A_233 = tpu.vector_load %arg11[%get3A_231, %get3A_232] {strides = array<i32>} : memref<64x768xf32, #tpu.memory_space<vmem>>, vector<1x16xf32>,
      %get3A_234 = vector.shape_cast %get3A_233 : vector<1x16xf32> to vector<16xf32>
      %mul3A_235 = arith.mulf %get3A_234, %broadcast_in_dim3A_130 : vector<16xf32>
      %add3A_236 = arith.addf %mul3A_230, %mul3A_235 : vector<16xf32>
      %swap3A_237 = arith.index_cast %scan3A_122 : i32 to index
      %swap3A_238 = arith.constant 96 : index
      %swap3A_239 = tpu.vector_load %arg10[%swap3A_237, %swap3A_238] {strides = array<i32>} : memref<64x768xf32, #tpu.memory_space<vmem>>, vector<1x16xf32>,
      %swap3A_240 = vector.shape_cast %swap3A_239 : vector<1x16xf32> to vector<16xf32>
      %swap3A_241 = vector.shape_cast %add3A_236 : vector<16xf32> to vector<1x16xf32>
      tpu.vector_store %arg10[%swap3A_237, %swap3A_238], %swap3A_241 {strides = array<i32>} : memref<64x768xf32, #tpu.memory_space<vmem>>, vector<1x16xf32>,
      %get3A_242 = arith.index_cast %scan3A_122 : i32 to index
      %get3A_243 = arith.constant 112 : index
      %get3A_244 = tpu.vector_load %arg10[%get3A_242, %get3A_243] {strides = array<i32>} : memref<64x768xf32, #tpu.memory_space<vmem>>, vector<1x16xf32>,
      %get3A_245 = vector.shape_cast %get3A_244 : vector<1x16xf32> to vector<16xf32>
      %mul3A_246 = arith.mulf %get3A_245, %broadcast_in_dim3A : vector<16xf32>
      %get3A_247 = arith.index_cast %scan3A_122 : i32 to index
      %get3A_248 = arith.constant 112 : index
      %get3A_249 = tpu.vector_load %arg11[%get3A_247, %get3A_248] {strides = array<i32>} : memref<64x768xf32, #tpu.memory_space<vmem>>, vector<1x16xf32>,
      %get3A_250 = vector.shape_cast %get3A_249 : vector<1x16xf32> to vector<16xf32>
      %mul3A_251 = arith.mulf %get3A_250, %broadcast_in_dim3A_130 : vector<16xf32>
      %add3A_252 = arith.addf %mul3A_246, %mul3A_251 : vector<16xf32>
      %swap3A_253 = arith.index_cast %scan3A_122 : i32 to index
      %swap3A_254 = arith.constant 112 : index
      %swap3A_255 = tpu.vector_load %arg10[%swap3A_253, %swap3A_254] {strides = array<i32>} : memref<64x768xf32, #tpu.memory_space<vmem>>, vector<1x16xf32>,
      %swap3A_256 = vector.shape_cast %swap3A_255 : vector<1x16xf32> to vector<16xf32>
      %swap3A_257 = vector.shape_cast %add3A_252 : vector<16xf32> to vector<1x16xf32>
      tpu.vector_store %arg10[%swap3A_253, %swap3A_254], %swap3A_257 {strides = array<i32>} : memref<64x768xf32, #tpu.memory_space<vmem>>, vector<1x16xf32>,
      %get3A_258 = arith.index_cast %scan3A_122 : i32 to index
      %get3A_259 = arith.constant 128 : index
      %get3A_260 = tpu.vector_load %arg10[%get3A_258, %get3A_259] {strides = array<i32>} : memref<64x768xf32, #tpu.memory_space<vmem>>, vector<1x16xf32>,
      %get3A_261 = vector.shape_cast %get3A_260 : vector<1x16xf32> to vector<16xf32>
      %mul3A_262 = arith.mulf %get3A_261, %broadcast_in_dim3A : vector<16xf32>
      %get3A_263 = arith.index_cast %scan3A_122 : i32 to index
      %get3A_264 = arith.constant 128 : index
      %get3A_265 = tpu.vector_load %arg11[%get3A_263, %get3A_264] {strides = array<i32>} : memref<64x768xf32, #tpu.memory_space<vmem>>, vector<1x16xf32>,
      %get3A_266 = vector.shape_cast %get3A_265 : vector<1x16xf32> to vector<16xf32>
      %mul3A_267 = arith.mulf %get3A_266, %broadcast_in_dim3A_130 : vector<16xf32>
      %add3A_268 = arith.addf %mul3A_262, %mul3A_267 : vector<16xf32>
      %swap3A_269 = arith.index_cast %scan3A_122 : i32 to index
      %swap3A_270 = arith.constant 128 : index
      %swap3A_271 = tpu.vector_load %arg10[%swap3A_269, %swap3A_270] {strides = array<i32>} : memref<64x768xf32, #tpu.memory_space<vmem>>, vector<1x16xf32>,
      %swap3A_272 = vector.shape_cast %swap3A_271 : vector<1x16xf32> to vector<16xf32>
      %swap3A_273 = vector.shape_cast %add3A_268 : vector<16xf32> to vector<1x16xf32>
      tpu.vector_store %arg10[%swap3A_269, %swap3A_270], %swap3A_273 {strides = array<i32>} : memref<64x768xf32, #tpu.memory_space<vmem>>, vector<1x16xf32>,
      %get3A_274 = arith.index_cast %scan3A_122 : i32 to index
      %get3A_275 = arith.constant 144 : index
      %get3A_276 = tpu.vector_load %arg10[%get3A_274, %get3A_275] {strides = array<i32>} : memref<64x768xf32, #tpu.memory_space<vmem>>, vector<1x16xf32>,
      %get3A_277 = vector.shape_cast %get3A_276 : vector<1x16xf32> to vector<16xf32>
      %mul3A_278 = arith.mulf %get3A_277, %broadcast_in_dim3A : vector<16xf32>
      %get3A_279 = arith.index_cast %scan3A_122 : i32 to index
      %get3A_280 = arith.constant 144 : index
      %get3A_281 = tpu.vector_load %arg11[%get3A_279, %get3A_280] {strides = array<i32>} : memref<64x768xf32, #tpu.memory_space<vmem>>, vector<1x16xf32>,
      %get3A_282 = vector.shape_cast %get3A_281 : vector<1x16xf32> to vector<16xf32>
      %mul3A_283 = arith.mulf %get3A_282, %broadcast_in_dim3A_130 : vector<16xf32>
      %add3A_284 = arith.addf %mul3A_278, %mul3A_283 : vector<16xf32>
      %swap3A_285 = arith.index_cast %scan3A_122 : i32 to index
      %swap3A_286 = arith.constant 144 : index
      %swap3A_287 = tpu.vector_load %arg10[%swap3A_285, %swap3A_286] {strides = array<i32>} : memref<64x768xf32, #tpu.memory_space<vmem>>, vector<1x16xf32>,
      %swap3A_288 = vector.shape_cast %swap3A_287 : vector<1x16xf32> to vector<16xf32>
      %swap3A_289 = vector.shape_cast %add3A_284 : vector<16xf32> to vector<1x16xf32>
      tpu.vector_store %arg10[%swap3A_285, %swap3A_286], %swap3A_289 {strides = array<i32>} : memref<64x768xf32, #tpu.memory_space<vmem>>, vector<1x16xf32>,
      %get3A_290 = arith.index_cast %scan3A_122 : i32 to index
      %get3A_291 = arith.constant 160 : index
      %get3A_292 = tpu.vector_load %arg10[%get3A_290, %get3A_291] {strides = array<i32>} : memref<64x768xf32, #tpu.memory_space<vmem>>, vector<1x16xf32>,
      %get3A_293 = vector.shape_cast %get3A_292 : vector<1x16xf32> to vector<16xf32>
      %mul3A_294 = arith.mulf %get3A_293, %broadcast_in_dim3A : vector<16xf32>
      %get3A_295 = arith.index_cast %scan3A_122 : i32 to index
      %get3A_296 = arith.constant 160 : index
      %get3A_297 = tpu.vector_load %arg11[%get3A_295, %get3A_296] {strides = array<i32>} : memref<64x768xf32, #tpu.memory_space<vmem>>, vector<1x16xf32>,
      %get3A_298 = vector.shape_cast %get3A_297 : vector<1x16xf32> to vector<16xf32>
      %mul3A_299 = arith.mulf %get3A_298, %broadcast_in_dim3A_130 : vector<16xf32>
      %add3A_300 = arith.addf %mul3A_294, %mul3A_299 : vector<16xf32>
      %swap3A_301 = arith.index_cast %scan3A_122 : i32 to index
      %swap3A_302 = arith.constant 160 : index
      %swap3A_303 = tpu.vector_load %arg10[%swap3A_301, %swap3A_302] {strides = array<i32>} : memref<64x768xf32, #tpu.memory_space<vmem>>, vector<1x16xf32>,
      %swap3A_304 = vector.shape_cast %swap3A_303 : vector<1x16xf32> to vector<16xf32>
      %swap3A_305 = vector.shape_cast %add3A_300 : vector<16xf32> to vector<1x16xf32>
      tpu.vector_store %arg10[%swap3A_301, %swap3A_302], %swap3A_305 {strides = array<i32>} : memref<64x768xf32, #tpu.memory_space<vmem>>, vector<1x16xf32>,
      %get3A_306 = arith.index_cast %scan3A_122 : i32 to index
      %get3A_307 = arith.constant 176 : index
      %get3A_308 = tpu.vector_load %arg10[%get3A_306, %get3A_307] {strides = array<i32>} : memref<64x768xf32, #tpu.memory_space<vmem>>, vector<1x16xf32>,
      %get3A_309 = vector.shape_cast %get3A_308 : vector<1x16xf32> to vector<16xf32>
      %mul3A_310 = arith.mulf %get3A_309, %broadcast_in_dim3A : vector<16xf32>
      %get3A_311 = arith.index_cast %scan3A_122 : i32 to index
      %get3A_312 = arith.constant 176 : index
      %get3A_313 = tpu.vector_load %arg11[%get3A_311, %get3A_312] {strides = array<i32>} : memref<64x768xf32, #tpu.memory_space<vmem>>, vector<1x16xf32>,
      %get3A_314 = vector.shape_cast %get3A_313 : vector<1x16xf32> to vector<16xf32>
      %mul3A_315 = arith.mulf %get3A_314, %broadcast_in_dim3A_130 : vector<16xf32>
      %add3A_316 = arith.addf %mul3A_310, %mul3A_315 : vector<16xf32>
      %swap3A_317 = arith.index_cast %scan3A_122 : i32 to index
      %swap3A_318 = arith.constant 176 : index
      %swap3A_319 = tpu.vector_load %arg10[%swap3A_317, %swap3A_318] {strides = array<i32>} : memref<64x768xf32, #tpu.memory_space<vmem>>, vector<1x16xf32>,
      %swap3A_320 = vector.shape_cast %swap3A_319 : vector<1x16xf32> to vector<16xf32>
      %swap3A_321 = vector.shape_cast %add3A_316 : vector<16xf32> to vector<1x16xf32>
      tpu.vector_store %arg10[%swap3A_317, %swap3A_318], %swap3A_321 {strides = array<i32>} : memref<64x768xf32, #tpu.memory_space<vmem>>, vector<1x16xf32>,
      %get3A_322 = arith.index_cast %scan3A_122 : i32 to index
      %get3A_323 = arith.constant 192 : index
      %get3A_324 = tpu.vector_load %arg10[%get3A_322, %get3A_323] {strides = array<i32>} : memref<64x768xf32, #tpu.memory_space<vmem>>, vector<1x16xf32>,
      %get3A_325 = vector.shape_cast %get3A_324 : vector<1x16xf32> to vector<16xf32>
      %mul3A_326 = arith.mulf %get3A_325, %broadcast_in_dim3A : vector<16xf32>
      %get3A_327 = arith.index_cast %scan3A_122 : i32 to index
      %get3A_328 = arith.constant 192 : index
      %get3A_329 = tpu.vector_load %arg11[%get3A_327, %get3A_328] {strides = array<i32>} : memref<64x768xf32, #tpu.memory_space<vmem>>, vector<1x16xf32>,
      %get3A_330 = vector.shape_cast %get3A_329 : vector<1x16xf32> to vector<16xf32>
      %mul3A_331 = arith.mulf %get3A_330, %broadcast_in_dim3A_130 : vector<16xf32>
      %add3A_332 = arith.addf %mul3A_326, %mul3A_331 : vector<16xf32>
      %swap3A_333 = arith.index_cast %scan3A_122 : i32 to index
      %swap3A_334 = arith.constant 192 : index
      %swap3A_335 = tpu.vector_load %arg10[%swap3A_333, %swap3A_334] {strides = array<i32>} : memref<64x768xf32, #tpu.memory_space<vmem>>, vector<1x16xf32>,
      %swap3A_336 = vector.shape_cast %swap3A_335 : vector<1x16xf32> to vector<16xf32>
      %swap3A_337 = vector.shape_cast %add3A_332 : vector<16xf32> to vector<1x16xf32>
      tpu.vector_store %arg10[%swap3A_333, %swap3A_334], %swap3A_337 {strides = array<i32>} : memref<64x768xf32, #tpu.memory_space<vmem>>, vector<1x16xf32>,
      %get3A_338 = arith.index_cast %scan3A_122 : i32 to index
      %get3A_339 = arith.constant 208 : index
      %get3A_340 = tpu.vector_load %arg10[%get3A_338, %get3A_339] {strides = array<i32>} : memref<64x768xf32, #tpu.memory_space<vmem>>, vector<1x16xf32>,
      %get3A_341 = vector.shape_cast %get3A_340 : vector<1x16xf32> to vector<16xf32>
      %mul3A_342 = arith.mulf %get3A_341, %broadcast_in_dim3A : vector<16xf32>
      %get3A_343 = arith.index_cast %scan3A_122 : i32 to index
      %get3A_344 = arith.constant 208 : index
      %get3A_345 = tpu.vector_load %arg11[%get3A_343, %get3A_344] {strides = array<i32>} : memref<64x768xf32, #tpu.memory_space<vmem>>, vector<1x16xf32>,
      %get3A_346 = vector.shape_cast %get3A_345 : vector<1x16xf32> to vector<16xf32>
      %mul3A_347 = arith.mulf %get3A_346, %broadcast_in_dim3A_130 : vector<16xf32>
      %add3A_348 = arith.addf %mul3A_342, %mul3A_347 : vector<16xf32>
      %swap3A_349 = arith.index_cast %scan3A_122 : i32 to index
      %swap3A_350 = arith.constant 208 : index
      %swap3A_351 = tpu.vector_load %arg10[%swap3A_349, %swap3A_350] {strides = array<i32>} : memref<64x768xf32, #tpu.memory_space<vmem>>, vector<1x16xf32>,
      %swap3A_352 = vector.shape_cast %swap3A_351 : vector<1x16xf32> to vector<16xf32>
      %swap3A_353 = vector.shape_cast %add3A_348 : vector<16xf32> to vector<1x16xf32>
      tpu.vector_store %arg10[%swap3A_349, %swap3A_350], %swap3A_353 {strides = array<i32>} : memref<64x768xf32, #tpu.memory_space<vmem>>, vector<1x16xf32>,
      %get3A_354 = arith.index_cast %scan3A_122 : i32 to index
      %get3A_355 = arith.constant 224 : index
      %get3A_356 = tpu.vector_load %arg10[%get3A_354, %get3A_355] {strides = array<i32>} : memref<64x768xf32, #tpu.memory_space<vmem>>, vector<1x16xf32>,
      %get3A_357 = vector.shape_cast %get3A_356 : vector<1x16xf32> to vector<16xf32>
      %mul3A_358 = arith.mulf %get3A_357, %broadcast_in_dim3A : vector<16xf32>
      %get3A_359 = arith.index_cast %scan3A_122 : i32 to index
      %get3A_360 = arith.constant 224 : index
      %get3A_361 = tpu.vector_load %arg11[%get3A_359, %get3A_360] {strides = array<i32>} : memref<64x768xf32, #tpu.memory_space<vmem>>, vector<1x16xf32>,
      %get3A_362 = vector.shape_cast %get3A_361 : vector<1x16xf32> to vector<16xf32>
      %mul3A_363 = arith.mulf %get3A_362, %broadcast_in_dim3A_130 : vector<16xf32>
      %add3A_364 = arith.addf %mul3A_358, %mul3A_363 : vector<16xf32>
      %swap3A_365 = arith.index_cast %scan3A_122 : i32 to index
      %swap3A_366 = arith.constant 224 : index
      %swap3A_367 = tpu.vector_load %arg10[%swap3A_365, %swap3A_366] {strides = array<i32>} : memref<64x768xf32, #tpu.memory_space<vmem>>, vector<1x16xf32>,
      %swap3A_368 = vector.shape_cast %swap3A_367 : vector<1x16xf32> to vector<16xf32>
      %swap3A_369 = vector.shape_cast %add3A_364 : vector<16xf32> to vector<1x16xf32>
      tpu.vector_store %arg10[%swap3A_365, %swap3A_366], %swap3A_369 {strides = array<i32>} : memref<64x768xf32, #tpu.memory_space<vmem>>, vector<1x16xf32>,
      %get3A_370 = arith.index_cast %scan3A_122 : i32 to index
      %get3A_371 = arith.constant 240 : index
      %get3A_372 = tpu.vector_load %arg10[%get3A_370, %get3A_371] {strides = array<i32>} : memref<64x768xf32, #tpu.memory_space<vmem>>, vector<1x16xf32>,
      %get3A_373 = vector.shape_cast %get3A_372 : vector<1x16xf32> to vector<16xf32>
      %mul3A_374 = arith.mulf %get3A_373, %broadcast_in_dim3A : vector<16xf32>
      %get3A_375 = arith.index_cast %scan3A_122 : i32 to index
      %get3A_376 = arith.constant 240 : index
      %get3A_377 = tpu.vector_load %arg11[%get3A_375, %get3A_376] {strides = array<i32>} : memref<64x768xf32, #tpu.memory_space<vmem>>, vector<1x16xf32>,
      %get3A_378 = vector.shape_cast %get3A_377 : vector<1x16xf32> to vector<16xf32>
      %mul3A_379 = arith.mulf %get3A_378, %broadcast_in_dim3A_130 : vector<16xf32>
      %add3A_380 = arith.addf %mul3A_374, %mul3A_379 : vector<16xf32>
      %swap3A_381 = arith.index_cast %scan3A_122 : i32 to index
      %swap3A_382 = arith.constant 240 : index
      %swap3A_383 = tpu.vector_load %arg10[%swap3A_381, %swap3A_382] {strides = array<i32>} : memref<64x768xf32, #tpu.memory_space<vmem>>, vector<1x16xf32>,
      %swap3A_384 = vector.shape_cast %swap3A_383 : vector<1x16xf32> to vector<16xf32>
      %swap3A_385 = vector.shape_cast %add3A_380 : vector<16xf32> to vector<1x16xf32>
      tpu.vector_store %arg10[%swap3A_381, %swap3A_382], %swap3A_385 {strides = array<i32>} : memref<64x768xf32, #tpu.memory_space<vmem>>, vector<1x16xf32>,
      %get3A_386 = arith.index_cast %scan3A_122 : i32 to index
      %get3A_387 = arith.constant 256 : index
      %get3A_388 = tpu.vector_load %arg10[%get3A_386, %get3A_387] {strides = array<i32>} : memref<64x768xf32, #tpu.memory_space<vmem>>, vector<1x16xf32>,
      %get3A_389 = vector.shape_cast %get3A_388 : vector<1x16xf32> to vector<16xf32>
      %mul3A_390 = arith.mulf %get3A_389, %broadcast_in_dim3A : vector<16xf32>
      %get3A_391 = arith.index_cast %scan3A_122 : i32 to index
      %get3A_392 = arith.constant 256 : index
      %get3A_393 = tpu.vector_load %arg11[%get3A_391, %get3A_392] {strides = array<i32>} : memref<64x768xf32, #tpu.memory_space<vmem>>, vector<1x16xf32>,
      %get3A_394 = vector.shape_cast %get3A_393 : vector<1x16xf32> to vector<16xf32>
      %mul3A_395 = arith.mulf %get3A_394, %broadcast_in_dim3A_130 : vector<16xf32>
      %add3A_396 = arith.addf %mul3A_390, %mul3A_395 : vector<16xf32>
      %swap3A_397 = arith.index_cast %scan3A_122 : i32 to index
      %swap3A_398 = arith.constant 256 : index
      %swap3A_399 = tpu.vector_load %arg10[%swap3A_397, %swap3A_398] {strides = array<i32>} : memref<64x768xf32, #tpu.memory_space<vmem>>, vector<1x16xf32>,
      %swap3A_400 = vector.shape_cast %swap3A_399 : vector<1x16xf32> to vector<16xf32>
      %swap3A_401 = vector.shape_cast %add3A_396 : vector<16xf32> to vector<1x16xf32>
      tpu.vector_store %arg10[%swap3A_397, %swap3A_398], %swap3A_401 {strides = array<i32>} : memref<64x768xf32, #tpu.memory_space<vmem>>, vector<1x16xf32>,
      %get3A_402 = arith.index_cast %scan3A_122 : i32 to index
      %get3A_403 = arith.constant 272 : index
      %get3A_404 = tpu.vector_load %arg10[%get3A_402, %get3A_403] {strides = array<i32>} : memref<64x768xf32, #tpu.memory_space<vmem>>, vector<1x16xf32>,
      %get3A_405 = vector.shape_cast %get3A_404 : vector<1x16xf32> to vector<16xf32>
      %mul3A_406 = arith.mulf %get3A_405, %broadcast_in_dim3A : vector<16xf32>
      %get3A_407 = arith.index_cast %scan3A_122 : i32 to index
      %get3A_408 = arith.constant 272 : index
      %get3A_409 = tpu.vector_load %arg11[%get3A_407, %get3A_408] {strides = array<i32>} : memref<64x768xf32, #tpu.memory_space<vmem>>, vector<1x16xf32>,
      %get3A_410 = vector.shape_cast %get3A_409 : vector<1x16xf32> to vector<16xf32>
      %mul3A_411 = arith.mulf %get3A_410, %broadcast_in_dim3A_130 : vector<16xf32>
      %add3A_412 = arith.addf %mul3A_406, %mul3A_411 : vector<16xf32>
      %swap3A_413 = arith.index_cast %scan3A_122 : i32 to index
      %swap3A_414 = arith.constant 272 : index
      %swap3A_415 = tpu.vector_load %arg10[%swap3A_413, %swap3A_414] {strides = array<i32>} : memref<64x768xf32, #tpu.memory_space<vmem>>, vector<1x16xf32>,
      %swap3A_416 = vector.shape_cast %swap3A_415 : vector<1x16xf32> to vector<16xf32>
      %swap3A_417 = vector.shape_cast %add3A_412 : vector<16xf32> to vector<1x16xf32>
      tpu.vector_store %arg10[%swap3A_413, %swap3A_414], %swap3A_417 {strides = array<i32>} : memref<64x768xf32, #tpu.memory_space<vmem>>, vector<1x16xf32>,
      %get3A_418 = arith.index_cast %scan3A_122 : i32 to index
      %get3A_419 = arith.constant 288 : index
      %get3A_420 = tpu.vector_load %arg10[%get3A_418, %get3A_419] {strides = array<i32>} : memref<64x768xf32, #tpu.memory_space<vmem>>, vector<1x16xf32>,
      %get3A_421 = vector.shape_cast %get3A_420 : vector<1x16xf32> to vector<16xf32>
      %mul3A_422 = arith.mulf %get3A_421, %broadcast_in_dim3A : vector<16xf32>
      %get3A_423 = arith.index_cast %scan3A_122 : i32 to index
      %get3A_424 = arith.constant 288 : index
      %get3A_425 = tpu.vector_load %arg11[%get3A_423, %get3A_424] {strides = array<i32>} : memref<64x768xf32, #tpu.memory_space<vmem>>, vector<1x16xf32>,
      %get3A_426 = vector.shape_cast %get3A_425 : vector<1x16xf32> to vector<16xf32>
      %mul3A_427 = arith.mulf %get3A_426, %broadcast_in_dim3A_130 : vector<16xf32>
      %add3A_428 = arith.addf %mul3A_422, %mul3A_427 : vector<16xf32>
      %swap3A_429 = arith.index_cast %scan3A_122 : i32 to index
      %swap3A_430 = arith.constant 288 : index
      %swap3A_431 = tpu.vector_load %arg10[%swap3A_429, %swap3A_430] {strides = array<i32>} : memref<64x768xf32, #tpu.memory_space<vmem>>, vector<1x16xf32>,
      %swap3A_432 = vector.shape_cast %swap3A_431 : vector<1x16xf32> to vector<16xf32>
      %swap3A_433 = vector.shape_cast %add3A_428 : vector<16xf32> to vector<1x16xf32>
      tpu.vector_store %arg10[%swap3A_429, %swap3A_430], %swap3A_433 {strides = array<i32>} : memref<64x768xf32, #tpu.memory_space<vmem>>, vector<1x16xf32>,
      %get3A_434 = arith.index_cast %scan3A_122 : i32 to index
      %get3A_435 = arith.constant 304 : index
      %get3A_436 = tpu.vector_load %arg10[%get3A_434, %get3A_435] {strides = array<i32>} : memref<64x768xf32, #tpu.memory_space<vmem>>, vector<1x16xf32>,
      %get3A_437 = vector.shape_cast %get3A_436 : vector<1x16xf32> to vector<16xf32>
      %mul3A_438 = arith.mulf %get3A_437, %broadcast_in_dim3A : vector<16xf32>
      %get3A_439 = arith.index_cast %scan3A_122 : i32 to index
      %get3A_440 = arith.constant 304 : index
      %get3A_441 = tpu.vector_load %arg11[%get3A_439, %get3A_440] {strides = array<i32>} : memref<64x768xf32, #tpu.memory_space<vmem>>, vector<1x16xf32>,
      %get3A_442 = vector.shape_cast %get3A_441 : vector<1x16xf32> to vector<16xf32>
      %mul3A_443 = arith.mulf %get3A_442, %broadcast_in_dim3A_130 : vector<16xf32>
      %add3A_444 = arith.addf %mul3A_438, %mul3A_443 : vector<16xf32>
      %swap3A_445 = arith.index_cast %scan3A_122 : i32 to index
      %swap3A_446 = arith.constant 304 : index
      %swap3A_447 = tpu.vector_load %arg10[%swap3A_445, %swap3A_446] {strides = array<i32>} : memref<64x768xf32, #tpu.memory_space<vmem>>, vector<1x16xf32>,
      %swap3A_448 = vector.shape_cast %swap3A_447 : vector<1x16xf32> to vector<16xf32>
      %swap3A_449 = vector.shape_cast %add3A_444 : vector<16xf32> to vector<1x16xf32>
      tpu.vector_store %arg10[%swap3A_445, %swap3A_446], %swap3A_449 {strides = array<i32>} : memref<64x768xf32, #tpu.memory_space<vmem>>, vector<1x16xf32>,
      %get3A_450 = arith.index_cast %scan3A_122 : i32 to index
      %get3A_451 = arith.constant 320 : index
      %get3A_452 = tpu.vector_load %arg10[%get3A_450, %get3A_451] {strides = array<i32>} : memref<64x768xf32, #tpu.memory_space<vmem>>, vector<1x16xf32>,
      %get3A_453 = vector.shape_cast %get3A_452 : vector<1x16xf32> to vector<16xf32>
      %mul3A_454 = arith.mulf %get3A_453, %broadcast_in_dim3A : vector<16xf32>
      %get3A_455 = arith.index_cast %scan3A_122 : i32 to index
      %get3A_456 = arith.constant 320 : index
      %get3A_457 = tpu.vector_load %arg11[%get3A_455, %get3A_456] {strides = array<i32>} : memref<64x768xf32, #tpu.memory_space<vmem>>, vector<1x16xf32>,
      %get3A_458 = vector.shape_cast %get3A_457 : vector<1x16xf32> to vector<16xf32>
      %mul3A_459 = arith.mulf %get3A_458, %broadcast_in_dim3A_130 : vector<16xf32>
      %add3A_460 = arith.addf %mul3A_454, %mul3A_459 : vector<16xf32>
      %swap3A_461 = arith.index_cast %scan3A_122 : i32 to index
      %swap3A_462 = arith.constant 320 : index
      %swap3A_463 = tpu.vector_load %arg10[%swap3A_461, %swap3A_462] {strides = array<i32>} : memref<64x768xf32, #tpu.memory_space<vmem>>, vector<1x16xf32>,
      %swap3A_464 = vector.shape_cast %swap3A_463 : vector<1x16xf32> to vector<16xf32>
      %swap3A_465 = vector.shape_cast %add3A_460 : vector<16xf32> to vector<1x16xf32>
      tpu.vector_store %arg10[%swap3A_461, %swap3A_462], %swap3A_465 {strides = array<i32>} : memref<64x768xf32, #tpu.memory_space<vmem>>, vector<1x16xf32>,
      %get3A_466 = arith.index_cast %scan3A_122 : i32 to index
      %get3A_467 = arith.constant 336 : index
      %get3A_468 = tpu.vector_load %arg10[%get3A_466, %get3A_467] {strides = array<i32>} : memref<64x768xf32, #tpu.memory_space<vmem>>, vector<1x16xf32>,
      %get3A_469 = vector.shape_cast %get3A_468 : vector<1x16xf32> to vector<16xf32>
      %mul3A_470 = arith.mulf %get3A_469, %broadcast_in_dim3A : vector<16xf32>
      %get3A_471 = arith.index_cast %scan3A_122 : i32 to index
      %get3A_472 = arith.constant 336 : index
      %get3A_473 = tpu.vector_load %arg11[%get3A_471, %get3A_472] {strides = array<i32>} : memref<64x768xf32, #tpu.memory_space<vmem>>, vector<1x16xf32>,
      %get3A_474 = vector.shape_cast %get3A_473 : vector<1x16xf32> to vector<16xf32>
      %mul3A_475 = arith.mulf %get3A_474, %broadcast_in_dim3A_130 : vector<16xf32>
      %add3A_476 = arith.addf %mul3A_470, %mul3A_475 : vector<16xf32>
      %swap3A_477 = arith.index_cast %scan3A_122 : i32 to index
      %swap3A_478 = arith.constant 336 : index
      %swap3A_479 = tpu.vector_load %arg10[%swap3A_477, %swap3A_478] {strides = array<i32>} : memref<64x768xf32, #tpu.memory_space<vmem>>, vector<1x16xf32>,
      %swap3A_480 = vector.shape_cast %swap3A_479 : vector<1x16xf32> to vector<16xf32>
      %swap3A_481 = vector.shape_cast %add3A_476 : vector<16xf32> to vector<1x16xf32>
      tpu.vector_store %arg10[%swap3A_477, %swap3A_478], %swap3A_481 {strides = array<i32>} : memref<64x768xf32, #tpu.memory_space<vmem>>, vector<1x16xf32>,
      %get3A_482 = arith.index_cast %scan3A_122 : i32 to index
      %get3A_483 = arith.constant 352 : index
      %get3A_484 = tpu.vector_load %arg10[%get3A_482, %get3A_483] {strides = array<i32>} : memref<64x768xf32, #tpu.memory_space<vmem>>, vector<1x16xf32>,
      %get3A_485 = vector.shape_cast %get3A_484 : vector<1x16xf32> to vector<16xf32>
      %mul3A_486 = arith.mulf %get3A_485, %broadcast_in_dim3A : vector<16xf32>
      %get3A_487 = arith.index_cast %scan3A_122 : i32 to index
      %get3A_488 = arith.constant 352 : index
      %get3A_489 = tpu.vector_load %arg11[%get3A_487, %get3A_488] {strides = array<i32>} : memref<64x768xf32, #tpu.memory_space<vmem>>, vector<1x16xf32>,
      %get3A_490 = vector.shape_cast %get3A_489 : vector<1x16xf32> to vector<16xf32>
      %mul3A_491 = arith.mulf %get3A_490, %broadcast_in_dim3A_130 : vector<16xf32>
      %add3A_492 = arith.addf %mul3A_486, %mul3A_491 : vector<16xf32>
      %swap3A_493 = arith.index_cast %scan3A_122 : i32 to index
      %swap3A_494 = arith.constant 352 : index
      %swap3A_495 = tpu.vector_load %arg10[%swap3A_493, %swap3A_494] {strides = array<i32>} : memref<64x768xf32, #tpu.memory_space<vmem>>, vector<1x16xf32>,
      %swap3A_496 = vector.shape_cast %swap3A_495 : vector<1x16xf32> to vector<16xf32>
      %swap3A_497 = vector.shape_cast %add3A_492 : vector<16xf32> to vector<1x16xf32>
      tpu.vector_store %arg10[%swap3A_493, %swap3A_494], %swap3A_497 {strides = array<i32>} : memref<64x768xf32, #tpu.memory_space<vmem>>, vector<1x16xf32>,
      %get3A_498 = arith.index_cast %scan3A_122 : i32 to index
      %get3A_499 = arith.constant 368 : index
      %get3A_500 = tpu.vector_load %arg10[%get3A_498, %get3A_499] {strides = array<i32>} : memref<64x768xf32, #tpu.memory_space<vmem>>, vector<1x16xf32>,
      %get3A_501 = vector.shape_cast %get3A_500 : vector<1x16xf32> to vector<16xf32>
      %mul3A_502 = arith.mulf %get3A_501, %broadcast_in_dim3A : vector<16xf32>
      %get3A_503 = arith.index_cast %scan3A_122 : i32 to index
      %get3A_504 = arith.constant 368 : index
      %get3A_505 = tpu.vector_load %arg11[%get3A_503, %get3A_504] {strides = array<i32>} : memref<64x768xf32, #tpu.memory_space<vmem>>, vector<1x16xf32>,
      %get3A_506 = vector.shape_cast %get3A_505 : vector<1x16xf32> to vector<16xf32>
      %mul3A_507 = arith.mulf %get3A_506, %broadcast_in_dim3A_130 : vector<16xf32>
      %add3A_508 = arith.addf %mul3A_502, %mul3A_507 : vector<16xf32>
      %swap3A_509 = arith.index_cast %scan3A_122 : i32 to index
      %swap3A_510 = arith.constant 368 : index
      %swap3A_511 = tpu.vector_load %arg10[%swap3A_509, %swap3A_510] {strides = array<i32>} : memref<64x768xf32, #tpu.memory_space<vmem>>, vector<1x16xf32>,
      %swap3A_512 = vector.shape_cast %swap3A_511 : vector<1x16xf32> to vector<16xf32>
      %swap3A_513 = vector.shape_cast %add3A_508 : vector<16xf32> to vector<1x16xf32>
      tpu.vector_store %arg10[%swap3A_509, %swap3A_510], %swap3A_513 {strides = array<i32>} : memref<64x768xf32, #tpu.memory_space<vmem>>, vector<1x16xf32>,
      %get3A_514 = arith.index_cast %scan3A_122 : i32 to index
      %get3A_515 = arith.constant 384 : index
      %get3A_516 = tpu.vector_load %arg10[%get3A_514, %get3A_515] {strides = array<i32>} : memref<64x768xf32, #tpu.memory_space<vmem>>, vector<1x16xf32>,
      %get3A_517 = vector.shape_cast %get3A_516 : vector<1x16xf32> to vector<16xf32>
      %mul3A_518 = arith.mulf %get3A_517, %broadcast_in_dim3A : vector<16xf32>
      %get3A_519 = arith.index_cast %scan3A_122 : i32 to index
      %get3A_520 = arith.constant 384 : index
      %get3A_521 = tpu.vector_load %arg11[%get3A_519, %get3A_520] {strides = array<i32>} : memref<64x768xf32, #tpu.memory_space<vmem>>, vector<1x16xf32>,
      %get3A_522 = vector.shape_cast %get3A_521 : vector<1x16xf32> to vector<16xf32>
      %mul3A_523 = arith.mulf %get3A_522, %broadcast_in_dim3A_130 : vector<16xf32>
      %add3A_524 = arith.addf %mul3A_518, %mul3A_523 : vector<16xf32>
      %swap3A_525 = arith.index_cast %scan3A_122 : i32 to index
      %swap3A_526 = arith.constant 384 : index
      %swap3A_527 = tpu.vector_load %arg10[%swap3A_525, %swap3A_526] {strides = array<i32>} : memref<64x768xf32, #tpu.memory_space<vmem>>, vector<1x16xf32>,
      %swap3A_528 = vector.shape_cast %swap3A_527 : vector<1x16xf32> to vector<16xf32>
      %swap3A_529 = vector.shape_cast %add3A_524 : vector<16xf32> to vector<1x16xf32>
      tpu.vector_store %arg10[%swap3A_525, %swap3A_526], %swap3A_529 {strides = array<i32>} : memref<64x768xf32, #tpu.memory_space<vmem>>, vector<1x16xf32>,
      %get3A_530 = arith.index_cast %scan3A_122 : i32 to index
      %get3A_531 = arith.constant 400 : index
      %get3A_532 = tpu.vector_load %arg10[%get3A_530, %get3A_531] {strides = array<i32>} : memref<64x768xf32, #tpu.memory_space<vmem>>, vector<1x16xf32>,
      %get3A_533 = vector.shape_cast %get3A_532 : vector<1x16xf32> to vector<16xf32>
      %mul3A_534 = arith.mulf %get3A_533, %broadcast_in_dim3A : vector<16xf32>
      %get3A_535 = arith.index_cast %scan3A_122 : i32 to index
      %get3A_536 = arith.constant 400 : index
      %get3A_537 = tpu.vector_load %arg11[%get3A_535, %get3A_536] {strides = array<i32>} : memref<64x768xf32, #tpu.memory_space<vmem>>, vector<1x16xf32>,
      %get3A_538 = vector.shape_cast %get3A_537 : vector<1x16xf32> to vector<16xf32>
      %mul3A_539 = arith.mulf %get3A_538, %broadcast_in_dim3A_130 : vector<16xf32>
      %add3A_540 = arith.addf %mul3A_534, %mul3A_539 : vector<16xf32>
      %swap3A_541 = arith.index_cast %scan3A_122 : i32 to index
      %swap3A_542 = arith.constant 400 : index
      %swap3A_543 = tpu.vector_load %arg10[%swap3A_541, %swap3A_542] {strides = array<i32>} : memref<64x768xf32, #tpu.memory_space<vmem>>, vector<1x16xf32>,
      %swap3A_544 = vector.shape_cast %swap3A_543 : vector<1x16xf32> to vector<16xf32>
      %swap3A_545 = vector.shape_cast %add3A_540 : vector<16xf32> to vector<1x16xf32>
      tpu.vector_store %arg10[%swap3A_541, %swap3A_542], %swap3A_545 {strides = array<i32>} : memref<64x768xf32, #tpu.memory_space<vmem>>, vector<1x16xf32>,
      %get3A_546 = arith.index_cast %scan3A_122 : i32 to index
      %get3A_547 = arith.constant 416 : index
      %get3A_548 = tpu.vector_load %arg10[%get3A_546, %get3A_547] {strides = array<i32>} : memref<64x768xf32, #tpu.memory_space<vmem>>, vector<1x16xf32>,
      %get3A_549 = vector.shape_cast %get3A_548 : vector<1x16xf32> to vector<16xf32>
      %mul3A_550 = arith.mulf %get3A_549, %broadcast_in_dim3A : vector<16xf32>
      %get3A_551 = arith.index_cast %scan3A_122 : i32 to index
      %get3A_552 = arith.constant 416 : index
      %get3A_553 = tpu.vector_load %arg11[%get3A_551, %get3A_552] {strides = array<i32>} : memref<64x768xf32, #tpu.memory_space<vmem>>, vector<1x16xf32>,
      %get3A_554 = vector.shape_cast %get3A_553 : vector<1x16xf32> to vector<16xf32>
      %mul3A_555 = arith.mulf %get3A_554, %broadcast_in_dim3A_130 : vector<16xf32>
      %add3A_556 = arith.addf %mul3A_550, %mul3A_555 : vector<16xf32>
      %swap3A_557 = arith.index_cast %scan3A_122 : i32 to index
      %swap3A_558 = arith.constant 416 : index
      %swap3A_559 = tpu.vector_load %arg10[%swap3A_557, %swap3A_558] {strides = array<i32>} : memref<64x768xf32, #tpu.memory_space<vmem>>, vector<1x16xf32>,
      %swap3A_560 = vector.shape_cast %swap3A_559 : vector<1x16xf32> to vector<16xf32>
      %swap3A_561 = vector.shape_cast %add3A_556 : vector<16xf32> to vector<1x16xf32>
      tpu.vector_store %arg10[%swap3A_557, %swap3A_558], %swap3A_561 {strides = array<i32>} : memref<64x768xf32, #tpu.memory_space<vmem>>, vector<1x16xf32>,
      %get3A_562 = arith.index_cast %scan3A_122 : i32 to index
      %get3A_563 = arith.constant 432 : index
      %get3A_564 = tpu.vector_load %arg10[%get3A_562, %get3A_563] {strides = array<i32>} : memref<64x768xf32, #tpu.memory_space<vmem>>, vector<1x16xf32>,
      %get3A_565 = vector.shape_cast %get3A_564 : vector<1x16xf32> to vector<16xf32>
      %mul3A_566 = arith.mulf %get3A_565, %broadcast_in_dim3A : vector<16xf32>
      %get3A_567 = arith.index_cast %scan3A_122 : i32 to index
      %get3A_568 = arith.constant 432 : index
      %get3A_569 = tpu.vector_load %arg11[%get3A_567, %get3A_568] {strides = array<i32>} : memref<64x768xf32, #tpu.memory_space<vmem>>, vector<1x16xf32>,
      %get3A_570 = vector.shape_cast %get3A_569 : vector<1x16xf32> to vector<16xf32>
      %mul3A_571 = arith.mulf %get3A_570, %broadcast_in_dim3A_130 : vector<16xf32>
      %add3A_572 = arith.addf %mul3A_566, %mul3A_571 : vector<16xf32>
      %swap3A_573 = arith.index_cast %scan3A_122 : i32 to index
      %swap3A_574 = arith.constant 432 : index
      %swap3A_575 = tpu.vector_load %arg10[%swap3A_573, %swap3A_574] {strides = array<i32>} : memref<64x768xf32, #tpu.memory_space<vmem>>, vector<1x16xf32>,
      %swap3A_576 = vector.shape_cast %swap3A_575 : vector<1x16xf32> to vector<16xf32>
      %swap3A_577 = vector.shape_cast %add3A_572 : vector<16xf32> to vector<1x16xf32>
      tpu.vector_store %arg10[%swap3A_573, %swap3A_574], %swap3A_577 {strides = array<i32>} : memref<64x768xf32, #tpu.memory_space<vmem>>, vector<1x16xf32>,
      %get3A_578 = arith.index_cast %scan3A_122 : i32 to index
      %get3A_579 = arith.constant 448 : index
      %get3A_580 = tpu.vector_load %arg10[%get3A_578, %get3A_579] {strides = array<i32>} : memref<64x768xf32, #tpu.memory_space<vmem>>, vector<1x16xf32>,
      %get3A_581 = vector.shape_cast %get3A_580 : vector<1x16xf32> to vector<16xf32>
      %mul3A_582 = arith.mulf %get3A_581, %broadcast_in_dim3A : vector<16xf32>
      %get3A_583 = arith.index_cast %scan3A_122 : i32 to index
      %get3A_584 = arith.constant 448 : index
      %get3A_585 = tpu.vector_load %arg11[%get3A_583, %get3A_584] {strides = array<i32>} : memref<64x768xf32, #tpu.memory_space<vmem>>, vector<1x16xf32>,
      %get3A_586 = vector.shape_cast %get3A_585 : vector<1x16xf32> to vector<16xf32>
      %mul3A_587 = arith.mulf %get3A_586, %broadcast_in_dim3A_130 : vector<16xf32>
      %add3A_588 = arith.addf %mul3A_582, %mul3A_587 : vector<16xf32>
      %swap3A_589 = arith.index_cast %scan3A_122 : i32 to index
      %swap3A_590 = arith.constant 448 : index
      %swap3A_591 = tpu.vector_load %arg10[%swap3A_589, %swap3A_590] {strides = array<i32>} : memref<64x768xf32, #tpu.memory_space<vmem>>, vector<1x16xf32>,
      %swap3A_592 = vector.shape_cast %swap3A_591 : vector<1x16xf32> to vector<16xf32>
      %swap3A_593 = vector.shape_cast %add3A_588 : vector<16xf32> to vector<1x16xf32>
      tpu.vector_store %arg10[%swap3A_589, %swap3A_590], %swap3A_593 {strides = array<i32>} : memref<64x768xf32, #tpu.memory_space<vmem>>, vector<1x16xf32>,
      %get3A_594 = arith.index_cast %scan3A_122 : i32 to index
      %get3A_595 = arith.constant 464 : index
      %get3A_596 = tpu.vector_load %arg10[%get3A_594, %get3A_595] {strides = array<i32>} : memref<64x768xf32, #tpu.memory_space<vmem>>, vector<1x16xf32>,
      %get3A_597 = vector.shape_cast %get3A_596 : vector<1x16xf32> to vector<16xf32>
      %mul3A_598 = arith.mulf %get3A_597, %broadcast_in_dim3A : vector<16xf32>
      %get3A_599 = arith.index_cast %scan3A_122 : i32 to index
      %get3A_600 = arith.constant 464 : index
      %get3A_601 = tpu.vector_load %arg11[%get3A_599, %get3A_600] {strides = array<i32>} : memref<64x768xf32, #tpu.memory_space<vmem>>, vector<1x16xf32>,
      %get3A_602 = vector.shape_cast %get3A_601 : vector<1x16xf32> to vector<16xf32>
      %mul3A_603 = arith.mulf %get3A_602, %broadcast_in_dim3A_130 : vector<16xf32>
      %add3A_604 = arith.addf %mul3A_598, %mul3A_603 : vector<16xf32>
      %swap3A_605 = arith.index_cast %scan3A_122 : i32 to index
      %swap3A_606 = arith.constant 464 : index
      %swap3A_607 = tpu.vector_load %arg10[%swap3A_605, %swap3A_606] {strides = array<i32>} : memref<64x768xf32, #tpu.memory_space<vmem>>, vector<1x16xf32>,
      %swap3A_608 = vector.shape_cast %swap3A_607 : vector<1x16xf32> to vector<16xf32>
      %swap3A_609 = vector.shape_cast %add3A_604 : vector<16xf32> to vector<1x16xf32>
      tpu.vector_store %arg10[%swap3A_605, %swap3A_606], %swap3A_609 {strides = array<i32>} : memref<64x768xf32, #tpu.memory_space<vmem>>, vector<1x16xf32>,
      %get3A_610 = arith.index_cast %scan3A_122 : i32 to index
      %get3A_611 = arith.constant 480 : index
      %get3A_612 = tpu.vector_load %arg10[%get3A_610, %get3A_611] {strides = array<i32>} : memref<64x768xf32, #tpu.memory_space<vmem>>, vector<1x16xf32>,
      %get3A_613 = vector.shape_cast %get3A_612 : vector<1x16xf32> to vector<16xf32>
      %mul3A_614 = arith.mulf %get3A_613, %broadcast_in_dim3A : vector<16xf32>
      %get3A_615 = arith.index_cast %scan3A_122 : i32 to index
      %get3A_616 = arith.constant 480 : index
      %get3A_617 = tpu.vector_load %arg11[%get3A_615, %get3A_616] {strides = array<i32>} : memref<64x768xf32, #tpu.memory_space<vmem>>, vector<1x16xf32>,
      %get3A_618 = vector.shape_cast %get3A_617 : vector<1x16xf32> to vector<16xf32>
      %mul3A_619 = arith.mulf %get3A_618, %broadcast_in_dim3A_130 : vector<16xf32>
      %add3A_620 = arith.addf %mul3A_614, %mul3A_619 : vector<16xf32>
      %swap3A_621 = arith.index_cast %scan3A_122 : i32 to index
      %swap3A_622 = arith.constant 480 : index
      %swap3A_623 = tpu.vector_load %arg10[%swap3A_621, %swap3A_622] {strides = array<i32>} : memref<64x768xf32, #tpu.memory_space<vmem>>, vector<1x16xf32>,
      %swap3A_624 = vector.shape_cast %swap3A_623 : vector<1x16xf32> to vector<16xf32>
      %swap3A_625 = vector.shape_cast %add3A_620 : vector<16xf32> to vector<1x16xf32>
      tpu.vector_store %arg10[%swap3A_621, %swap3A_622], %swap3A_625 {strides = array<i32>} : memref<64x768xf32, #tpu.memory_space<vmem>>, vector<1x16xf32>,
      %get3A_626 = arith.index_cast %scan3A_122 : i32 to index
      %get3A_627 = arith.constant 496 : index
      %get3A_628 = tpu.vector_load %arg10[%get3A_626, %get3A_627] {strides = array<i32>} : memref<64x768xf32, #tpu.memory_space<vmem>>, vector<1x16xf32>,
      %get3A_629 = vector.shape_cast %get3A_628 : vector<1x16xf32> to vector<16xf32>
      %mul3A_630 = arith.mulf %get3A_629, %broadcast_in_dim3A : vector<16xf32>
      %get3A_631 = arith.index_cast %scan3A_122 : i32 to index
      %get3A_632 = arith.constant 496 : index
      %get3A_633 = tpu.vector_load %arg11[%get3A_631, %get3A_632] {strides = array<i32>} : memref<64x768xf32, #tpu.memory_space<vmem>>, vector<1x16xf32>,
      %get3A_634 = vector.shape_cast %get3A_633 : vector<1x16xf32> to vector<16xf32>
      %mul3A_635 = arith.mulf %get3A_634, %broadcast_in_dim3A_130 : vector<16xf32>
      %add3A_636 = arith.addf %mul3A_630, %mul3A_635 : vector<16xf32>
      %swap3A_637 = arith.index_cast %scan3A_122 : i32 to index
      %swap3A_638 = arith.constant 496 : index
      %swap3A_639 = tpu.vector_load %arg10[%swap3A_637, %swap3A_638] {strides = array<i32>} : memref<64x768xf32, #tpu.memory_space<vmem>>, vector<1x16xf32>,
      %swap3A_640 = vector.shape_cast %swap3A_639 : vector<1x16xf32> to vector<16xf32>
      %swap3A_641 = vector.shape_cast %add3A_636 : vector<16xf32> to vector<1x16xf32>
      tpu.vector_store %arg10[%swap3A_637, %swap3A_638], %swap3A_641 {strides = array<i32>} : memref<64x768xf32, #tpu.memory_space<vmem>>, vector<1x16xf32>,
      %get3A_642 = arith.index_cast %scan3A_122 : i32 to index
      %get3A_643 = arith.constant 512 : index
      %get3A_644 = tpu.vector_load %arg10[%get3A_642, %get3A_643] {strides = array<i32>} : memref<64x768xf32, #tpu.memory_space<vmem>>, vector<1x16xf32>,
      %get3A_645 = vector.shape_cast %get3A_644 : vector<1x16xf32> to vector<16xf32>
      %mul3A_646 = arith.mulf %get3A_645, %broadcast_in_dim3A : vector<16xf32>
      %get3A_647 = arith.index_cast %scan3A_122 : i32 to index
      %get3A_648 = arith.constant 512 : index
      %get3A_649 = tpu.vector_load %arg11[%get3A_647, %get3A_648] {strides = array<i32>} : memref<64x768xf32, #tpu.memory_space<vmem>>, vector<1x16xf32>,
      %get3A_650 = vector.shape_cast %get3A_649 : vector<1x16xf32> to vector<16xf32>
      %mul3A_651 = arith.mulf %get3A_650, %broadcast_in_dim3A_130 : vector<16xf32>
      %add3A_652 = arith.addf %mul3A_646, %mul3A_651 : vector<16xf32>
      %swap3A_653 = arith.index_cast %scan3A_122 : i32 to index
      %swap3A_654 = arith.constant 512 : index
      %swap3A_655 = tpu.vector_load %arg10[%swap3A_653, %swap3A_654] {strides = array<i32>} : memref<64x768xf32, #tpu.memory_space<vmem>>, vector<1x16xf32>,
      %swap3A_656 = vector.shape_cast %swap3A_655 : vector<1x16xf32> to vector<16xf32>
      %swap3A_657 = vector.shape_cast %add3A_652 : vector<16xf32> to vector<1x16xf32>
      tpu.vector_store %arg10[%swap3A_653, %swap3A_654], %swap3A_657 {strides = array<i32>} : memref<64x768xf32, #tpu.memory_space<vmem>>, vector<1x16xf32>,
      %get3A_658 = arith.index_cast %scan3A_122 : i32 to index
      %get3A_659 = arith.constant 528 : index
      %get3A_660 = tpu.vector_load %arg10[%get3A_658, %get3A_659] {strides = array<i32>} : memref<64x768xf32, #tpu.memory_space<vmem>>, vector<1x16xf32>,
      %get3A_661 = vector.shape_cast %get3A_660 : vector<1x16xf32> to vector<16xf32>
      %mul3A_662 = arith.mulf %get3A_661, %broadcast_in_dim3A : vector<16xf32>
      %get3A_663 = arith.index_cast %scan3A_122 : i32 to index
      %get3A_664 = arith.constant 528 : index
      %get3A_665 = tpu.vector_load %arg11[%get3A_663, %get3A_664] {strides = array<i32>} : memref<64x768xf32, #tpu.memory_space<vmem>>, vector<1x16xf32>,
      %get3A_666 = vector.shape_cast %get3A_665 : vector<1x16xf32> to vector<16xf32>
      %mul3A_667 = arith.mulf %get3A_666, %broadcast_in_dim3A_130 : vector<16xf32>
      %add3A_668 = arith.addf %mul3A_662, %mul3A_667 : vector<16xf32>
      %swap3A_669 = arith.index_cast %scan3A_122 : i32 to index
      %swap3A_670 = arith.constant 528 : index
      %swap3A_671 = tpu.vector_load %arg10[%swap3A_669, %swap3A_670] {strides = array<i32>} : memref<64x768xf32, #tpu.memory_space<vmem>>, vector<1x16xf32>,
      %swap3A_672 = vector.shape_cast %swap3A_671 : vector<1x16xf32> to vector<16xf32>
      %swap3A_673 = vector.shape_cast %add3A_668 : vector<16xf32> to vector<1x16xf32>
      tpu.vector_store %arg10[%swap3A_669, %swap3A_670], %swap3A_673 {strides = array<i32>} : memref<64x768xf32, #tpu.memory_space<vmem>>, vector<1x16xf32>,
      %get3A_674 = arith.index_cast %scan3A_122 : i32 to index
      %get3A_675 = arith.constant 544 : index
      %get3A_676 = tpu.vector_load %arg10[%get3A_674, %get3A_675] {strides = array<i32>} : memref<64x768xf32, #tpu.memory_space<vmem>>, vector<1x16xf32>,
      %get3A_677 = vector.shape_cast %get3A_676 : vector<1x16xf32> to vector<16xf32>
      %mul3A_678 = arith.mulf %get3A_677, %broadcast_in_dim3A : vector<16xf32>
      %get3A_679 = arith.index_cast %scan3A_122 : i32 to index
      %get3A_680 = arith.constant 544 : index
      %get3A_681 = tpu.vector_load %arg11[%get3A_679, %get3A_680] {strides = array<i32>} : memref<64x768xf32, #tpu.memory_space<vmem>>, vector<1x16xf32>,
      %get3A_682 = vector.shape_cast %get3A_681 : vector<1x16xf32> to vector<16xf32>
      %mul3A_683 = arith.mulf %get3A_682, %broadcast_in_dim3A_130 : vector<16xf32>
      %add3A_684 = arith.addf %mul3A_678, %mul3A_683 : vector<16xf32>
      %swap3A_685 = arith.index_cast %scan3A_122 : i32 to index
      %swap3A_686 = arith.constant 544 : index
      %swap3A_687 = tpu.vector_load %arg10[%swap3A_685, %swap3A_686] {strides = array<i32>} : memref<64x768xf32, #tpu.memory_space<vmem>>, vector<1x16xf32>,
      %swap3A_688 = vector.shape_cast %swap3A_687 : vector<1x16xf32> to vector<16xf32>
      %swap3A_689 = vector.shape_cast %add3A_684 : vector<16xf32> to vector<1x16xf32>
      tpu.vector_store %arg10[%swap3A_685, %swap3A_686], %swap3A_689 {strides = array<i32>} : memref<64x768xf32, #tpu.memory_space<vmem>>, vector<1x16xf32>,
      %get3A_690 = arith.index_cast %scan3A_122 : i32 to index
      %get3A_691 = arith.constant 560 : index
      %get3A_692 = tpu.vector_load %arg10[%get3A_690, %get3A_691] {strides = array<i32>} : memref<64x768xf32, #tpu.memory_space<vmem>>, vector<1x16xf32>,
      %get3A_693 = vector.shape_cast %get3A_692 : vector<1x16xf32> to vector<16xf32>
      %mul3A_694 = arith.mulf %get3A_693, %broadcast_in_dim3A : vector<16xf32>
      %get3A_695 = arith.index_cast %scan3A_122 : i32 to index
      %get3A_696 = arith.constant 560 : index
      %get3A_697 = tpu.vector_load %arg11[%get3A_695, %get3A_696] {strides = array<i32>} : memref<64x768xf32, #tpu.memory_space<vmem>>, vector<1x16xf32>,
      %get3A_698 = vector.shape_cast %get3A_697 : vector<1x16xf32> to vector<16xf32>
      %mul3A_699 = arith.mulf %get3A_698, %broadcast_in_dim3A_130 : vector<16xf32>
      %add3A_700 = arith.addf %mul3A_694, %mul3A_699 : vector<16xf32>
      %swap3A_701 = arith.index_cast %scan3A_122 : i32 to index
      %swap3A_702 = arith.constant 560 : index
      %swap3A_703 = tpu.vector_load %arg10[%swap3A_701, %swap3A_702] {strides = array<i32>} : memref<64x768xf32, #tpu.memory_space<vmem>>, vector<1x16xf32>,
      %swap3A_704 = vector.shape_cast %swap3A_703 : vector<1x16xf32> to vector<16xf32>
      %swap3A_705 = vector.shape_cast %add3A_700 : vector<16xf32> to vector<1x16xf32>
      tpu.vector_store %arg10[%swap3A_701, %swap3A_702], %swap3A_705 {strides = array<i32>} : memref<64x768xf32, #tpu.memory_space<vmem>>, vector<1x16xf32>,
      %get3A_706 = arith.index_cast %scan3A_122 : i32 to index
      %get3A_707 = arith.constant 576 : index
      %get3A_708 = tpu.vector_load %arg10[%get3A_706, %get3A_707] {strides = array<i32>} : memref<64x768xf32, #tpu.memory_space<vmem>>, vector<1x16xf32>,
      %get3A_709 = vector.shape_cast %get3A_708 : vector<1x16xf32> to vector<16xf32>
      %mul3A_710 = arith.mulf %get3A_709, %broadcast_in_dim3A : vector<16xf32>
      %get3A_711 = arith.index_cast %scan3A_122 : i32 to index
      %get3A_712 = arith.constant 576 : index
      %get3A_713 = tpu.vector_load %arg11[%get3A_711, %get3A_712] {strides = array<i32>} : memref<64x768xf32, #tpu.memory_space<vmem>>, vector<1x16xf32>,
      %get3A_714 = vector.shape_cast %get3A_713 : vector<1x16xf32> to vector<16xf32>
      %mul3A_715 = arith.mulf %get3A_714, %broadcast_in_dim3A_130 : vector<16xf32>
      %add3A_716 = arith.addf %mul3A_710, %mul3A_715 : vector<16xf32>
      %swap3A_717 = arith.index_cast %scan3A_122 : i32 to index
      %swap3A_718 = arith.constant 576 : index
      %swap3A_719 = tpu.vector_load %arg10[%swap3A_717, %swap3A_718] {strides = array<i32>} : memref<64x768xf32, #tpu.memory_space<vmem>>, vector<1x16xf32>,
      %swap3A_720 = vector.shape_cast %swap3A_719 : vector<1x16xf32> to vector<16xf32>
      %swap3A_721 = vector.shape_cast %add3A_716 : vector<16xf32> to vector<1x16xf32>
      tpu.vector_store %arg10[%swap3A_717, %swap3A_718], %swap3A_721 {strides = array<i32>} : memref<64x768xf32, #tpu.memory_space<vmem>>, vector<1x16xf32>,
      %get3A_722 = arith.index_cast %scan3A_122 : i32 to index
      %get3A_723 = arith.constant 592 : index
      %get3A_724 = tpu.vector_load %arg10[%get3A_722, %get3A_723] {strides = array<i32>} : memref<64x768xf32, #tpu.memory_space<vmem>>, vector<1x16xf32>,
      %get3A_725 = vector.shape_cast %get3A_724 : vector<1x16xf32> to vector<16xf32>
      %mul3A_726 = arith.mulf %get3A_725, %broadcast_in_dim3A : vector<16xf32>
      %get3A_727 = arith.index_cast %scan3A_122 : i32 to index
      %get3A_728 = arith.constant 592 : index
      %get3A_729 = tpu.vector_load %arg11[%get3A_727, %get3A_728] {strides = array<i32>} : memref<64x768xf32, #tpu.memory_space<vmem>>, vector<1x16xf32>,
      %get3A_730 = vector.shape_cast %get3A_729 : vector<1x16xf32> to vector<16xf32>
      %mul3A_731 = arith.mulf %get3A_730, %broadcast_in_dim3A_130 : vector<16xf32>
      %add3A_732 = arith.addf %mul3A_726, %mul3A_731 : vector<16xf32>
      %swap3A_733 = arith.index_cast %scan3A_122 : i32 to index
      %swap3A_734 = arith.constant 592 : index
      %swap3A_735 = tpu.vector_load %arg10[%swap3A_733, %swap3A_734] {strides = array<i32>} : memref<64x768xf32, #tpu.memory_space<vmem>>, vector<1x16xf32>,
      %swap3A_736 = vector.shape_cast %swap3A_735 : vector<1x16xf32> to vector<16xf32>
      %swap3A_737 = vector.shape_cast %add3A_732 : vector<16xf32> to vector<1x16xf32>
      tpu.vector_store %arg10[%swap3A_733, %swap3A_734], %swap3A_737 {strides = array<i32>} : memref<64x768xf32, #tpu.memory_space<vmem>>, vector<1x16xf32>,
      %get3A_738 = arith.index_cast %scan3A_122 : i32 to index
      %get3A_739 = arith.constant 608 : index
      %get3A_740 = tpu.vector_load %arg10[%get3A_738, %get3A_739] {strides = array<i32>} : memref<64x768xf32, #tpu.memory_space<vmem>>, vector<1x16xf32>,
      %get3A_741 = vector.shape_cast %get3A_740 : vector<1x16xf32> to vector<16xf32>
      %mul3A_742 = arith.mulf %get3A_741, %broadcast_in_dim3A : vector<16xf32>
      %get3A_743 = arith.index_cast %scan3A_122 : i32 to index
      %get3A_744 = arith.constant 608 : index
      %get3A_745 = tpu.vector_load %arg11[%get3A_743, %get3A_744] {strides = array<i32>} : memref<64x768xf32, #tpu.memory_space<vmem>>, vector<1x16xf32>,
      %get3A_746 = vector.shape_cast %get3A_745 : vector<1x16xf32> to vector<16xf32>
      %mul3A_747 = arith.mulf %get3A_746, %broadcast_in_dim3A_130 : vector<16xf32>
      %add3A_748 = arith.addf %mul3A_742, %mul3A_747 : vector<16xf32>
      %swap3A_749 = arith.index_cast %scan3A_122 : i32 to index
      %swap3A_750 = arith.constant 608 : index
      %swap3A_751 = tpu.vector_load %arg10[%swap3A_749, %swap3A_750] {strides = array<i32>} : memref<64x768xf32, #tpu.memory_space<vmem>>, vector<1x16xf32>,
      %swap3A_752 = vector.shape_cast %swap3A_751 : vector<1x16xf32> to vector<16xf32>
      %swap3A_753 = vector.shape_cast %add3A_748 : vector<16xf32> to vector<1x16xf32>
      tpu.vector_store %arg10[%swap3A_749, %swap3A_750], %swap3A_753 {strides = array<i32>} : memref<64x768xf32, #tpu.memory_space<vmem>>, vector<1x16xf32>,
      %get3A_754 = arith.index_cast %scan3A_122 : i32 to index
      %get3A_755 = arith.constant 624 : index
      %get3A_756 = tpu.vector_load %arg10[%get3A_754, %get3A_755] {strides = array<i32>} : memref<64x768xf32, #tpu.memory_space<vmem>>, vector<1x16xf32>,
      %get3A_757 = vector.shape_cast %get3A_756 : vector<1x16xf32> to vector<16xf32>
      %mul3A_758 = arith.mulf %get3A_757, %broadcast_in_dim3A : vector<16xf32>
      %get3A_759 = arith.index_cast %scan3A_122 : i32 to index
      %get3A_760 = arith.constant 624 : index
      %get3A_761 = tpu.vector_load %arg11[%get3A_759, %get3A_760] {strides = array<i32>} : memref<64x768xf32, #tpu.memory_space<vmem>>, vector<1x16xf32>,
      %get3A_762 = vector.shape_cast %get3A_761 : vector<1x16xf32> to vector<16xf32>
      %mul3A_763 = arith.mulf %get3A_762, %broadcast_in_dim3A_130 : vector<16xf32>
      %add3A_764 = arith.addf %mul3A_758, %mul3A_763 : vector<16xf32>
      %swap3A_765 = arith.index_cast %scan3A_122 : i32 to index
      %swap3A_766 = arith.constant 624 : index
      %swap3A_767 = tpu.vector_load %arg10[%swap3A_765, %swap3A_766] {strides = array<i32>} : memref<64x768xf32, #tpu.memory_space<vmem>>, vector<1x16xf32>,
      %swap3A_768 = vector.shape_cast %swap3A_767 : vector<1x16xf32> to vector<16xf32>
      %swap3A_769 = vector.shape_cast %add3A_764 : vector<16xf32> to vector<1x16xf32>
      tpu.vector_store %arg10[%swap3A_765, %swap3A_766], %swap3A_769 {strides = array<i32>} : memref<64x768xf32, #tpu.memory_space<vmem>>, vector<1x16xf32>,
      %get3A_770 = arith.index_cast %scan3A_122 : i32 to index
      %get3A_771 = arith.constant 640 : index
      %get3A_772 = tpu.vector_load %arg10[%get3A_770, %get3A_771] {strides = array<i32>} : memref<64x768xf32, #tpu.memory_space<vmem>>, vector<1x16xf32>,
      %get3A_773 = vector.shape_cast %get3A_772 : vector<1x16xf32> to vector<16xf32>
      %mul3A_774 = arith.mulf %get3A_773, %broadcast_in_dim3A : vector<16xf32>
      %get3A_775 = arith.index_cast %scan3A_122 : i32 to index
      %get3A_776 = arith.constant 640 : index
      %get3A_777 = tpu.vector_load %arg11[%get3A_775, %get3A_776] {strides = array<i32>} : memref<64x768xf32, #tpu.memory_space<vmem>>, vector<1x16xf32>,
      %get3A_778 = vector.shape_cast %get3A_777 : vector<1x16xf32> to vector<16xf32>
      %mul3A_779 = arith.mulf %get3A_778, %broadcast_in_dim3A_130 : vector<16xf32>
      %add3A_780 = arith.addf %mul3A_774, %mul3A_779 : vector<16xf32>
      %swap3A_781 = arith.index_cast %scan3A_122 : i32 to index
      %swap3A_782 = arith.constant 640 : index
      %swap3A_783 = tpu.vector_load %arg10[%swap3A_781, %swap3A_782] {strides = array<i32>} : memref<64x768xf32, #tpu.memory_space<vmem>>, vector<1x16xf32>,
      %swap3A_784 = vector.shape_cast %swap3A_783 : vector<1x16xf32> to vector<16xf32>
      %swap3A_785 = vector.shape_cast %add3A_780 : vector<16xf32> to vector<1x16xf32>
      tpu.vector_store %arg10[%swap3A_781, %swap3A_782], %swap3A_785 {strides = array<i32>} : memref<64x768xf32, #tpu.memory_space<vmem>>, vector<1x16xf32>,
      %get3A_786 = arith.index_cast %scan3A_122 : i32 to index
      %get3A_787 = arith.constant 656 : index
      %get3A_788 = tpu.vector_load %arg10[%get3A_786, %get3A_787] {strides = array<i32>} : memref<64x768xf32, #tpu.memory_space<vmem>>, vector<1x16xf32>,
      %get3A_789 = vector.shape_cast %get3A_788 : vector<1x16xf32> to vector<16xf32>
      %mul3A_790 = arith.mulf %get3A_789, %broadcast_in_dim3A : vector<16xf32>
      %get3A_791 = arith.index_cast %scan3A_122 : i32 to index
      %get3A_792 = arith.constant 656 : index
      %get3A_793 = tpu.vector_load %arg11[%get3A_791, %get3A_792] {strides = array<i32>} : memref<64x768xf32, #tpu.memory_space<vmem>>, vector<1x16xf32>,
      %get3A_794 = vector.shape_cast %get3A_793 : vector<1x16xf32> to vector<16xf32>
      %mul3A_795 = arith.mulf %get3A_794, %broadcast_in_dim3A_130 : vector<16xf32>
      %add3A_796 = arith.addf %mul3A_790, %mul3A_795 : vector<16xf32>
      %swap3A_797 = arith.index_cast %scan3A_122 : i32 to index
      %swap3A_798 = arith.constant 656 : index
      %swap3A_799 = tpu.vector_load %arg10[%swap3A_797, %swap3A_798] {strides = array<i32>} : memref<64x768xf32, #tpu.memory_space<vmem>>, vector<1x16xf32>,
      %swap3A_800 = vector.shape_cast %swap3A_799 : vector<1x16xf32> to vector<16xf32>
      %swap3A_801 = vector.shape_cast %add3A_796 : vector<16xf32> to vector<1x16xf32>
      tpu.vector_store %arg10[%swap3A_797, %swap3A_798], %swap3A_801 {strides = array<i32>} : memref<64x768xf32, #tpu.memory_space<vmem>>, vector<1x16xf32>,
      %get3A_802 = arith.index_cast %scan3A_122 : i32 to index
      %get3A_803 = arith.constant 672 : index
      %get3A_804 = tpu.vector_load %arg10[%get3A_802, %get3A_803] {strides = array<i32>} : memref<64x768xf32, #tpu.memory_space<vmem>>, vector<1x16xf32>,
      %get3A_805 = vector.shape_cast %get3A_804 : vector<1x16xf32> to vector<16xf32>
      %mul3A_806 = arith.mulf %get3A_805, %broadcast_in_dim3A : vector<16xf32>
      %get3A_807 = arith.index_cast %scan3A_122 : i32 to index
      %get3A_808 = arith.constant 672 : index
      %get3A_809 = tpu.vector_load %arg11[%get3A_807, %get3A_808] {strides = array<i32>} : memref<64x768xf32, #tpu.memory_space<vmem>>, vector<1x16xf32>,
      %get3A_810 = vector.shape_cast %get3A_809 : vector<1x16xf32> to vector<16xf32>
      %mul3A_811 = arith.mulf %get3A_810, %broadcast_in_dim3A_130 : vector<16xf32>
      %add3A_812 = arith.addf %mul3A_806, %mul3A_811 : vector<16xf32>
      %swap3A_813 = arith.index_cast %scan3A_122 : i32 to index
      %swap3A_814 = arith.constant 672 : index
      %swap3A_815 = tpu.vector_load %arg10[%swap3A_813, %swap3A_814] {strides = array<i32>} : memref<64x768xf32, #tpu.memory_space<vmem>>, vector<1x16xf32>,
      %swap3A_816 = vector.shape_cast %swap3A_815 : vector<1x16xf32> to vector<16xf32>
      %swap3A_817 = vector.shape_cast %add3A_812 : vector<16xf32> to vector<1x16xf32>
      tpu.vector_store %arg10[%swap3A_813, %swap3A_814], %swap3A_817 {strides = array<i32>} : memref<64x768xf32, #tpu.memory_space<vmem>>, vector<1x16xf32>,
      %get3A_818 = arith.index_cast %scan3A_122 : i32 to index
      %get3A_819 = arith.constant 688 : index
      %get3A_820 = tpu.vector_load %arg10[%get3A_818, %get3A_819] {strides = array<i32>} : memref<64x768xf32, #tpu.memory_space<vmem>>, vector<1x16xf32>,
      %get3A_821 = vector.shape_cast %get3A_820 : vector<1x16xf32> to vector<16xf32>
      %mul3A_822 = arith.mulf %get3A_821, %broadcast_in_dim3A : vector<16xf32>
      %get3A_823 = arith.index_cast %scan3A_122 : i32 to index
      %get3A_824 = arith.constant 688 : index
      %get3A_825 = tpu.vector_load %arg11[%get3A_823, %get3A_824] {strides = array<i32>} : memref<64x768xf32, #tpu.memory_space<vmem>>, vector<1x16xf32>,
      %get3A_826 = vector.shape_cast %get3A_825 : vector<1x16xf32> to vector<16xf32>
      %mul3A_827 = arith.mulf %get3A_826, %broadcast_in_dim3A_130 : vector<16xf32>
      %add3A_828 = arith.addf %mul3A_822, %mul3A_827 : vector<16xf32>
      %swap3A_829 = arith.index_cast %scan3A_122 : i32 to index
      %swap3A_830 = arith.constant 688 : index
      %swap3A_831 = tpu.vector_load %arg10[%swap3A_829, %swap3A_830] {strides = array<i32>} : memref<64x768xf32, #tpu.memory_space<vmem>>, vector<1x16xf32>,
      %swap3A_832 = vector.shape_cast %swap3A_831 : vector<1x16xf32> to vector<16xf32>
      %swap3A_833 = vector.shape_cast %add3A_828 : vector<16xf32> to vector<1x16xf32>
      tpu.vector_store %arg10[%swap3A_829, %swap3A_830], %swap3A_833 {strides = array<i32>} : memref<64x768xf32, #tpu.memory_space<vmem>>, vector<1x16xf32>,
      %get3A_834 = arith.index_cast %scan3A_122 : i32 to index
      %get3A_835 = arith.constant 704 : index
      %get3A_836 = tpu.vector_load %arg10[%get3A_834, %get3A_835] {strides = array<i32>} : memref<64x768xf32, #tpu.memory_space<vmem>>, vector<1x16xf32>,
      %get3A_837 = vector.shape_cast %get3A_836 : vector<1x16xf32> to vector<16xf32>
      %mul3A_838 = arith.mulf %get3A_837, %broadcast_in_dim3A : vector<16xf32>
      %get3A_839 = arith.index_cast %scan3A_122 : i32 to index
      %get3A_840 = arith.constant 704 : index
      %get3A_841 = tpu.vector_load %arg11[%get3A_839, %get3A_840] {strides = array<i32>} : memref<64x768xf32, #tpu.memory_space<vmem>>, vector<1x16xf32>,
      %get3A_842 = vector.shape_cast %get3A_841 : vector<1x16xf32> to vector<16xf32>
      %mul3A_843 = arith.mulf %get3A_842, %broadcast_in_dim3A_130 : vector<16xf32>
      %add3A_844 = arith.addf %mul3A_838, %mul3A_843 : vector<16xf32>
      %swap3A_845 = arith.index_cast %scan3A_122 : i32 to index
      %swap3A_846 = arith.constant 704 : index
      %swap3A_847 = tpu.vector_load %arg10[%swap3A_845, %swap3A_846] {strides = array<i32>} : memref<64x768xf32, #tpu.memory_space<vmem>>, vector<1x16xf32>,
      %swap3A_848 = vector.shape_cast %swap3A_847 : vector<1x16xf32> to vector<16xf32>
      %swap3A_849 = vector.shape_cast %add3A_844 : vector<16xf32> to vector<1x16xf32>
      tpu.vector_store %arg10[%swap3A_845, %swap3A_846], %swap3A_849 {strides = array<i32>} : memref<64x768xf32, #tpu.memory_space<vmem>>, vector<1x16xf32>,
      %get3A_850 = arith.index_cast %scan3A_122 : i32 to index
      %get3A_851 = arith.constant 720 : index
      %get3A_852 = tpu.vector_load %arg10[%get3A_850, %get3A_851] {strides = array<i32>} : memref<64x768xf32, #tpu.memory_space<vmem>>, vector<1x16xf32>,
      %get3A_853 = vector.shape_cast %get3A_852 : vector<1x16xf32> to vector<16xf32>
      %mul3A_854 = arith.mulf %get3A_853, %broadcast_in_dim3A : vector<16xf32>
      %get3A_855 = arith.index_cast %scan3A_122 : i32 to index
      %get3A_856 = arith.constant 720 : index
      %get3A_857 = tpu.vector_load %arg11[%get3A_855, %get3A_856] {strides = array<i32>} : memref<64x768xf32, #tpu.memory_space<vmem>>, vector<1x16xf32>,
      %get3A_858 = vector.shape_cast %get3A_857 : vector<1x16xf32> to vector<16xf32>
      %mul3A_859 = arith.mulf %get3A_858, %broadcast_in_dim3A_130 : vector<16xf32>
      %add3A_860 = arith.addf %mul3A_854, %mul3A_859 : vector<16xf32>
      %swap3A_861 = arith.index_cast %scan3A_122 : i32 to index
      %swap3A_862 = arith.constant 720 : index
      %swap3A_863 = tpu.vector_load %arg10[%swap3A_861, %swap3A_862] {strides = array<i32>} : memref<64x768xf32, #tpu.memory_space<vmem>>, vector<1x16xf32>,
      %swap3A_864 = vector.shape_cast %swap3A_863 : vector<1x16xf32> to vector<16xf32>
      %swap3A_865 = vector.shape_cast %add3A_860 : vector<16xf32> to vector<1x16xf32>
      tpu.vector_store %arg10[%swap3A_861, %swap3A_862], %swap3A_865 {strides = array<i32>} : memref<64x768xf32, #tpu.memory_space<vmem>>, vector<1x16xf32>,
      %get3A_866 = arith.index_cast %scan3A_122 : i32 to index
      %get3A_867 = arith.constant 736 : index
      %get3A_868 = tpu.vector_load %arg10[%get3A_866, %get3A_867] {strides = array<i32>} : memref<64x768xf32, #tpu.memory_space<vmem>>, vector<1x16xf32>,
      %get3A_869 = vector.shape_cast %get3A_868 : vector<1x16xf32> to vector<16xf32>
      %mul3A_870 = arith.mulf %get3A_869, %broadcast_in_dim3A : vector<16xf32>
      %get3A_871 = arith.index_cast %scan3A_122 : i32 to index
      %get3A_872 = arith.constant 736 : index
      %get3A_873 = tpu.vector_load %arg11[%get3A_871, %get3A_872] {strides = array<i32>} : memref<64x768xf32, #tpu.memory_space<vmem>>, vector<1x16xf32>,
      %get3A_874 = vector.shape_cast %get3A_873 : vector<1x16xf32> to vector<16xf32>
      %mul3A_875 = arith.mulf %get3A_874, %broadcast_in_dim3A_130 : vector<16xf32>
      %add3A_876 = arith.addf %mul3A_870, %mul3A_875 : vector<16xf32>
      %swap3A_877 = arith.index_cast %scan3A_122 : i32 to index
      %swap3A_878 = arith.constant 736 : index
      %swap3A_879 = tpu.vector_load %arg10[%swap3A_877, %swap3A_878] {strides = array<i32>} : memref<64x768xf32, #tpu.memory_space<vmem>>, vector<1x16xf32>,
      %swap3A_880 = vector.shape_cast %swap3A_879 : vector<1x16xf32> to vector<16xf32>
      %swap3A_881 = vector.shape_cast %add3A_876 : vector<16xf32> to vector<1x16xf32>
      tpu.vector_store %arg10[%swap3A_877, %swap3A_878], %swap3A_881 {strides = array<i32>} : memref<64x768xf32, #tpu.memory_space<vmem>>, vector<1x16xf32>,
      %get3A_882 = arith.index_cast %scan3A_122 : i32 to index
      %get3A_883 = arith.constant 752 : index
      %get3A_884 = tpu.vector_load %arg10[%get3A_882, %get3A_883] {strides = array<i32>} : memref<64x768xf32, #tpu.memory_space<vmem>>, vector<1x16xf32>,
      %get3A_885 = vector.shape_cast %get3A_884 : vector<1x16xf32> to vector<16xf32>
      %mul3A_886 = arith.mulf %get3A_885, %broadcast_in_dim3A : vector<16xf32>
      %get3A_887 = arith.index_cast %scan3A_122 : i32 to index
      %get3A_888 = arith.constant 752 : index
      %get3A_889 = tpu.vector_load %arg11[%get3A_887, %get3A_888] {strides = array<i32>} : memref<64x768xf32, #tpu.memory_space<vmem>>, vector<1x16xf32>,
      %get3A_890 = vector.shape_cast %get3A_889 : vector<1x16xf32> to vector<16xf32>
      %mul3A_891 = arith.mulf %get3A_890, %broadcast_in_dim3A_130 : vector<16xf32>
      %add3A_892 = arith.addf %mul3A_886, %mul3A_891 : vector<16xf32>
      %swap3A_893 = arith.index_cast %scan3A_122 : i32 to index
      %swap3A_894 = arith.constant 752 : index
      %swap3A_895 = tpu.vector_load %arg10[%swap3A_893, %swap3A_894] {strides = array<i32>} : memref<64x768xf32, #tpu.memory_space<vmem>>, vector<1x16xf32>,
      %swap3A_896 = vector.shape_cast %swap3A_895 : vector<1x16xf32> to vector<16xf32>
      %swap3A_897 = vector.shape_cast %add3A_892 : vector<16xf32> to vector<1x16xf32>
      tpu.vector_store %arg10[%swap3A_893, %swap3A_894], %swap3A_897 {strides = array<i32>} : memref<64x768xf32, #tpu.memory_space<vmem>>, vector<1x16xf32>,
    }
    %scan3A_57 = arith.constant 32 : i32
    %dma_start3A_58 = arith.constant 0 : i32
    %dma_start3A_59 = arith.constant 0 : i32
    %dma_start3A_60 = tpu.memref_slice %arg10[%dma_start3A_58, %dma_start3A_59] : memref<64x768xf32, #tpu.memory_space<vmem>> -> memref<32x768xf32, #tpu.memory_space<vmem>>
    %dma_start3A_61 = arith.constant 0 : i32
    %dma_start3A_62 = tpu.memref_slice %arg5[%mul3A_2, %dma_start3A_61] : memref<2048x768xf32, #tpu.memory_space<hbm>> -> memref<32x768xf32, #tpu.memory_space<hbm>>
    %dma_start3A_63 = arith.constant 0 : i32
    %dma_start3A_64 = tpu.memref_slice %arg5[%mul3A_2, %dma_start3A_63] : memref<2048x768xf32, #tpu.memory_space<hbm>> -> memref<32x768xf32, #tpu.memory_space<hbm>>
    %dma_start3A_65 = arith.constant 0 : i32
    %dma_start3A_66 = arith.constant 0 : i32
    %dma_start3A_67 = tpu.memref_slice %arg10[%dma_start3A_65, %dma_start3A_66] : memref<64x768xf32, #tpu.memory_space<vmem>> -> memref<32x768xf32, #tpu.memory_space<vmem>>
    tpu.enqueue_dma source(%dma_start3A_67 : memref<32x768xf32, #tpu.memory_space<vmem>>) target(%dma_start3A_64 : memref<32x768xf32, #tpu.memory_space<hbm>>) target_semaphore(%arg12 : memref<!tpu.dma_semaphore, #tpu.memory_space<semaphore_mem>>)
    %dma_wait3A_68 = arith.constant 32 : i32
    %dma_wait3A_69 = arith.constant 0 : i32
    %dma_wait3A_70 = tpu.memref_slice %arg10[%dma_wait3A_68, %dma_wait3A_69] : memref<64x768xf32, #tpu.memory_space<vmem>> -> memref<32x768xf32, #tpu.memory_space<vmem>>
    %dma_wait3A_71 = arith.constant 32 : i32
    %dma_wait3A_72 = tpu.memref_slice %arg6[%dma_wait3A_71] : memref<64xi32, #tpu.memory_space<vmem>> -> memref<32xi32, #tpu.memory_space<vmem>>
    %dma_wait3A_73 = arith.constant 0 : i32
    %dma_wait3A_74 = arith.constant 0 : i32
    %dma_wait3A_75 = tpu.memref_slice %arg2[%dma_wait3A_73, %dma_wait3A_74] : memref<12288x768xf32, #tpu.memory_space<hbm>> -> memref<12288x768xf32, #tpu.memory_space<hbm>>
    tpu.wait_indirect_dma semaphore(%arg13 : memref<!tpu.dma_semaphore, #tpu.memory_space<semaphore_mem>>) src(%dma_wait3A_75 : memref<12288x768xf32, #tpu.memory_space<hbm>>) dst(%dma_wait3A_70 : memref<32x768xf32, #tpu.memory_space<vmem>>)
    %dma_wait3A_76 = arith.constant 32 : i32
    %dma_wait3A_77 = arith.constant 0 : i32
    %dma_wait3A_78 = tpu.memref_slice %arg11[%dma_wait3A_76, %dma_wait3A_77] : memref<64x768xf32, #tpu.memory_space<vmem>> -> memref<32x768xf32, #tpu.memory_space<vmem>>
    %dma_wait3A_79 = arith.constant 32 : i32
    %dma_wait3A_80 = tpu.memref_slice %arg7[%dma_wait3A_79] : memref<64xi32, #tpu.memory_space<vmem>> -> memref<32xi32, #tpu.memory_space<vmem>>
    %dma_wait3A_81 = arith.constant 0 : i32
    %dma_wait3A_82 = arith.constant 0 : i32
    %dma_wait3A_83 = tpu.memref_slice %arg2[%dma_wait3A_81, %dma_wait3A_82] : memref<12288x768xf32, #tpu.memory_space<hbm>> -> memref<12288x768xf32, #tpu.memory_space<hbm>>
    tpu.wait_indirect_dma semaphore(%arg13 : memref<!tpu.dma_semaphore, #tpu.memory_space<semaphore_mem>>) src(%dma_wait3A_83 : memref<12288x768xf32, #tpu.memory_space<hbm>>) dst(%dma_wait3A_78 : memref<32x768xf32, #tpu.memory_space<vmem>>)
    %scan3A_84 = arith.constant 0 : i32
    %scan3A_85 = arith.constant 32 : i32
    %scan3A_86 = arith.constant 32 : i32
    %scan3A_87 = arith.addi %scan3A_85, %scan3A_86 : i32
    %scan3A_88 = arith.constant 1 : i32
    scf.for %scan3A_122 = %scan3A_85 to %scan3A_87 step %scan3A_88  : i32 {
      %get3A = arith.index_cast %scan3A_122 : i32 to index
      %get3A_123 = tpu.vector_load %arg8[%get3A] {strides = array<i32>} : memref<80xf32, #tpu.memory_space<vmem>>, vector<16xf32>,
      %get3A_124 = vector.shape_cast %get3A_123 : vector<16xf32> to vector<16xf32>
      %slice3A = vector.extract_strided_slice %get3A_124 {offsets = [0], sizes = [1], strides = [1]} : vector<16xf32> to vector<1xf32>
      %squeeze3A = vector.extract %slice3A[0] : f32 from vector<1xf32>
      %broadcast_in_dim3A = vector.broadcast %squeeze3A : f32 to vector<16xf32>
      %get3A_125 = arith.index_cast %scan3A_122 : i32 to index
      %get3A_126 = tpu.vector_load %arg9[%get3A_125] {strides = array<i32>} : memref<80xf32, #tpu.memory_space<vmem>>, vector<16xf32>,
      %get3A_127 = vector.shape_cast %get3A_126 : vector<16xf32> to vector<16xf32>
      %slice3A_128 = vector.extract_strided_slice %get3A_127 {offsets = [0], sizes = [1], strides = [1]} : vector<16xf32> to vector<1xf32>
      %squeeze3A_129 = vector.extract %slice3A_128[0] : f32 from vector<1xf32>
      %broadcast_in_dim3A_130 = vector.broadcast %squeeze3A_129 : f32 to vector<16xf32>
      %get3A_131 = arith.index_cast %scan3A_122 : i32 to index
      %get3A_132 = arith.constant 0 : index
      %get3A_133 = tpu.vector_load %arg10[%get3A_131, %get3A_132] {strides = array<i32>} : memref<64x768xf32, #tpu.memory_space<vmem>>, vector<1x16xf32>,
      %get3A_134 = vector.shape_cast %get3A_133 : vector<1x16xf32> to vector<16xf32>
      %mul3A_135 = arith.mulf %get3A_134, %broadcast_in_dim3A : vector<16xf32>
      %get3A_136 = arith.index_cast %scan3A_122 : i32 to index
      %get3A_137 = arith.constant 0 : index
      %get3A_138 = tpu.vector_load %arg11[%get3A_136, %get3A_137] {strides = array<i32>} : memref<64x768xf32, #tpu.memory_space<vmem>>, vector<1x16xf32>,
      %get3A_139 = vector.shape_cast %get3A_138 : vector<1x16xf32> to vector<16xf32>
      %mul3A_140 = arith.mulf %get3A_139, %broadcast_in_dim3A_130 : vector<16xf32>
      %add3A_141 = arith.addf %mul3A_135, %mul3A_140 : vector<16xf32>
      %swap3A = arith.index_cast %scan3A_122 : i32 to index
      %swap3A_142 = arith.constant 0 : index
      %swap3A_143 = tpu.vector_load %arg10[%swap3A, %swap3A_142] {strides = array<i32>} : memref<64x768xf32, #tpu.memory_space<vmem>>, vector<1x16xf32>,
      %swap3A_144 = vector.shape_cast %swap3A_143 : vector<1x16xf32> to vector<16xf32>
      %swap3A_145 = vector.shape_cast %add3A_141 : vector<16xf32> to vector<1x16xf32>
      tpu.vector_store %arg10[%swap3A, %swap3A_142], %swap3A_145 {strides = array<i32>} : memref<64x768xf32, #tpu.memory_space<vmem>>, vector<1x16xf32>,
      %get3A_146 = arith.index_cast %scan3A_122 : i32 to index
      %get3A_147 = arith.constant 16 : index
      %get3A_148 = tpu.vector_load %arg10[%get3A_146, %get3A_147] {strides = array<i32>} : memref<64x768xf32, #tpu.memory_space<vmem>>, vector<1x16xf32>,
      %get3A_149 = vector.shape_cast %get3A_148 : vector<1x16xf32> to vector<16xf32>
      %mul3A_150 = arith.mulf %get3A_149, %broadcast_in_dim3A : vector<16xf32>
      %get3A_151 = arith.index_cast %scan3A_122 : i32 to index
      %get3A_152 = arith.constant 16 : index
      %get3A_153 = tpu.vector_load %arg11[%get3A_151, %get3A_152] {strides = array<i32>} : memref<64x768xf32, #tpu.memory_space<vmem>>, vector<1x16xf32>,
      %get3A_154 = vector.shape_cast %get3A_153 : vector<1x16xf32> to vector<16xf32>
      %mul3A_155 = arith.mulf %get3A_154, %broadcast_in_dim3A_130 : vector<16xf32>
      %add3A_156 = arith.addf %mul3A_150, %mul3A_155 : vector<16xf32>
      %swap3A_157 = arith.index_cast %scan3A_122 : i32 to index
      %swap3A_158 = arith.constant 16 : index
      %swap3A_159 = tpu.vector_load %arg10[%swap3A_157, %swap3A_158] {strides = array<i32>} : memref<64x768xf32, #tpu.memory_space<vmem>>, vector<1x16xf32>,
      %swap3A_160 = vector.shape_cast %swap3A_159 : vector<1x16xf32> to vector<16xf32>
      %swap3A_161 = vector.shape_cast %add3A_156 : vector<16xf32> to vector<1x16xf32>
      tpu.vector_store %arg10[%swap3A_157, %swap3A_158], %swap3A_161 {strides = array<i32>} : memref<64x768xf32, #tpu.memory_space<vmem>>, vector<1x16xf32>,
      %get3A_162 = arith.index_cast %scan3A_122 : i32 to index
      %get3A_163 = arith.constant 32 : index
      %get3A_164 = tpu.vector_load %arg10[%get3A_162, %get3A_163] {strides = array<i32>} : memref<64x768xf32, #tpu.memory_space<vmem>>, vector<1x16xf32>,
      %get3A_165 = vector.shape_cast %get3A_164 : vector<1x16xf32> to vector<16xf32>
      %mul3A_166 = arith.mulf %get3A_165, %broadcast_in_dim3A : vector<16xf32>
      %get3A_167 = arith.index_cast %scan3A_122 : i32 to index
      %get3A_168 = arith.constant 32 : index
      %get3A_169 = tpu.vector_load %arg11[%get3A_167, %get3A_168] {strides = array<i32>} : memref<64x768xf32, #tpu.memory_space<vmem>>, vector<1x16xf32>,
      %get3A_170 = vector.shape_cast %get3A_169 : vector<1x16xf32> to vector<16xf32>
      %mul3A_171 = arith.mulf %get3A_170, %broadcast_in_dim3A_130 : vector<16xf32>
      %add3A_172 = arith.addf %mul3A_166, %mul3A_171 : vector<16xf32>
      %swap3A_173 = arith.index_cast %scan3A_122 : i32 to index
      %swap3A_174 = arith.constant 32 : index
      %swap3A_175 = tpu.vector_load %arg10[%swap3A_173, %swap3A_174] {strides = array<i32>} : memref<64x768xf32, #tpu.memory_space<vmem>>, vector<1x16xf32>,
      %swap3A_176 = vector.shape_cast %swap3A_175 : vector<1x16xf32> to vector<16xf32>
      %swap3A_177 = vector.shape_cast %add3A_172 : vector<16xf32> to vector<1x16xf32>
      tpu.vector_store %arg10[%swap3A_173, %swap3A_174], %swap3A_177 {strides = array<i32>} : memref<64x768xf32, #tpu.memory_space<vmem>>, vector<1x16xf32>,
      %get3A_178 = arith.index_cast %scan3A_122 : i32 to index
      %get3A_179 = arith.constant 48 : index
      %get3A_180 = tpu.vector_load %arg10[%get3A_178, %get3A_179] {strides = array<i32>} : memref<64x768xf32, #tpu.memory_space<vmem>>, vector<1x16xf32>,
      %get3A_181 = vector.shape_cast %get3A_180 : vector<1x16xf32> to vector<16xf32>
      %mul3A_182 = arith.mulf %get3A_181, %broadcast_in_dim3A : vector<16xf32>
      %get3A_183 = arith.index_cast %scan3A_122 : i32 to index
      %get3A_184 = arith.constant 48 : index
      %get3A_185 = tpu.vector_load %arg11[%get3A_183, %get3A_184] {strides = array<i32>} : memref<64x768xf32, #tpu.memory_space<vmem>>, vector<1x16xf32>,
      %get3A_186 = vector.shape_cast %get3A_185 : vector<1x16xf32> to vector<16xf32>
      %mul3A_187 = arith.mulf %get3A_186, %broadcast_in_dim3A_130 : vector<16xf32>
      %add3A_188 = arith.addf %mul3A_182, %mul3A_187 : vector<16xf32>
      %swap3A_189 = arith.index_cast %scan3A_122 : i32 to index
      %swap3A_190 = arith.constant 48 : index
      %swap3A_191 = tpu.vector_load %arg10[%swap3A_189, %swap3A_190] {strides = array<i32>} : memref<64x768xf32, #tpu.memory_space<vmem>>, vector<1x16xf32>,
      %swap3A_192 = vector.shape_cast %swap3A_191 : vector<1x16xf32> to vector<16xf32>
      %swap3A_193 = vector.shape_cast %add3A_188 : vector<16xf32> to vector<1x16xf32>
      tpu.vector_store %arg10[%swap3A_189, %swap3A_190], %swap3A_193 {strides = array<i32>} : memref<64x768xf32, #tpu.memory_space<vmem>>, vector<1x16xf32>,
      %get3A_194 = arith.index_cast %scan3A_122 : i32 to index
      %get3A_195 = arith.constant 64 : index
      %get3A_196 = tpu.vector_load %arg10[%get3A_194, %get3A_195] {strides = array<i32>} : memref<64x768xf32, #tpu.memory_space<vmem>>, vector<1x16xf32>,
      %get3A_197 = vector.shape_cast %get3A_196 : vector<1x16xf32> to vector<16xf32>
      %mul3A_198 = arith.mulf %get3A_197, %broadcast_in_dim3A : vector<16xf32>
      %get3A_199 = arith.index_cast %scan3A_122 : i32 to index
      %get3A_200 = arith.constant 64 : index
      %get3A_201 = tpu.vector_load %arg11[%get3A_199, %get3A_200] {strides = array<i32>} : memref<64x768xf32, #tpu.memory_space<vmem>>, vector<1x16xf32>,
      %get3A_202 = vector.shape_cast %get3A_201 : vector<1x16xf32> to vector<16xf32>
      %mul3A_203 = arith.mulf %get3A_202, %broadcast_in_dim3A_130 : vector<16xf32>
      %add3A_204 = arith.addf %mul3A_198, %mul3A_203 : vector<16xf32>
      %swap3A_205 = arith.index_cast %scan3A_122 : i32 to index
      %swap3A_206 = arith.constant 64 : index
      %swap3A_207 = tpu.vector_load %arg10[%swap3A_205, %swap3A_206] {strides = array<i32>} : memref<64x768xf32, #tpu.memory_space<vmem>>, vector<1x16xf32>,
      %swap3A_208 = vector.shape_cast %swap3A_207 : vector<1x16xf32> to vector<16xf32>
      %swap3A_209 = vector.shape_cast %add3A_204 : vector<16xf32> to vector<1x16xf32>
      tpu.vector_store %arg10[%swap3A_205, %swap3A_206], %swap3A_209 {strides = array<i32>} : memref<64x768xf32, #tpu.memory_space<vmem>>, vector<1x16xf32>,
      %get3A_210 = arith.index_cast %scan3A_122 : i32 to index
      %get3A_211 = arith.constant 80 : index
      %get3A_212 = tpu.vector_load %arg10[%get3A_210, %get3A_211] {strides = array<i32>} : memref<64x768xf32, #tpu.memory_space<vmem>>, vector<1x16xf32>,
      %get3A_213 = vector.shape_cast %get3A_212 : vector<1x16xf32> to vector<16xf32>
      %mul3A_214 = arith.mulf %get3A_213, %broadcast_in_dim3A : vector<16xf32>
      %get3A_215 = arith.index_cast %scan3A_122 : i32 to index
      %get3A_216 = arith.constant 80 : index
      %get3A_217 = tpu.vector_load %arg11[%get3A_215, %get3A_216] {strides = array<i32>} : memref<64x768xf32, #tpu.memory_space<vmem>>, vector<1x16xf32>,
      %get3A_218 = vector.shape_cast %get3A_217 : vector<1x16xf32> to vector<16xf32>
      %mul3A_219 = arith.mulf %get3A_218, %broadcast_in_dim3A_130 : vector<16xf32>
      %add3A_220 = arith.addf %mul3A_214, %mul3A_219 : vector<16xf32>
      %swap3A_221 = arith.index_cast %scan3A_122 : i32 to index
      %swap3A_222 = arith.constant 80 : index
      %swap3A_223 = tpu.vector_load %arg10[%swap3A_221, %swap3A_222] {strides = array<i32>} : memref<64x768xf32, #tpu.memory_space<vmem>>, vector<1x16xf32>,
      %swap3A_224 = vector.shape_cast %swap3A_223 : vector<1x16xf32> to vector<16xf32>
      %swap3A_225 = vector.shape_cast %add3A_220 : vector<16xf32> to vector<1x16xf32>
      tpu.vector_store %arg10[%swap3A_221, %swap3A_222], %swap3A_225 {strides = array<i32>} : memref<64x768xf32, #tpu.memory_space<vmem>>, vector<1x16xf32>,
      %get3A_226 = arith.index_cast %scan3A_122 : i32 to index
      %get3A_227 = arith.constant 96 : index
      %get3A_228 = tpu.vector_load %arg10[%get3A_226, %get3A_227] {strides = array<i32>} : memref<64x768xf32, #tpu.memory_space<vmem>>, vector<1x16xf32>,
      %get3A_229 = vector.shape_cast %get3A_228 : vector<1x16xf32> to vector<16xf32>
      %mul3A_230 = arith.mulf %get3A_229, %broadcast_in_dim3A : vector<16xf32>
      %get3A_231 = arith.index_cast %scan3A_122 : i32 to index
      %get3A_232 = arith.constant 96 : index
      %get3A_233 = tpu.vector_load %arg11[%get3A_231, %get3A_232] {strides = array<i32>} : memref<64x768xf32, #tpu.memory_space<vmem>>, vector<1x16xf32>,
      %get3A_234 = vector.shape_cast %get3A_233 : vector<1x16xf32> to vector<16xf32>
      %mul3A_235 = arith.mulf %get3A_234, %broadcast_in_dim3A_130 : vector<16xf32>
      %add3A_236 = arith.addf %mul3A_230, %mul3A_235 : vector<16xf32>
      %swap3A_237 = arith.index_cast %scan3A_122 : i32 to index
      %swap3A_238 = arith.constant 96 : index
      %swap3A_239 = tpu.vector_load %arg10[%swap3A_237, %swap3A_238] {strides = array<i32>} : memref<64x768xf32, #tpu.memory_space<vmem>>, vector<1x16xf32>,
      %swap3A_240 = vector.shape_cast %swap3A_239 : vector<1x16xf32> to vector<16xf32>
      %swap3A_241 = vector.shape_cast %add3A_236 : vector<16xf32> to vector<1x16xf32>
      tpu.vector_store %arg10[%swap3A_237, %swap3A_238], %swap3A_241 {strides = array<i32>} : memref<64x768xf32, #tpu.memory_space<vmem>>, vector<1x16xf32>,
      %get3A_242 = arith.index_cast %scan3A_122 : i32 to index
      %get3A_243 = arith.constant 112 : index
      %get3A_244 = tpu.vector_load %arg10[%get3A_242, %get3A_243] {strides = array<i32>} : memref<64x768xf32, #tpu.memory_space<vmem>>, vector<1x16xf32>,
      %get3A_245 = vector.shape_cast %get3A_244 : vector<1x16xf32> to vector<16xf32>
      %mul3A_246 = arith.mulf %get3A_245, %broadcast_in_dim3A : vector<16xf32>
      %get3A_247 = arith.index_cast %scan3A_122 : i32 to index
      %get3A_248 = arith.constant 112 : index
      %get3A_249 = tpu.vector_load %arg11[%get3A_247, %get3A_248] {strides = array<i32>} : memref<64x768xf32, #tpu.memory_space<vmem>>, vector<1x16xf32>,
      %get3A_250 = vector.shape_cast %get3A_249 : vector<1x16xf32> to vector<16xf32>
      %mul3A_251 = arith.mulf %get3A_250, %broadcast_in_dim3A_130 : vector<16xf32>
      %add3A_252 = arith.addf %mul3A_246, %mul3A_251 : vector<16xf32>
      %swap3A_253 = arith.index_cast %scan3A_122 : i32 to index
      %swap3A_254 = arith.constant 112 : index
      %swap3A_255 = tpu.vector_load %arg10[%swap3A_253, %swap3A_254] {strides = array<i32>} : memref<64x768xf32, #tpu.memory_space<vmem>>, vector<1x16xf32>,
      %swap3A_256 = vector.shape_cast %swap3A_255 : vector<1x16xf32> to vector<16xf32>
      %swap3A_257 = vector.shape_cast %add3A_252 : vector<16xf32> to vector<1x16xf32>
      tpu.vector_store %arg10[%swap3A_253, %swap3A_254], %swap3A_257 {strides = array<i32>} : memref<64x768xf32, #tpu.memory_space<vmem>>, vector<1x16xf32>,
      %get3A_258 = arith.index_cast %scan3A_122 : i32 to index
      %get3A_259 = arith.constant 128 : index
      %get3A_260 = tpu.vector_load %arg10[%get3A_258, %get3A_259] {strides = array<i32>} : memref<64x768xf32, #tpu.memory_space<vmem>>, vector<1x16xf32>,
      %get3A_261 = vector.shape_cast %get3A_260 : vector<1x16xf32> to vector<16xf32>
      %mul3A_262 = arith.mulf %get3A_261, %broadcast_in_dim3A : vector<16xf32>
      %get3A_263 = arith.index_cast %scan3A_122 : i32 to index
      %get3A_264 = arith.constant 128 : index
      %get3A_265 = tpu.vector_load %arg11[%get3A_263, %get3A_264] {strides = array<i32>} : memref<64x768xf32, #tpu.memory_space<vmem>>, vector<1x16xf32>,
      %get3A_266 = vector.shape_cast %get3A_265 : vector<1x16xf32> to vector<16xf32>
      %mul3A_267 = arith.mulf %get3A_266, %broadcast_in_dim3A_130 : vector<16xf32>
      %add3A_268 = arith.addf %mul3A_262, %mul3A_267 : vector<16xf32>
      %swap3A_269 = arith.index_cast %scan3A_122 : i32 to index
      %swap3A_270 = arith.constant 128 : index
      %swap3A_271 = tpu.vector_load %arg10[%swap3A_269, %swap3A_270] {strides = array<i32>} : memref<64x768xf32, #tpu.memory_space<vmem>>, vector<1x16xf32>,
      %swap3A_272 = vector.shape_cast %swap3A_271 : vector<1x16xf32> to vector<16xf32>
      %swap3A_273 = vector.shape_cast %add3A_268 : vector<16xf32> to vector<1x16xf32>
      tpu.vector_store %arg10[%swap3A_269, %swap3A_270], %swap3A_273 {strides = array<i32>} : memref<64x768xf32, #tpu.memory_space<vmem>>, vector<1x16xf32>,
      %get3A_274 = arith.index_cast %scan3A_122 : i32 to index
      %get3A_275 = arith.constant 144 : index
      %get3A_276 = tpu.vector_load %arg10[%get3A_274, %get3A_275] {strides = array<i32>} : memref<64x768xf32, #tpu.memory_space<vmem>>, vector<1x16xf32>,
      %get3A_277 = vector.shape_cast %get3A_276 : vector<1x16xf32> to vector<16xf32>
      %mul3A_278 = arith.mulf %get3A_277, %broadcast_in_dim3A : vector<16xf32>
      %get3A_279 = arith.index_cast %scan3A_122 : i32 to index
      %get3A_280 = arith.constant 144 : index
      %get3A_281 = tpu.vector_load %arg11[%get3A_279, %get3A_280] {strides = array<i32>} : memref<64x768xf32, #tpu.memory_space<vmem>>, vector<1x16xf32>,
      %get3A_282 = vector.shape_cast %get3A_281 : vector<1x16xf32> to vector<16xf32>
      %mul3A_283 = arith.mulf %get3A_282, %broadcast_in_dim3A_130 : vector<16xf32>
      %add3A_284 = arith.addf %mul3A_278, %mul3A_283 : vector<16xf32>
      %swap3A_285 = arith.index_cast %scan3A_122 : i32 to index
      %swap3A_286 = arith.constant 144 : index
      %swap3A_287 = tpu.vector_load %arg10[%swap3A_285, %swap3A_286] {strides = array<i32>} : memref<64x768xf32, #tpu.memory_space<vmem>>, vector<1x16xf32>,
      %swap3A_288 = vector.shape_cast %swap3A_287 : vector<1x16xf32> to vector<16xf32>
      %swap3A_289 = vector.shape_cast %add3A_284 : vector<16xf32> to vector<1x16xf32>
      tpu.vector_store %arg10[%swap3A_285, %swap3A_286], %swap3A_289 {strides = array<i32>} : memref<64x768xf32, #tpu.memory_space<vmem>>, vector<1x16xf32>,
      %get3A_290 = arith.index_cast %scan3A_122 : i32 to index
      %get3A_291 = arith.constant 160 : index
      %get3A_292 = tpu.vector_load %arg10[%get3A_290, %get3A_291] {strides = array<i32>} : memref<64x768xf32, #tpu.memory_space<vmem>>, vector<1x16xf32>,
      %get3A_293 = vector.shape_cast %get3A_292 : vector<1x16xf32> to vector<16xf32>
      %mul3A_294 = arith.mulf %get3A_293, %broadcast_in_dim3A : vector<16xf32>
      %get3A_295 = arith.index_cast %scan3A_122 : i32 to index
      %get3A_296 = arith.constant 160 : index
      %get3A_297 = tpu.vector_load %arg11[%get3A_295, %get3A_296] {strides = array<i32>} : memref<64x768xf32, #tpu.memory_space<vmem>>, vector<1x16xf32>,
      %get3A_298 = vector.shape_cast %get3A_297 : vector<1x16xf32> to vector<16xf32>
      %mul3A_299 = arith.mulf %get3A_298, %broadcast_in_dim3A_130 : vector<16xf32>
      %add3A_300 = arith.addf %mul3A_294, %mul3A_299 : vector<16xf32>
      %swap3A_301 = arith.index_cast %scan3A_122 : i32 to index
      %swap3A_302 = arith.constant 160 : index
      %swap3A_303 = tpu.vector_load %arg10[%swap3A_301, %swap3A_302] {strides = array<i32>} : memref<64x768xf32, #tpu.memory_space<vmem>>, vector<1x16xf32>,
      %swap3A_304 = vector.shape_cast %swap3A_303 : vector<1x16xf32> to vector<16xf32>
      %swap3A_305 = vector.shape_cast %add3A_300 : vector<16xf32> to vector<1x16xf32>
      tpu.vector_store %arg10[%swap3A_301, %swap3A_302], %swap3A_305 {strides = array<i32>} : memref<64x768xf32, #tpu.memory_space<vmem>>, vector<1x16xf32>,
      %get3A_306 = arith.index_cast %scan3A_122 : i32 to index
      %get3A_307 = arith.constant 176 : index
      %get3A_308 = tpu.vector_load %arg10[%get3A_306, %get3A_307] {strides = array<i32>} : memref<64x768xf32, #tpu.memory_space<vmem>>, vector<1x16xf32>,
      %get3A_309 = vector.shape_cast %get3A_308 : vector<1x16xf32> to vector<16xf32>
      %mul3A_310 = arith.mulf %get3A_309, %broadcast_in_dim3A : vector<16xf32>
      %get3A_311 = arith.index_cast %scan3A_122 : i32 to index
      %get3A_312 = arith.constant 176 : index
      %get3A_313 = tpu.vector_load %arg11[%get3A_311, %get3A_312] {strides = array<i32>} : memref<64x768xf32, #tpu.memory_space<vmem>>, vector<1x16xf32>,
      %get3A_314 = vector.shape_cast %get3A_313 : vector<1x16xf32> to vector<16xf32>
      %mul3A_315 = arith.mulf %get3A_314, %broadcast_in_dim3A_130 : vector<16xf32>
      %add3A_316 = arith.addf %mul3A_310, %mul3A_315 : vector<16xf32>
      %swap3A_317 = arith.index_cast %scan3A_122 : i32 to index
      %swap3A_318 = arith.constant 176 : index
      %swap3A_319 = tpu.vector_load %arg10[%swap3A_317, %swap3A_318] {strides = array<i32>} : memref<64x768xf32, #tpu.memory_space<vmem>>, vector<1x16xf32>,
      %swap3A_320 = vector.shape_cast %swap3A_319 : vector<1x16xf32> to vector<16xf32>
      %swap3A_321 = vector.shape_cast %add3A_316 : vector<16xf32> to vector<1x16xf32>
      tpu.vector_store %arg10[%swap3A_317, %swap3A_318], %swap3A_321 {strides = array<i32>} : memref<64x768xf32, #tpu.memory_space<vmem>>, vector<1x16xf32>,
      %get3A_322 = arith.index_cast %scan3A_122 : i32 to index
      %get3A_323 = arith.constant 192 : index
      %get3A_324 = tpu.vector_load %arg10[%get3A_322, %get3A_323] {strides = array<i32>} : memref<64x768xf32, #tpu.memory_space<vmem>>, vector<1x16xf32>,
      %get3A_325 = vector.shape_cast %get3A_324 : vector<1x16xf32> to vector<16xf32>
      %mul3A_326 = arith.mulf %get3A_325, %broadcast_in_dim3A : vector<16xf32>
      %get3A_327 = arith.index_cast %scan3A_122 : i32 to index
      %get3A_328 = arith.constant 192 : index
      %get3A_329 = tpu.vector_load %arg11[%get3A_327, %get3A_328] {strides = array<i32>} : memref<64x768xf32, #tpu.memory_space<vmem>>, vector<1x16xf32>,
      %get3A_330 = vector.shape_cast %get3A_329 : vector<1x16xf32> to vector<16xf32>
      %mul3A_331 = arith.mulf %get3A_330, %broadcast_in_dim3A_130 : vector<16xf32>
      %add3A_332 = arith.addf %mul3A_326, %mul3A_331 : vector<16xf32>
      %swap3A_333 = arith.index_cast %scan3A_122 : i32 to index
      %swap3A_334 = arith.constant 192 : index
      %swap3A_335 = tpu.vector_load %arg10[%swap3A_333, %swap3A_334] {strides = array<i32>} : memref<64x768xf32, #tpu.memory_space<vmem>>, vector<1x16xf32>,
      %swap3A_336 = vector.shape_cast %swap3A_335 : vector<1x16xf32> to vector<16xf32>
      %swap3A_337 = vector.shape_cast %add3A_332 : vector<16xf32> to vector<1x16xf32>
      tpu.vector_store %arg10[%swap3A_333, %swap3A_334], %swap3A_337 {strides = array<i32>} : memref<64x768xf32, #tpu.memory_space<vmem>>, vector<1x16xf32>,
      %get3A_338 = arith.index_cast %scan3A_122 : i32 to index
      %get3A_339 = arith.constant 208 : index
      %get3A_340 = tpu.vector_load %arg10[%get3A_338, %get3A_339] {strides = array<i32>} : memref<64x768xf32, #tpu.memory_space<vmem>>, vector<1x16xf32>,
      %get3A_341 = vector.shape_cast %get3A_340 : vector<1x16xf32> to vector<16xf32>
      %mul3A_342 = arith.mulf %get3A_341, %broadcast_in_dim3A : vector<16xf32>
      %get3A_343 = arith.index_cast %scan3A_122 : i32 to index
      %get3A_344 = arith.constant 208 : index
      %get3A_345 = tpu.vector_load %arg11[%get3A_343, %get3A_344] {strides = array<i32>} : memref<64x768xf32, #tpu.memory_space<vmem>>, vector<1x16xf32>,
      %get3A_346 = vector.shape_cast %get3A_345 : vector<1x16xf32> to vector<16xf32>
      %mul3A_347 = arith.mulf %get3A_346, %broadcast_in_dim3A_130 : vector<16xf32>
      %add3A_348 = arith.addf %mul3A_342, %mul3A_347 : vector<16xf32>
      %swap3A_349 = arith.index_cast %scan3A_122 : i32 to index
      %swap3A_350 = arith.constant 208 : index
      %swap3A_351 = tpu.vector_load %arg10[%swap3A_349, %swap3A_350] {strides = array<i32>} : memref<64x768xf32, #tpu.memory_space<vmem>>, vector<1x16xf32>,
      %swap3A_352 = vector.shape_cast %swap3A_351 : vector<1x16xf32> to vector<16xf32>
      %swap3A_353 = vector.shape_cast %add3A_348 : vector<16xf32> to vector<1x16xf32>
      tpu.vector_store %arg10[%swap3A_349, %swap3A_350], %swap3A_353 {strides = array<i32>} : memref<64x768xf32, #tpu.memory_space<vmem>>, vector<1x16xf32>,
      %get3A_354 = arith.index_cast %scan3A_122 : i32 to index
      %get3A_355 = arith.constant 224 : index
      %get3A_356 = tpu.vector_load %arg10[%get3A_354, %get3A_355] {strides = array<i32>} : memref<64x768xf32, #tpu.memory_space<vmem>>, vector<1x16xf32>,
      %get3A_357 = vector.shape_cast %get3A_356 : vector<1x16xf32> to vector<16xf32>
      %mul3A_358 = arith.mulf %get3A_357, %broadcast_in_dim3A : vector<16xf32>
      %get3A_359 = arith.index_cast %scan3A_122 : i32 to index
      %get3A_360 = arith.constant 224 : index
      %get3A_361 = tpu.vector_load %arg11[%get3A_359, %get3A_360] {strides = array<i32>} : memref<64x768xf32, #tpu.memory_space<vmem>>, vector<1x16xf32>,
      %get3A_362 = vector.shape_cast %get3A_361 : vector<1x16xf32> to vector<16xf32>
      %mul3A_363 = arith.mulf %get3A_362, %broadcast_in_dim3A_130 : vector<16xf32>
      %add3A_364 = arith.addf %mul3A_358, %mul3A_363 : vector<16xf32>
      %swap3A_365 = arith.index_cast %scan3A_122 : i32 to index
      %swap3A_366 = arith.constant 224 : index
      %swap3A_367 = tpu.vector_load %arg10[%swap3A_365, %swap3A_366] {strides = array<i32>} : memref<64x768xf32, #tpu.memory_space<vmem>>, vector<1x16xf32>,
      %swap3A_368 = vector.shape_cast %swap3A_367 : vector<1x16xf32> to vector<16xf32>
      %swap3A_369 = vector.shape_cast %add3A_364 : vector<16xf32> to vector<1x16xf32>
      tpu.vector_store %arg10[%swap3A_365, %swap3A_366], %swap3A_369 {strides = array<i32>} : memref<64x768xf32, #tpu.memory_space<vmem>>, vector<1x16xf32>,
      %get3A_370 = arith.index_cast %scan3A_122 : i32 to index
      %get3A_371 = arith.constant 240 : index
      %get3A_372 = tpu.vector_load %arg10[%get3A_370, %get3A_371] {strides = array<i32>} : memref<64x768xf32, #tpu.memory_space<vmem>>, vector<1x16xf32>,
      %get3A_373 = vector.shape_cast %get3A_372 : vector<1x16xf32> to vector<16xf32>
      %mul3A_374 = arith.mulf %get3A_373, %broadcast_in_dim3A : vector<16xf32>
      %get3A_375 = arith.index_cast %scan3A_122 : i32 to index
      %get3A_376 = arith.constant 240 : index
      %get3A_377 = tpu.vector_load %arg11[%get3A_375, %get3A_376] {strides = array<i32>} : memref<64x768xf32, #tpu.memory_space<vmem>>, vector<1x16xf32>,
      %get3A_378 = vector.shape_cast %get3A_377 : vector<1x16xf32> to vector<16xf32>
      %mul3A_379 = arith.mulf %get3A_378, %broadcast_in_dim3A_130 : vector<16xf32>
      %add3A_380 = arith.addf %mul3A_374, %mul3A_379 : vector<16xf32>
      %swap3A_381 = arith.index_cast %scan3A_122 : i32 to index
      %swap3A_382 = arith.constant 240 : index
      %swap3A_383 = tpu.vector_load %arg10[%swap3A_381, %swap3A_382] {strides = array<i32>} : memref<64x768xf32, #tpu.memory_space<vmem>>, vector<1x16xf32>,
      %swap3A_384 = vector.shape_cast %swap3A_383 : vector<1x16xf32> to vector<16xf32>
      %swap3A_385 = vector.shape_cast %add3A_380 : vector<16xf32> to vector<1x16xf32>
      tpu.vector_store %arg10[%swap3A_381, %swap3A_382], %swap3A_385 {strides = array<i32>} : memref<64x768xf32, #tpu.memory_space<vmem>>, vector<1x16xf32>,
      %get3A_386 = arith.index_cast %scan3A_122 : i32 to index
      %get3A_387 = arith.constant 256 : index
      %get3A_388 = tpu.vector_load %arg10[%get3A_386, %get3A_387] {strides = array<i32>} : memref<64x768xf32, #tpu.memory_space<vmem>>, vector<1x16xf32>,
      %get3A_389 = vector.shape_cast %get3A_388 : vector<1x16xf32> to vector<16xf32>
      %mul3A_390 = arith.mulf %get3A_389, %broadcast_in_dim3A : vector<16xf32>
      %get3A_391 = arith.index_cast %scan3A_122 : i32 to index
      %get3A_392 = arith.constant 256 : index
      %get3A_393 = tpu.vector_load %arg11[%get3A_391, %get3A_392] {strides = array<i32>} : memref<64x768xf32, #tpu.memory_space<vmem>>, vector<1x16xf32>,
      %get3A_394 = vector.shape_cast %get3A_393 : vector<1x16xf32> to vector<16xf32>
      %mul3A_395 = arith.mulf %get3A_394, %broadcast_in_dim3A_130 : vector<16xf32>
      %add3A_396 = arith.addf %mul3A_390, %mul3A_395 : vector<16xf32>
      %swap3A_397 = arith.index_cast %scan3A_122 : i32 to index
      %swap3A_398 = arith.constant 256 : index
      %swap3A_399 = tpu.vector_load %arg10[%swap3A_397, %swap3A_398] {strides = array<i32>} : memref<64x768xf32, #tpu.memory_space<vmem>>, vector<1x16xf32>,
      %swap3A_400 = vector.shape_cast %swap3A_399 : vector<1x16xf32> to vector<16xf32>
      %swap3A_401 = vector.shape_cast %add3A_396 : vector<16xf32> to vector<1x16xf32>
      tpu.vector_store %arg10[%swap3A_397, %swap3A_398], %swap3A_401 {strides = array<i32>} : memref<64x768xf32, #tpu.memory_space<vmem>>, vector<1x16xf32>,
      %get3A_402 = arith.index_cast %scan3A_122 : i32 to index
      %get3A_403 = arith.constant 272 : index
      %get3A_404 = tpu.vector_load %arg10[%get3A_402, %get3A_403] {strides = array<i32>} : memref<64x768xf32, #tpu.memory_space<vmem>>, vector<1x16xf32>,
      %get3A_405 = vector.shape_cast %get3A_404 : vector<1x16xf32> to vector<16xf32>
      %mul3A_406 = arith.mulf %get3A_405, %broadcast_in_dim3A : vector<16xf32>
      %get3A_407 = arith.index_cast %scan3A_122 : i32 to index
      %get3A_408 = arith.constant 272 : index
      %get3A_409 = tpu.vector_load %arg11[%get3A_407, %get3A_408] {strides = array<i32>} : memref<64x768xf32, #tpu.memory_space<vmem>>, vector<1x16xf32>,
      %get3A_410 = vector.shape_cast %get3A_409 : vector<1x16xf32> to vector<16xf32>
      %mul3A_411 = arith.mulf %get3A_410, %broadcast_in_dim3A_130 : vector<16xf32>
      %add3A_412 = arith.addf %mul3A_406, %mul3A_411 : vector<16xf32>
      %swap3A_413 = arith.index_cast %scan3A_122 : i32 to index
      %swap3A_414 = arith.constant 272 : index
      %swap3A_415 = tpu.vector_load %arg10[%swap3A_413, %swap3A_414] {strides = array<i32>} : memref<64x768xf32, #tpu.memory_space<vmem>>, vector<1x16xf32>,
      %swap3A_416 = vector.shape_cast %swap3A_415 : vector<1x16xf32> to vector<16xf32>
      %swap3A_417 = vector.shape_cast %add3A_412 : vector<16xf32> to vector<1x16xf32>
      tpu.vector_store %arg10[%swap3A_413, %swap3A_414], %swap3A_417 {strides = array<i32>} : memref<64x768xf32, #tpu.memory_space<vmem>>, vector<1x16xf32>,
      %get3A_418 = arith.index_cast %scan3A_122 : i32 to index
      %get3A_419 = arith.constant 288 : index
      %get3A_420 = tpu.vector_load %arg10[%get3A_418, %get3A_419] {strides = array<i32>} : memref<64x768xf32, #tpu.memory_space<vmem>>, vector<1x16xf32>,
      %get3A_421 = vector.shape_cast %get3A_420 : vector<1x16xf32> to vector<16xf32>
      %mul3A_422 = arith.mulf %get3A_421, %broadcast_in_dim3A : vector<16xf32>
      %get3A_423 = arith.index_cast %scan3A_122 : i32 to index
      %get3A_424 = arith.constant 288 : index
      %get3A_425 = tpu.vector_load %arg11[%get3A_423, %get3A_424] {strides = array<i32>} : memref<64x768xf32, #tpu.memory_space<vmem>>, vector<1x16xf32>,
      %get3A_426 = vector.shape_cast %get3A_425 : vector<1x16xf32> to vector<16xf32>
      %mul3A_427 = arith.mulf %get3A_426, %broadcast_in_dim3A_130 : vector<16xf32>
      %add3A_428 = arith.addf %mul3A_422, %mul3A_427 : vector<16xf32>
      %swap3A_429 = arith.index_cast %scan3A_122 : i32 to index
      %swap3A_430 = arith.constant 288 : index
      %swap3A_431 = tpu.vector_load %arg10[%swap3A_429, %swap3A_430] {strides = array<i32>} : memref<64x768xf32, #tpu.memory_space<vmem>>, vector<1x16xf32>,
      %swap3A_432 = vector.shape_cast %swap3A_431 : vector<1x16xf32> to vector<16xf32>
      %swap3A_433 = vector.shape_cast %add3A_428 : vector<16xf32> to vector<1x16xf32>
      tpu.vector_store %arg10[%swap3A_429, %swap3A_430], %swap3A_433 {strides = array<i32>} : memref<64x768xf32, #tpu.memory_space<vmem>>, vector<1x16xf32>,
      %get3A_434 = arith.index_cast %scan3A_122 : i32 to index
      %get3A_435 = arith.constant 304 : index
      %get3A_436 = tpu.vector_load %arg10[%get3A_434, %get3A_435] {strides = array<i32>} : memref<64x768xf32, #tpu.memory_space<vmem>>, vector<1x16xf32>,
      %get3A_437 = vector.shape_cast %get3A_436 : vector<1x16xf32> to vector<16xf32>
      %mul3A_438 = arith.mulf %get3A_437, %broadcast_in_dim3A : vector<16xf32>
      %get3A_439 = arith.index_cast %scan3A_122 : i32 to index
      %get3A_440 = arith.constant 304 : index
      %get3A_441 = tpu.vector_load %arg11[%get3A_439, %get3A_440] {strides = array<i32>} : memref<64x768xf32, #tpu.memory_space<vmem>>, vector<1x16xf32>,
      %get3A_442 = vector.shape_cast %get3A_441 : vector<1x16xf32> to vector<16xf32>
      %mul3A_443 = arith.mulf %get3A_442, %broadcast_in_dim3A_130 : vector<16xf32>
      %add3A_444 = arith.addf %mul3A_438, %mul3A_443 : vector<16xf32>
      %swap3A_445 = arith.index_cast %scan3A_122 : i32 to index
      %swap3A_446 = arith.constant 304 : index
      %swap3A_447 = tpu.vector_load %arg10[%swap3A_445, %swap3A_446] {strides = array<i32>} : memref<64x768xf32, #tpu.memory_space<vmem>>, vector<1x16xf32>,
      %swap3A_448 = vector.shape_cast %swap3A_447 : vector<1x16xf32> to vector<16xf32>
      %swap3A_449 = vector.shape_cast %add3A_444 : vector<16xf32> to vector<1x16xf32>
      tpu.vector_store %arg10[%swap3A_445, %swap3A_446], %swap3A_449 {strides = array<i32>} : memref<64x768xf32, #tpu.memory_space<vmem>>, vector<1x16xf32>,
      %get3A_450 = arith.index_cast %scan3A_122 : i32 to index
      %get3A_451 = arith.constant 320 : index
      %get3A_452 = tpu.vector_load %arg10[%get3A_450, %get3A_451] {strides = array<i32>} : memref<64x768xf32, #tpu.memory_space<vmem>>, vector<1x16xf32>,
      %get3A_453 = vector.shape_cast %get3A_452 : vector<1x16xf32> to vector<16xf32>
      %mul3A_454 = arith.mulf %get3A_453, %broadcast_in_dim3A : vector<16xf32>
      %get3A_455 = arith.index_cast %scan3A_122 : i32 to index
      %get3A_456 = arith.constant 320 : index
      %get3A_457 = tpu.vector_load %arg11[%get3A_455, %get3A_456] {strides = array<i32>} : memref<64x768xf32, #tpu.memory_space<vmem>>, vector<1x16xf32>,
      %get3A_458 = vector.shape_cast %get3A_457 : vector<1x16xf32> to vector<16xf32>
      %mul3A_459 = arith.mulf %get3A_458, %broadcast_in_dim3A_130 : vector<16xf32>
      %add3A_460 = arith.addf %mul3A_454, %mul3A_459 : vector<16xf32>
      %swap3A_461 = arith.index_cast %scan3A_122 : i32 to index
      %swap3A_462 = arith.constant 320 : index
      %swap3A_463 = tpu.vector_load %arg10[%swap3A_461, %swap3A_462] {strides = array<i32>} : memref<64x768xf32, #tpu.memory_space<vmem>>, vector<1x16xf32>,
      %swap3A_464 = vector.shape_cast %swap3A_463 : vector<1x16xf32> to vector<16xf32>
      %swap3A_465 = vector.shape_cast %add3A_460 : vector<16xf32> to vector<1x16xf32>
      tpu.vector_store %arg10[%swap3A_461, %swap3A_462], %swap3A_465 {strides = array<i32>} : memref<64x768xf32, #tpu.memory_space<vmem>>, vector<1x16xf32>,
      %get3A_466 = arith.index_cast %scan3A_122 : i32 to index
      %get3A_467 = arith.constant 336 : index
      %get3A_468 = tpu.vector_load %arg10[%get3A_466, %get3A_467] {strides = array<i32>} : memref<64x768xf32, #tpu.memory_space<vmem>>, vector<1x16xf32>,
      %get3A_469 = vector.shape_cast %get3A_468 : vector<1x16xf32> to vector<16xf32>
      %mul3A_470 = arith.mulf %get3A_469, %broadcast_in_dim3A : vector<16xf32>
      %get3A_471 = arith.index_cast %scan3A_122 : i32 to index
      %get3A_472 = arith.constant 336 : index
      %get3A_473 = tpu.vector_load %arg11[%get3A_471, %get3A_472] {strides = array<i32>} : memref<64x768xf32, #tpu.memory_space<vmem>>, vector<1x16xf32>,
      %get3A_474 = vector.shape_cast %get3A_473 : vector<1x16xf32> to vector<16xf32>
      %mul3A_475 = arith.mulf %get3A_474, %broadcast_in_dim3A_130 : vector<16xf32>
      %add3A_476 = arith.addf %mul3A_470, %mul3A_475 : vector<16xf32>
      %swap3A_477 = arith.index_cast %scan3A_122 : i32 to index
      %swap3A_478 = arith.constant 336 : index
      %swap3A_479 = tpu.vector_load %arg10[%swap3A_477, %swap3A_478] {strides = array<i32>} : memref<64x768xf32, #tpu.memory_space<vmem>>, vector<1x16xf32>,
      %swap3A_480 = vector.shape_cast %swap3A_479 : vector<1x16xf32> to vector<16xf32>
      %swap3A_481 = vector.shape_cast %add3A_476 : vector<16xf32> to vector<1x16xf32>
      tpu.vector_store %arg10[%swap3A_477, %swap3A_478], %swap3A_481 {strides = array<i32>} : memref<64x768xf32, #tpu.memory_space<vmem>>, vector<1x16xf32>,
      %get3A_482 = arith.index_cast %scan3A_122 : i32 to index
      %get3A_483 = arith.constant 352 : index
      %get3A_484 = tpu.vector_load %arg10[%get3A_482, %get3A_483] {strides = array<i32>} : memref<64x768xf32, #tpu.memory_space<vmem>>, vector<1x16xf32>,
      %get3A_485 = vector.shape_cast %get3A_484 : vector<1x16xf32> to vector<16xf32>
      %mul3A_486 = arith.mulf %get3A_485, %broadcast_in_dim3A : vector<16xf32>
      %get3A_487 = arith.index_cast %scan3A_122 : i32 to index
      %get3A_488 = arith.constant 352 : index
      %get3A_489 = tpu.vector_load %arg11[%get3A_487, %get3A_488] {strides = array<i32>} : memref<64x768xf32, #tpu.memory_space<vmem>>, vector<1x16xf32>,
      %get3A_490 = vector.shape_cast %get3A_489 : vector<1x16xf32> to vector<16xf32>
      %mul3A_491 = arith.mulf %get3A_490, %broadcast_in_dim3A_130 : vector<16xf32>
      %add3A_492 = arith.addf %mul3A_486, %mul3A_491 : vector<16xf32>
      %swap3A_493 = arith.index_cast %scan3A_122 : i32 to index
      %swap3A_494 = arith.constant 352 : index
      %swap3A_495 = tpu.vector_load %arg10[%swap3A_493, %swap3A_494] {strides = array<i32>} : memref<64x768xf32, #tpu.memory_space<vmem>>, vector<1x16xf32>,
      %swap3A_496 = vector.shape_cast %swap3A_495 : vector<1x16xf32> to vector<16xf32>
      %swap3A_497 = vector.shape_cast %add3A_492 : vector<16xf32> to vector<1x16xf32>
      tpu.vector_store %arg10[%swap3A_493, %swap3A_494], %swap3A_497 {strides = array<i32>} : memref<64x768xf32, #tpu.memory_space<vmem>>, vector<1x16xf32>,
      %get3A_498 = arith.index_cast %scan3A_122 : i32 to index
      %get3A_499 = arith.constant 368 : index
      %get3A_500 = tpu.vector_load %arg10[%get3A_498, %get3A_499] {strides = array<i32>} : memref<64x768xf32, #tpu.memory_space<vmem>>, vector<1x16xf32>,
      %get3A_501 = vector.shape_cast %get3A_500 : vector<1x16xf32> to vector<16xf32>
      %mul3A_502 = arith.mulf %get3A_501, %broadcast_in_dim3A : vector<16xf32>
      %get3A_503 = arith.index_cast %scan3A_122 : i32 to index
      %get3A_504 = arith.constant 368 : index
      %get3A_505 = tpu.vector_load %arg11[%get3A_503, %get3A_504] {strides = array<i32>} : memref<64x768xf32, #tpu.memory_space<vmem>>, vector<1x16xf32>,
      %get3A_506 = vector.shape_cast %get3A_505 : vector<1x16xf32> to vector<16xf32>
      %mul3A_507 = arith.mulf %get3A_506, %broadcast_in_dim3A_130 : vector<16xf32>
      %add3A_508 = arith.addf %mul3A_502, %mul3A_507 : vector<16xf32>
      %swap3A_509 = arith.index_cast %scan3A_122 : i32 to index
      %swap3A_510 = arith.constant 368 : index
      %swap3A_511 = tpu.vector_load %arg10[%swap3A_509, %swap3A_510] {strides = array<i32>} : memref<64x768xf32, #tpu.memory_space<vmem>>, vector<1x16xf32>,
      %swap3A_512 = vector.shape_cast %swap3A_511 : vector<1x16xf32> to vector<16xf32>
      %swap3A_513 = vector.shape_cast %add3A_508 : vector<16xf32> to vector<1x16xf32>
      tpu.vector_store %arg10[%swap3A_509, %swap3A_510], %swap3A_513 {strides = array<i32>} : memref<64x768xf32, #tpu.memory_space<vmem>>, vector<1x16xf32>,
      %get3A_514 = arith.index_cast %scan3A_122 : i32 to index
      %get3A_515 = arith.constant 384 : index
      %get3A_516 = tpu.vector_load %arg10[%get3A_514, %get3A_515] {strides = array<i32>} : memref<64x768xf32, #tpu.memory_space<vmem>>, vector<1x16xf32>,
      %get3A_517 = vector.shape_cast %get3A_516 : vector<1x16xf32> to vector<16xf32>
      %mul3A_518 = arith.mulf %get3A_517, %broadcast_in_dim3A : vector<16xf32>
      %get3A_519 = arith.index_cast %scan3A_122 : i32 to index
      %get3A_520 = arith.constant 384 : index
      %get3A_521 = tpu.vector_load %arg11[%get3A_519, %get3A_520] {strides = array<i32>} : memref<64x768xf32, #tpu.memory_space<vmem>>, vector<1x16xf32>,
      %get3A_522 = vector.shape_cast %get3A_521 : vector<1x16xf32> to vector<16xf32>
      %mul3A_523 = arith.mulf %get3A_522, %broadcast_in_dim3A_130 : vector<16xf32>
      %add3A_524 = arith.addf %mul3A_518, %mul3A_523 : vector<16xf32>
      %swap3A_525 = arith.index_cast %scan3A_122 : i32 to index
      %swap3A_526 = arith.constant 384 : index
      %swap3A_527 = tpu.vector_load %arg10[%swap3A_525, %swap3A_526] {strides = array<i32>} : memref<64x768xf32, #tpu.memory_space<vmem>>, vector<1x16xf32>,
      %swap3A_528 = vector.shape_cast %swap3A_527 : vector<1x16xf32> to vector<16xf32>
      %swap3A_529 = vector.shape_cast %add3A_524 : vector<16xf32> to vector<1x16xf32>
      tpu.vector_store %arg10[%swap3A_525, %swap3A_526], %swap3A_529 {strides = array<i32>} : memref<64x768xf32, #tpu.memory_space<vmem>>, vector<1x16xf32>,
      %get3A_530 = arith.index_cast %scan3A_122 : i32 to index
      %get3A_531 = arith.constant 400 : index
      %get3A_532 = tpu.vector_load %arg10[%get3A_530, %get3A_531] {strides = array<i32>} : memref<64x768xf32, #tpu.memory_space<vmem>>, vector<1x16xf32>,
      %get3A_533 = vector.shape_cast %get3A_532 : vector<1x16xf32> to vector<16xf32>
      %mul3A_534 = arith.mulf %get3A_533, %broadcast_in_dim3A : vector<16xf32>
      %get3A_535 = arith.index_cast %scan3A_122 : i32 to index
      %get3A_536 = arith.constant 400 : index
      %get3A_537 = tpu.vector_load %arg11[%get3A_535, %get3A_536] {strides = array<i32>} : memref<64x768xf32, #tpu.memory_space<vmem>>, vector<1x16xf32>,
      %get3A_538 = vector.shape_cast %get3A_537 : vector<1x16xf32> to vector<16xf32>
      %mul3A_539 = arith.mulf %get3A_538, %broadcast_in_dim3A_130 : vector<16xf32>
      %add3A_540 = arith.addf %mul3A_534, %mul3A_539 : vector<16xf32>
      %swap3A_541 = arith.index_cast %scan3A_122 : i32 to index
      %swap3A_542 = arith.constant 400 : index
      %swap3A_543 = tpu.vector_load %arg10[%swap3A_541, %swap3A_542] {strides = array<i32>} : memref<64x768xf32, #tpu.memory_space<vmem>>, vector<1x16xf32>,
      %swap3A_544 = vector.shape_cast %swap3A_543 : vector<1x16xf32> to vector<16xf32>
      %swap3A_545 = vector.shape_cast %add3A_540 : vector<16xf32> to vector<1x16xf32>
      tpu.vector_store %arg10[%swap3A_541, %swap3A_542], %swap3A_545 {strides = array<i32>} : memref<64x768xf32, #tpu.memory_space<vmem>>, vector<1x16xf32>,
      %get3A_546 = arith.index_cast %scan3A_122 : i32 to index
      %get3A_547 = arith.constant 416 : index
      %get3A_548 = tpu.vector_load %arg10[%get3A_546, %get3A_547] {strides = array<i32>} : memref<64x768xf32, #tpu.memory_space<vmem>>, vector<1x16xf32>,
      %get3A_549 = vector.shape_cast %get3A_548 : vector<1x16xf32> to vector<16xf32>
      %mul3A_550 = arith.mulf %get3A_549, %broadcast_in_dim3A : vector<16xf32>
      %get3A_551 = arith.index_cast %scan3A_122 : i32 to index
      %get3A_552 = arith.constant 416 : index
      %get3A_553 = tpu.vector_load %arg11[%get3A_551, %get3A_552] {strides = array<i32>} : memref<64x768xf32, #tpu.memory_space<vmem>>, vector<1x16xf32>,
      %get3A_554 = vector.shape_cast %get3A_553 : vector<1x16xf32> to vector<16xf32>
      %mul3A_555 = arith.mulf %get3A_554, %broadcast_in_dim3A_130 : vector<16xf32>
      %add3A_556 = arith.addf %mul3A_550, %mul3A_555 : vector<16xf32>
      %swap3A_557 = arith.index_cast %scan3A_122 : i32 to index
      %swap3A_558 = arith.constant 416 : index
      %swap3A_559 = tpu.vector_load %arg10[%swap3A_557, %swap3A_558] {strides = array<i32>} : memref<64x768xf32, #tpu.memory_space<vmem>>, vector<1x16xf32>,
      %swap3A_560 = vector.shape_cast %swap3A_559 : vector<1x16xf32> to vector<16xf32>
      %swap3A_561 = vector.shape_cast %add3A_556 : vector<16xf32> to vector<1x16xf32>
      tpu.vector_store %arg10[%swap3A_557, %swap3A_558], %swap3A_561 {strides = array<i32>} : memref<64x768xf32, #tpu.memory_space<vmem>>, vector<1x16xf32>,
      %get3A_562 = arith.index_cast %scan3A_122 : i32 to index
      %get3A_563 = arith.constant 432 : index
      %get3A_564 = tpu.vector_load %arg10[%get3A_562, %get3A_563] {strides = array<i32>} : memref<64x768xf32, #tpu.memory_space<vmem>>, vector<1x16xf32>,
      %get3A_565 = vector.shape_cast %get3A_564 : vector<1x16xf32> to vector<16xf32>
      %mul3A_566 = arith.mulf %get3A_565, %broadcast_in_dim3A : vector<16xf32>
      %get3A_567 = arith.index_cast %scan3A_122 : i32 to index
      %get3A_568 = arith.constant 432 : index
      %get3A_569 = tpu.vector_load %arg11[%get3A_567, %get3A_568] {strides = array<i32>} : memref<64x768xf32, #tpu.memory_space<vmem>>, vector<1x16xf32>,
      %get3A_570 = vector.shape_cast %get3A_569 : vector<1x16xf32> to vector<16xf32>
      %mul3A_571 = arith.mulf %get3A_570, %broadcast_in_dim3A_130 : vector<16xf32>
      %add3A_572 = arith.addf %mul3A_566, %mul3A_571 : vector<16xf32>
      %swap3A_573 = arith.index_cast %scan3A_122 : i32 to index
      %swap3A_574 = arith.constant 432 : index
      %swap3A_575 = tpu.vector_load %arg10[%swap3A_573, %swap3A_574] {strides = array<i32>} : memref<64x768xf32, #tpu.memory_space<vmem>>, vector<1x16xf32>,
      %swap3A_576 = vector.shape_cast %swap3A_575 : vector<1x16xf32> to vector<16xf32>
      %swap3A_577 = vector.shape_cast %add3A_572 : vector<16xf32> to vector<1x16xf32>
      tpu.vector_store %arg10[%swap3A_573, %swap3A_574], %swap3A_577 {strides = array<i32>} : memref<64x768xf32, #tpu.memory_space<vmem>>, vector<1x16xf32>,
      %get3A_578 = arith.index_cast %scan3A_122 : i32 to index
      %get3A_579 = arith.constant 448 : index
      %get3A_580 = tpu.vector_load %arg10[%get3A_578, %get3A_579] {strides = array<i32>} : memref<64x768xf32, #tpu.memory_space<vmem>>, vector<1x16xf32>,
      %get3A_581 = vector.shape_cast %get3A_580 : vector<1x16xf32> to vector<16xf32>
      %mul3A_582 = arith.mulf %get3A_581, %broadcast_in_dim3A : vector<16xf32>
      %get3A_583 = arith.index_cast %scan3A_122 : i32 to index
      %get3A_584 = arith.constant 448 : index
      %get3A_585 = tpu.vector_load %arg11[%get3A_583, %get3A_584] {strides = array<i32>} : memref<64x768xf32, #tpu.memory_space<vmem>>, vector<1x16xf32>,
      %get3A_586 = vector.shape_cast %get3A_585 : vector<1x16xf32> to vector<16xf32>
      %mul3A_587 = arith.mulf %get3A_586, %broadcast_in_dim3A_130 : vector<16xf32>
      %add3A_588 = arith.addf %mul3A_582, %mul3A_587 : vector<16xf32>
      %swap3A_589 = arith.index_cast %scan3A_122 : i32 to index
      %swap3A_590 = arith.constant 448 : index
      %swap3A_591 = tpu.vector_load %arg10[%swap3A_589, %swap3A_590] {strides = array<i32>} : memref<64x768xf32, #tpu.memory_space<vmem>>, vector<1x16xf32>,
      %swap3A_592 = vector.shape_cast %swap3A_591 : vector<1x16xf32> to vector<16xf32>
      %swap3A_593 = vector.shape_cast %add3A_588 : vector<16xf32> to vector<1x16xf32>
      tpu.vector_store %arg10[%swap3A_589, %swap3A_590], %swap3A_593 {strides = array<i32>} : memref<64x768xf32, #tpu.memory_space<vmem>>, vector<1x16xf32>,
      %get3A_594 = arith.index_cast %scan3A_122 : i32 to index
      %get3A_595 = arith.constant 464 : index
      %get3A_596 = tpu.vector_load %arg10[%get3A_594, %get3A_595] {strides = array<i32>} : memref<64x768xf32, #tpu.memory_space<vmem>>, vector<1x16xf32>,
      %get3A_597 = vector.shape_cast %get3A_596 : vector<1x16xf32> to vector<16xf32>
      %mul3A_598 = arith.mulf %get3A_597, %broadcast_in_dim3A : vector<16xf32>
      %get3A_599 = arith.index_cast %scan3A_122 : i32 to index
      %get3A_600 = arith.constant 464 : index
      %get3A_601 = tpu.vector_load %arg11[%get3A_599, %get3A_600] {strides = array<i32>} : memref<64x768xf32, #tpu.memory_space<vmem>>, vector<1x16xf32>,
      %get3A_602 = vector.shape_cast %get3A_601 : vector<1x16xf32> to vector<16xf32>
      %mul3A_603 = arith.mulf %get3A_602, %broadcast_in_dim3A_130 : vector<16xf32>
      %add3A_604 = arith.addf %mul3A_598, %mul3A_603 : vector<16xf32>
      %swap3A_605 = arith.index_cast %scan3A_122 : i32 to index
      %swap3A_606 = arith.constant 464 : index
      %swap3A_607 = tpu.vector_load %arg10[%swap3A_605, %swap3A_606] {strides = array<i32>} : memref<64x768xf32, #tpu.memory_space<vmem>>, vector<1x16xf32>,
      %swap3A_608 = vector.shape_cast %swap3A_607 : vector<1x16xf32> to vector<16xf32>
      %swap3A_609 = vector.shape_cast %add3A_604 : vector<16xf32> to vector<1x16xf32>
      tpu.vector_store %arg10[%swap3A_605, %swap3A_606], %swap3A_609 {strides = array<i32>} : memref<64x768xf32, #tpu.memory_space<vmem>>, vector<1x16xf32>,
      %get3A_610 = arith.index_cast %scan3A_122 : i32 to index
      %get3A_611 = arith.constant 480 : index
      %get3A_612 = tpu.vector_load %arg10[%get3A_610, %get3A_611] {strides = array<i32>} : memref<64x768xf32, #tpu.memory_space<vmem>>, vector<1x16xf32>,
      %get3A_613 = vector.shape_cast %get3A_612 : vector<1x16xf32> to vector<16xf32>
      %mul3A_614 = arith.mulf %get3A_613, %broadcast_in_dim3A : vector<16xf32>
      %get3A_615 = arith.index_cast %scan3A_122 : i32 to index
      %get3A_616 = arith.constant 480 : index
      %get3A_617 = tpu.vector_load %arg11[%get3A_615, %get3A_616] {strides = array<i32>} : memref<64x768xf32, #tpu.memory_space<vmem>>, vector<1x16xf32>,
      %get3A_618 = vector.shape_cast %get3A_617 : vector<1x16xf32> to vector<16xf32>
      %mul3A_619 = arith.mulf %get3A_618, %broadcast_in_dim3A_130 : vector<16xf32>
      %add3A_620 = arith.addf %mul3A_614, %mul3A_619 : vector<16xf32>
      %swap3A_621 = arith.index_cast %scan3A_122 : i32 to index
      %swap3A_622 = arith.constant 480 : index
      %swap3A_623 = tpu.vector_load %arg10[%swap3A_621, %swap3A_622] {strides = array<i32>} : memref<64x768xf32, #tpu.memory_space<vmem>>, vector<1x16xf32>,
      %swap3A_624 = vector.shape_cast %swap3A_623 : vector<1x16xf32> to vector<16xf32>
      %swap3A_625 = vector.shape_cast %add3A_620 : vector<16xf32> to vector<1x16xf32>
      tpu.vector_store %arg10[%swap3A_621, %swap3A_622], %swap3A_625 {strides = array<i32>} : memref<64x768xf32, #tpu.memory_space<vmem>>, vector<1x16xf32>,
      %get3A_626 = arith.index_cast %scan3A_122 : i32 to index
      %get3A_627 = arith.constant 496 : index
      %get3A_628 = tpu.vector_load %arg10[%get3A_626, %get3A_627] {strides = array<i32>} : memref<64x768xf32, #tpu.memory_space<vmem>>, vector<1x16xf32>,
      %get3A_629 = vector.shape_cast %get3A_628 : vector<1x16xf32> to vector<16xf32>
      %mul3A_630 = arith.mulf %get3A_629, %broadcast_in_dim3A : vector<16xf32>
      %get3A_631 = arith.index_cast %scan3A_122 : i32 to index
      %get3A_632 = arith.constant 496 : index
      %get3A_633 = tpu.vector_load %arg11[%get3A_631, %get3A_632] {strides = array<i32>} : memref<64x768xf32, #tpu.memory_space<vmem>>, vector<1x16xf32>,
      %get3A_634 = vector.shape_cast %get3A_633 : vector<1x16xf32> to vector<16xf32>
      %mul3A_635 = arith.mulf %get3A_634, %broadcast_in_dim3A_130 : vector<16xf32>
      %add3A_636 = arith.addf %mul3A_630, %mul3A_635 : vector<16xf32>
      %swap3A_637 = arith.index_cast %scan3A_122 : i32 to index
      %swap3A_638 = arith.constant 496 : index
      %swap3A_639 = tpu.vector_load %arg10[%swap3A_637, %swap3A_638] {strides = array<i32>} : memref<64x768xf32, #tpu.memory_space<vmem>>, vector<1x16xf32>,
      %swap3A_640 = vector.shape_cast %swap3A_639 : vector<1x16xf32> to vector<16xf32>
      %swap3A_641 = vector.shape_cast %add3A_636 : vector<16xf32> to vector<1x16xf32>
      tpu.vector_store %arg10[%swap3A_637, %swap3A_638], %swap3A_641 {strides = array<i32>} : memref<64x768xf32, #tpu.memory_space<vmem>>, vector<1x16xf32>,
      %get3A_642 = arith.index_cast %scan3A_122 : i32 to index
      %get3A_643 = arith.constant 512 : index
      %get3A_644 = tpu.vector_load %arg10[%get3A_642, %get3A_643] {strides = array<i32>} : memref<64x768xf32, #tpu.memory_space<vmem>>, vector<1x16xf32>,
      %get3A_645 = vector.shape_cast %get3A_644 : vector<1x16xf32> to vector<16xf32>
      %mul3A_646 = arith.mulf %get3A_645, %broadcast_in_dim3A : vector<16xf32>
      %get3A_647 = arith.index_cast %scan3A_122 : i32 to index
      %get3A_648 = arith.constant 512 : index
      %get3A_649 = tpu.vector_load %arg11[%get3A_647, %get3A_648] {strides = array<i32>} : memref<64x768xf32, #tpu.memory_space<vmem>>, vector<1x16xf32>,
      %get3A_650 = vector.shape_cast %get3A_649 : vector<1x16xf32> to vector<16xf32>
      %mul3A_651 = arith.mulf %get3A_650, %broadcast_in_dim3A_130 : vector<16xf32>
      %add3A_652 = arith.addf %mul3A_646, %mul3A_651 : vector<16xf32>
      %swap3A_653 = arith.index_cast %scan3A_122 : i32 to index
      %swap3A_654 = arith.constant 512 : index
      %swap3A_655 = tpu.vector_load %arg10[%swap3A_653, %swap3A_654] {strides = array<i32>} : memref<64x768xf32, #tpu.memory_space<vmem>>, vector<1x16xf32>,
      %swap3A_656 = vector.shape_cast %swap3A_655 : vector<1x16xf32> to vector<16xf32>
      %swap3A_657 = vector.shape_cast %add3A_652 : vector<16xf32> to vector<1x16xf32>
      tpu.vector_store %arg10[%swap3A_653, %swap3A_654], %swap3A_657 {strides = array<i32>} : memref<64x768xf32, #tpu.memory_space<vmem>>, vector<1x16xf32>,
      %get3A_658 = arith.index_cast %scan3A_122 : i32 to index
      %get3A_659 = arith.constant 528 : index
      %get3A_660 = tpu.vector_load %arg10[%get3A_658, %get3A_659] {strides = array<i32>} : memref<64x768xf32, #tpu.memory_space<vmem>>, vector<1x16xf32>,
      %get3A_661 = vector.shape_cast %get3A_660 : vector<1x16xf32> to vector<16xf32>
      %mul3A_662 = arith.mulf %get3A_661, %broadcast_in_dim3A : vector<16xf32>
      %get3A_663 = arith.index_cast %scan3A_122 : i32 to index
      %get3A_664 = arith.constant 528 : index
      %get3A_665 = tpu.vector_load %arg11[%get3A_663, %get3A_664] {strides = array<i32>} : memref<64x768xf32, #tpu.memory_space<vmem>>, vector<1x16xf32>,
      %get3A_666 = vector.shape_cast %get3A_665 : vector<1x16xf32> to vector<16xf32>
      %mul3A_667 = arith.mulf %get3A_666, %broadcast_in_dim3A_130 : vector<16xf32>
      %add3A_668 = arith.addf %mul3A_662, %mul3A_667 : vector<16xf32>
      %swap3A_669 = arith.index_cast %scan3A_122 : i32 to index
      %swap3A_670 = arith.constant 528 : index
      %swap3A_671 = tpu.vector_load %arg10[%swap3A_669, %swap3A_670] {strides = array<i32>} : memref<64x768xf32, #tpu.memory_space<vmem>>, vector<1x16xf32>,
      %swap3A_672 = vector.shape_cast %swap3A_671 : vector<1x16xf32> to vector<16xf32>
      %swap3A_673 = vector.shape_cast %add3A_668 : vector<16xf32> to vector<1x16xf32>
      tpu.vector_store %arg10[%swap3A_669, %swap3A_670], %swap3A_673 {strides = array<i32>} : memref<64x768xf32, #tpu.memory_space<vmem>>, vector<1x16xf32>,
      %get3A_674 = arith.index_cast %scan3A_122 : i32 to index
      %get3A_675 = arith.constant 544 : index
      %get3A_676 = tpu.vector_load %arg10[%get3A_674, %get3A_675] {strides = array<i32>} : memref<64x768xf32, #tpu.memory_space<vmem>>, vector<1x16xf32>,
      %get3A_677 = vector.shape_cast %get3A_676 : vector<1x16xf32> to vector<16xf32>
      %mul3A_678 = arith.mulf %get3A_677, %broadcast_in_dim3A : vector<16xf32>
      %get3A_679 = arith.index_cast %scan3A_122 : i32 to index
      %get3A_680 = arith.constant 544 : index
      %get3A_681 = tpu.vector_load %arg11[%get3A_679, %get3A_680] {strides = array<i32>} : memref<64x768xf32, #tpu.memory_space<vmem>>, vector<1x16xf32>,
      %get3A_682 = vector.shape_cast %get3A_681 : vector<1x16xf32> to vector<16xf32>
      %mul3A_683 = arith.mulf %get3A_682, %broadcast_in_dim3A_130 : vector<16xf32>
      %add3A_684 = arith.addf %mul3A_678, %mul3A_683 : vector<16xf32>
      %swap3A_685 = arith.index_cast %scan3A_122 : i32 to index
      %swap3A_686 = arith.constant 544 : index
      %swap3A_687 = tpu.vector_load %arg10[%swap3A_685, %swap3A_686] {strides = array<i32>} : memref<64x768xf32, #tpu.memory_space<vmem>>, vector<1x16xf32>,
      %swap3A_688 = vector.shape_cast %swap3A_687 : vector<1x16xf32> to vector<16xf32>
      %swap3A_689 = vector.shape_cast %add3A_684 : vector<16xf32> to vector<1x16xf32>
      tpu.vector_store %arg10[%swap3A_685, %swap3A_686], %swap3A_689 {strides = array<i32>} : memref<64x768xf32, #tpu.memory_space<vmem>>, vector<1x16xf32>,
      %get3A_690 = arith.index_cast %scan3A_122 : i32 to index
      %get3A_691 = arith.constant 560 : index
      %get3A_692 = tpu.vector_load %arg10[%get3A_690, %get3A_691] {strides = array<i32>} : memref<64x768xf32, #tpu.memory_space<vmem>>, vector<1x16xf32>,
      %get3A_693 = vector.shape_cast %get3A_692 : vector<1x16xf32> to vector<16xf32>
      %mul3A_694 = arith.mulf %get3A_693, %broadcast_in_dim3A : vector<16xf32>
      %get3A_695 = arith.index_cast %scan3A_122 : i32 to index
      %get3A_696 = arith.constant 560 : index
      %get3A_697 = tpu.vector_load %arg11[%get3A_695, %get3A_696] {strides = array<i32>} : memref<64x768xf32, #tpu.memory_space<vmem>>, vector<1x16xf32>,
      %get3A_698 = vector.shape_cast %get3A_697 : vector<1x16xf32> to vector<16xf32>
      %mul3A_699 = arith.mulf %get3A_698, %broadcast_in_dim3A_130 : vector<16xf32>
      %add3A_700 = arith.addf %mul3A_694, %mul3A_699 : vector<16xf32>
      %swap3A_701 = arith.index_cast %scan3A_122 : i32 to index
      %swap3A_702 = arith.constant 560 : index
      %swap3A_703 = tpu.vector_load %arg10[%swap3A_701, %swap3A_702] {strides = array<i32>} : memref<64x768xf32, #tpu.memory_space<vmem>>, vector<1x16xf32>,
      %swap3A_704 = vector.shape_cast %swap3A_703 : vector<1x16xf32> to vector<16xf32>
      %swap3A_705 = vector.shape_cast %add3A_700 : vector<16xf32> to vector<1x16xf32>
      tpu.vector_store %arg10[%swap3A_701, %swap3A_702], %swap3A_705 {strides = array<i32>} : memref<64x768xf32, #tpu.memory_space<vmem>>, vector<1x16xf32>,
      %get3A_706 = arith.index_cast %scan3A_122 : i32 to index
      %get3A_707 = arith.constant 576 : index
      %get3A_708 = tpu.vector_load %arg10[%get3A_706, %get3A_707] {strides = array<i32>} : memref<64x768xf32, #tpu.memory_space<vmem>>, vector<1x16xf32>,
      %get3A_709 = vector.shape_cast %get3A_708 : vector<1x16xf32> to vector<16xf32>
      %mul3A_710 = arith.mulf %get3A_709, %broadcast_in_dim3A : vector<16xf32>
      %get3A_711 = arith.index_cast %scan3A_122 : i32 to index
      %get3A_712 = arith.constant 576 : index
      %get3A_713 = tpu.vector_load %arg11[%get3A_711, %get3A_712] {strides = array<i32>} : memref<64x768xf32, #tpu.memory_space<vmem>>, vector<1x16xf32>,
      %get3A_714 = vector.shape_cast %get3A_713 : vector<1x16xf32> to vector<16xf32>
      %mul3A_715 = arith.mulf %get3A_714, %broadcast_in_dim3A_130 : vector<16xf32>
      %add3A_716 = arith.addf %mul3A_710, %mul3A_715 : vector<16xf32>
      %swap3A_717 = arith.index_cast %scan3A_122 : i32 to index
      %swap3A_718 = arith.constant 576 : index
      %swap3A_719 = tpu.vector_load %arg10[%swap3A_717, %swap3A_718] {strides = array<i32>} : memref<64x768xf32, #tpu.memory_space<vmem>>, vector<1x16xf32>,
      %swap3A_720 = vector.shape_cast %swap3A_719 : vector<1x16xf32> to vector<16xf32>
      %swap3A_721 = vector.shape_cast %add3A_716 : vector<16xf32> to vector<1x16xf32>
      tpu.vector_store %arg10[%swap3A_717, %swap3A_718], %swap3A_721 {strides = array<i32>} : memref<64x768xf32, #tpu.memory_space<vmem>>, vector<1x16xf32>,
      %get3A_722 = arith.index_cast %scan3A_122 : i32 to index
      %get3A_723 = arith.constant 592 : index
      %get3A_724 = tpu.vector_load %arg10[%get3A_722, %get3A_723] {strides = array<i32>} : memref<64x768xf32, #tpu.memory_space<vmem>>, vector<1x16xf32>,
      %get3A_725 = vector.shape_cast %get3A_724 : vector<1x16xf32> to vector<16xf32>
      %mul3A_726 = arith.mulf %get3A_725, %broadcast_in_dim3A : vector<16xf32>
      %get3A_727 = arith.index_cast %scan3A_122 : i32 to index
      %get3A_728 = arith.constant 592 : index
      %get3A_729 = tpu.vector_load %arg11[%get3A_727, %get3A_728] {strides = array<i32>} : memref<64x768xf32, #tpu.memory_space<vmem>>, vector<1x16xf32>,
      %get3A_730 = vector.shape_cast %get3A_729 : vector<1x16xf32> to vector<16xf32>
      %mul3A_731 = arith.mulf %get3A_730, %broadcast_in_dim3A_130 : vector<16xf32>
      %add3A_732 = arith.addf %mul3A_726, %mul3A_731 : vector<16xf32>
      %swap3A_733 = arith.index_cast %scan3A_122 : i32 to index
      %swap3A_734 = arith.constant 592 : index
      %swap3A_735 = tpu.vector_load %arg10[%swap3A_733, %swap3A_734] {strides = array<i32>} : memref<64x768xf32, #tpu.memory_space<vmem>>, vector<1x16xf32>,
      %swap3A_736 = vector.shape_cast %swap3A_735 : vector<1x16xf32> to vector<16xf32>
      %swap3A_737 = vector.shape_cast %add3A_732 : vector<16xf32> to vector<1x16xf32>
      tpu.vector_store %arg10[%swap3A_733, %swap3A_734], %swap3A_737 {strides = array<i32>} : memref<64x768xf32, #tpu.memory_space<vmem>>, vector<1x16xf32>,
      %get3A_738 = arith.index_cast %scan3A_122 : i32 to index
      %get3A_739 = arith.constant 608 : index
      %get3A_740 = tpu.vector_load %arg10[%get3A_738, %get3A_739] {strides = array<i32>} : memref<64x768xf32, #tpu.memory_space<vmem>>, vector<1x16xf32>,
      %get3A_741 = vector.shape_cast %get3A_740 : vector<1x16xf32> to vector<16xf32>
      %mul3A_742 = arith.mulf %get3A_741, %broadcast_in_dim3A : vector<16xf32>
      %get3A_743 = arith.index_cast %scan3A_122 : i32 to index
      %get3A_744 = arith.constant 608 : index
      %get3A_745 = tpu.vector_load %arg11[%get3A_743, %get3A_744] {strides = array<i32>} : memref<64x768xf32, #tpu.memory_space<vmem>>, vector<1x16xf32>,
      %get3A_746 = vector.shape_cast %get3A_745 : vector<1x16xf32> to vector<16xf32>
      %mul3A_747 = arith.mulf %get3A_746, %broadcast_in_dim3A_130 : vector<16xf32>
      %add3A_748 = arith.addf %mul3A_742, %mul3A_747 : vector<16xf32>
      %swap3A_749 = arith.index_cast %scan3A_122 : i32 to index
      %swap3A_750 = arith.constant 608 : index
      %swap3A_751 = tpu.vector_load %arg10[%swap3A_749, %swap3A_750] {strides = array<i32>} : memref<64x768xf32, #tpu.memory_space<vmem>>, vector<1x16xf32>,
      %swap3A_752 = vector.shape_cast %swap3A_751 : vector<1x16xf32> to vector<16xf32>
      %swap3A_753 = vector.shape_cast %add3A_748 : vector<16xf32> to vector<1x16xf32>
      tpu.vector_store %arg10[%swap3A_749, %swap3A_750], %swap3A_753 {strides = array<i32>} : memref<64x768xf32, #tpu.memory_space<vmem>>, vector<1x16xf32>,
      %get3A_754 = arith.index_cast %scan3A_122 : i32 to index
      %get3A_755 = arith.constant 624 : index
      %get3A_756 = tpu.vector_load %arg10[%get3A_754, %get3A_755] {strides = array<i32>} : memref<64x768xf32, #tpu.memory_space<vmem>>, vector<1x16xf32>,
      %get3A_757 = vector.shape_cast %get3A_756 : vector<1x16xf32> to vector<16xf32>
      %mul3A_758 = arith.mulf %get3A_757, %broadcast_in_dim3A : vector<16xf32>
      %get3A_759 = arith.index_cast %scan3A_122 : i32 to index
      %get3A_760 = arith.constant 624 : index
      %get3A_761 = tpu.vector_load %arg11[%get3A_759, %get3A_760] {strides = array<i32>} : memref<64x768xf32, #tpu.memory_space<vmem>>, vector<1x16xf32>,
      %get3A_762 = vector.shape_cast %get3A_761 : vector<1x16xf32> to vector<16xf32>
      %mul3A_763 = arith.mulf %get3A_762, %broadcast_in_dim3A_130 : vector<16xf32>
      %add3A_764 = arith.addf %mul3A_758, %mul3A_763 : vector<16xf32>
      %swap3A_765 = arith.index_cast %scan3A_122 : i32 to index
      %swap3A_766 = arith.constant 624 : index
      %swap3A_767 = tpu.vector_load %arg10[%swap3A_765, %swap3A_766] {strides = array<i32>} : memref<64x768xf32, #tpu.memory_space<vmem>>, vector<1x16xf32>,
      %swap3A_768 = vector.shape_cast %swap3A_767 : vector<1x16xf32> to vector<16xf32>
      %swap3A_769 = vector.shape_cast %add3A_764 : vector<16xf32> to vector<1x16xf32>
      tpu.vector_store %arg10[%swap3A_765, %swap3A_766], %swap3A_769 {strides = array<i32>} : memref<64x768xf32, #tpu.memory_space<vmem>>, vector<1x16xf32>,
      %get3A_770 = arith.index_cast %scan3A_122 : i32 to index
      %get3A_771 = arith.constant 640 : index
      %get3A_772 = tpu.vector_load %arg10[%get3A_770, %get3A_771] {strides = array<i32>} : memref<64x768xf32, #tpu.memory_space<vmem>>, vector<1x16xf32>,
      %get3A_773 = vector.shape_cast %get3A_772 : vector<1x16xf32> to vector<16xf32>
      %mul3A_774 = arith.mulf %get3A_773, %broadcast_in_dim3A : vector<16xf32>
      %get3A_775 = arith.index_cast %scan3A_122 : i32 to index
      %get3A_776 = arith.constant 640 : index
      %get3A_777 = tpu.vector_load %arg11[%get3A_775, %get3A_776] {strides = array<i32>} : memref<64x768xf32, #tpu.memory_space<vmem>>, vector<1x16xf32>,
      %get3A_778 = vector.shape_cast %get3A_777 : vector<1x16xf32> to vector<16xf32>
      %mul3A_779 = arith.mulf %get3A_778, %broadcast_in_dim3A_130 : vector<16xf32>
      %add3A_780 = arith.addf %mul3A_774, %mul3A_779 : vector<16xf32>
      %swap3A_781 = arith.index_cast %scan3A_122 : i32 to index
      %swap3A_782 = arith.constant 640 : index
      %swap3A_783 = tpu.vector_load %arg10[%swap3A_781, %swap3A_782] {strides = array<i32>} : memref<64x768xf32, #tpu.memory_space<vmem>>, vector<1x16xf32>,
      %swap3A_784 = vector.shape_cast %swap3A_783 : vector<1x16xf32> to vector<16xf32>
      %swap3A_785 = vector.shape_cast %add3A_780 : vector<16xf32> to vector<1x16xf32>
      tpu.vector_store %arg10[%swap3A_781, %swap3A_782], %swap3A_785 {strides = array<i32>} : memref<64x768xf32, #tpu.memory_space<vmem>>, vector<1x16xf32>,
      %get3A_786 = arith.index_cast %scan3A_122 : i32 to index
      %get3A_787 = arith.constant 656 : index
      %get3A_788 = tpu.vector_load %arg10[%get3A_786, %get3A_787] {strides = array<i32>} : memref<64x768xf32, #tpu.memory_space<vmem>>, vector<1x16xf32>,
      %get3A_789 = vector.shape_cast %get3A_788 : vector<1x16xf32> to vector<16xf32>
      %mul3A_790 = arith.mulf %get3A_789, %broadcast_in_dim3A : vector<16xf32>
      %get3A_791 = arith.index_cast %scan3A_122 : i32 to index
      %get3A_792 = arith.constant 656 : index
      %get3A_793 = tpu.vector_load %arg11[%get3A_791, %get3A_792] {strides = array<i32>} : memref<64x768xf32, #tpu.memory_space<vmem>>, vector<1x16xf32>,
      %get3A_794 = vector.shape_cast %get3A_793 : vector<1x16xf32> to vector<16xf32>
      %mul3A_795 = arith.mulf %get3A_794, %broadcast_in_dim3A_130 : vector<16xf32>
      %add3A_796 = arith.addf %mul3A_790, %mul3A_795 : vector<16xf32>
      %swap3A_797 = arith.index_cast %scan3A_122 : i32 to index
      %swap3A_798 = arith.constant 656 : index
      %swap3A_799 = tpu.vector_load %arg10[%swap3A_797, %swap3A_798] {strides = array<i32>} : memref<64x768xf32, #tpu.memory_space<vmem>>, vector<1x16xf32>,
      %swap3A_800 = vector.shape_cast %swap3A_799 : vector<1x16xf32> to vector<16xf32>
      %swap3A_801 = vector.shape_cast %add3A_796 : vector<16xf32> to vector<1x16xf32>
      tpu.vector_store %arg10[%swap3A_797, %swap3A_798], %swap3A_801 {strides = array<i32>} : memref<64x768xf32, #tpu.memory_space<vmem>>, vector<1x16xf32>,
      %get3A_802 = arith.index_cast %scan3A_122 : i32 to index
      %get3A_803 = arith.constant 672 : index
      %get3A_804 = tpu.vector_load %arg10[%get3A_802, %get3A_803] {strides = array<i32>} : memref<64x768xf32, #tpu.memory_space<vmem>>, vector<1x16xf32>,
      %get3A_805 = vector.shape_cast %get3A_804 : vector<1x16xf32> to vector<16xf32>
      %mul3A_806 = arith.mulf %get3A_805, %broadcast_in_dim3A : vector<16xf32>
      %get3A_807 = arith.index_cast %scan3A_122 : i32 to index
      %get3A_808 = arith.constant 672 : index
      %get3A_809 = tpu.vector_load %arg11[%get3A_807, %get3A_808] {strides = array<i32>} : memref<64x768xf32, #tpu.memory_space<vmem>>, vector<1x16xf32>,
      %get3A_810 = vector.shape_cast %get3A_809 : vector<1x16xf32> to vector<16xf32>
      %mul3A_811 = arith.mulf %get3A_810, %broadcast_in_dim3A_130 : vector<16xf32>
      %add3A_812 = arith.addf %mul3A_806, %mul3A_811 : vector<16xf32>
      %swap3A_813 = arith.index_cast %scan3A_122 : i32 to index
      %swap3A_814 = arith.constant 672 : index
      %swap3A_815 = tpu.vector_load %arg10[%swap3A_813, %swap3A_814] {strides = array<i32>} : memref<64x768xf32, #tpu.memory_space<vmem>>, vector<1x16xf32>,
      %swap3A_816 = vector.shape_cast %swap3A_815 : vector<1x16xf32> to vector<16xf32>
      %swap3A_817 = vector.shape_cast %add3A_812 : vector<16xf32> to vector<1x16xf32>
      tpu.vector_store %arg10[%swap3A_813, %swap3A_814], %swap3A_817 {strides = array<i32>} : memref<64x768xf32, #tpu.memory_space<vmem>>, vector<1x16xf32>,
      %get3A_818 = arith.index_cast %scan3A_122 : i32 to index
      %get3A_819 = arith.constant 688 : index
      %get3A_820 = tpu.vector_load %arg10[%get3A_818, %get3A_819] {strides = array<i32>} : memref<64x768xf32, #tpu.memory_space<vmem>>, vector<1x16xf32>,
      %get3A_821 = vector.shape_cast %get3A_820 : vector<1x16xf32> to vector<16xf32>
      %mul3A_822 = arith.mulf %get3A_821, %broadcast_in_dim3A : vector<16xf32>
      %get3A_823 = arith.index_cast %scan3A_122 : i32 to index
      %get3A_824 = arith.constant 688 : index
      %get3A_825 = tpu.vector_load %arg11[%get3A_823, %get3A_824] {strides = array<i32>} : memref<64x768xf32, #tpu.memory_space<vmem>>, vector<1x16xf32>,
      %get3A_826 = vector.shape_cast %get3A_825 : vector<1x16xf32> to vector<16xf32>
      %mul3A_827 = arith.mulf %get3A_826, %broadcast_in_dim3A_130 : vector<16xf32>
      %add3A_828 = arith.addf %mul3A_822, %mul3A_827 : vector<16xf32>
      %swap3A_829 = arith.index_cast %scan3A_122 : i32 to index
      %swap3A_830 = arith.constant 688 : index
      %swap3A_831 = tpu.vector_load %arg10[%swap3A_829, %swap3A_830] {strides = array<i32>} : memref<64x768xf32, #tpu.memory_space<vmem>>, vector<1x16xf32>,
      %swap3A_832 = vector.shape_cast %swap3A_831 : vector<1x16xf32> to vector<16xf32>
      %swap3A_833 = vector.shape_cast %add3A_828 : vector<16xf32> to vector<1x16xf32>
      tpu.vector_store %arg10[%swap3A_829, %swap3A_830], %swap3A_833 {strides = array<i32>} : memref<64x768xf32, #tpu.memory_space<vmem>>, vector<1x16xf32>,
      %get3A_834 = arith.index_cast %scan3A_122 : i32 to index
      %get3A_835 = arith.constant 704 : index
      %get3A_836 = tpu.vector_load %arg10[%get3A_834, %get3A_835] {strides = array<i32>} : memref<64x768xf32, #tpu.memory_space<vmem>>, vector<1x16xf32>,
      %get3A_837 = vector.shape_cast %get3A_836 : vector<1x16xf32> to vector<16xf32>
      %mul3A_838 = arith.mulf %get3A_837, %broadcast_in_dim3A : vector<16xf32>
      %get3A_839 = arith.index_cast %scan3A_122 : i32 to index
      %get3A_840 = arith.constant 704 : index
      %get3A_841 = tpu.vector_load %arg11[%get3A_839, %get3A_840] {strides = array<i32>} : memref<64x768xf32, #tpu.memory_space<vmem>>, vector<1x16xf32>,
      %get3A_842 = vector.shape_cast %get3A_841 : vector<1x16xf32> to vector<16xf32>
      %mul3A_843 = arith.mulf %get3A_842, %broadcast_in_dim3A_130 : vector<16xf32>
      %add3A_844 = arith.addf %mul3A_838, %mul3A_843 : vector<16xf32>
      %swap3A_845 = arith.index_cast %scan3A_122 : i32 to index
      %swap3A_846 = arith.constant 704 : index
      %swap3A_847 = tpu.vector_load %arg10[%swap3A_845, %swap3A_846] {strides = array<i32>} : memref<64x768xf32, #tpu.memory_space<vmem>>, vector<1x16xf32>,
      %swap3A_848 = vector.shape_cast %swap3A_847 : vector<1x16xf32> to vector<16xf32>
      %swap3A_849 = vector.shape_cast %add3A_844 : vector<16xf32> to vector<1x16xf32>
      tpu.vector_store %arg10[%swap3A_845, %swap3A_846], %swap3A_849 {strides = array<i32>} : memref<64x768xf32, #tpu.memory_space<vmem>>, vector<1x16xf32>,
      %get3A_850 = arith.index_cast %scan3A_122 : i32 to index
      %get3A_851 = arith.constant 720 : index
      %get3A_852 = tpu.vector_load %arg10[%get3A_850, %get3A_851] {strides = array<i32>} : memref<64x768xf32, #tpu.memory_space<vmem>>, vector<1x16xf32>,
      %get3A_853 = vector.shape_cast %get3A_852 : vector<1x16xf32> to vector<16xf32>
      %mul3A_854 = arith.mulf %get3A_853, %broadcast_in_dim3A : vector<16xf32>
      %get3A_855 = arith.index_cast %scan3A_122 : i32 to index
      %get3A_856 = arith.constant 720 : index
      %get3A_857 = tpu.vector_load %arg11[%get3A_855, %get3A_856] {strides = array<i32>} : memref<64x768xf32, #tpu.memory_space<vmem>>, vector<1x16xf32>,
      %get3A_858 = vector.shape_cast %get3A_857 : vector<1x16xf32> to vector<16xf32>
      %mul3A_859 = arith.mulf %get3A_858, %broadcast_in_dim3A_130 : vector<16xf32>
      %add3A_860 = arith.addf %mul3A_854, %mul3A_859 : vector<16xf32>
      %swap3A_861 = arith.index_cast %scan3A_122 : i32 to index
      %swap3A_862 = arith.constant 720 : index
      %swap3A_863 = tpu.vector_load %arg10[%swap3A_861, %swap3A_862] {strides = array<i32>} : memref<64x768xf32, #tpu.memory_space<vmem>>, vector<1x16xf32>,
      %swap3A_864 = vector.shape_cast %swap3A_863 : vector<1x16xf32> to vector<16xf32>
      %swap3A_865 = vector.shape_cast %add3A_860 : vector<16xf32> to vector<1x16xf32>
      tpu.vector_store %arg10[%swap3A_861, %swap3A_862], %swap3A_865 {strides = array<i32>} : memref<64x768xf32, #tpu.memory_space<vmem>>, vector<1x16xf32>,
      %get3A_866 = arith.index_cast %scan3A_122 : i32 to index
      %get3A_867 = arith.constant 736 : index
      %get3A_868 = tpu.vector_load %arg10[%get3A_866, %get3A_867] {strides = array<i32>} : memref<64x768xf32, #tpu.memory_space<vmem>>, vector<1x16xf32>,
      %get3A_869 = vector.shape_cast %get3A_868 : vector<1x16xf32> to vector<16xf32>
      %mul3A_870 = arith.mulf %get3A_869, %broadcast_in_dim3A : vector<16xf32>
      %get3A_871 = arith.index_cast %scan3A_122 : i32 to index
      %get3A_872 = arith.constant 736 : index
      %get3A_873 = tpu.vector_load %arg11[%get3A_871, %get3A_872] {strides = array<i32>} : memref<64x768xf32, #tpu.memory_space<vmem>>, vector<1x16xf32>,
      %get3A_874 = vector.shape_cast %get3A_873 : vector<1x16xf32> to vector<16xf32>
      %mul3A_875 = arith.mulf %get3A_874, %broadcast_in_dim3A_130 : vector<16xf32>
      %add3A_876 = arith.addf %mul3A_870, %mul3A_875 : vector<16xf32>
      %swap3A_877 = arith.index_cast %scan3A_122 : i32 to index
      %swap3A_878 = arith.constant 736 : index
      %swap3A_879 = tpu.vector_load %arg10[%swap3A_877, %swap3A_878] {strides = array<i32>} : memref<64x768xf32, #tpu.memory_space<vmem>>, vector<1x16xf32>,
      %swap3A_880 = vector.shape_cast %swap3A_879 : vector<1x16xf32> to vector<16xf32>
      %swap3A_881 = vector.shape_cast %add3A_876 : vector<16xf32> to vector<1x16xf32>
      tpu.vector_store %arg10[%swap3A_877, %swap3A_878], %swap3A_881 {strides = array<i32>} : memref<64x768xf32, #tpu.memory_space<vmem>>, vector<1x16xf32>,
      %get3A_882 = arith.index_cast %scan3A_122 : i32 to index
      %get3A_883 = arith.constant 752 : index
      %get3A_884 = tpu.vector_load %arg10[%get3A_882, %get3A_883] {strides = array<i32>} : memref<64x768xf32, #tpu.memory_space<vmem>>, vector<1x16xf32>,
      %get3A_885 = vector.shape_cast %get3A_884 : vector<1x16xf32> to vector<16xf32>
      %mul3A_886 = arith.mulf %get3A_885, %broadcast_in_dim3A : vector<16xf32>
      %get3A_887 = arith.index_cast %scan3A_122 : i32 to index
      %get3A_888 = arith.constant 752 : index
      %get3A_889 = tpu.vector_load %arg11[%get3A_887, %get3A_888] {strides = array<i32>} : memref<64x768xf32, #tpu.memory_space<vmem>>, vector<1x16xf32>,
      %get3A_890 = vector.shape_cast %get3A_889 : vector<1x16xf32> to vector<16xf32>
      %mul3A_891 = arith.mulf %get3A_890, %broadcast_in_dim3A_130 : vector<16xf32>
      %add3A_892 = arith.addf %mul3A_886, %mul3A_891 : vector<16xf32>
      %swap3A_893 = arith.index_cast %scan3A_122 : i32 to index
      %swap3A_894 = arith.constant 752 : index
      %swap3A_895 = tpu.vector_load %arg10[%swap3A_893, %swap3A_894] {strides = array<i32>} : memref<64x768xf32, #tpu.memory_space<vmem>>, vector<1x16xf32>,
      %swap3A_896 = vector.shape_cast %swap3A_895 : vector<1x16xf32> to vector<16xf32>
      %swap3A_897 = vector.shape_cast %add3A_892 : vector<16xf32> to vector<1x16xf32>
      tpu.vector_store %arg10[%swap3A_893, %swap3A_894], %swap3A_897 {strides = array<i32>} : memref<64x768xf32, #tpu.memory_space<vmem>>, vector<1x16xf32>,
    }
    %scan3A_89 = arith.constant 32 : i32
    %add3A_90 = arith.constant 32 : i32
    %add3A_91 = arith.addi %mul3A_2, %add3A_90 : i32
    %dma_start3A_92 = arith.constant 32 : i32
    %dma_start3A_93 = arith.constant 0 : i32
    %dma_start3A_94 = tpu.memref_slice %arg10[%dma_start3A_92, %dma_start3A_93] : memref<64x768xf32, #tpu.memory_space<vmem>> -> memref<32x768xf32, #tpu.memory_space<vmem>>
    %dma_start3A_95 = arith.constant 0 : i32
    %dma_start3A_96 = tpu.memref_slice %arg5[%add3A_91, %dma_start3A_95] : memref<2048x768xf32, #tpu.memory_space<hbm>> -> memref<32x768xf32, #tpu.memory_space<hbm>>
    %dma_start3A_97 = arith.constant 0 : i32
    %dma_start3A_98 = tpu.memref_slice %arg5[%add3A_91, %dma_start3A_97] : memref<2048x768xf32, #tpu.memory_space<hbm>> -> memref<32x768xf32, #tpu.memory_space<hbm>>
    %dma_start3A_99 = arith.constant 32 : i32
    %dma_start3A_100 = arith.constant 0 : i32
    %dma_start3A_101 = tpu.memref_slice %arg10[%dma_start3A_99, %dma_start3A_100] : memref<64x768xf32, #tpu.memory_space<vmem>> -> memref<32x768xf32, #tpu.memory_space<vmem>>
    tpu.enqueue_dma source(%dma_start3A_101 : memref<32x768xf32, #tpu.memory_space<vmem>>) target(%dma_start3A_98 : memref<32x768xf32, #tpu.memory_space<hbm>>) target_semaphore(%arg13 : memref<!tpu.dma_semaphore, #tpu.memory_space<semaphore_mem>>)
    %dma_wait3A_102 = arith.constant 0 : i32
    %dma_wait3A_103 = arith.constant 0 : i32
    %dma_wait3A_104 = tpu.memref_slice %arg10[%dma_wait3A_102, %dma_wait3A_103] : memref<64x768xf32, #tpu.memory_space<vmem>> -> memref<32x768xf32, #tpu.memory_space<vmem>>
    %dma_wait3A_105 = arith.constant 0 : i32
    %dma_wait3A_106 = tpu.memref_slice %arg5[%mul3A_2, %dma_wait3A_105] : memref<2048x768xf32, #tpu.memory_space<hbm>> -> memref<32x768xf32, #tpu.memory_space<hbm>>
    %dma_wait3A_107 = arith.constant 0 : i32
    %dma_wait3A_108 = tpu.memref_slice %arg5[%mul3A_2, %dma_wait3A_107] : memref<2048x768xf32, #tpu.memory_space<hbm>> -> memref<32x768xf32, #tpu.memory_space<hbm>>
    %dma_wait3A_109 = arith.constant 0 : i32
    %dma_wait3A_110 = arith.constant 0 : i32
    %dma_wait3A_111 = tpu.memref_slice %arg10[%dma_wait3A_109, %dma_wait3A_110] : memref<64x768xf32, #tpu.memory_space<vmem>> -> memref<32x768xf32, #tpu.memory_space<vmem>>
    tpu.wait_dma2 semaphore(%arg12 : memref<!tpu.dma_semaphore, #tpu.memory_space<semaphore_mem>>) src(%dma_wait3A_111 : memref<32x768xf32, #tpu.memory_space<vmem>>) dst(%dma_wait3A_108 : memref<32x768xf32, #tpu.memory_space<hbm>>)
    %dma_wait3A_112 = arith.constant 32 : i32
    %dma_wait3A_113 = arith.constant 0 : i32
    %dma_wait3A_114 = tpu.memref_slice %arg10[%dma_wait3A_112, %dma_wait3A_113] : memref<64x768xf32, #tpu.memory_space<vmem>> -> memref<32x768xf32, #tpu.memory_space<vmem>>
    %dma_wait3A_115 = arith.constant 0 : i32
    %dma_wait3A_116 = tpu.memref_slice %arg5[%add3A_91, %dma_wait3A_115] : memref<2048x768xf32, #tpu.memory_space<hbm>> -> memref<32x768xf32, #tpu.memory_space<hbm>>
    %dma_wait3A_117 = arith.constant 0 : i32
    %dma_wait3A_118 = tpu.memref_slice %arg5[%add3A_91, %dma_wait3A_117] : memref<2048x768xf32, #tpu.memory_space<hbm>> -> memref<32x768xf32, #tpu.memory_space<hbm>>
    %dma_wait3A_119 = arith.constant 32 : i32
    %dma_wait3A_120 = arith.constant 0 : i32
    %dma_wait3A_121 = tpu.memref_slice %arg10[%dma_wait3A_119, %dma_wait3A_120] : memref<64x768xf32, #tpu.memory_space<vmem>> -> memref<32x768xf32, #tpu.memory_space<vmem>>
    tpu.wait_dma2 semaphore(%arg13 : memref<!tpu.dma_semaphore, #tpu.memory_space<semaphore_mem>>) src(%dma_wait3A_121 : memref<32x768xf32, #tpu.memory_space<vmem>>) dst(%dma_wait3A_118 : memref<32x768xf32, #tpu.memory_space<hbm>>)
    return
  }
}

module attributes {stable_mosaic.version = 14 : i64} {
  func.func @_routing_body(%arg0: memref<2048x768xf32, #tpu.memory_space<vmem>>, %arg1: memref<768x64xf32, #tpu.memory_space<vmem>>, %arg2: memref<1x64xf32, #tpu.memory_space<vmem>>, %arg3: memref<2048x1xi32, #tpu.memory_space<vmem>>, %arg4: memref<2048x1xi32, #tpu.memory_space<vmem>>, %arg5: memref<2048x1xf32, #tpu.memory_space<vmem>>, %arg6: memref<2048x1xf32, #tpu.memory_space<vmem>>, %arg7: memref<96x1xi32, #tpu.memory_space<vmem>>, %arg8: memref<96x1xi32, #tpu.memory_space<vmem>>) attributes {dimension_semantics = [], scalar_prefetch = 0 : i64, scratch_operands = 0 : i64, tpu.core_type = #tpu.core_type<tc>} {
    %get3A = arith.constant 0 : index
    %get3A_0 = arith.constant 0 : index
    %get3A_1 = vector.load %arg0[%get3A, %get3A_0] : memref<2048x768xf32, #tpu.memory_space<vmem>>, vector<2048x768xf32>
    %get3A_2 = arith.constant 0 : index
    %get3A_3 = arith.constant 0 : index
    %get3A_4 = vector.load %arg1[%get3A_2, %get3A_3] : memref<768x64xf32, #tpu.memory_space<vmem>>, vector<768x64xf32>
    %dot_general3A = arith.constant dense<0.000000e+00> : vector<2048x64xf32>
    %dot_general3A_5 = tpu.matmul %get3A_1, %get3A_4, %dot_general3A {dimension_numbers = #tpu.dot_dimension_numbers<[1], [0], [0], [1], [0, 0, 1, 1], [], []>, transpose_lhs_hint = false} : vector<2048x768xf32>, vector<768x64xf32>, vector<2048x64xf32> -> vector<2048x64xf32>
    %get3A_6 = arith.constant 0 : index
    %get3A_7 = arith.constant 0 : index
    %get3A_8 = vector.load %arg2[%get3A_6, %get3A_7] : memref<1x64xf32, #tpu.memory_space<vmem>>, vector<1x64xf32>
    %add3A = vector.broadcast %get3A_8 : vector<1x64xf32> to vector<2048x64xf32>
    %add3A_9 = arith.addf %dot_general3A_5, %add3A : vector<2048x64xf32>
    %reduce_max3A = arith.constant dense<0xFF800000> : vector<2048xf32>
    %reduce_max3A_10 = vector.multi_reduction <maximumf>, %add3A_9, %reduce_max3A [1] : vector<2048x64xf32> to vector<2048xf32>
    %broadcast_in_dim3A = vector.shape_cast %reduce_max3A_10 : vector<2048xf32> to vector<2048x1xf32>
    %sub3A = vector.broadcast %broadcast_in_dim3A : vector<2048x1xf32> to vector<2048x64xf32>
    %sub3A_11 = arith.subf %add3A_9, %sub3A : vector<2048x64xf32>
    %exp3A = math.exp %sub3A_11 : vector<2048x64xf32>
    %reduce_sum3A = arith.constant dense<0.000000e+00> : vector<2048xf32>
    %reduce_sum3A_12 = vector.multi_reduction <add>, %exp3A, %reduce_sum3A [1] : vector<2048x64xf32> to vector<2048xf32>
    %broadcast_in_dim3A_13 = vector.shape_cast %reduce_sum3A_12 : vector<2048xf32> to vector<2048x1xf32>
    %div3A = vector.broadcast %broadcast_in_dim3A_13 : vector<2048x1xf32> to vector<2048x64xf32>
    %div3A_14 = arith.divf %exp3A, %div3A : vector<2048x64xf32>
    %iota3A = tpu.iota {dimensions = array<i32: 1>} : vector<2048x64xi32>
    %reduce_max3A_15 = arith.constant dense<0xFF800000> : vector<2048xf32>
    %reduce_max3A_16 = vector.multi_reduction <maximumf>, %div3A_14, %reduce_max3A_15 [1] : vector<2048x64xf32> to vector<2048xf32>
    %broadcast_in_dim3A_17 = vector.shape_cast %reduce_max3A_16 : vector<2048xf32> to vector<2048x1xf32>
    %eq3A = vector.broadcast %broadcast_in_dim3A_17 : vector<2048x1xf32> to vector<2048x64xf32>
    %eq3A_18 = arith.cmpf oeq, %div3A_14, %eq3A : vector<2048x64xf32>
    %jit3A = arith.constant 64 : i32
    %broadcast_in_dim3A_19 = vector.broadcast %jit3A : i32 to vector<2048x64xi32>
    %select_n3A = arith.select %eq3A_18, %iota3A, %broadcast_in_dim3A_19 : vector<2048x64xi1>, vector<2048x64xi32>
    %reduce_min3A = arith.constant dense<2147483647> : vector<2048xi32>
    %reduce_min3A_20 = vector.multi_reduction <minsi>, %select_n3A, %reduce_min3A [1] : vector<2048x64xi32> to vector<2048xi32>
    %broadcast_in_dim3A_21 = vector.shape_cast %reduce_min3A_20 : vector<2048xi32> to vector<2048x1xi32>
    %eq3A_22 = vector.broadcast %broadcast_in_dim3A_21 : vector<2048x1xi32> to vector<2048x64xi32>
    %eq3A_23 = arith.cmpi eq, %iota3A, %eq3A_22 : vector<2048x64xi32>
    %convert_element_type3A = arith.extui %eq3A_23 : vector<2048x64xi1> to vector<2048x64xi32>
    %convert_element_type3A_24 = arith.sitofp %convert_element_type3A : vector<2048x64xi32> to vector<2048x64xf32>
    %eq3A_25 = vector.broadcast %broadcast_in_dim3A_21 : vector<2048x1xi32> to vector<2048x64xi32>
    %eq3A_26 = arith.cmpi eq, %iota3A, %eq3A_25 : vector<2048x64xi32>
    %jit3A_27 = arith.constant -1.000000e+00 : f32
    %broadcast_in_dim3A_28 = vector.broadcast %jit3A_27 : f32 to vector<2048x64xf32>
    %select_n3A_29 = arith.select %eq3A_26, %broadcast_in_dim3A_28, %div3A_14 : vector<2048x64xi1>, vector<2048x64xf32>
    %reduce_max3A_30 = arith.constant dense<0xFF800000> : vector<2048xf32>
    %reduce_max3A_31 = vector.multi_reduction <maximumf>, %select_n3A_29, %reduce_max3A_30 [1] : vector<2048x64xf32> to vector<2048xf32>
    %broadcast_in_dim3A_32 = vector.shape_cast %reduce_max3A_31 : vector<2048xf32> to vector<2048x1xf32>
    %eq3A_33 = vector.broadcast %broadcast_in_dim3A_32 : vector<2048x1xf32> to vector<2048x64xf32>
    %eq3A_34 = arith.cmpf oeq, %select_n3A_29, %eq3A_33 : vector<2048x64xf32>
    %jit3A_35 = arith.constant 64 : i32
    %broadcast_in_dim3A_36 = vector.broadcast %jit3A_35 : i32 to vector<2048x64xi32>
    %select_n3A_37 = arith.select %eq3A_34, %iota3A, %broadcast_in_dim3A_36 : vector<2048x64xi1>, vector<2048x64xi32>
    %reduce_min3A_38 = arith.constant dense<2147483647> : vector<2048xi32>
    %reduce_min3A_39 = vector.multi_reduction <minsi>, %select_n3A_37, %reduce_min3A_38 [1] : vector<2048x64xi32> to vector<2048xi32>
    %broadcast_in_dim3A_40 = vector.shape_cast %reduce_min3A_39 : vector<2048xi32> to vector<2048x1xi32>
    %eq3A_41 = vector.broadcast %broadcast_in_dim3A_40 : vector<2048x1xi32> to vector<2048x64xi32>
    %eq3A_42 = arith.cmpi eq, %iota3A, %eq3A_41 : vector<2048x64xi32>
    %convert_element_type3A_43 = arith.extui %eq3A_42 : vector<2048x64xi1> to vector<2048x64xi32>
    %convert_element_type3A_44 = arith.sitofp %convert_element_type3A_43 : vector<2048x64xi32> to vector<2048x64xf32>
    %reduce_sum3A_45 = arith.constant dense<0.000000e+00> : vector<64xf32>
    %reduce_sum3A_46 = vector.multi_reduction <add>, %convert_element_type3A_24, %reduce_sum3A_45 [0] : vector<2048x64xf32> to vector<64xf32>
    %broadcast_in_dim3A_47 = vector.shape_cast %reduce_sum3A_46 : vector<64xf32> to vector<1x64xf32>
    %reduce_sum3A_48 = arith.constant dense<0.000000e+00> : vector<64xf32>
    %reduce_sum3A_49 = vector.multi_reduction <add>, %convert_element_type3A_44, %reduce_sum3A_48 [0] : vector<2048x64xf32> to vector<64xf32>
    %broadcast_in_dim3A_50 = vector.shape_cast %reduce_sum3A_49 : vector<64xf32> to vector<1x64xf32>
    %add3A_51 = arith.addf %broadcast_in_dim3A_47, %broadcast_in_dim3A_50 : vector<1x64xf32>
    %add3A_52 = arith.constant 1.270000e+02 : f32
    %add3A_53 = vector.broadcast %add3A_52 : f32 to vector<1x64xf32>
    %add3A_54 = arith.addf %add3A_51, %add3A_53 : vector<1x64xf32>
    %mul3A = arith.constant 7.812500e-03 : f32
    %mul3A_55 = vector.broadcast %mul3A : f32 to vector<1x64xf32>
    %mul3A_56 = arith.mulf %add3A_54, %mul3A_55 : vector<1x64xf32>
    %floor3A = math.floor %mul3A_56 : vector<1x64xf32>
    %iota3A_57 = tpu.iota {dimensions = array<i32: 0>} : vector<64x64xi32>
    %iota3A_58 = tpu.iota {dimensions = array<i32: 1>} : vector<64x64xi32>
    %lt3A = arith.cmpi slt, %iota3A_57, %iota3A_58 : vector<64x64xi32>
    %convert_element_type3A_59 = arith.extui %lt3A : vector<64x64xi1> to vector<64x64xi32>
    %convert_element_type3A_60 = arith.sitofp %convert_element_type3A_59 : vector<64x64xi32> to vector<64x64xf32>
    %dot_general3A_61 = arith.constant dense<0.000000e+00> : vector<1x64xf32>
    %dot_general3A_62 = tpu.matmul %floor3A, %convert_element_type3A_60, %dot_general3A_61 {dimension_numbers = #tpu.dot_dimension_numbers<[1], [0], [0], [1], [0, 0, 1, 1], [], []>, transpose_lhs_hint = false} : vector<1x64xf32>, vector<64x64xf32>, vector<1x64xf32> -> vector<1x64xf32>
    %mul3A_63 = arith.constant 1.280000e+02 : f32
    %mul3A_64 = vector.broadcast %mul3A_63 : f32 to vector<1x64xf32>
    %mul3A_65 = arith.mulf %dot_general3A_62, %mul3A_64 : vector<1x64xf32>
    %iota3A_66 = tpu.iota {dimensions = array<i32: 0>} : vector<128x128xi32>
    %iota3A_67 = tpu.iota {dimensions = array<i32: 1>} : vector<128x128xi32>
    %lt3A_68 = arith.cmpi slt, %iota3A_67, %iota3A_66 : vector<128x128xi32>
    %convert_element_type3A_69 = arith.extui %lt3A_68 : vector<128x128xi1> to vector<128x128xi32>
    %convert_element_type3A_70 = arith.sitofp %convert_element_type3A_69 : vector<128x128xi32> to vector<128x128xf32>
    %broadcast_in_dim3A_71 = arith.constant 0.000000e+00 : f32
    %broadcast_in_dim3A_72 = vector.broadcast %broadcast_in_dim3A_71 : f32 to vector<1x64xf32>
    %slice3A = vector.extract_strided_slice %convert_element_type3A_24 {offsets = [0, 0], sizes = [128, 64], strides = [1, 1]} : vector<2048x64xf32> to vector<128x64xf32>
    %dot_general3A_73 = arith.constant dense<0.000000e+00> : vector<128x128xf32>
    %dot_general3A_74 = tpu.matmul %slice3A, %slice3A, %dot_general3A_73 {dimension_numbers = #tpu.dot_dimension_numbers<[1], [1], [0], [0], [0, 0, 1, 0], [], []>, transpose_lhs_hint = false} : vector<128x64xf32>, vector<128x64xf32>, vector<128x128xf32> -> vector<128x128xf32>
    %mul3A_75 = arith.mulf %dot_general3A_74, %convert_element_type3A_70 : vector<128x128xf32>
    %reduce_sum3A_76 = arith.constant dense<0.000000e+00> : vector<128xf32>
    %reduce_sum3A_77 = vector.multi_reduction <add>, %mul3A_75, %reduce_sum3A_76 [1] : vector<128x128xf32> to vector<128xf32>
    %broadcast_in_dim3A_78 = vector.shape_cast %reduce_sum3A_77 : vector<128xf32> to vector<128x1xf32>
    %mul3A_79 = vector.broadcast %broadcast_in_dim3A_72 : vector<1x64xf32> to vector<128x64xf32>
    %mul3A_80 = arith.mulf %slice3A, %mul3A_79 : vector<128x64xf32>
    %reduce_sum3A_81 = arith.constant dense<0.000000e+00> : vector<128xf32>
    %reduce_sum3A_82 = vector.multi_reduction <add>, %mul3A_80, %reduce_sum3A_81 [1] : vector<128x64xf32> to vector<128xf32>
    %broadcast_in_dim3A_83 = vector.shape_cast %reduce_sum3A_82 : vector<128xf32> to vector<128x1xf32>
    %add3A_84 = arith.addf %broadcast_in_dim3A_78, %broadcast_in_dim3A_83 : vector<128x1xf32>
    %reduce_sum3A_85 = arith.constant dense<0.000000e+00> : vector<64xf32>
    %reduce_sum3A_86 = vector.multi_reduction <add>, %slice3A, %reduce_sum3A_85 [0] : vector<128x64xf32> to vector<64xf32>
    %broadcast_in_dim3A_87 = vector.shape_cast %reduce_sum3A_86 : vector<64xf32> to vector<1x64xf32>
    %add3A_88 = arith.addf %broadcast_in_dim3A_72, %broadcast_in_dim3A_87 : vector<1x64xf32>
    %slice3A_89 = vector.extract_strided_slice %convert_element_type3A_24 {offsets = [128, 0], sizes = [128, 64], strides = [1, 1]} : vector<2048x64xf32> to vector<128x64xf32>
    %dot_general3A_90 = arith.constant dense<0.000000e+00> : vector<128x128xf32>
    %dot_general3A_91 = tpu.matmul %slice3A_89, %slice3A_89, %dot_general3A_90 {dimension_numbers = #tpu.dot_dimension_numbers<[1], [1], [0], [0], [0, 0, 1, 0], [], []>, transpose_lhs_hint = false} : vector<128x64xf32>, vector<128x64xf32>, vector<128x128xf32> -> vector<128x128xf32>
    %mul3A_92 = arith.mulf %dot_general3A_91, %convert_element_type3A_70 : vector<128x128xf32>
    %reduce_sum3A_93 = arith.constant dense<0.000000e+00> : vector<128xf32>
    %reduce_sum3A_94 = vector.multi_reduction <add>, %mul3A_92, %reduce_sum3A_93 [1] : vector<128x128xf32> to vector<128xf32>
    %broadcast_in_dim3A_95 = vector.shape_cast %reduce_sum3A_94 : vector<128xf32> to vector<128x1xf32>
    %mul3A_96 = vector.broadcast %add3A_88 : vector<1x64xf32> to vector<128x64xf32>
    %mul3A_97 = arith.mulf %slice3A_89, %mul3A_96 : vector<128x64xf32>
    %reduce_sum3A_98 = arith.constant dense<0.000000e+00> : vector<128xf32>
    %reduce_sum3A_99 = vector.multi_reduction <add>, %mul3A_97, %reduce_sum3A_98 [1] : vector<128x64xf32> to vector<128xf32>
    %broadcast_in_dim3A_100 = vector.shape_cast %reduce_sum3A_99 : vector<128xf32> to vector<128x1xf32>
    %add3A_101 = arith.addf %broadcast_in_dim3A_95, %broadcast_in_dim3A_100 : vector<128x1xf32>
    %reduce_sum3A_102 = arith.constant dense<0.000000e+00> : vector<64xf32>
    %reduce_sum3A_103 = vector.multi_reduction <add>, %slice3A_89, %reduce_sum3A_102 [0] : vector<128x64xf32> to vector<64xf32>
    %broadcast_in_dim3A_104 = vector.shape_cast %reduce_sum3A_103 : vector<64xf32> to vector<1x64xf32>
    %add3A_105 = arith.addf %add3A_88, %broadcast_in_dim3A_104 : vector<1x64xf32>
    %slice3A_106 = vector.extract_strided_slice %convert_element_type3A_24 {offsets = [256, 0], sizes = [128, 64], strides = [1, 1]} : vector<2048x64xf32> to vector<128x64xf32>
    %dot_general3A_107 = arith.constant dense<0.000000e+00> : vector<128x128xf32>
    %dot_general3A_108 = tpu.matmul %slice3A_106, %slice3A_106, %dot_general3A_107 {dimension_numbers = #tpu.dot_dimension_numbers<[1], [1], [0], [0], [0, 0, 1, 0], [], []>, transpose_lhs_hint = false} : vector<128x64xf32>, vector<128x64xf32>, vector<128x128xf32> -> vector<128x128xf32>
    %mul3A_109 = arith.mulf %dot_general3A_108, %convert_element_type3A_70 : vector<128x128xf32>
    %reduce_sum3A_110 = arith.constant dense<0.000000e+00> : vector<128xf32>
    %reduce_sum3A_111 = vector.multi_reduction <add>, %mul3A_109, %reduce_sum3A_110 [1] : vector<128x128xf32> to vector<128xf32>
    %broadcast_in_dim3A_112 = vector.shape_cast %reduce_sum3A_111 : vector<128xf32> to vector<128x1xf32>
    %mul3A_113 = vector.broadcast %add3A_105 : vector<1x64xf32> to vector<128x64xf32>
    %mul3A_114 = arith.mulf %slice3A_106, %mul3A_113 : vector<128x64xf32>
    %reduce_sum3A_115 = arith.constant dense<0.000000e+00> : vector<128xf32>
    %reduce_sum3A_116 = vector.multi_reduction <add>, %mul3A_114, %reduce_sum3A_115 [1] : vector<128x64xf32> to vector<128xf32>
    %broadcast_in_dim3A_117 = vector.shape_cast %reduce_sum3A_116 : vector<128xf32> to vector<128x1xf32>
    %add3A_118 = arith.addf %broadcast_in_dim3A_112, %broadcast_in_dim3A_117 : vector<128x1xf32>
    %reduce_sum3A_119 = arith.constant dense<0.000000e+00> : vector<64xf32>
    %reduce_sum3A_120 = vector.multi_reduction <add>, %slice3A_106, %reduce_sum3A_119 [0] : vector<128x64xf32> to vector<64xf32>
    %broadcast_in_dim3A_121 = vector.shape_cast %reduce_sum3A_120 : vector<64xf32> to vector<1x64xf32>
    %add3A_122 = arith.addf %add3A_105, %broadcast_in_dim3A_121 : vector<1x64xf32>
    %slice3A_123 = vector.extract_strided_slice %convert_element_type3A_24 {offsets = [384, 0], sizes = [128, 64], strides = [1, 1]} : vector<2048x64xf32> to vector<128x64xf32>
    %dot_general3A_124 = arith.constant dense<0.000000e+00> : vector<128x128xf32>
    %dot_general3A_125 = tpu.matmul %slice3A_123, %slice3A_123, %dot_general3A_124 {dimension_numbers = #tpu.dot_dimension_numbers<[1], [1], [0], [0], [0, 0, 1, 0], [], []>, transpose_lhs_hint = false} : vector<128x64xf32>, vector<128x64xf32>, vector<128x128xf32> -> vector<128x128xf32>
    %mul3A_126 = arith.mulf %dot_general3A_125, %convert_element_type3A_70 : vector<128x128xf32>
    %reduce_sum3A_127 = arith.constant dense<0.000000e+00> : vector<128xf32>
    %reduce_sum3A_128 = vector.multi_reduction <add>, %mul3A_126, %reduce_sum3A_127 [1] : vector<128x128xf32> to vector<128xf32>
    %broadcast_in_dim3A_129 = vector.shape_cast %reduce_sum3A_128 : vector<128xf32> to vector<128x1xf32>
    %mul3A_130 = vector.broadcast %add3A_122 : vector<1x64xf32> to vector<128x64xf32>
    %mul3A_131 = arith.mulf %slice3A_123, %mul3A_130 : vector<128x64xf32>
    %reduce_sum3A_132 = arith.constant dense<0.000000e+00> : vector<128xf32>
    %reduce_sum3A_133 = vector.multi_reduction <add>, %mul3A_131, %reduce_sum3A_132 [1] : vector<128x64xf32> to vector<128xf32>
    %broadcast_in_dim3A_134 = vector.shape_cast %reduce_sum3A_133 : vector<128xf32> to vector<128x1xf32>
    %add3A_135 = arith.addf %broadcast_in_dim3A_129, %broadcast_in_dim3A_134 : vector<128x1xf32>
    %reduce_sum3A_136 = arith.constant dense<0.000000e+00> : vector<64xf32>
    %reduce_sum3A_137 = vector.multi_reduction <add>, %slice3A_123, %reduce_sum3A_136 [0] : vector<128x64xf32> to vector<64xf32>
    %broadcast_in_dim3A_138 = vector.shape_cast %reduce_sum3A_137 : vector<64xf32> to vector<1x64xf32>
    %add3A_139 = arith.addf %add3A_122, %broadcast_in_dim3A_138 : vector<1x64xf32>
    %slice3A_140 = vector.extract_strided_slice %convert_element_type3A_24 {offsets = [512, 0], sizes = [128, 64], strides = [1, 1]} : vector<2048x64xf32> to vector<128x64xf32>
    %dot_general3A_141 = arith.constant dense<0.000000e+00> : vector<128x128xf32>
    %dot_general3A_142 = tpu.matmul %slice3A_140, %slice3A_140, %dot_general3A_141 {dimension_numbers = #tpu.dot_dimension_numbers<[1], [1], [0], [0], [0, 0, 1, 0], [], []>, transpose_lhs_hint = false} : vector<128x64xf32>, vector<128x64xf32>, vector<128x128xf32> -> vector<128x128xf32>
    %mul3A_143 = arith.mulf %dot_general3A_142, %convert_element_type3A_70 : vector<128x128xf32>
    %reduce_sum3A_144 = arith.constant dense<0.000000e+00> : vector<128xf32>
    %reduce_sum3A_145 = vector.multi_reduction <add>, %mul3A_143, %reduce_sum3A_144 [1] : vector<128x128xf32> to vector<128xf32>
    %broadcast_in_dim3A_146 = vector.shape_cast %reduce_sum3A_145 : vector<128xf32> to vector<128x1xf32>
    %mul3A_147 = vector.broadcast %add3A_139 : vector<1x64xf32> to vector<128x64xf32>
    %mul3A_148 = arith.mulf %slice3A_140, %mul3A_147 : vector<128x64xf32>
    %reduce_sum3A_149 = arith.constant dense<0.000000e+00> : vector<128xf32>
    %reduce_sum3A_150 = vector.multi_reduction <add>, %mul3A_148, %reduce_sum3A_149 [1] : vector<128x64xf32> to vector<128xf32>
    %broadcast_in_dim3A_151 = vector.shape_cast %reduce_sum3A_150 : vector<128xf32> to vector<128x1xf32>
    %add3A_152 = arith.addf %broadcast_in_dim3A_146, %broadcast_in_dim3A_151 : vector<128x1xf32>
    %reduce_sum3A_153 = arith.constant dense<0.000000e+00> : vector<64xf32>
    %reduce_sum3A_154 = vector.multi_reduction <add>, %slice3A_140, %reduce_sum3A_153 [0] : vector<128x64xf32> to vector<64xf32>
    %broadcast_in_dim3A_155 = vector.shape_cast %reduce_sum3A_154 : vector<64xf32> to vector<1x64xf32>
    %add3A_156 = arith.addf %add3A_139, %broadcast_in_dim3A_155 : vector<1x64xf32>
    %slice3A_157 = vector.extract_strided_slice %convert_element_type3A_24 {offsets = [640, 0], sizes = [128, 64], strides = [1, 1]} : vector<2048x64xf32> to vector<128x64xf32>
    %dot_general3A_158 = arith.constant dense<0.000000e+00> : vector<128x128xf32>
    %dot_general3A_159 = tpu.matmul %slice3A_157, %slice3A_157, %dot_general3A_158 {dimension_numbers = #tpu.dot_dimension_numbers<[1], [1], [0], [0], [0, 0, 1, 0], [], []>, transpose_lhs_hint = false} : vector<128x64xf32>, vector<128x64xf32>, vector<128x128xf32> -> vector<128x128xf32>
    %mul3A_160 = arith.mulf %dot_general3A_159, %convert_element_type3A_70 : vector<128x128xf32>
    %reduce_sum3A_161 = arith.constant dense<0.000000e+00> : vector<128xf32>
    %reduce_sum3A_162 = vector.multi_reduction <add>, %mul3A_160, %reduce_sum3A_161 [1] : vector<128x128xf32> to vector<128xf32>
    %broadcast_in_dim3A_163 = vector.shape_cast %reduce_sum3A_162 : vector<128xf32> to vector<128x1xf32>
    %mul3A_164 = vector.broadcast %add3A_156 : vector<1x64xf32> to vector<128x64xf32>
    %mul3A_165 = arith.mulf %slice3A_157, %mul3A_164 : vector<128x64xf32>
    %reduce_sum3A_166 = arith.constant dense<0.000000e+00> : vector<128xf32>
    %reduce_sum3A_167 = vector.multi_reduction <add>, %mul3A_165, %reduce_sum3A_166 [1] : vector<128x64xf32> to vector<128xf32>
    %broadcast_in_dim3A_168 = vector.shape_cast %reduce_sum3A_167 : vector<128xf32> to vector<128x1xf32>
    %add3A_169 = arith.addf %broadcast_in_dim3A_163, %broadcast_in_dim3A_168 : vector<128x1xf32>
    %reduce_sum3A_170 = arith.constant dense<0.000000e+00> : vector<64xf32>
    %reduce_sum3A_171 = vector.multi_reduction <add>, %slice3A_157, %reduce_sum3A_170 [0] : vector<128x64xf32> to vector<64xf32>
    %broadcast_in_dim3A_172 = vector.shape_cast %reduce_sum3A_171 : vector<64xf32> to vector<1x64xf32>
    %add3A_173 = arith.addf %add3A_156, %broadcast_in_dim3A_172 : vector<1x64xf32>
    %slice3A_174 = vector.extract_strided_slice %convert_element_type3A_24 {offsets = [768, 0], sizes = [128, 64], strides = [1, 1]} : vector<2048x64xf32> to vector<128x64xf32>
    %dot_general3A_175 = arith.constant dense<0.000000e+00> : vector<128x128xf32>
    %dot_general3A_176 = tpu.matmul %slice3A_174, %slice3A_174, %dot_general3A_175 {dimension_numbers = #tpu.dot_dimension_numbers<[1], [1], [0], [0], [0, 0, 1, 0], [], []>, transpose_lhs_hint = false} : vector<128x64xf32>, vector<128x64xf32>, vector<128x128xf32> -> vector<128x128xf32>
    %mul3A_177 = arith.mulf %dot_general3A_176, %convert_element_type3A_70 : vector<128x128xf32>
    %reduce_sum3A_178 = arith.constant dense<0.000000e+00> : vector<128xf32>
    %reduce_sum3A_179 = vector.multi_reduction <add>, %mul3A_177, %reduce_sum3A_178 [1] : vector<128x128xf32> to vector<128xf32>
    %broadcast_in_dim3A_180 = vector.shape_cast %reduce_sum3A_179 : vector<128xf32> to vector<128x1xf32>
    %mul3A_181 = vector.broadcast %add3A_173 : vector<1x64xf32> to vector<128x64xf32>
    %mul3A_182 = arith.mulf %slice3A_174, %mul3A_181 : vector<128x64xf32>
    %reduce_sum3A_183 = arith.constant dense<0.000000e+00> : vector<128xf32>
    %reduce_sum3A_184 = vector.multi_reduction <add>, %mul3A_182, %reduce_sum3A_183 [1] : vector<128x64xf32> to vector<128xf32>
    %broadcast_in_dim3A_185 = vector.shape_cast %reduce_sum3A_184 : vector<128xf32> to vector<128x1xf32>
    %add3A_186 = arith.addf %broadcast_in_dim3A_180, %broadcast_in_dim3A_185 : vector<128x1xf32>
    %reduce_sum3A_187 = arith.constant dense<0.000000e+00> : vector<64xf32>
    %reduce_sum3A_188 = vector.multi_reduction <add>, %slice3A_174, %reduce_sum3A_187 [0] : vector<128x64xf32> to vector<64xf32>
    %broadcast_in_dim3A_189 = vector.shape_cast %reduce_sum3A_188 : vector<64xf32> to vector<1x64xf32>
    %add3A_190 = arith.addf %add3A_173, %broadcast_in_dim3A_189 : vector<1x64xf32>
    %slice3A_191 = vector.extract_strided_slice %convert_element_type3A_24 {offsets = [896, 0], sizes = [128, 64], strides = [1, 1]} : vector<2048x64xf32> to vector<128x64xf32>
    %dot_general3A_192 = arith.constant dense<0.000000e+00> : vector<128x128xf32>
    %dot_general3A_193 = tpu.matmul %slice3A_191, %slice3A_191, %dot_general3A_192 {dimension_numbers = #tpu.dot_dimension_numbers<[1], [1], [0], [0], [0, 0, 1, 0], [], []>, transpose_lhs_hint = false} : vector<128x64xf32>, vector<128x64xf32>, vector<128x128xf32> -> vector<128x128xf32>
    %mul3A_194 = arith.mulf %dot_general3A_193, %convert_element_type3A_70 : vector<128x128xf32>
    %reduce_sum3A_195 = arith.constant dense<0.000000e+00> : vector<128xf32>
    %reduce_sum3A_196 = vector.multi_reduction <add>, %mul3A_194, %reduce_sum3A_195 [1] : vector<128x128xf32> to vector<128xf32>
    %broadcast_in_dim3A_197 = vector.shape_cast %reduce_sum3A_196 : vector<128xf32> to vector<128x1xf32>
    %mul3A_198 = vector.broadcast %add3A_190 : vector<1x64xf32> to vector<128x64xf32>
    %mul3A_199 = arith.mulf %slice3A_191, %mul3A_198 : vector<128x64xf32>
    %reduce_sum3A_200 = arith.constant dense<0.000000e+00> : vector<128xf32>
    %reduce_sum3A_201 = vector.multi_reduction <add>, %mul3A_199, %reduce_sum3A_200 [1] : vector<128x64xf32> to vector<128xf32>
    %broadcast_in_dim3A_202 = vector.shape_cast %reduce_sum3A_201 : vector<128xf32> to vector<128x1xf32>
    %add3A_203 = arith.addf %broadcast_in_dim3A_197, %broadcast_in_dim3A_202 : vector<128x1xf32>
    %reduce_sum3A_204 = arith.constant dense<0.000000e+00> : vector<64xf32>
    %reduce_sum3A_205 = vector.multi_reduction <add>, %slice3A_191, %reduce_sum3A_204 [0] : vector<128x64xf32> to vector<64xf32>
    %broadcast_in_dim3A_206 = vector.shape_cast %reduce_sum3A_205 : vector<64xf32> to vector<1x64xf32>
    %add3A_207 = arith.addf %add3A_190, %broadcast_in_dim3A_206 : vector<1x64xf32>
    %slice3A_208 = vector.extract_strided_slice %convert_element_type3A_24 {offsets = [1024, 0], sizes = [128, 64], strides = [1, 1]} : vector<2048x64xf32> to vector<128x64xf32>
    %dot_general3A_209 = arith.constant dense<0.000000e+00> : vector<128x128xf32>
    %dot_general3A_210 = tpu.matmul %slice3A_208, %slice3A_208, %dot_general3A_209 {dimension_numbers = #tpu.dot_dimension_numbers<[1], [1], [0], [0], [0, 0, 1, 0], [], []>, transpose_lhs_hint = false} : vector<128x64xf32>, vector<128x64xf32>, vector<128x128xf32> -> vector<128x128xf32>
    %mul3A_211 = arith.mulf %dot_general3A_210, %convert_element_type3A_70 : vector<128x128xf32>
    %reduce_sum3A_212 = arith.constant dense<0.000000e+00> : vector<128xf32>
    %reduce_sum3A_213 = vector.multi_reduction <add>, %mul3A_211, %reduce_sum3A_212 [1] : vector<128x128xf32> to vector<128xf32>
    %broadcast_in_dim3A_214 = vector.shape_cast %reduce_sum3A_213 : vector<128xf32> to vector<128x1xf32>
    %mul3A_215 = vector.broadcast %add3A_207 : vector<1x64xf32> to vector<128x64xf32>
    %mul3A_216 = arith.mulf %slice3A_208, %mul3A_215 : vector<128x64xf32>
    %reduce_sum3A_217 = arith.constant dense<0.000000e+00> : vector<128xf32>
    %reduce_sum3A_218 = vector.multi_reduction <add>, %mul3A_216, %reduce_sum3A_217 [1] : vector<128x64xf32> to vector<128xf32>
    %broadcast_in_dim3A_219 = vector.shape_cast %reduce_sum3A_218 : vector<128xf32> to vector<128x1xf32>
    %add3A_220 = arith.addf %broadcast_in_dim3A_214, %broadcast_in_dim3A_219 : vector<128x1xf32>
    %reduce_sum3A_221 = arith.constant dense<0.000000e+00> : vector<64xf32>
    %reduce_sum3A_222 = vector.multi_reduction <add>, %slice3A_208, %reduce_sum3A_221 [0] : vector<128x64xf32> to vector<64xf32>
    %broadcast_in_dim3A_223 = vector.shape_cast %reduce_sum3A_222 : vector<64xf32> to vector<1x64xf32>
    %add3A_224 = arith.addf %add3A_207, %broadcast_in_dim3A_223 : vector<1x64xf32>
    %slice3A_225 = vector.extract_strided_slice %convert_element_type3A_24 {offsets = [1152, 0], sizes = [128, 64], strides = [1, 1]} : vector<2048x64xf32> to vector<128x64xf32>
    %dot_general3A_226 = arith.constant dense<0.000000e+00> : vector<128x128xf32>
    %dot_general3A_227 = tpu.matmul %slice3A_225, %slice3A_225, %dot_general3A_226 {dimension_numbers = #tpu.dot_dimension_numbers<[1], [1], [0], [0], [0, 0, 1, 0], [], []>, transpose_lhs_hint = false} : vector<128x64xf32>, vector<128x64xf32>, vector<128x128xf32> -> vector<128x128xf32>
    %mul3A_228 = arith.mulf %dot_general3A_227, %convert_element_type3A_70 : vector<128x128xf32>
    %reduce_sum3A_229 = arith.constant dense<0.000000e+00> : vector<128xf32>
    %reduce_sum3A_230 = vector.multi_reduction <add>, %mul3A_228, %reduce_sum3A_229 [1] : vector<128x128xf32> to vector<128xf32>
    %broadcast_in_dim3A_231 = vector.shape_cast %reduce_sum3A_230 : vector<128xf32> to vector<128x1xf32>
    %mul3A_232 = vector.broadcast %add3A_224 : vector<1x64xf32> to vector<128x64xf32>
    %mul3A_233 = arith.mulf %slice3A_225, %mul3A_232 : vector<128x64xf32>
    %reduce_sum3A_234 = arith.constant dense<0.000000e+00> : vector<128xf32>
    %reduce_sum3A_235 = vector.multi_reduction <add>, %mul3A_233, %reduce_sum3A_234 [1] : vector<128x64xf32> to vector<128xf32>
    %broadcast_in_dim3A_236 = vector.shape_cast %reduce_sum3A_235 : vector<128xf32> to vector<128x1xf32>
    %add3A_237 = arith.addf %broadcast_in_dim3A_231, %broadcast_in_dim3A_236 : vector<128x1xf32>
    %reduce_sum3A_238 = arith.constant dense<0.000000e+00> : vector<64xf32>
    %reduce_sum3A_239 = vector.multi_reduction <add>, %slice3A_225, %reduce_sum3A_238 [0] : vector<128x64xf32> to vector<64xf32>
    %broadcast_in_dim3A_240 = vector.shape_cast %reduce_sum3A_239 : vector<64xf32> to vector<1x64xf32>
    %add3A_241 = arith.addf %add3A_224, %broadcast_in_dim3A_240 : vector<1x64xf32>
    %slice3A_242 = vector.extract_strided_slice %convert_element_type3A_24 {offsets = [1280, 0], sizes = [128, 64], strides = [1, 1]} : vector<2048x64xf32> to vector<128x64xf32>
    %dot_general3A_243 = arith.constant dense<0.000000e+00> : vector<128x128xf32>
    %dot_general3A_244 = tpu.matmul %slice3A_242, %slice3A_242, %dot_general3A_243 {dimension_numbers = #tpu.dot_dimension_numbers<[1], [1], [0], [0], [0, 0, 1, 0], [], []>, transpose_lhs_hint = false} : vector<128x64xf32>, vector<128x64xf32>, vector<128x128xf32> -> vector<128x128xf32>
    %mul3A_245 = arith.mulf %dot_general3A_244, %convert_element_type3A_70 : vector<128x128xf32>
    %reduce_sum3A_246 = arith.constant dense<0.000000e+00> : vector<128xf32>
    %reduce_sum3A_247 = vector.multi_reduction <add>, %mul3A_245, %reduce_sum3A_246 [1] : vector<128x128xf32> to vector<128xf32>
    %broadcast_in_dim3A_248 = vector.shape_cast %reduce_sum3A_247 : vector<128xf32> to vector<128x1xf32>
    %mul3A_249 = vector.broadcast %add3A_241 : vector<1x64xf32> to vector<128x64xf32>
    %mul3A_250 = arith.mulf %slice3A_242, %mul3A_249 : vector<128x64xf32>
    %reduce_sum3A_251 = arith.constant dense<0.000000e+00> : vector<128xf32>
    %reduce_sum3A_252 = vector.multi_reduction <add>, %mul3A_250, %reduce_sum3A_251 [1] : vector<128x64xf32> to vector<128xf32>
    %broadcast_in_dim3A_253 = vector.shape_cast %reduce_sum3A_252 : vector<128xf32> to vector<128x1xf32>
    %add3A_254 = arith.addf %broadcast_in_dim3A_248, %broadcast_in_dim3A_253 : vector<128x1xf32>
    %reduce_sum3A_255 = arith.constant dense<0.000000e+00> : vector<64xf32>
    %reduce_sum3A_256 = vector.multi_reduction <add>, %slice3A_242, %reduce_sum3A_255 [0] : vector<128x64xf32> to vector<64xf32>
    %broadcast_in_dim3A_257 = vector.shape_cast %reduce_sum3A_256 : vector<64xf32> to vector<1x64xf32>
    %add3A_258 = arith.addf %add3A_241, %broadcast_in_dim3A_257 : vector<1x64xf32>
    %slice3A_259 = vector.extract_strided_slice %convert_element_type3A_24 {offsets = [1408, 0], sizes = [128, 64], strides = [1, 1]} : vector<2048x64xf32> to vector<128x64xf32>
    %dot_general3A_260 = arith.constant dense<0.000000e+00> : vector<128x128xf32>
    %dot_general3A_261 = tpu.matmul %slice3A_259, %slice3A_259, %dot_general3A_260 {dimension_numbers = #tpu.dot_dimension_numbers<[1], [1], [0], [0], [0, 0, 1, 0], [], []>, transpose_lhs_hint = false} : vector<128x64xf32>, vector<128x64xf32>, vector<128x128xf32> -> vector<128x128xf32>
    %mul3A_262 = arith.mulf %dot_general3A_261, %convert_element_type3A_70 : vector<128x128xf32>
    %reduce_sum3A_263 = arith.constant dense<0.000000e+00> : vector<128xf32>
    %reduce_sum3A_264 = vector.multi_reduction <add>, %mul3A_262, %reduce_sum3A_263 [1] : vector<128x128xf32> to vector<128xf32>
    %broadcast_in_dim3A_265 = vector.shape_cast %reduce_sum3A_264 : vector<128xf32> to vector<128x1xf32>
    %mul3A_266 = vector.broadcast %add3A_258 : vector<1x64xf32> to vector<128x64xf32>
    %mul3A_267 = arith.mulf %slice3A_259, %mul3A_266 : vector<128x64xf32>
    %reduce_sum3A_268 = arith.constant dense<0.000000e+00> : vector<128xf32>
    %reduce_sum3A_269 = vector.multi_reduction <add>, %mul3A_267, %reduce_sum3A_268 [1] : vector<128x64xf32> to vector<128xf32>
    %broadcast_in_dim3A_270 = vector.shape_cast %reduce_sum3A_269 : vector<128xf32> to vector<128x1xf32>
    %add3A_271 = arith.addf %broadcast_in_dim3A_265, %broadcast_in_dim3A_270 : vector<128x1xf32>
    %reduce_sum3A_272 = arith.constant dense<0.000000e+00> : vector<64xf32>
    %reduce_sum3A_273 = vector.multi_reduction <add>, %slice3A_259, %reduce_sum3A_272 [0] : vector<128x64xf32> to vector<64xf32>
    %broadcast_in_dim3A_274 = vector.shape_cast %reduce_sum3A_273 : vector<64xf32> to vector<1x64xf32>
    %add3A_275 = arith.addf %add3A_258, %broadcast_in_dim3A_274 : vector<1x64xf32>
    %slice3A_276 = vector.extract_strided_slice %convert_element_type3A_24 {offsets = [1536, 0], sizes = [128, 64], strides = [1, 1]} : vector<2048x64xf32> to vector<128x64xf32>
    %dot_general3A_277 = arith.constant dense<0.000000e+00> : vector<128x128xf32>
    %dot_general3A_278 = tpu.matmul %slice3A_276, %slice3A_276, %dot_general3A_277 {dimension_numbers = #tpu.dot_dimension_numbers<[1], [1], [0], [0], [0, 0, 1, 0], [], []>, transpose_lhs_hint = false} : vector<128x64xf32>, vector<128x64xf32>, vector<128x128xf32> -> vector<128x128xf32>
    %mul3A_279 = arith.mulf %dot_general3A_278, %convert_element_type3A_70 : vector<128x128xf32>
    %reduce_sum3A_280 = arith.constant dense<0.000000e+00> : vector<128xf32>
    %reduce_sum3A_281 = vector.multi_reduction <add>, %mul3A_279, %reduce_sum3A_280 [1] : vector<128x128xf32> to vector<128xf32>
    %broadcast_in_dim3A_282 = vector.shape_cast %reduce_sum3A_281 : vector<128xf32> to vector<128x1xf32>
    %mul3A_283 = vector.broadcast %add3A_275 : vector<1x64xf32> to vector<128x64xf32>
    %mul3A_284 = arith.mulf %slice3A_276, %mul3A_283 : vector<128x64xf32>
    %reduce_sum3A_285 = arith.constant dense<0.000000e+00> : vector<128xf32>
    %reduce_sum3A_286 = vector.multi_reduction <add>, %mul3A_284, %reduce_sum3A_285 [1] : vector<128x64xf32> to vector<128xf32>
    %broadcast_in_dim3A_287 = vector.shape_cast %reduce_sum3A_286 : vector<128xf32> to vector<128x1xf32>
    %add3A_288 = arith.addf %broadcast_in_dim3A_282, %broadcast_in_dim3A_287 : vector<128x1xf32>
    %reduce_sum3A_289 = arith.constant dense<0.000000e+00> : vector<64xf32>
    %reduce_sum3A_290 = vector.multi_reduction <add>, %slice3A_276, %reduce_sum3A_289 [0] : vector<128x64xf32> to vector<64xf32>
    %broadcast_in_dim3A_291 = vector.shape_cast %reduce_sum3A_290 : vector<64xf32> to vector<1x64xf32>
    %add3A_292 = arith.addf %add3A_275, %broadcast_in_dim3A_291 : vector<1x64xf32>
    %slice3A_293 = vector.extract_strided_slice %convert_element_type3A_24 {offsets = [1664, 0], sizes = [128, 64], strides = [1, 1]} : vector<2048x64xf32> to vector<128x64xf32>
    %dot_general3A_294 = arith.constant dense<0.000000e+00> : vector<128x128xf32>
    %dot_general3A_295 = tpu.matmul %slice3A_293, %slice3A_293, %dot_general3A_294 {dimension_numbers = #tpu.dot_dimension_numbers<[1], [1], [0], [0], [0, 0, 1, 0], [], []>, transpose_lhs_hint = false} : vector<128x64xf32>, vector<128x64xf32>, vector<128x128xf32> -> vector<128x128xf32>
    %mul3A_296 = arith.mulf %dot_general3A_295, %convert_element_type3A_70 : vector<128x128xf32>
    %reduce_sum3A_297 = arith.constant dense<0.000000e+00> : vector<128xf32>
    %reduce_sum3A_298 = vector.multi_reduction <add>, %mul3A_296, %reduce_sum3A_297 [1] : vector<128x128xf32> to vector<128xf32>
    %broadcast_in_dim3A_299 = vector.shape_cast %reduce_sum3A_298 : vector<128xf32> to vector<128x1xf32>
    %mul3A_300 = vector.broadcast %add3A_292 : vector<1x64xf32> to vector<128x64xf32>
    %mul3A_301 = arith.mulf %slice3A_293, %mul3A_300 : vector<128x64xf32>
    %reduce_sum3A_302 = arith.constant dense<0.000000e+00> : vector<128xf32>
    %reduce_sum3A_303 = vector.multi_reduction <add>, %mul3A_301, %reduce_sum3A_302 [1] : vector<128x64xf32> to vector<128xf32>
    %broadcast_in_dim3A_304 = vector.shape_cast %reduce_sum3A_303 : vector<128xf32> to vector<128x1xf32>
    %add3A_305 = arith.addf %broadcast_in_dim3A_299, %broadcast_in_dim3A_304 : vector<128x1xf32>
    %reduce_sum3A_306 = arith.constant dense<0.000000e+00> : vector<64xf32>
    %reduce_sum3A_307 = vector.multi_reduction <add>, %slice3A_293, %reduce_sum3A_306 [0] : vector<128x64xf32> to vector<64xf32>
    %broadcast_in_dim3A_308 = vector.shape_cast %reduce_sum3A_307 : vector<64xf32> to vector<1x64xf32>
    %add3A_309 = arith.addf %add3A_292, %broadcast_in_dim3A_308 : vector<1x64xf32>
    %slice3A_310 = vector.extract_strided_slice %convert_element_type3A_24 {offsets = [1792, 0], sizes = [128, 64], strides = [1, 1]} : vector<2048x64xf32> to vector<128x64xf32>
    %dot_general3A_311 = arith.constant dense<0.000000e+00> : vector<128x128xf32>
    %dot_general3A_312 = tpu.matmul %slice3A_310, %slice3A_310, %dot_general3A_311 {dimension_numbers = #tpu.dot_dimension_numbers<[1], [1], [0], [0], [0, 0, 1, 0], [], []>, transpose_lhs_hint = false} : vector<128x64xf32>, vector<128x64xf32>, vector<128x128xf32> -> vector<128x128xf32>
    %mul3A_313 = arith.mulf %dot_general3A_312, %convert_element_type3A_70 : vector<128x128xf32>
    %reduce_sum3A_314 = arith.constant dense<0.000000e+00> : vector<128xf32>
    %reduce_sum3A_315 = vector.multi_reduction <add>, %mul3A_313, %reduce_sum3A_314 [1] : vector<128x128xf32> to vector<128xf32>
    %broadcast_in_dim3A_316 = vector.shape_cast %reduce_sum3A_315 : vector<128xf32> to vector<128x1xf32>
    %mul3A_317 = vector.broadcast %add3A_309 : vector<1x64xf32> to vector<128x64xf32>
    %mul3A_318 = arith.mulf %slice3A_310, %mul3A_317 : vector<128x64xf32>
    %reduce_sum3A_319 = arith.constant dense<0.000000e+00> : vector<128xf32>
    %reduce_sum3A_320 = vector.multi_reduction <add>, %mul3A_318, %reduce_sum3A_319 [1] : vector<128x64xf32> to vector<128xf32>
    %broadcast_in_dim3A_321 = vector.shape_cast %reduce_sum3A_320 : vector<128xf32> to vector<128x1xf32>
    %add3A_322 = arith.addf %broadcast_in_dim3A_316, %broadcast_in_dim3A_321 : vector<128x1xf32>
    %reduce_sum3A_323 = arith.constant dense<0.000000e+00> : vector<64xf32>
    %reduce_sum3A_324 = vector.multi_reduction <add>, %slice3A_310, %reduce_sum3A_323 [0] : vector<128x64xf32> to vector<64xf32>
    %broadcast_in_dim3A_325 = vector.shape_cast %reduce_sum3A_324 : vector<64xf32> to vector<1x64xf32>
    %add3A_326 = arith.addf %add3A_309, %broadcast_in_dim3A_325 : vector<1x64xf32>
    %slice3A_327 = vector.extract_strided_slice %convert_element_type3A_24 {offsets = [1920, 0], sizes = [128, 64], strides = [1, 1]} : vector<2048x64xf32> to vector<128x64xf32>
    %dot_general3A_328 = arith.constant dense<0.000000e+00> : vector<128x128xf32>
    %dot_general3A_329 = tpu.matmul %slice3A_327, %slice3A_327, %dot_general3A_328 {dimension_numbers = #tpu.dot_dimension_numbers<[1], [1], [0], [0], [0, 0, 1, 0], [], []>, transpose_lhs_hint = false} : vector<128x64xf32>, vector<128x64xf32>, vector<128x128xf32> -> vector<128x128xf32>
    %mul3A_330 = arith.mulf %dot_general3A_329, %convert_element_type3A_70 : vector<128x128xf32>
    %reduce_sum3A_331 = arith.constant dense<0.000000e+00> : vector<128xf32>
    %reduce_sum3A_332 = vector.multi_reduction <add>, %mul3A_330, %reduce_sum3A_331 [1] : vector<128x128xf32> to vector<128xf32>
    %broadcast_in_dim3A_333 = vector.shape_cast %reduce_sum3A_332 : vector<128xf32> to vector<128x1xf32>
    %mul3A_334 = vector.broadcast %add3A_326 : vector<1x64xf32> to vector<128x64xf32>
    %mul3A_335 = arith.mulf %slice3A_327, %mul3A_334 : vector<128x64xf32>
    %reduce_sum3A_336 = arith.constant dense<0.000000e+00> : vector<128xf32>
    %reduce_sum3A_337 = vector.multi_reduction <add>, %mul3A_335, %reduce_sum3A_336 [1] : vector<128x64xf32> to vector<128xf32>
    %broadcast_in_dim3A_338 = vector.shape_cast %reduce_sum3A_337 : vector<128xf32> to vector<128x1xf32>
    %add3A_339 = arith.addf %broadcast_in_dim3A_333, %broadcast_in_dim3A_338 : vector<128x1xf32>
    %reduce_sum3A_340 = arith.constant dense<0.000000e+00> : vector<64xf32>
    %reduce_sum3A_341 = vector.multi_reduction <add>, %slice3A_327, %reduce_sum3A_340 [0] : vector<128x64xf32> to vector<64xf32>
    %broadcast_in_dim3A_342 = vector.shape_cast %reduce_sum3A_341 : vector<64xf32> to vector<1x64xf32>
    %add3A_343 = arith.addf %add3A_326, %broadcast_in_dim3A_342 : vector<1x64xf32>
    %concatenate3A = tpu.concatenate %add3A_84, %add3A_101, %add3A_118, %add3A_135, %add3A_152, %add3A_169, %add3A_186, %add3A_203, %add3A_220, %add3A_237, %add3A_254, %add3A_271, %add3A_288, %add3A_305, %add3A_322, %add3A_339 in 0 : vector<128x1xf32>, vector<128x1xf32>, vector<128x1xf32>, vector<128x1xf32>, vector<128x1xf32>, vector<128x1xf32>, vector<128x1xf32>, vector<128x1xf32>, vector<128x1xf32>, vector<128x1xf32>, vector<128x1xf32>, vector<128x1xf32>, vector<128x1xf32>, vector<128x1xf32>, vector<128x1xf32>, vector<128x1xf32> -> vector<2048x1xf32>
    %slice3A_344 = vector.extract_strided_slice %convert_element_type3A_44 {offsets = [0, 0], sizes = [128, 64], strides = [1, 1]} : vector<2048x64xf32> to vector<128x64xf32>
    %dot_general3A_345 = arith.constant dense<0.000000e+00> : vector<128x128xf32>
    %dot_general3A_346 = tpu.matmul %slice3A_344, %slice3A_344, %dot_general3A_345 {dimension_numbers = #tpu.dot_dimension_numbers<[1], [1], [0], [0], [0, 0, 1, 0], [], []>, transpose_lhs_hint = false} : vector<128x64xf32>, vector<128x64xf32>, vector<128x128xf32> -> vector<128x128xf32>
    %mul3A_347 = arith.mulf %dot_general3A_346, %convert_element_type3A_70 : vector<128x128xf32>
    %reduce_sum3A_348 = arith.constant dense<0.000000e+00> : vector<128xf32>
    %reduce_sum3A_349 = vector.multi_reduction <add>, %mul3A_347, %reduce_sum3A_348 [1] : vector<128x128xf32> to vector<128xf32>
    %broadcast_in_dim3A_350 = vector.shape_cast %reduce_sum3A_349 : vector<128xf32> to vector<128x1xf32>
    %mul3A_351 = vector.broadcast %add3A_343 : vector<1x64xf32> to vector<128x64xf32>
    %mul3A_352 = arith.mulf %slice3A_344, %mul3A_351 : vector<128x64xf32>
    %reduce_sum3A_353 = arith.constant dense<0.000000e+00> : vector<128xf32>
    %reduce_sum3A_354 = vector.multi_reduction <add>, %mul3A_352, %reduce_sum3A_353 [1] : vector<128x64xf32> to vector<128xf32>
    %broadcast_in_dim3A_355 = vector.shape_cast %reduce_sum3A_354 : vector<128xf32> to vector<128x1xf32>
    %add3A_356 = arith.addf %broadcast_in_dim3A_350, %broadcast_in_dim3A_355 : vector<128x1xf32>
    %reduce_sum3A_357 = arith.constant dense<0.000000e+00> : vector<64xf32>
    %reduce_sum3A_358 = vector.multi_reduction <add>, %slice3A_344, %reduce_sum3A_357 [0] : vector<128x64xf32> to vector<64xf32>
    %broadcast_in_dim3A_359 = vector.shape_cast %reduce_sum3A_358 : vector<64xf32> to vector<1x64xf32>
    %add3A_360 = arith.addf %add3A_343, %broadcast_in_dim3A_359 : vector<1x64xf32>
    %slice3A_361 = vector.extract_strided_slice %convert_element_type3A_44 {offsets = [128, 0], sizes = [128, 64], strides = [1, 1]} : vector<2048x64xf32> to vector<128x64xf32>
    %dot_general3A_362 = arith.constant dense<0.000000e+00> : vector<128x128xf32>
    %dot_general3A_363 = tpu.matmul %slice3A_361, %slice3A_361, %dot_general3A_362 {dimension_numbers = #tpu.dot_dimension_numbers<[1], [1], [0], [0], [0, 0, 1, 0], [], []>, transpose_lhs_hint = false} : vector<128x64xf32>, vector<128x64xf32>, vector<128x128xf32> -> vector<128x128xf32>
    %mul3A_364 = arith.mulf %dot_general3A_363, %convert_element_type3A_70 : vector<128x128xf32>
    %reduce_sum3A_365 = arith.constant dense<0.000000e+00> : vector<128xf32>
    %reduce_sum3A_366 = vector.multi_reduction <add>, %mul3A_364, %reduce_sum3A_365 [1] : vector<128x128xf32> to vector<128xf32>
    %broadcast_in_dim3A_367 = vector.shape_cast %reduce_sum3A_366 : vector<128xf32> to vector<128x1xf32>
    %mul3A_368 = vector.broadcast %add3A_360 : vector<1x64xf32> to vector<128x64xf32>
    %mul3A_369 = arith.mulf %slice3A_361, %mul3A_368 : vector<128x64xf32>
    %reduce_sum3A_370 = arith.constant dense<0.000000e+00> : vector<128xf32>
    %reduce_sum3A_371 = vector.multi_reduction <add>, %mul3A_369, %reduce_sum3A_370 [1] : vector<128x64xf32> to vector<128xf32>
    %broadcast_in_dim3A_372 = vector.shape_cast %reduce_sum3A_371 : vector<128xf32> to vector<128x1xf32>
    %add3A_373 = arith.addf %broadcast_in_dim3A_367, %broadcast_in_dim3A_372 : vector<128x1xf32>
    %reduce_sum3A_374 = arith.constant dense<0.000000e+00> : vector<64xf32>
    %reduce_sum3A_375 = vector.multi_reduction <add>, %slice3A_361, %reduce_sum3A_374 [0] : vector<128x64xf32> to vector<64xf32>
    %broadcast_in_dim3A_376 = vector.shape_cast %reduce_sum3A_375 : vector<64xf32> to vector<1x64xf32>
    %add3A_377 = arith.addf %add3A_360, %broadcast_in_dim3A_376 : vector<1x64xf32>
    %slice3A_378 = vector.extract_strided_slice %convert_element_type3A_44 {offsets = [256, 0], sizes = [128, 64], strides = [1, 1]} : vector<2048x64xf32> to vector<128x64xf32>
    %dot_general3A_379 = arith.constant dense<0.000000e+00> : vector<128x128xf32>
    %dot_general3A_380 = tpu.matmul %slice3A_378, %slice3A_378, %dot_general3A_379 {dimension_numbers = #tpu.dot_dimension_numbers<[1], [1], [0], [0], [0, 0, 1, 0], [], []>, transpose_lhs_hint = false} : vector<128x64xf32>, vector<128x64xf32>, vector<128x128xf32> -> vector<128x128xf32>
    %mul3A_381 = arith.mulf %dot_general3A_380, %convert_element_type3A_70 : vector<128x128xf32>
    %reduce_sum3A_382 = arith.constant dense<0.000000e+00> : vector<128xf32>
    %reduce_sum3A_383 = vector.multi_reduction <add>, %mul3A_381, %reduce_sum3A_382 [1] : vector<128x128xf32> to vector<128xf32>
    %broadcast_in_dim3A_384 = vector.shape_cast %reduce_sum3A_383 : vector<128xf32> to vector<128x1xf32>
    %mul3A_385 = vector.broadcast %add3A_377 : vector<1x64xf32> to vector<128x64xf32>
    %mul3A_386 = arith.mulf %slice3A_378, %mul3A_385 : vector<128x64xf32>
    %reduce_sum3A_387 = arith.constant dense<0.000000e+00> : vector<128xf32>
    %reduce_sum3A_388 = vector.multi_reduction <add>, %mul3A_386, %reduce_sum3A_387 [1] : vector<128x64xf32> to vector<128xf32>
    %broadcast_in_dim3A_389 = vector.shape_cast %reduce_sum3A_388 : vector<128xf32> to vector<128x1xf32>
    %add3A_390 = arith.addf %broadcast_in_dim3A_384, %broadcast_in_dim3A_389 : vector<128x1xf32>
    %reduce_sum3A_391 = arith.constant dense<0.000000e+00> : vector<64xf32>
    %reduce_sum3A_392 = vector.multi_reduction <add>, %slice3A_378, %reduce_sum3A_391 [0] : vector<128x64xf32> to vector<64xf32>
    %broadcast_in_dim3A_393 = vector.shape_cast %reduce_sum3A_392 : vector<64xf32> to vector<1x64xf32>
    %add3A_394 = arith.addf %add3A_377, %broadcast_in_dim3A_393 : vector<1x64xf32>
    %slice3A_395 = vector.extract_strided_slice %convert_element_type3A_44 {offsets = [384, 0], sizes = [128, 64], strides = [1, 1]} : vector<2048x64xf32> to vector<128x64xf32>
    %dot_general3A_396 = arith.constant dense<0.000000e+00> : vector<128x128xf32>
    %dot_general3A_397 = tpu.matmul %slice3A_395, %slice3A_395, %dot_general3A_396 {dimension_numbers = #tpu.dot_dimension_numbers<[1], [1], [0], [0], [0, 0, 1, 0], [], []>, transpose_lhs_hint = false} : vector<128x64xf32>, vector<128x64xf32>, vector<128x128xf32> -> vector<128x128xf32>
    %mul3A_398 = arith.mulf %dot_general3A_397, %convert_element_type3A_70 : vector<128x128xf32>
    %reduce_sum3A_399 = arith.constant dense<0.000000e+00> : vector<128xf32>
    %reduce_sum3A_400 = vector.multi_reduction <add>, %mul3A_398, %reduce_sum3A_399 [1] : vector<128x128xf32> to vector<128xf32>
    %broadcast_in_dim3A_401 = vector.shape_cast %reduce_sum3A_400 : vector<128xf32> to vector<128x1xf32>
    %mul3A_402 = vector.broadcast %add3A_394 : vector<1x64xf32> to vector<128x64xf32>
    %mul3A_403 = arith.mulf %slice3A_395, %mul3A_402 : vector<128x64xf32>
    %reduce_sum3A_404 = arith.constant dense<0.000000e+00> : vector<128xf32>
    %reduce_sum3A_405 = vector.multi_reduction <add>, %mul3A_403, %reduce_sum3A_404 [1] : vector<128x64xf32> to vector<128xf32>
    %broadcast_in_dim3A_406 = vector.shape_cast %reduce_sum3A_405 : vector<128xf32> to vector<128x1xf32>
    %add3A_407 = arith.addf %broadcast_in_dim3A_401, %broadcast_in_dim3A_406 : vector<128x1xf32>
    %reduce_sum3A_408 = arith.constant dense<0.000000e+00> : vector<64xf32>
    %reduce_sum3A_409 = vector.multi_reduction <add>, %slice3A_395, %reduce_sum3A_408 [0] : vector<128x64xf32> to vector<64xf32>
    %broadcast_in_dim3A_410 = vector.shape_cast %reduce_sum3A_409 : vector<64xf32> to vector<1x64xf32>
    %add3A_411 = arith.addf %add3A_394, %broadcast_in_dim3A_410 : vector<1x64xf32>
    %slice3A_412 = vector.extract_strided_slice %convert_element_type3A_44 {offsets = [512, 0], sizes = [128, 64], strides = [1, 1]} : vector<2048x64xf32> to vector<128x64xf32>
    %dot_general3A_413 = arith.constant dense<0.000000e+00> : vector<128x128xf32>
    %dot_general3A_414 = tpu.matmul %slice3A_412, %slice3A_412, %dot_general3A_413 {dimension_numbers = #tpu.dot_dimension_numbers<[1], [1], [0], [0], [0, 0, 1, 0], [], []>, transpose_lhs_hint = false} : vector<128x64xf32>, vector<128x64xf32>, vector<128x128xf32> -> vector<128x128xf32>
    %mul3A_415 = arith.mulf %dot_general3A_414, %convert_element_type3A_70 : vector<128x128xf32>
    %reduce_sum3A_416 = arith.constant dense<0.000000e+00> : vector<128xf32>
    %reduce_sum3A_417 = vector.multi_reduction <add>, %mul3A_415, %reduce_sum3A_416 [1] : vector<128x128xf32> to vector<128xf32>
    %broadcast_in_dim3A_418 = vector.shape_cast %reduce_sum3A_417 : vector<128xf32> to vector<128x1xf32>
    %mul3A_419 = vector.broadcast %add3A_411 : vector<1x64xf32> to vector<128x64xf32>
    %mul3A_420 = arith.mulf %slice3A_412, %mul3A_419 : vector<128x64xf32>
    %reduce_sum3A_421 = arith.constant dense<0.000000e+00> : vector<128xf32>
    %reduce_sum3A_422 = vector.multi_reduction <add>, %mul3A_420, %reduce_sum3A_421 [1] : vector<128x64xf32> to vector<128xf32>
    %broadcast_in_dim3A_423 = vector.shape_cast %reduce_sum3A_422 : vector<128xf32> to vector<128x1xf32>
    %add3A_424 = arith.addf %broadcast_in_dim3A_418, %broadcast_in_dim3A_423 : vector<128x1xf32>
    %reduce_sum3A_425 = arith.constant dense<0.000000e+00> : vector<64xf32>
    %reduce_sum3A_426 = vector.multi_reduction <add>, %slice3A_412, %reduce_sum3A_425 [0] : vector<128x64xf32> to vector<64xf32>
    %broadcast_in_dim3A_427 = vector.shape_cast %reduce_sum3A_426 : vector<64xf32> to vector<1x64xf32>
    %add3A_428 = arith.addf %add3A_411, %broadcast_in_dim3A_427 : vector<1x64xf32>
    %slice3A_429 = vector.extract_strided_slice %convert_element_type3A_44 {offsets = [640, 0], sizes = [128, 64], strides = [1, 1]} : vector<2048x64xf32> to vector<128x64xf32>
    %dot_general3A_430 = arith.constant dense<0.000000e+00> : vector<128x128xf32>
    %dot_general3A_431 = tpu.matmul %slice3A_429, %slice3A_429, %dot_general3A_430 {dimension_numbers = #tpu.dot_dimension_numbers<[1], [1], [0], [0], [0, 0, 1, 0], [], []>, transpose_lhs_hint = false} : vector<128x64xf32>, vector<128x64xf32>, vector<128x128xf32> -> vector<128x128xf32>
    %mul3A_432 = arith.mulf %dot_general3A_431, %convert_element_type3A_70 : vector<128x128xf32>
    %reduce_sum3A_433 = arith.constant dense<0.000000e+00> : vector<128xf32>
    %reduce_sum3A_434 = vector.multi_reduction <add>, %mul3A_432, %reduce_sum3A_433 [1] : vector<128x128xf32> to vector<128xf32>
    %broadcast_in_dim3A_435 = vector.shape_cast %reduce_sum3A_434 : vector<128xf32> to vector<128x1xf32>
    %mul3A_436 = vector.broadcast %add3A_428 : vector<1x64xf32> to vector<128x64xf32>
    %mul3A_437 = arith.mulf %slice3A_429, %mul3A_436 : vector<128x64xf32>
    %reduce_sum3A_438 = arith.constant dense<0.000000e+00> : vector<128xf32>
    %reduce_sum3A_439 = vector.multi_reduction <add>, %mul3A_437, %reduce_sum3A_438 [1] : vector<128x64xf32> to vector<128xf32>
    %broadcast_in_dim3A_440 = vector.shape_cast %reduce_sum3A_439 : vector<128xf32> to vector<128x1xf32>
    %add3A_441 = arith.addf %broadcast_in_dim3A_435, %broadcast_in_dim3A_440 : vector<128x1xf32>
    %reduce_sum3A_442 = arith.constant dense<0.000000e+00> : vector<64xf32>
    %reduce_sum3A_443 = vector.multi_reduction <add>, %slice3A_429, %reduce_sum3A_442 [0] : vector<128x64xf32> to vector<64xf32>
    %broadcast_in_dim3A_444 = vector.shape_cast %reduce_sum3A_443 : vector<64xf32> to vector<1x64xf32>
    %add3A_445 = arith.addf %add3A_428, %broadcast_in_dim3A_444 : vector<1x64xf32>
    %slice3A_446 = vector.extract_strided_slice %convert_element_type3A_44 {offsets = [768, 0], sizes = [128, 64], strides = [1, 1]} : vector<2048x64xf32> to vector<128x64xf32>
    %dot_general3A_447 = arith.constant dense<0.000000e+00> : vector<128x128xf32>
    %dot_general3A_448 = tpu.matmul %slice3A_446, %slice3A_446, %dot_general3A_447 {dimension_numbers = #tpu.dot_dimension_numbers<[1], [1], [0], [0], [0, 0, 1, 0], [], []>, transpose_lhs_hint = false} : vector<128x64xf32>, vector<128x64xf32>, vector<128x128xf32> -> vector<128x128xf32>
    %mul3A_449 = arith.mulf %dot_general3A_448, %convert_element_type3A_70 : vector<128x128xf32>
    %reduce_sum3A_450 = arith.constant dense<0.000000e+00> : vector<128xf32>
    %reduce_sum3A_451 = vector.multi_reduction <add>, %mul3A_449, %reduce_sum3A_450 [1] : vector<128x128xf32> to vector<128xf32>
    %broadcast_in_dim3A_452 = vector.shape_cast %reduce_sum3A_451 : vector<128xf32> to vector<128x1xf32>
    %mul3A_453 = vector.broadcast %add3A_445 : vector<1x64xf32> to vector<128x64xf32>
    %mul3A_454 = arith.mulf %slice3A_446, %mul3A_453 : vector<128x64xf32>
    %reduce_sum3A_455 = arith.constant dense<0.000000e+00> : vector<128xf32>
    %reduce_sum3A_456 = vector.multi_reduction <add>, %mul3A_454, %reduce_sum3A_455 [1] : vector<128x64xf32> to vector<128xf32>
    %broadcast_in_dim3A_457 = vector.shape_cast %reduce_sum3A_456 : vector<128xf32> to vector<128x1xf32>
    %add3A_458 = arith.addf %broadcast_in_dim3A_452, %broadcast_in_dim3A_457 : vector<128x1xf32>
    %reduce_sum3A_459 = arith.constant dense<0.000000e+00> : vector<64xf32>
    %reduce_sum3A_460 = vector.multi_reduction <add>, %slice3A_446, %reduce_sum3A_459 [0] : vector<128x64xf32> to vector<64xf32>
    %broadcast_in_dim3A_461 = vector.shape_cast %reduce_sum3A_460 : vector<64xf32> to vector<1x64xf32>
    %add3A_462 = arith.addf %add3A_445, %broadcast_in_dim3A_461 : vector<1x64xf32>
    %slice3A_463 = vector.extract_strided_slice %convert_element_type3A_44 {offsets = [896, 0], sizes = [128, 64], strides = [1, 1]} : vector<2048x64xf32> to vector<128x64xf32>
    %dot_general3A_464 = arith.constant dense<0.000000e+00> : vector<128x128xf32>
    %dot_general3A_465 = tpu.matmul %slice3A_463, %slice3A_463, %dot_general3A_464 {dimension_numbers = #tpu.dot_dimension_numbers<[1], [1], [0], [0], [0, 0, 1, 0], [], []>, transpose_lhs_hint = false} : vector<128x64xf32>, vector<128x64xf32>, vector<128x128xf32> -> vector<128x128xf32>
    %mul3A_466 = arith.mulf %dot_general3A_465, %convert_element_type3A_70 : vector<128x128xf32>
    %reduce_sum3A_467 = arith.constant dense<0.000000e+00> : vector<128xf32>
    %reduce_sum3A_468 = vector.multi_reduction <add>, %mul3A_466, %reduce_sum3A_467 [1] : vector<128x128xf32> to vector<128xf32>
    %broadcast_in_dim3A_469 = vector.shape_cast %reduce_sum3A_468 : vector<128xf32> to vector<128x1xf32>
    %mul3A_470 = vector.broadcast %add3A_462 : vector<1x64xf32> to vector<128x64xf32>
    %mul3A_471 = arith.mulf %slice3A_463, %mul3A_470 : vector<128x64xf32>
    %reduce_sum3A_472 = arith.constant dense<0.000000e+00> : vector<128xf32>
    %reduce_sum3A_473 = vector.multi_reduction <add>, %mul3A_471, %reduce_sum3A_472 [1] : vector<128x64xf32> to vector<128xf32>
    %broadcast_in_dim3A_474 = vector.shape_cast %reduce_sum3A_473 : vector<128xf32> to vector<128x1xf32>
    %add3A_475 = arith.addf %broadcast_in_dim3A_469, %broadcast_in_dim3A_474 : vector<128x1xf32>
    %reduce_sum3A_476 = arith.constant dense<0.000000e+00> : vector<64xf32>
    %reduce_sum3A_477 = vector.multi_reduction <add>, %slice3A_463, %reduce_sum3A_476 [0] : vector<128x64xf32> to vector<64xf32>
    %broadcast_in_dim3A_478 = vector.shape_cast %reduce_sum3A_477 : vector<64xf32> to vector<1x64xf32>
    %add3A_479 = arith.addf %add3A_462, %broadcast_in_dim3A_478 : vector<1x64xf32>
    %slice3A_480 = vector.extract_strided_slice %convert_element_type3A_44 {offsets = [1024, 0], sizes = [128, 64], strides = [1, 1]} : vector<2048x64xf32> to vector<128x64xf32>
    %dot_general3A_481 = arith.constant dense<0.000000e+00> : vector<128x128xf32>
    %dot_general3A_482 = tpu.matmul %slice3A_480, %slice3A_480, %dot_general3A_481 {dimension_numbers = #tpu.dot_dimension_numbers<[1], [1], [0], [0], [0, 0, 1, 0], [], []>, transpose_lhs_hint = false} : vector<128x64xf32>, vector<128x64xf32>, vector<128x128xf32> -> vector<128x128xf32>
    %mul3A_483 = arith.mulf %dot_general3A_482, %convert_element_type3A_70 : vector<128x128xf32>
    %reduce_sum3A_484 = arith.constant dense<0.000000e+00> : vector<128xf32>
    %reduce_sum3A_485 = vector.multi_reduction <add>, %mul3A_483, %reduce_sum3A_484 [1] : vector<128x128xf32> to vector<128xf32>
    %broadcast_in_dim3A_486 = vector.shape_cast %reduce_sum3A_485 : vector<128xf32> to vector<128x1xf32>
    %mul3A_487 = vector.broadcast %add3A_479 : vector<1x64xf32> to vector<128x64xf32>
    %mul3A_488 = arith.mulf %slice3A_480, %mul3A_487 : vector<128x64xf32>
    %reduce_sum3A_489 = arith.constant dense<0.000000e+00> : vector<128xf32>
    %reduce_sum3A_490 = vector.multi_reduction <add>, %mul3A_488, %reduce_sum3A_489 [1] : vector<128x64xf32> to vector<128xf32>
    %broadcast_in_dim3A_491 = vector.shape_cast %reduce_sum3A_490 : vector<128xf32> to vector<128x1xf32>
    %add3A_492 = arith.addf %broadcast_in_dim3A_486, %broadcast_in_dim3A_491 : vector<128x1xf32>
    %reduce_sum3A_493 = arith.constant dense<0.000000e+00> : vector<64xf32>
    %reduce_sum3A_494 = vector.multi_reduction <add>, %slice3A_480, %reduce_sum3A_493 [0] : vector<128x64xf32> to vector<64xf32>
    %broadcast_in_dim3A_495 = vector.shape_cast %reduce_sum3A_494 : vector<64xf32> to vector<1x64xf32>
    %add3A_496 = arith.addf %add3A_479, %broadcast_in_dim3A_495 : vector<1x64xf32>
    %slice3A_497 = vector.extract_strided_slice %convert_element_type3A_44 {offsets = [1152, 0], sizes = [128, 64], strides = [1, 1]} : vector<2048x64xf32> to vector<128x64xf32>
    %dot_general3A_498 = arith.constant dense<0.000000e+00> : vector<128x128xf32>
    %dot_general3A_499 = tpu.matmul %slice3A_497, %slice3A_497, %dot_general3A_498 {dimension_numbers = #tpu.dot_dimension_numbers<[1], [1], [0], [0], [0, 0, 1, 0], [], []>, transpose_lhs_hint = false} : vector<128x64xf32>, vector<128x64xf32>, vector<128x128xf32> -> vector<128x128xf32>
    %mul3A_500 = arith.mulf %dot_general3A_499, %convert_element_type3A_70 : vector<128x128xf32>
    %reduce_sum3A_501 = arith.constant dense<0.000000e+00> : vector<128xf32>
    %reduce_sum3A_502 = vector.multi_reduction <add>, %mul3A_500, %reduce_sum3A_501 [1] : vector<128x128xf32> to vector<128xf32>
    %broadcast_in_dim3A_503 = vector.shape_cast %reduce_sum3A_502 : vector<128xf32> to vector<128x1xf32>
    %mul3A_504 = vector.broadcast %add3A_496 : vector<1x64xf32> to vector<128x64xf32>
    %mul3A_505 = arith.mulf %slice3A_497, %mul3A_504 : vector<128x64xf32>
    %reduce_sum3A_506 = arith.constant dense<0.000000e+00> : vector<128xf32>
    %reduce_sum3A_507 = vector.multi_reduction <add>, %mul3A_505, %reduce_sum3A_506 [1] : vector<128x64xf32> to vector<128xf32>
    %broadcast_in_dim3A_508 = vector.shape_cast %reduce_sum3A_507 : vector<128xf32> to vector<128x1xf32>
    %add3A_509 = arith.addf %broadcast_in_dim3A_503, %broadcast_in_dim3A_508 : vector<128x1xf32>
    %reduce_sum3A_510 = arith.constant dense<0.000000e+00> : vector<64xf32>
    %reduce_sum3A_511 = vector.multi_reduction <add>, %slice3A_497, %reduce_sum3A_510 [0] : vector<128x64xf32> to vector<64xf32>
    %broadcast_in_dim3A_512 = vector.shape_cast %reduce_sum3A_511 : vector<64xf32> to vector<1x64xf32>
    %add3A_513 = arith.addf %add3A_496, %broadcast_in_dim3A_512 : vector<1x64xf32>
    %slice3A_514 = vector.extract_strided_slice %convert_element_type3A_44 {offsets = [1280, 0], sizes = [128, 64], strides = [1, 1]} : vector<2048x64xf32> to vector<128x64xf32>
    %dot_general3A_515 = arith.constant dense<0.000000e+00> : vector<128x128xf32>
    %dot_general3A_516 = tpu.matmul %slice3A_514, %slice3A_514, %dot_general3A_515 {dimension_numbers = #tpu.dot_dimension_numbers<[1], [1], [0], [0], [0, 0, 1, 0], [], []>, transpose_lhs_hint = false} : vector<128x64xf32>, vector<128x64xf32>, vector<128x128xf32> -> vector<128x128xf32>
    %mul3A_517 = arith.mulf %dot_general3A_516, %convert_element_type3A_70 : vector<128x128xf32>
    %reduce_sum3A_518 = arith.constant dense<0.000000e+00> : vector<128xf32>
    %reduce_sum3A_519 = vector.multi_reduction <add>, %mul3A_517, %reduce_sum3A_518 [1] : vector<128x128xf32> to vector<128xf32>
    %broadcast_in_dim3A_520 = vector.shape_cast %reduce_sum3A_519 : vector<128xf32> to vector<128x1xf32>
    %mul3A_521 = vector.broadcast %add3A_513 : vector<1x64xf32> to vector<128x64xf32>
    %mul3A_522 = arith.mulf %slice3A_514, %mul3A_521 : vector<128x64xf32>
    %reduce_sum3A_523 = arith.constant dense<0.000000e+00> : vector<128xf32>
    %reduce_sum3A_524 = vector.multi_reduction <add>, %mul3A_522, %reduce_sum3A_523 [1] : vector<128x64xf32> to vector<128xf32>
    %broadcast_in_dim3A_525 = vector.shape_cast %reduce_sum3A_524 : vector<128xf32> to vector<128x1xf32>
    %add3A_526 = arith.addf %broadcast_in_dim3A_520, %broadcast_in_dim3A_525 : vector<128x1xf32>
    %reduce_sum3A_527 = arith.constant dense<0.000000e+00> : vector<64xf32>
    %reduce_sum3A_528 = vector.multi_reduction <add>, %slice3A_514, %reduce_sum3A_527 [0] : vector<128x64xf32> to vector<64xf32>
    %broadcast_in_dim3A_529 = vector.shape_cast %reduce_sum3A_528 : vector<64xf32> to vector<1x64xf32>
    %add3A_530 = arith.addf %add3A_513, %broadcast_in_dim3A_529 : vector<1x64xf32>
    %slice3A_531 = vector.extract_strided_slice %convert_element_type3A_44 {offsets = [1408, 0], sizes = [128, 64], strides = [1, 1]} : vector<2048x64xf32> to vector<128x64xf32>
    %dot_general3A_532 = arith.constant dense<0.000000e+00> : vector<128x128xf32>
    %dot_general3A_533 = tpu.matmul %slice3A_531, %slice3A_531, %dot_general3A_532 {dimension_numbers = #tpu.dot_dimension_numbers<[1], [1], [0], [0], [0, 0, 1, 0], [], []>, transpose_lhs_hint = false} : vector<128x64xf32>, vector<128x64xf32>, vector<128x128xf32> -> vector<128x128xf32>
    %mul3A_534 = arith.mulf %dot_general3A_533, %convert_element_type3A_70 : vector<128x128xf32>
    %reduce_sum3A_535 = arith.constant dense<0.000000e+00> : vector<128xf32>
    %reduce_sum3A_536 = vector.multi_reduction <add>, %mul3A_534, %reduce_sum3A_535 [1] : vector<128x128xf32> to vector<128xf32>
    %broadcast_in_dim3A_537 = vector.shape_cast %reduce_sum3A_536 : vector<128xf32> to vector<128x1xf32>
    %mul3A_538 = vector.broadcast %add3A_530 : vector<1x64xf32> to vector<128x64xf32>
    %mul3A_539 = arith.mulf %slice3A_531, %mul3A_538 : vector<128x64xf32>
    %reduce_sum3A_540 = arith.constant dense<0.000000e+00> : vector<128xf32>
    %reduce_sum3A_541 = vector.multi_reduction <add>, %mul3A_539, %reduce_sum3A_540 [1] : vector<128x64xf32> to vector<128xf32>
    %broadcast_in_dim3A_542 = vector.shape_cast %reduce_sum3A_541 : vector<128xf32> to vector<128x1xf32>
    %add3A_543 = arith.addf %broadcast_in_dim3A_537, %broadcast_in_dim3A_542 : vector<128x1xf32>
    %reduce_sum3A_544 = arith.constant dense<0.000000e+00> : vector<64xf32>
    %reduce_sum3A_545 = vector.multi_reduction <add>, %slice3A_531, %reduce_sum3A_544 [0] : vector<128x64xf32> to vector<64xf32>
    %broadcast_in_dim3A_546 = vector.shape_cast %reduce_sum3A_545 : vector<64xf32> to vector<1x64xf32>
    %add3A_547 = arith.addf %add3A_530, %broadcast_in_dim3A_546 : vector<1x64xf32>
    %slice3A_548 = vector.extract_strided_slice %convert_element_type3A_44 {offsets = [1536, 0], sizes = [128, 64], strides = [1, 1]} : vector<2048x64xf32> to vector<128x64xf32>
    %dot_general3A_549 = arith.constant dense<0.000000e+00> : vector<128x128xf32>
    %dot_general3A_550 = tpu.matmul %slice3A_548, %slice3A_548, %dot_general3A_549 {dimension_numbers = #tpu.dot_dimension_numbers<[1], [1], [0], [0], [0, 0, 1, 0], [], []>, transpose_lhs_hint = false} : vector<128x64xf32>, vector<128x64xf32>, vector<128x128xf32> -> vector<128x128xf32>
    %mul3A_551 = arith.mulf %dot_general3A_550, %convert_element_type3A_70 : vector<128x128xf32>
    %reduce_sum3A_552 = arith.constant dense<0.000000e+00> : vector<128xf32>
    %reduce_sum3A_553 = vector.multi_reduction <add>, %mul3A_551, %reduce_sum3A_552 [1] : vector<128x128xf32> to vector<128xf32>
    %broadcast_in_dim3A_554 = vector.shape_cast %reduce_sum3A_553 : vector<128xf32> to vector<128x1xf32>
    %mul3A_555 = vector.broadcast %add3A_547 : vector<1x64xf32> to vector<128x64xf32>
    %mul3A_556 = arith.mulf %slice3A_548, %mul3A_555 : vector<128x64xf32>
    %reduce_sum3A_557 = arith.constant dense<0.000000e+00> : vector<128xf32>
    %reduce_sum3A_558 = vector.multi_reduction <add>, %mul3A_556, %reduce_sum3A_557 [1] : vector<128x64xf32> to vector<128xf32>
    %broadcast_in_dim3A_559 = vector.shape_cast %reduce_sum3A_558 : vector<128xf32> to vector<128x1xf32>
    %add3A_560 = arith.addf %broadcast_in_dim3A_554, %broadcast_in_dim3A_559 : vector<128x1xf32>
    %reduce_sum3A_561 = arith.constant dense<0.000000e+00> : vector<64xf32>
    %reduce_sum3A_562 = vector.multi_reduction <add>, %slice3A_548, %reduce_sum3A_561 [0] : vector<128x64xf32> to vector<64xf32>
    %broadcast_in_dim3A_563 = vector.shape_cast %reduce_sum3A_562 : vector<64xf32> to vector<1x64xf32>
    %add3A_564 = arith.addf %add3A_547, %broadcast_in_dim3A_563 : vector<1x64xf32>
    %slice3A_565 = vector.extract_strided_slice %convert_element_type3A_44 {offsets = [1664, 0], sizes = [128, 64], strides = [1, 1]} : vector<2048x64xf32> to vector<128x64xf32>
    %dot_general3A_566 = arith.constant dense<0.000000e+00> : vector<128x128xf32>
    %dot_general3A_567 = tpu.matmul %slice3A_565, %slice3A_565, %dot_general3A_566 {dimension_numbers = #tpu.dot_dimension_numbers<[1], [1], [0], [0], [0, 0, 1, 0], [], []>, transpose_lhs_hint = false} : vector<128x64xf32>, vector<128x64xf32>, vector<128x128xf32> -> vector<128x128xf32>
    %mul3A_568 = arith.mulf %dot_general3A_567, %convert_element_type3A_70 : vector<128x128xf32>
    %reduce_sum3A_569 = arith.constant dense<0.000000e+00> : vector<128xf32>
    %reduce_sum3A_570 = vector.multi_reduction <add>, %mul3A_568, %reduce_sum3A_569 [1] : vector<128x128xf32> to vector<128xf32>
    %broadcast_in_dim3A_571 = vector.shape_cast %reduce_sum3A_570 : vector<128xf32> to vector<128x1xf32>
    %mul3A_572 = vector.broadcast %add3A_564 : vector<1x64xf32> to vector<128x64xf32>
    %mul3A_573 = arith.mulf %slice3A_565, %mul3A_572 : vector<128x64xf32>
    %reduce_sum3A_574 = arith.constant dense<0.000000e+00> : vector<128xf32>
    %reduce_sum3A_575 = vector.multi_reduction <add>, %mul3A_573, %reduce_sum3A_574 [1] : vector<128x64xf32> to vector<128xf32>
    %broadcast_in_dim3A_576 = vector.shape_cast %reduce_sum3A_575 : vector<128xf32> to vector<128x1xf32>
    %add3A_577 = arith.addf %broadcast_in_dim3A_571, %broadcast_in_dim3A_576 : vector<128x1xf32>
    %reduce_sum3A_578 = arith.constant dense<0.000000e+00> : vector<64xf32>
    %reduce_sum3A_579 = vector.multi_reduction <add>, %slice3A_565, %reduce_sum3A_578 [0] : vector<128x64xf32> to vector<64xf32>
    %broadcast_in_dim3A_580 = vector.shape_cast %reduce_sum3A_579 : vector<64xf32> to vector<1x64xf32>
    %add3A_581 = arith.addf %add3A_564, %broadcast_in_dim3A_580 : vector<1x64xf32>
    %slice3A_582 = vector.extract_strided_slice %convert_element_type3A_44 {offsets = [1792, 0], sizes = [128, 64], strides = [1, 1]} : vector<2048x64xf32> to vector<128x64xf32>
    %dot_general3A_583 = arith.constant dense<0.000000e+00> : vector<128x128xf32>
    %dot_general3A_584 = tpu.matmul %slice3A_582, %slice3A_582, %dot_general3A_583 {dimension_numbers = #tpu.dot_dimension_numbers<[1], [1], [0], [0], [0, 0, 1, 0], [], []>, transpose_lhs_hint = false} : vector<128x64xf32>, vector<128x64xf32>, vector<128x128xf32> -> vector<128x128xf32>
    %mul3A_585 = arith.mulf %dot_general3A_584, %convert_element_type3A_70 : vector<128x128xf32>
    %reduce_sum3A_586 = arith.constant dense<0.000000e+00> : vector<128xf32>
    %reduce_sum3A_587 = vector.multi_reduction <add>, %mul3A_585, %reduce_sum3A_586 [1] : vector<128x128xf32> to vector<128xf32>
    %broadcast_in_dim3A_588 = vector.shape_cast %reduce_sum3A_587 : vector<128xf32> to vector<128x1xf32>
    %mul3A_589 = vector.broadcast %add3A_581 : vector<1x64xf32> to vector<128x64xf32>
    %mul3A_590 = arith.mulf %slice3A_582, %mul3A_589 : vector<128x64xf32>
    %reduce_sum3A_591 = arith.constant dense<0.000000e+00> : vector<128xf32>
    %reduce_sum3A_592 = vector.multi_reduction <add>, %mul3A_590, %reduce_sum3A_591 [1] : vector<128x64xf32> to vector<128xf32>
    %broadcast_in_dim3A_593 = vector.shape_cast %reduce_sum3A_592 : vector<128xf32> to vector<128x1xf32>
    %add3A_594 = arith.addf %broadcast_in_dim3A_588, %broadcast_in_dim3A_593 : vector<128x1xf32>
    %reduce_sum3A_595 = arith.constant dense<0.000000e+00> : vector<64xf32>
    %reduce_sum3A_596 = vector.multi_reduction <add>, %slice3A_582, %reduce_sum3A_595 [0] : vector<128x64xf32> to vector<64xf32>
    %broadcast_in_dim3A_597 = vector.shape_cast %reduce_sum3A_596 : vector<64xf32> to vector<1x64xf32>
    %add3A_598 = arith.addf %add3A_581, %broadcast_in_dim3A_597 : vector<1x64xf32>
    %slice3A_599 = vector.extract_strided_slice %convert_element_type3A_44 {offsets = [1920, 0], sizes = [128, 64], strides = [1, 1]} : vector<2048x64xf32> to vector<128x64xf32>
    %dot_general3A_600 = arith.constant dense<0.000000e+00> : vector<128x128xf32>
    %dot_general3A_601 = tpu.matmul %slice3A_599, %slice3A_599, %dot_general3A_600 {dimension_numbers = #tpu.dot_dimension_numbers<[1], [1], [0], [0], [0, 0, 1, 0], [], []>, transpose_lhs_hint = false} : vector<128x64xf32>, vector<128x64xf32>, vector<128x128xf32> -> vector<128x128xf32>
    %mul3A_602 = arith.mulf %dot_general3A_601, %convert_element_type3A_70 : vector<128x128xf32>
    %reduce_sum3A_603 = arith.constant dense<0.000000e+00> : vector<128xf32>
    %reduce_sum3A_604 = vector.multi_reduction <add>, %mul3A_602, %reduce_sum3A_603 [1] : vector<128x128xf32> to vector<128xf32>
    %broadcast_in_dim3A_605 = vector.shape_cast %reduce_sum3A_604 : vector<128xf32> to vector<128x1xf32>
    %mul3A_606 = vector.broadcast %add3A_598 : vector<1x64xf32> to vector<128x64xf32>
    %mul3A_607 = arith.mulf %slice3A_599, %mul3A_606 : vector<128x64xf32>
    %reduce_sum3A_608 = arith.constant dense<0.000000e+00> : vector<128xf32>
    %reduce_sum3A_609 = vector.multi_reduction <add>, %mul3A_607, %reduce_sum3A_608 [1] : vector<128x64xf32> to vector<128xf32>
    %broadcast_in_dim3A_610 = vector.shape_cast %reduce_sum3A_609 : vector<128xf32> to vector<128x1xf32>
    %add3A_611 = arith.addf %broadcast_in_dim3A_605, %broadcast_in_dim3A_610 : vector<128x1xf32>
    %concatenate3A_612 = tpu.concatenate %add3A_356, %add3A_373, %add3A_390, %add3A_407, %add3A_424, %add3A_441, %add3A_458, %add3A_475, %add3A_492, %add3A_509, %add3A_526, %add3A_543, %add3A_560, %add3A_577, %add3A_594, %add3A_611 in 0 : vector<128x1xf32>, vector<128x1xf32>, vector<128x1xf32>, vector<128x1xf32>, vector<128x1xf32>, vector<128x1xf32>, vector<128x1xf32>, vector<128x1xf32>, vector<128x1xf32>, vector<128x1xf32>, vector<128x1xf32>, vector<128x1xf32>, vector<128x1xf32>, vector<128x1xf32>, vector<128x1xf32>, vector<128x1xf32> -> vector<2048x1xf32>
    %mul3A_613 = vector.broadcast %mul3A_65 : vector<1x64xf32> to vector<2048x64xf32>
    %mul3A_614 = arith.mulf %convert_element_type3A_24, %mul3A_613 : vector<2048x64xf32>
    %reduce_sum3A_615 = arith.constant dense<0.000000e+00> : vector<2048xf32>
    %reduce_sum3A_616 = vector.multi_reduction <add>, %mul3A_614, %reduce_sum3A_615 [1] : vector<2048x64xf32> to vector<2048xf32>
    %broadcast_in_dim3A_617 = vector.shape_cast %reduce_sum3A_616 : vector<2048xf32> to vector<2048x1xf32>
    %mul3A_618 = vector.broadcast %mul3A_65 : vector<1x64xf32> to vector<2048x64xf32>
    %mul3A_619 = arith.mulf %convert_element_type3A_44, %mul3A_618 : vector<2048x64xf32>
    %reduce_sum3A_620 = arith.constant dense<0.000000e+00> : vector<2048xf32>
    %reduce_sum3A_621 = vector.multi_reduction <add>, %mul3A_619, %reduce_sum3A_620 [1] : vector<2048x64xf32> to vector<2048xf32>
    %broadcast_in_dim3A_622 = vector.shape_cast %reduce_sum3A_621 : vector<2048xf32> to vector<2048x1xf32>
    %add3A_623 = arith.addf %broadcast_in_dim3A_617, %concatenate3A : vector<2048x1xf32>
    %convert_element_type3A_624 = arith.fptosi %add3A_623 : vector<2048x1xf32> to vector<2048x1xi32>
    %swap3A = arith.constant 0 : index
    %swap3A_625 = arith.constant 0 : index
    %swap3A_626 = vector.load %arg3[%swap3A, %swap3A_625] : memref<2048x1xi32, #tpu.memory_space<vmem>>, vector<2048x1xi32>
    tpu.vector_store %arg3[%swap3A, %swap3A_625], %convert_element_type3A_624 {strides = array<i32>} : memref<2048x1xi32, #tpu.memory_space<vmem>>, vector<2048x1xi32>,
    %add3A_627 = arith.addf %broadcast_in_dim3A_622, %concatenate3A_612 : vector<2048x1xf32>
    %convert_element_type3A_628 = arith.fptosi %add3A_627 : vector<2048x1xf32> to vector<2048x1xi32>
    %swap3A_629 = arith.constant 0 : index
    %swap3A_630 = arith.constant 0 : index
    %swap3A_631 = vector.load %arg4[%swap3A_629, %swap3A_630] : memref<2048x1xi32, #tpu.memory_space<vmem>>, vector<2048x1xi32>
    tpu.vector_store %arg4[%swap3A_629, %swap3A_630], %convert_element_type3A_628 {strides = array<i32>} : memref<2048x1xi32, #tpu.memory_space<vmem>>, vector<2048x1xi32>,
    %swap3A_632 = arith.constant 0 : index
    %swap3A_633 = arith.constant 0 : index
    %swap3A_634 = vector.load %arg5[%swap3A_632, %swap3A_633] : memref<2048x1xf32, #tpu.memory_space<vmem>>, vector<2048x1xf32>
    tpu.vector_store %arg5[%swap3A_632, %swap3A_633], %broadcast_in_dim3A_17 {strides = array<i32>} : memref<2048x1xf32, #tpu.memory_space<vmem>>, vector<2048x1xf32>,
    %swap3A_635 = arith.constant 0 : index
    %swap3A_636 = arith.constant 0 : index
    %swap3A_637 = vector.load %arg6[%swap3A_635, %swap3A_636] : memref<2048x1xf32, #tpu.memory_space<vmem>>, vector<2048x1xf32>
    tpu.vector_store %arg6[%swap3A_635, %swap3A_636], %broadcast_in_dim3A_32 {strides = array<i32>} : memref<2048x1xf32, #tpu.memory_space<vmem>>, vector<2048x1xf32>,
    %iota3A_638 = tpu.iota {dimensions = array<i32: 0>} : vector<96x64xi32>
    %convert_element_type3A_639 = arith.sitofp %iota3A_638 : vector<96x64xi32> to vector<96x64xf32>
    %ge3A = vector.broadcast %dot_general3A_62 : vector<1x64xf32> to vector<96x64xf32>
    %ge3A_640 = arith.cmpf oge, %convert_element_type3A_639, %ge3A : vector<96x64xf32>
    %add3A_641 = arith.addf %dot_general3A_62, %floor3A : vector<1x64xf32>
    %lt3A_642 = vector.broadcast %add3A_641 : vector<1x64xf32> to vector<96x64xf32>
    %lt3A_643 = arith.cmpf olt, %convert_element_type3A_639, %lt3A_642 : vector<96x64xf32>
    %and3A = arith.andi %ge3A_640, %lt3A_643 : vector<96x64xi1>
    %convert_element_type3A_644 = arith.extui %and3A : vector<96x64xi1> to vector<96x64xi32>
    %convert_element_type3A_645 = arith.sitofp %convert_element_type3A_644 : vector<96x64xi32> to vector<96x64xf32>
    %iota3A_646 = tpu.iota {dimensions = array<i32: 1>} : vector<96x64xi32>
    %convert_element_type3A_647 = arith.sitofp %iota3A_646 : vector<96x64xi32> to vector<96x64xf32>
    %mul3A_648 = arith.mulf %convert_element_type3A_645, %convert_element_type3A_647 : vector<96x64xf32>
    %reduce_sum3A_649 = arith.constant dense<0.000000e+00> : vector<96xf32>
    %reduce_sum3A_650 = vector.multi_reduction <add>, %mul3A_648, %reduce_sum3A_649 [1] : vector<96x64xf32> to vector<96xf32>
    %broadcast_in_dim3A_651 = vector.shape_cast %reduce_sum3A_650 : vector<96xf32> to vector<96x1xf32>
    %reduce_sum3A_652 = arith.constant dense<0.000000e+00> : vector<96xf32>
    %reduce_sum3A_653 = vector.multi_reduction <add>, %convert_element_type3A_645, %reduce_sum3A_652 [1] : vector<96x64xf32> to vector<96xf32>
    %broadcast_in_dim3A_654 = vector.shape_cast %reduce_sum3A_653 : vector<96xf32> to vector<96x1xf32>
    %mul3A_655 = arith.mulf %convert_element_type3A_645, %convert_element_type3A_647 : vector<96x64xf32>
    %reduce_max3A_656 = vector.shape_cast %mul3A_655 : vector<96x64xf32> to vector<1x96x64xf32>
    %reduce_max3A_657 = arith.constant dense<0xFF800000> : vector<1xf32>
    %reduce_max3A_658 = vector.multi_reduction <maximumf>, %reduce_max3A_656, %reduce_max3A_657 [1, 2] : vector<1x96x64xf32> to vector<1xf32>
    %reduce_max3A_659 = vector.shape_cast %reduce_max3A_658 : vector<1xf32> to vector<1x1x1xf32>
    %reduce_max3A_660 = vector.extract %reduce_max3A_659[0, 0, 0] : f32 from vector<1x1x1xf32>
    %gt3A = arith.constant 0.000000e+00 : f32
    %gt3A_661 = vector.broadcast %gt3A : f32 to vector<96x1xf32>
    %gt3A_662 = arith.cmpf ogt, %broadcast_in_dim3A_654, %gt3A_661 : vector<96x1xf32>
    %broadcast_in_dim3A_663 = vector.broadcast %reduce_max3A_660 : f32 to vector<96x1xf32>
    %select_n3A_664 = arith.select %gt3A_662, %broadcast_in_dim3A_651, %broadcast_in_dim3A_663 : vector<96x1xi1>, vector<96x1xf32>
    %convert_element_type3A_665 = arith.fptosi %select_n3A_664 : vector<96x1xf32> to vector<96x1xi32>
    %swap3A_666 = arith.constant 0 : index
    %swap3A_667 = arith.constant 0 : index
    %swap3A_668 = vector.load %arg7[%swap3A_666, %swap3A_667] : memref<96x1xi32, #tpu.memory_space<vmem>>, vector<96x1xi32>
    tpu.vector_store %arg7[%swap3A_666, %swap3A_667], %convert_element_type3A_665 {strides = array<i32>} : memref<96x1xi32, #tpu.memory_space<vmem>>, vector<96x1xi32>,
    %convert_element_type3A_669 = arith.fptosi %broadcast_in_dim3A_654 : vector<96x1xf32> to vector<96x1xi32>
    %swap3A_670 = arith.constant 0 : index
    %swap3A_671 = arith.constant 0 : index
    %swap3A_672 = vector.load %arg8[%swap3A_670, %swap3A_671] : memref<96x1xi32, #tpu.memory_space<vmem>>, vector<96x1xi32>
    tpu.vector_store %arg8[%swap3A_670, %swap3A_671], %convert_element_type3A_669 {strides = array<i32>} : memref<96x1xi32, #tpu.memory_space<vmem>>, vector<96x1xi32>,
    return
  }
}

module attributes {stable_mosaic.version = 14 : i64} {
  func.func @_ffn_body(%arg0: i32, %arg1: i32, %arg2: memref<96xi32, #tpu.memory_space<smem>>, %arg3: memref<96xi32, #tpu.memory_space<smem>>, %arg4: memref<128x768xf32, #tpu.memory_space<vmem>>, %arg5: memref<1x768x2048xf32, #tpu.memory_space<vmem>>, %arg6: memref<1x1x2048xf32, #tpu.memory_space<vmem>>, %arg7: memref<1x2048x768xf32, #tpu.memory_space<vmem>>, %arg8: memref<1x1x768xf32, #tpu.memory_space<vmem>>, %arg9: memref<128x768xf32, #tpu.memory_space<vmem>>) attributes {dimension_semantics = [#tpu.dimension_semantics<arbitrary>, #tpu.dimension_semantics<arbitrary>], iteration_bounds = array<i64: 96, 1>, scalar_prefetch = 2 : i64, scratch_operands = 0 : i64, tpu.core_type = #tpu.core_type<tc>, window_params = [{transform_indices = @transform_0, window_bounds = array<i64: 128, 768>}, {transform_indices = @transform_1, window_bounds = array<i64: 1, 768, 2048>}, {transform_indices = @transform_2, window_bounds = array<i64: 1, 1, 2048>}, {transform_indices = @transform_3, window_bounds = array<i64: 1, 2048, 768>}, {transform_indices = @transform_4, window_bounds = array<i64: 1, 1, 768>}, {transform_indices = @transform_5, window_bounds = array<i64: 128, 768>}]} {
    %get3A = arith.index_cast %arg0 : i32 to index
    %get3A_0 = memref.load %arg3[%get3A] : memref<96xi32, #tpu.memory_space<smem>>
    %gt3A = arith.constant 0 : i32
    %gt3A_1 = arith.cmpi sgt, %get3A_0, %gt3A : i32
    %convert_element_type3A = arith.extui %gt3A_1 : i1 to i32
    %cond3A = arith.constant 0 : i32
    %cond3A_2 = arith.cmpi ne, %convert_element_type3A, %cond3A : i32
    scf.if %cond3A_2 {
      %get3A_3 = arith.constant 0 : index
      %get3A_4 = arith.constant 0 : index
      %get3A_5 = vector.load %arg4[%get3A_3, %get3A_4] : memref<128x768xf32, #tpu.memory_space<vmem>>, vector<128x768xf32>
      %convert_element_type3A_6 = arith.truncf %get3A_5 : vector<128x768xf32> to vector<128x768xbf16>
      %get3A_7 = arith.constant 0 : index
      %get3A_8 = arith.constant 0 : index
      %get3A_9 = arith.constant 0 : index
      %get3A_10 = vector.load %arg5[%get3A_7, %get3A_8, %get3A_9] : memref<1x768x2048xf32, #tpu.memory_space<vmem>>, vector<1x768x2048xf32>
      %get3A_11 = vector.shape_cast %get3A_10 : vector<1x768x2048xf32> to vector<768x2048xf32>
      %convert_element_type3A_12 = arith.truncf %get3A_11 : vector<768x2048xf32> to vector<768x2048xbf16>
      %dot_general3A = arith.constant dense<0.000000e+00> : vector<128x2048xf32>
      %dot_general3A_13 = tpu.matmul %convert_element_type3A_6, %convert_element_type3A_12, %dot_general3A {dimension_numbers = #tpu.dot_dimension_numbers<[1], [0], [0], [1], [0, 0, 1, 1], [], []>, transpose_lhs_hint = false} : vector<128x768xbf16>, vector<768x2048xbf16>, vector<128x2048xf32> -> vector<128x2048xf32>
      %get3A_14 = arith.constant 0 : index
      %get3A_15 = arith.constant 0 : index
      %get3A_16 = arith.constant 0 : index
      %get3A_17 = vector.load %arg6[%get3A_14, %get3A_15, %get3A_16] : memref<1x1x2048xf32, #tpu.memory_space<vmem>>, vector<1x1x2048xf32>
      %get3A_18 = vector.shape_cast %get3A_17 : vector<1x1x2048xf32> to vector<1x2048xf32>
      %add3A = vector.broadcast %get3A_18 : vector<1x2048xf32> to vector<128x2048xf32>
      %add3A_19 = arith.addf %dot_general3A_13, %add3A : vector<128x2048xf32>
      %max3A = arith.constant 0.000000e+00 : f32
      %max3A_20 = vector.broadcast %max3A : f32 to vector<128x2048xf32>
      %max3A_21 = arith.maximumf %add3A_19, %max3A_20 : vector<128x2048xf32>
      %convert_element_type3A_22 = arith.truncf %max3A_21 : vector<128x2048xf32> to vector<128x2048xbf16>
      %get3A_23 = arith.constant 0 : index
      %get3A_24 = arith.constant 0 : index
      %get3A_25 = arith.constant 0 : index
      %get3A_26 = vector.load %arg7[%get3A_23, %get3A_24, %get3A_25] : memref<1x2048x768xf32, #tpu.memory_space<vmem>>, vector<1x2048x768xf32>
      %get3A_27 = vector.shape_cast %get3A_26 : vector<1x2048x768xf32> to vector<2048x768xf32>
      %convert_element_type3A_28 = arith.truncf %get3A_27 : vector<2048x768xf32> to vector<2048x768xbf16>
      %dot_general3A_29 = arith.constant dense<0.000000e+00> : vector<128x768xf32>
      %dot_general3A_30 = tpu.matmul %convert_element_type3A_22, %convert_element_type3A_28, %dot_general3A_29 {dimension_numbers = #tpu.dot_dimension_numbers<[1], [0], [0], [1], [0, 0, 1, 1], [], []>, transpose_lhs_hint = false} : vector<128x2048xbf16>, vector<2048x768xbf16>, vector<128x768xf32> -> vector<128x768xf32>
      %eq3A = arith.constant 0 : i32
      %eq3A_31 = arith.cmpi eq, %arg1, %eq3A : i32
      %convert_element_type3A_32 = arith.extui %eq3A_31 : i1 to i32
      %cond3A_33 = arith.constant 0 : i32
      %cond3A_34 = arith.cmpi ne, %convert_element_type3A_32, %cond3A_33 : i32
      scf.if %cond3A_34 {
        %get3A_40 = arith.constant 0 : index
        %get3A_41 = arith.constant 0 : index
        %get3A_42 = arith.constant 0 : index
        %get3A_43 = vector.load %arg8[%get3A_40, %get3A_41, %get3A_42] : memref<1x1x768xf32, #tpu.memory_space<vmem>>, vector<1x1x768xf32>
        %get3A_44 = vector.shape_cast %get3A_43 : vector<1x1x768xf32> to vector<1x768xf32>
        %add3A_45 = vector.broadcast %get3A_44 : vector<1x768xf32> to vector<128x768xf32>
        %add3A_46 = arith.addf %dot_general3A_30, %add3A_45 : vector<128x768xf32>
        %swap3A = arith.constant 0 : index
        %swap3A_47 = arith.constant 0 : index
        %swap3A_48 = vector.load %arg9[%swap3A, %swap3A_47] : memref<128x768xf32, #tpu.memory_space<vmem>>, vector<128x768xf32>
        tpu.vector_store %arg9[%swap3A, %swap3A_47], %add3A_46 {strides = array<i32>} : memref<128x768xf32, #tpu.memory_space<vmem>>, vector<128x768xf32>,
      } else {
      }
      %gt3A_35 = arith.constant 0 : i32
      %gt3A_36 = arith.cmpi sgt, %arg1, %gt3A_35 : i32
      %convert_element_type3A_37 = arith.extui %gt3A_36 : i1 to i32
      %cond3A_38 = arith.constant 0 : i32
      %cond3A_39 = arith.cmpi ne, %convert_element_type3A_37, %cond3A_38 : i32
      scf.if %cond3A_39 {
        %get3A_40 = arith.constant 0 : index
        %get3A_41 = arith.constant 0 : index
        %get3A_42 = vector.load %arg9[%get3A_40, %get3A_41] : memref<128x768xf32, #tpu.memory_space<vmem>>, vector<128x768xf32>
        %add3A_43 = arith.addf %get3A_42, %dot_general3A_30 : vector<128x768xf32>
        %swap3A = arith.constant 0 : index
        %swap3A_44 = arith.constant 0 : index
        %swap3A_45 = vector.load %arg9[%swap3A, %swap3A_44] : memref<128x768xf32, #tpu.memory_space<vmem>>, vector<128x768xf32>
        tpu.vector_store %arg9[%swap3A, %swap3A_44], %add3A_43 {strides = array<i32>} : memref<128x768xf32, #tpu.memory_space<vmem>>, vector<128x768xf32>,
      } else {
      }
    } else {
    }
    return
  }
  func.func @transform_0(%arg0: i32, %arg1: i32, %arg2: memref<96xi32, #tpu.memory_space<smem>>, %arg3: memref<96xi32, #tpu.memory_space<smem>>) -> (i32, i32) {
    %get3A = arith.index_cast %arg0 : i32 to index
    %get3A_0 = memref.load %arg3[%get3A] : memref<96xi32, #tpu.memory_space<smem>>
    %gt3A = arith.constant 0 : i32
    %gt3A_1 = arith.cmpi sgt, %get3A_0, %gt3A : i32
    %jit3A = arith.constant 0 : i32
    %select_n3A = arith.select %gt3A_1, %arg0, %jit3A : i32
    %c0_i32 = arith.constant 0 : i32
    %c0_i32_2 = arith.constant 0 : i32
    return %select_n3A, %c0_i32 : i32, i32
  }
  func.func @transform_1(%arg0: i32, %arg1: i32, %arg2: memref<96xi32, #tpu.memory_space<smem>>, %arg3: memref<96xi32, #tpu.memory_space<smem>>) -> (i32, i32, i32) {
    %get3A = arith.index_cast %arg0 : i32 to index
    %get3A_0 = memref.load %arg2[%get3A] : memref<96xi32, #tpu.memory_space<smem>>
    %get3A_1 = arith.index_cast %arg0 : i32 to index
    %get3A_2 = memref.load %arg3[%get3A_1] : memref<96xi32, #tpu.memory_space<smem>>
    %gt3A = arith.constant 0 : i32
    %gt3A_3 = arith.cmpi sgt, %get3A_2, %gt3A : i32
    %jit3A = arith.constant 0 : i32
    %select_n3A = arith.select %gt3A_3, %arg1, %jit3A : i32
    %c0_i32 = arith.constant 0 : i32
    %c0_i32_4 = arith.constant 0 : i32
    return %get3A_0, %c0_i32, %select_n3A : i32, i32, i32
  }
  func.func @transform_2(%arg0: i32, %arg1: i32, %arg2: memref<96xi32, #tpu.memory_space<smem>>, %arg3: memref<96xi32, #tpu.memory_space<smem>>) -> (i32, i32, i32) {
    %get3A = arith.index_cast %arg0 : i32 to index
    %get3A_0 = memref.load %arg2[%get3A] : memref<96xi32, #tpu.memory_space<smem>>
    %mul3A = arith.constant 1 : i32
    %mul3A_1 = arith.muli %get3A_0, %mul3A : i32
    %get3A_2 = arith.index_cast %arg0 : i32 to index
    %get3A_3 = memref.load %arg3[%get3A_2] : memref<96xi32, #tpu.memory_space<smem>>
    %gt3A = arith.constant 0 : i32
    %gt3A_4 = arith.cmpi sgt, %get3A_3, %gt3A : i32
    %jit3A = arith.constant 0 : i32
    %select_n3A = arith.select %gt3A_4, %arg1, %jit3A : i32
    %add3A = arith.addi %mul3A_1, %select_n3A : i32
    %c0_i32 = arith.constant 0 : i32
    %c0_i32_5 = arith.constant 0 : i32
    %c0_i32_6 = arith.constant 0 : i32
    return %add3A, %c0_i32, %c0_i32_5 : i32, i32, i32
  }
  func.func @transform_3(%arg0: i32, %arg1: i32, %arg2: memref<96xi32, #tpu.memory_space<smem>>, %arg3: memref<96xi32, #tpu.memory_space<smem>>) -> (i32, i32, i32) {
    %get3A = arith.index_cast %arg0 : i32 to index
    %get3A_0 = memref.load %arg2[%get3A] : memref<96xi32, #tpu.memory_space<smem>>
    %get3A_1 = arith.index_cast %arg0 : i32 to index
    %get3A_2 = memref.load %arg3[%get3A_1] : memref<96xi32, #tpu.memory_space<smem>>
    %gt3A = arith.constant 0 : i32
    %gt3A_3 = arith.cmpi sgt, %get3A_2, %gt3A : i32
    %jit3A = arith.constant 0 : i32
    %select_n3A = arith.select %gt3A_3, %arg1, %jit3A : i32
    %c0_i32 = arith.constant 0 : i32
    %c0_i32_4 = arith.constant 0 : i32
    return %get3A_0, %select_n3A, %c0_i32 : i32, i32, i32
  }
  func.func @transform_4(%arg0: i32, %arg1: i32, %arg2: memref<96xi32, #tpu.memory_space<smem>>, %arg3: memref<96xi32, #tpu.memory_space<smem>>) -> (i32, i32, i32) {
    %get3A = arith.index_cast %arg0 : i32 to index
    %get3A_0 = memref.load %arg2[%get3A] : memref<96xi32, #tpu.memory_space<smem>>
    %c0_i32 = arith.constant 0 : i32
    %c0_i32_1 = arith.constant 0 : i32
    %c0_i32_2 = arith.constant 0 : i32
    return %get3A_0, %c0_i32, %c0_i32_1 : i32, i32, i32
  }
  func.func @transform_5(%arg0: i32, %arg1: i32, %arg2: memref<96xi32, #tpu.memory_space<smem>>, %arg3: memref<96xi32, #tpu.memory_space<smem>>) -> (i32, i32) {
    %get3A = arith.index_cast %arg0 : i32 to index
    %get3A_0 = memref.load %arg3[%get3A] : memref<96xi32, #tpu.memory_space<smem>>
    %gt3A = arith.constant 0 : i32
    %gt3A_1 = arith.cmpi sgt, %get3A_0, %gt3A : i32
    %jit3A = arith.constant 95 : i32
    %select_n3A = arith.select %gt3A_1, %arg0, %jit3A : i32
    %c0_i32 = arith.constant 0 : i32
    %c0_i32_2 = arith.constant 0 : i32
    return %select_n3A, %c0_i32 : i32, i32
  }
}

</mosaic_0001>

<sc_bundles>
// kernel: kernel.6.cloned.1.call-start
scs
__scs_entry_jumppad:
0x0: {  	(pc) =	sbr.rel $0x88, $3  }
0x1: {  	(tag) =	ssettag $0x0;
	lr =	simm.s32 $0x1  }
0x2: {  	[smem:$0x3F9A] =	sst lr;
	_ =	strace $0xD0000000  }
0x3: {  	_ = 	snop  }
0x4: {  	_ = 	snop  }
0x5: {  	_ = 	snop  }
0x6: {  	_ = 	snop  }
0x7: {  	_ = 	snop  }
__scs_overlays_trampoline_lowered:
0x8: {  	[smem:$0x3FA9] =	sst s0  }
0x9: {  	[smem:$0x3FAA] =	sst s1  }
0xa: {  	[smem:$0x3FAB] =	sst s2  }
0xb: {  	[smem:$0x3FAC] =	sst s3  }
0xc: {  	[smem:$0x3FAD] =	sst s4  }
0xd: {  	[smem:$0x3FAE] =	sst s5  }
0xe: {  	[smem:$0x3FAF] =	sst s6  }
0xf: {  	[smem:$0x3FB0] =	sst s7  }
0x10: {  	[smem:$0x3FB1] =	sst s8  }
0x11: {  	[smem:$0x3FB2] =	sst s9;
	s0 =	simm.s32 @!p0 $0x0  }
0x12: {  	s1 =	sld [smem:$0x3F98];
	s0 =	simm.s32 @p0 $0x1  }
0x13: {  	[smem:$0x3FB3] =	sst s0;
	s0 =	simm.s32 @!p1 $0x0  }
0x14: {  	s2 =	sld [smem:$0x3F97];
	s0 =	simm.s32 @p1 $0x1  }
0x15: {  	[smem:$0x3FB4] =	sst s0;
	s0 =	simm.s32 @!p2 $0x0  }
0x16: {  	s3 =	sld [smem:$0x3FDB];
	s0 =	simm.s32 @p2 $0x1  }
0x17: {  	s4 =	simm.s32 $0x1BF5;
	[smem:$0x3FB6] =	sst s0  }
0x18: {  	s0 =	sld [smem:$0x3F99];
	_ =	swait.ge [sflag:s4], $0x0  }
0x19: {  	s7 =	sld [smem:$0x3F9A]  }
0x1a: {  	s8 =	sadd.s32 $0xFFFFE003, lr  }
0x1b: {  	s9 =	sadd.s32 $0xFFFFFEF7, lr;
	s5 =	simm.s32 $0xFFFFFFFF;
	p2 =	slt.u32 s8, $0xFFFFF086  }
0x1c: {  	p1 =	slt.u32 s9, $0xF7A;
	s5 =	simm.s32 @!p2 $0x0  }
0x1d: {  	s5 =	simm.s32 @p1 $0x1;
	p0 =	seq.s32 s7, s2  }
0x1e: {  	s7 =	smul.u32 @!p0 $0xF7A, s2;
	p2 =	seq.s32 @!p0 s5, $0x0  }
0x1f: {  	s9 =	smul.u32 $0xF7A, s1;
	s8 =	simm.s32 @!p0 $0x1BF5;
	p2 =	por !p2, p0  }
0x20: {  	[sflag:s8] =	ssyncset.s32 @!p0 $0xFFFFF086;
	s6 =	sadd.s32 @!p0 s3, s7;
	s7 =	simm.s32 @!p0 $0x108  }
0x21: {  	s3 =	sadd.s32 s3, s9;
	s6 =	sadd.s32 @!p0 $0x88, s6;
	s7 =	simm.s32 @p2 $0x1082  }
0x22: {  	[simem:s7], [sflag:s8] =	dma.local @!p0 [hbm:s6], $0xF7A  }
0x23: {  	s9 =	sor.u32 $0xD0000000, s2;
	s6 =	simm.s32 $0x108;
	_ =	swait.ge @!p0 [sflag:s8], $0x0  }
0x24: {  	s3 =	sadd.s32 $0x88, s3;
	s6 =	simm.s32 @!p1 $0x1082;
	[sflag:s4] =	ssyncset.s32 $0xFFFFF086  }
0x25: {  	[simem:s6], [sflag:s4] =	dma.local [hbm:s3], $0xF7A  }
0x26: {  	[smem:$0x3F9A] =	sst s1;
	(tag) =	ssettag s2;
	_ =	strace s9  }
0x27: {  	s1 =	sld [smem:$0x3FAA]  }
0x28: {  	s2 =	sld [smem:$0x3FAB]  }
0x29: {  	s4 =	sld [smem:$0x3FAD]  }
0x2a: {  	p0 =	seq.s32 s5, $0x0;
	s5 =	sld [smem:$0x3FAE]  }
0x2b: {  	s6 =	sld [smem:$0x3FAF]  }
0x2c: {  	s7 =	sld [smem:$0x3FB0]  }
0x2d: {  	s3 =	simm.s32 $0x108;
	s8 =	sld [smem:$0x3FB1]  }
0x2e: {  	s3 =	simm.s32 @!p0 $0x1082;
	s9 =	sld [smem:$0x3FB2]  }
0x2f: {  	lr =	sadd.s32 s0, s3;
	s0 =	sld [smem:$0x3FA9]  }
0x30: {  	s3 =	sld [smem:$0x3FAC]  }
0x31: {  	[smem:$0x3FB5] =	sst s10  }
0x32: {  	s10 =	sld [smem:$0x3FB3];
	_ =	sdelay $0x3  }
0x33: {  	p0 =	seq.s32 s10, $0x1;
	s10 =	sld [smem:$0x3FB5];
	_ =	sdelay $0x3  }
0x34: {  	[smem:$0x3FB5] =	sst s10  }
0x35: {  	s10 =	sld [smem:$0x3FB4];
	_ =	sdelay $0x3  }
0x36: {  	p1 =	seq.s32 s10, $0x1;
	s10 =	sld [smem:$0x3FB5];
	_ =	sdelay $0x3  }
0x37: {  	[smem:$0x3FB5] =	sst s10  }
0x38: {  	s10 =	sld [smem:$0x3FB6]  }
0x39: {  	_ = 	snop;
	(pc) =	sbr.ind lr, $3  }
0x3a: {  	_ = 	snop  }
0x3b: {  	_ = 	snop  }
0x3c: {  	p2 =	seq.s32 s10, $0x1;
	s10 =	sld [smem:$0x3FB5]  }
0x3d: {  	_ =	shalt  }
0x3e: {  	_ =	shalt  }
0x3f: {  	_ =	shalt  }
0x40: {  	_ =	shalt  }
0x41: {  	_ =	shalt  }
0x42: {  	_ =	shalt  }
0x43: {  	_ =	shalt  }
0x44: {  	_ =	shalt  }
0x45: {  	_ =	shalt  }
0x46: {  	_ =	shalt  }
0x47: {  	_ =	shalt  }
0x48: {  	_ =	shalt  }
0x49: {  	_ =	shalt  }
0x4a: {  	_ =	shalt  }
0x4b: {  	_ =	shalt  }
0x4c: {  	_ =	shalt  }
0x4d: {  	_ =	shalt  }
0x4e: {  	_ =	shalt  }
0x4f: {  	_ =	shalt  }
0x50: {  	_ =	shalt  }
0x51: {  	_ =	shalt  }
0x52: {  	_ =	shalt  }
0x53: {  	_ =	shalt  }
0x54: {  	_ =	shalt  }
0x55: {  	_ =	shalt  }
0x56: {  	_ =	shalt  }
0x57: {  	_ =	shalt  }
0x58: {  	_ =	shalt  }
0x59: {  	_ =	shalt  }
0x5a: {  	_ =	shalt  }
0x5b: {  	_ =	shalt  }
0x5c: {  	_ =	shalt  }
0x5d: {  	_ =	shalt  }
0x5e: {  	_ =	shalt  }
0x5f: {  	_ =	shalt  }
0x60: {  	_ =	shalt  }
0x61: {  	_ =	shalt  }
0x62: {  	_ =	shalt  }
0x63: {  	_ =	shalt  }
0x64: {  	_ =	shalt  }
0x65: {  	_ =	shalt  }
0x66: {  	_ =	shalt  }
0x67: {  	_ =	shalt  }
0x68: {  	_ =	shalt  }
0x69: {  	_ =	shalt  }
0x6a: {  	_ =	shalt  }
0x6b: {  	_ =	shalt  }
0x6c: {  	_ =	shalt  }
0x6d: {  	_ =	shalt  }
0x6e: {  	_ =	shalt  }
0x6f: {  	_ =	shalt  }
0x70: {  	_ =	shalt  }
0x71: {  	_ =	shalt  }
0x72: {  	_ =	shalt  }
0x73: {  	_ =	shalt  }
0x74: {  	_ =	shalt  }
0x75: {  	_ =	shalt  }
0x76: {  	_ =	shalt  }
0x77: {  	_ =	shalt  }
0x78: {  	_ =	shalt  }
0x79: {  	_ =	shalt  }
0x7a: {  	_ =	shalt  }
0x7b: {  	_ =	shalt  }
0x7c: {  	_ =	shalt  }
0x7d: {  	_ =	shalt  }
0x7e: {  	_ =	shalt  }
0x7f: {  	_ =	shalt  }
0x80: {  	_ =	shalt  }
0x81: {  	_ =	shalt  }
0x82: {  	_ =	shalt  }
0x83: {  	_ =	shalt  }
0x84: {  	_ =	shalt  }
0x85: {  	_ =	shalt  }
0x86: {  	_ =	shalt  }
0x87: {  	_ =	shalt  }
.Lfunc_end0:
.L_simem_size_0:
called_computation_lowered:
.L_overlay_start_0:
0x88: {  	s2 =	sld [smem:$0x3FD9]  }
0x89: {  	s3 =	sld [smem:$0x3FFE];
	_ =	sdelay $0x1  }
0x8a: {  	s1 =	srdreg.scid  }
0x8b: {  	s0 =	sand.u32 $0x1, s1  }
0x8c: {  	s17 =	sshll.u32 s0, $0xA;
	s2 =	sadd.s32 s3, s2  }
0x8d: {  	s2 =	sadd.s32 s2, s17  }
0x8e: {  	[smem:$0x3FC1] =	sst s2  }
0x8f: {  	_ = 	snop  }
0x90: {  	s2 =	sld [smem:$0x3FC9];
	(tm) =	ssettm $0x1  }
0x91: {  	s18 =	sld [smem:$0x3FFB];
	_ =	sdelay $0x3  }
0x92: {  	_ =	strace s18  }
0x93: {  	s3 =	sld [smem:$0x3FFC];
	_ =	sdelay $0x3  }
0x94: {  	_ =	strace s3  }
0x95: {  	s3 =	sld [smem:$0x3FFD];
	_ =	sdelay $0x3  }
0x96: {  	_ =	strace s3  }
0x97: {  	_ =	strace $0x8FFFFFFF  }
0x98: {  	s19 =	sld [smem:$0x3FDB];
	_ =	sdelay $0x1  }
0x99: {  	s4 =	simm.s32 $_scs_section_size  }
0x9a: {  	s5 =	simm.s32 $_size__tile_overlayer_lowered;
	s6 =	simm.s32 $_tile_overlayer_lowered  }
0x9b: {  	s22 =	simm.s32 $0x1BFF;
	s21 =	sshll.u32 s6, $0x1;
	s3 =	sadd.s32 s4, s19  }
0x9c: {  	s7 =	simm.s32 $0x0;
	s20 =	sshll.u32 s5, $0x1;
	s5 =	sadd.s32 s21, s3  }
0x9d: {  	[timem:s7], [sflag:s22] =	dma.local [hbm:s5], s20  }
0x9e: {  	_ =	swait.ge [sflag:s22], s20  }
0x9f: {  	s4 =	ssub.s32 $0x0, s20;
	[sflag:s22] =	ssyncset.done $0x0  }
0xa0: {  	[sflag:s22] =	ssyncadd.s32 s4;
	_ =	sdelay $0x1  }
0xa1: {  	s23 =	simm.s32 $0x1B8B  }
0xa2: {  	_ =	swait.ge [sflag:s23], $0x1  }
0xa3: {  	[sflag:s23] =	ssyncset.done $0x0  }
0xa4: {  	s25 =	simm.s32 $0x1B8E;
	s24 =	sld [smem:$0x3FFE];
	[sflag:s23] =	ssyncadd.s32 $0xFFFFFFFF  }
0xa5: {  	s26 =	simm.s32 $execute0_lowered;
	[smem:$0x3FD2] =	sst s25  }
0xa6: {  	s5 =	sshll.u32 s26, $0x1;
	_ =	strace $0x80000046;
	[dreg:$0x1] =	wrdreg $0xFFFFFFFF  }
0xa7: {  	s28 =	simm.s32 $_size_execute0_lowered;
	s3 =	sadd.s32 s3, s5;
	[dreg:$0x0] =	wrdreg $0x0  }
0xa8: {  	s5 =	sshll.u32 s28, $0x1;
	[dreg:$0x2] =	wrdreg s3  }
0xa9: {  	[dreg:$0x3] =	wrdreg s5  }
0xaa: {  	[dreg:$0x4] =	wrdreg $0xC0  }
0xab: {  	_ =	task [dreg:s7], $0x5FFFF  }
0xac: {  	[dreg:$0x1] =	wrdreg $0xFFFFFFFF  }
0xad: {  	[dreg:$0x0] =	wrdreg $0x60  }
0xae: {  	[dreg:$0x2] =	wrdreg s2  }
0xaf: {  	[dreg:$0x3] =	wrdreg s24  }
0xb0: {  	[dreg:$0x4] =	wrdreg $0x9  }
0xb1: {  	_ =	task.clear_ibuf [dreg:s7], $0x5FFFF;
	_ =	strace $0x90000046  }
0xb2: {  	s29 =	simm.s32 $0x9;
	_ =	strace $0x80000048  }
0xb3: {  	_ =	swait.ge [sflag:s29], $0x1  }
0xb4: {  	[sflag:s29] =	ssyncadd.s32 $0xFFFFFFFF  }
0xb5: {  	_ =	strace $0x90000048  }
0xb6: {  	_ =	sfence  }
0xb7: {  	s30 =	sld [smem:$0x0];
	_ =	sdelay $0x2  }
0xb8: {  	s31 =	sshll.u32 s1, $0xD;
	s1 =	sshrl.u32 s1, $0x2  }
0xb9: {  	s3 =	sand.u32 $0x4000, s31;
	s1 =	sadd.s32 s1, s30  }
0xba: {  	s0 =	sor.u32 s3, s0;
	s1 =	sshll.u32 s1, $0x11  }
0xbb: {  	s0 =	sor.u32 s1, s0  }
0xbc: {  	s0 =	sadd.s32 $0x8F2B, s0  }
0xbd: {  	[sflag:s0] =	ssyncadd.remote.s32 $0x1  }
0xbe: {  	_ =	sfence.sel $0xFFFF  }
0xbf: {  	[dreg:$0x0] =	wrdreg $0xFFFFFFFF;
	(pc) =	sbr.abs _section_cstart, $3  }
0xc0: {  	[dreg:$0x1] =	wrdreg $0xFFFFFFFF  }
0xc1: {  	_ =	task.clear_ibuf [dreg:s7], $0x2FFFF;
	_ =	strace $0x9FFFFFFF  }
0xc2: {  	(tm) =	ssettm $0x7FFFFFFF  }
0xc3: {  	_ =	shalt  }
tec
execute0_lowered:
.L_overlay_start_1:
0x0: {  	(tag) =	ssettag $0x1  }
0x1: {  	s1 =	srdreg.scid  }
0x2: {  	s0 =	stileid.u32;
	s5 =	sand.u32 $0x1, s1  }
0x3: {  	s4 =	rddreg [dreg:$0x0];
	s18 =	sshll.u32 s0, $0x5;
	s2 =	sshll.u32 s5, $0x4  }
0x4: {  	s1 =	rddreg [dreg:$0x1];
	s3 =	sor.u32 s2, s18;
	s2 =	simm.s32 $0x0  }
0x5: {  	s19 =	simm.s32 $0x80;
	[smem:$0x7FF] =	sst s2  }
0x6: {  	s20 =	simm.s32 $0x900;
	_ =	strace $0x80000047;
	[dreg:$0x6] =	wrdreg s19  }
0x7: {  	s21 =	simm.s32 $0x1100;
	[dreg:$0x7] =	wrdreg s20  }
0x8: {  	s22 =	simm.s32 $0x1900;
	[dreg:$0x8] =	wrdreg s21  }
0x9: {  	s23 =	simm.s32 $0x2100;
	[dreg:$0x9] =	wrdreg s22  }
0xa: {  	s24 =	simm.s32 $0x2900;
	[dreg:$0xa] =	wrdreg s23  }
0xb: {  	s25 =	simm.s32 $0x3100;
	[dreg:$0xb] =	wrdreg s24  }
0xc: {  	s26 =	simm.s32 $0x3900;
	[dreg:$0xc] =	wrdreg s25  }
0xd: {  	s0 =	simm.s32 $0x4100;
	[dreg:$0xd] =	wrdreg s26  }
0xe: {  	s9 =	simm.s32 $0x6100;
	[dreg:$0xe] =	wrdreg s0  }
0xf: {  	s10 =	simm.s32 $0x6900;
	s11 =	simm.s32 $0x7100;
	[dreg:$0x12] =	wrdreg s9  }
0x10: {  	s12 =	simm.s32 $0x7900;
	s13 =	simm.s32 $0x8100;
	[dreg:$0x13] =	wrdreg s10  }
0x11: {  	s14 =	simm.s32 $0x8900;
	s15 =	simm.s32 $0x9100;
	[dreg:$0x14] =	wrdreg s11  }
0x12: {  	s16 =	simm.s32 $0x9900;
	s28 =	simm.s32 $0x16100;
	[dreg:$0x15] =	wrdreg s12  }
0x13: {  	s29 =	simm.s32 $0x16900;
	s30 =	simm.s32 $0x17100;
	[dreg:$0x16] =	wrdreg s13  }
0x14: {  	s31 =	simm.s32 $0x17900;
	s5 =	ssub.s32 $0x2, s5;
	[dreg:$0x17] =	wrdreg s14  }
0x15: {  	s17 =	sshrl.u32 s5, $0x1;
	s18 =	simm.s32 $0xA100;
	[dreg:$0x18] =	wrdreg s15  }
0x16: {  	s6 =	sand.u32 $0xF0, s3;
	s3 =	sadd.s32 s1, s3;
	[dreg:$0x19] =	wrdreg s16  }
0x17: {  	s7 =	smul.u32 $0x1800, s6;
	s8 =	sadd.s32 $0x8, s3;
	[dreg:$0x1a] =	wrdreg s18  }
0x18: {  	s6 =	smul.u32 $0x300, s6;
	s19 =	simm.s32 $0xA900;
	[dreg:$0x3] =	wrdreg s8  }
0x19: {  	s20 =	simm.s32 $0xB100;
	s21 =	simm.s32 $0xB900;
	[dreg:$0x1b] =	wrdreg s19  }
0x1a: {  	s22 =	simm.s32 $0xC900;
	s23 =	simm.s32 $0xD100;
	[dreg:$0x1c] =	wrdreg s20  }
0x1b: {  	s9 =	simm.s32 $0x100;
	s24 =	simm.s32 $0xD900;
	[dreg:$0x1d] =	wrdreg s21  }
0x1c: {  	s10 =	simm.s32 $0xC100;
	s25 =	simm.s32 $0xE100;
	[dreg:$0x1e] =	wrdreg s22  }
0x1d: {  	s11 =	simm.s32 $0x1;
	s26 =	simm.s32 $0xE900;
	[dreg:$0x1f] =	wrdreg s23  }
0x1e: {  	s12 =	simm.s32 $0x2;
	s14 =	simm.s32 $0xF900;
	[smem:$0x7FB] =	sst s24  }
0x1f: {  	s15 =	simm.s32 $0x10100;
	s16 =	simm.s32 $0x10900;
	[smem:$0x7FC] =	sst s25  }
0x20: {  	s18 =	simm.s32 $0x11900;
	s8 =	simm.s32 $0x5900;
	[smem:$0x7FD] =	sst s26  }
0x21: {  	s19 =	simm.s32 $0x12100;
	s20 =	simm.s32 $0x12900;
	s21 =	simm.s32 $0x13100  }
0x22: {  	s22 =	simm.s32 $0x13900;
	s23 =	simm.s32 $0x14100;
	s24 =	simm.s32 $0x14900  }
0x23: {  	s25 =	simm.s32 $0x15100;
	s26 =	simm.s32 $0x15900;
	s7 =	sshrl.u32 s7, $0x3  }
0x24: {  	s6 =	sadd.s32 s4, s6;
	[dreg:$0x11] =	wrdreg s8;
	s8 =	simm.s32 $0x4  }
0x25: {  	s4 =	sadd.s32 s4, s7;
	[dreg:$0x4] =	wrdreg s6;
	s6 =	simm.s32 $0x4900  }
0x26: {  	s7 =	simm.s32 $0x5100;
	s4 =	sadd.s32 $0x1800, s4;
	[dreg:$0xf] =	wrdreg s6  }
0x27: {  	v2 =	vlaneseq.u32;
	[dreg:$0x10] =	wrdreg s7;
	s7 =	ssub.s32 s5, s17;
	s5 =	sadd.s32 $0x300, s1  }
0x28: {  	vm0 =	vmmov $0xffff;
	v1 =	vshrl.u32 v2, $0x3;
	s6 =	sadd.s32 $0x400, s1;
	s17 =	simm.s32 $0x11100;
	[dreg:$0x5] =	wrdreg s4  }
0x29: {  	v0 =	vand.u32 $0x7, v2;
	v2 =	vor.u32 $0x8, v2;
	v1 =	vmul.u32 $0x8, v1;
	s4 =	sadd.s32 $0x200, s1;
	s7 =	smax.u32 s7, $0x1;
	s1 =	simm.s32 $0x3  }
.LBB2_1:
0x2a: {  	[tilespmem:s2], [sflag:$0x4] =	stream.linear.gather [hbm4b:s3+s2], $0x40, $0x38;
	[tilespmem:$0x18100] =	vst v63  }
0x2b: {  	_ =	swait.ge [sflag:s8], $0x40  }
0x2c: {  	s0 =	rddreg [dreg:$0x3];
	[sflag:s8] =	ssyncset.done $0x0  }
0x2d: {  	s13 =	rddreg [dreg:$0x6];
	[sflag:s8] =	ssyncadd.s32 $0xFFFFFFC0  }
0x2e: {  	[tilespmem:s13], [sflag:$0x4] =	stream.linear.gather [hbm4b:s0+s2], $0x40, $0x38;
	[tilespmem:$0x18100] =	vst v63  }
0x2f: {  	_ =	swait.ge [sflag:s8], $0x40  }
0x30: {  	[sflag:s8] =	ssyncset.done $0x0  }
0x31: {  	s0 =	rddreg [dreg:$0x4];
	[sflag:s8] =	ssyncadd.s32 $0xFFFFFFC0  }
0x32: {  	[tilespmem:s9], [sflag:$0x1] =	stream.linear.gather [hbm4b:s0+s2], $0xC000, $0x38;
	[tilespmem:$0x18100] =	vst v63  }
0x33: {  	s13 =	rddreg [dreg:$0x5]  }
0x34: {  	[tilespmem:s10], [sflag:$0x2] =	stream.linear.gather [hbm4b:s13+s2], $0xC000, $0x38;
	[tilespmem:$0x18100] =	vst v63  }
0x35: {  	_ =	swait.ge [sflag:s11], $0xC000  }
0x36: {  	[sflag:s11] =	ssyncset.done $0x0  }
0x37: {  	[sflag:s11] =	ssyncadd.s32 $0xFFFF4000  }
0x38: {  	v3 =	vld [tilespmem:$0x0];
	_ =	sdelay $0x4  }
0x39: {  	v4 =	vshrl.u32 v3, $0x3  }
0x3a: {  	v4 =	vmul.u32 $0x30, v4  }
0x3b: {  	v3 =	vand.u32 $0x7, v3  }
0x3c: {  	v3 =	vor.u32 v3, v4  }
0x3d: {  	v4 =	vperm.xlane v3, v0;
	_ =	sdelay $0x1  }
0x3e: {  	v4 =	vadd.s32 v1, v4;
	_ =	sdelay $0x3  }
0x3f: {  	v3 =	vperm.xlane v3, v2  }
0x40: {  	[hbm4b:s4+s2] =	stream.indirect_vreg.scatter [tilespmem:s9], [sflag:$0x3], $0x80, v4, vm0, $0xb8;
	[tilespmem:$0x18100] =	vst v63  }
0x41: {  	s0 =	rddreg [dreg:$0x7];
	v3 =	vadd.s32 v1, v3  }
0x42: {  	[hbm4b:s5+s2] =	stream.indirect_vreg.scatter [tilespmem:s0], [sflag:$0x3], $0x80, v4, vm0, $0xb8;
	[tilespmem:$0x18100] =	vst v63  }
0x43: {  	s13 =	rddreg [dreg:$0x8]  }
0x44: {  	[hbm4b:s6+s2] =	stream.indirect_vreg.scatter [tilespmem:s13], [sflag:$0x3], $0x80, v4, vm0, $0xb8;
	[tilespmem:$0x18100] =	vst v63  }
0x45: {  	s0 =	rddreg [dreg:$0x9]  }
0x46: {  	[hbm4b:s4+s2] =	stream.indirect_vreg.scatter [tilespmem:s0], [sflag:$0x3], $0x80, v3, vm0, $0xb8;
	[tilespmem:$0x18100] =	vst v63  }
0x47: {  	s13 =	rddreg [dreg:$0xa]  }
0x48: {  	[hbm4b:s5+s2] =	stream.indirect_vreg.scatter [tilespmem:s13], [sflag:$0x3], $0x80, v3, vm0, $0xb8;
	[tilespmem:$0x18100] =	vst v63  }
0x49: {  	s0 =	rddreg [dreg:$0xb]  }
0x4a: {  	[hbm4b:s6+s2] =	stream.indirect_vreg.scatter [tilespmem:s0], [sflag:$0x3], $0x80, v3, vm0, $0xb8;
	[tilespmem:$0x18100] =	vst v63  }
0x4b: {  	v3 =	vld [tilespmem:$0x10];
	_ =	sdelay $0x4  }
0x4c: {  	v57 =	vshrl.u32 v3, $0x3  }
0x4d: {  	v4 =	vmul.u32 $0x30, v57  }
0x4e: {  	v3 =	vand.u32 $0x7, v3  }
0x4f: {  	v3 =	vor.u32 v3, v4  }
0x50: {  	v4 =	vperm.xlane v3, v0;
	_ =	sdelay $0x1  }
0x51: {  	v4 =	vadd.s32 v1, v4;
	_ =	sdelay $0x3  }
0x52: {  	s0 =	rddreg [dreg:$0xc];
	v3 =	vperm.xlane v3, v2  }
0x53: {  	[hbm4b:s4+s2] =	stream.indirect_vreg.scatter [tilespmem:s0], [sflag:$0x3], $0x80, v4, vm0, $0xb8;
	[tilespmem:$0x18100] =	vst v63  }
0x54: {  	s13 =	rddreg [dreg:$0xd];
	v3 =	vadd.s32 v1, v3  }
0x55: {  	[hbm4b:s5+s2] =	stream.indirect_vreg.scatter [tilespmem:s13], [sflag:$0x3], $0x80, v4, vm0, $0xb8;
	[tilespmem:$0x18100] =	vst v63  }
0x56: {  	s0 =	rddreg [dreg:$0xe]  }
0x57: {  	[hbm4b:s6+s2] =	stream.indirect_vreg.scatter [tilespmem:s0], [sflag:$0x3], $0x80, v4, vm0, $0xb8;
	[tilespmem:$0x18100] =	vst v63  }
0x58: {  	s13 =	rddreg [dreg:$0xf]  }
0x59: {  	[hbm4b:s4+s2] =	stream.indirect_vreg.scatter [tilespmem:s13], [sflag:$0x3], $0x80, v3, vm0, $0xb8;
	[tilespmem:$0x18100] =	vst v63  }
0x5a: {  	s0 =	rddreg [dreg:$0x10]  }
0x5b: {  	[hbm4b:s5+s2] =	stream.indirect_vreg.scatter [tilespmem:s0], [sflag:$0x3], $0x80, v3, vm0, $0xb8;
	[tilespmem:$0x18100] =	vst v63  }
0x5c: {  	s13 =	rddreg [dreg:$0x11]  }
0x5d: {  	[hbm4b:s6+s2] =	stream.indirect_vreg.scatter [tilespmem:s13], [sflag:$0x3], $0x80, v3, vm0, $0xb8;
	[tilespmem:$0x18100] =	vst v63  }
0x5e: {  	v3 =	vld [tilespmem:$0x20];
	_ =	sdelay $0x4  }
0x5f: {  	v58 =	vshrl.u32 v3, $0x3  }
0x60: {  	v4 =	vmul.u32 $0x30, v58  }
0x61: {  	v3 =	vand.u32 $0x7, v3  }
0x62: {  	v3 =	vor.u32 v3, v4  }
0x63: {  	v4 =	vperm.xlane v3, v0;
	_ =	sdelay $0x1  }
0x64: {  	v4 =	vadd.s32 v1, v4;
	_ =	sdelay $0x3  }
0x65: {  	s0 =	rddreg [dreg:$0x12];
	v3 =	vperm.xlane v3, v2  }
0x66: {  	[hbm4b:s4+s2] =	stream.indirect_vreg.scatter [tilespmem:s0], [sflag:$0x3], $0x80, v4, vm0, $0xb8;
	[tilespmem:$0x18100] =	vst v63  }
0x67: {  	s13 =	rddreg [dreg:$0x13];
	v3 =	vadd.s32 v1, v3  }
0x68: {  	[hbm4b:s5+s2] =	stream.indirect_vreg.scatter [tilespmem:s13], [sflag:$0x3], $0x80, v4, vm0, $0xb8;
	[tilespmem:$0x18100] =	vst v63  }
0x69: {  	s0 =	rddreg [dreg:$0x14]  }
0x6a: {  	[hbm4b:s6+s2] =	stream.indirect_vreg.scatter [tilespmem:s0], [sflag:$0x3], $0x80, v4, vm0, $0xb8;
	[tilespmem:$0x18100] =	vst v63  }
0x6b: {  	s13 =	rddreg [dreg:$0x15]  }
0x6c: {  	[hbm4b:s4+s2] =	stream.indirect_vreg.scatter [tilespmem:s13], [sflag:$0x3], $0x80, v3, vm0, $0xb8;
	[tilespmem:$0x18100] =	vst v63  }
0x6d: {  	s0 =	rddreg [dreg:$0x16]  }
0x6e: {  	[hbm4b:s5+s2] =	stream.indirect_vreg.scatter [tilespmem:s0], [sflag:$0x3], $0x80, v3, vm0, $0xb8;
	[tilespmem:$0x18100] =	vst v63  }
0x6f: {  	s13 =	rddreg [dreg:$0x17]  }
0x70: {  	[hbm4b:s6+s2] =	stream.indirect_vreg.scatter [tilespmem:s13], [sflag:$0x3], $0x80, v3, vm0, $0xb8;
	[tilespmem:$0x18100] =	vst v63  }
0x71: {  	v3 =	vld [tilespmem:$0x30];
	_ =	sdelay $0x4  }
0x72: {  	v59 =	vshrl.u32 v3, $0x3  }
0x73: {  	v4 =	vmul.u32 $0x30, v59  }
0x74: {  	v3 =	vand.u32 $0x7, v3  }
0x75: {  	v3 =	vor.u32 v3, v4  }
0x76: {  	v4 =	vperm.xlane v3, v0;
	_ =	sdelay $0x1  }
0x77: {  	v4 =	vadd.s32 v1, v4;
	_ =	sdelay $0x3  }
0x78: {  	s0 =	rddreg [dreg:$0x18];
	v3 =	vperm.xlane v3, v2  }
0x79: {  	[hbm4b:s4+s2] =	stream.indirect_vreg.scatter [tilespmem:s0], [sflag:$0x3], $0x80, v4, vm0, $0xb8;
	[tilespmem:$0x18100] =	vst v63  }
0x7a: {  	s13 =	rddreg [dreg:$0x19];
	v3 =	vadd.s32 v1, v3  }
0x7b: {  	[hbm4b:s5+s2] =	stream.indirect_vreg.scatter [tilespmem:s13], [sflag:$0x3], $0x80, v4, vm0, $0xb8;
	[tilespmem:$0x18100] =	vst v63  }
0x7c: {  	s0 =	rddreg [dreg:$0x1a]  }
0x7d: {  	[hbm4b:s6+s2] =	stream.indirect_vreg.scatter [tilespmem:s0], [sflag:$0x3], $0x80, v4, vm0, $0xb8;
	[tilespmem:$0x18100] =	vst v63  }
0x7e: {  	s13 =	rddreg [dreg:$0x1b]  }
0x7f: {  	[hbm4b:s4+s2] =	stream.indirect_vreg.scatter [tilespmem:s13], [sflag:$0x3], $0x80, v3, vm0, $0xb8;
	[tilespmem:$0x18100] =	vst v63  }
0x80: {  	s0 =	rddreg [dreg:$0x1c]  }
0x81: {  	[hbm4b:s5+s2] =	stream.indirect_vreg.scatter [tilespmem:s0], [sflag:$0x3], $0x80, v3, vm0, $0xb8;
	[tilespmem:$0x18100] =	vst v63  }
0x82: {  	s13 =	rddreg [dreg:$0x1d]  }
0x83: {  	[hbm4b:s6+s2] =	stream.indirect_vreg.scatter [tilespmem:s13], [sflag:$0x3], $0x80, v3, vm0, $0xb8;
	[tilespmem:$0x18100] =	vst v63  }
0x84: {  	_ =	swait.ge [sflag:s12], $0xC000  }
0x85: {  	[sflag:s12] =	ssyncset.done $0x0  }
0x86: {  	[sflag:s12] =	ssyncadd.s32 $0xFFFF4000  }
0x87: {  	v3 =	vld [tilespmem:$0x80];
	_ =	sdelay $0x4  }
0x88: {  	v60 =	vshrl.u32 v3, $0x3  }
0x89: {  	v4 =	vmul.u32 $0x30, v60  }
0x8a: {  	v3 =	vand.u32 $0x7, v3  }
0x8b: {  	v3 =	vor.u32 v3, v4  }
0x8c: {  	v4 =	vperm.xlane v3, v0;
	_ =	sdelay $0x1  }
0x8d: {  	v4 =	vadd.s32 v1, v4;
	_ =	sdelay $0x3  }
0x8e: {  	s0 =	rddreg [dreg:$0x1e];
	v3 =	vperm.xlane v3, v2  }
0x8f: {  	[hbm4b:s4+s2] =	stream.indirect_vreg.scatter [tilespmem:s10], [sflag:$0x1], $0x80, v4, vm0, $0xb8;
	[tilespmem:$0x18100] =	vst v63  }
0x90: {  	s13 =	rddreg [dreg:$0x1f];
	v3 =	vadd.s32 v1, v3  }
0x91: {  	[hbm4b:s5+s2] =	stream.indirect_vreg.scatter [tilespmem:s0], [sflag:$0x1], $0x80, v4, vm0, $0xb8;
	[tilespmem:$0x18100] =	vst v63  }
0x92: {  	s0 =	sld [smem:$0x7FB]  }
0x93: {  	[hbm4b:s6+s2] =	stream.indirect_vreg.scatter [tilespmem:s13], [sflag:$0x1], $0x80, v4, vm0, $0xb8;
	[tilespmem:$0x18100] =	vst v63  }
0x94: {  	s13 =	sld [smem:$0x7FC]  }
0x95: {  	[hbm4b:s4+s2] =	stream.indirect_vreg.scatter [tilespmem:s0], [sflag:$0x1], $0x80, v3, vm0, $0xb8;
	[tilespmem:$0x18100] =	vst v63  }
0x96: {  	s0 =	sld [smem:$0x7FD]  }
0x97: {  	[hbm4b:s5+s2] =	stream.indirect_vreg.scatter [tilespmem:s13], [sflag:$0x1], $0x80, v3, vm0, $0xb8;
	[tilespmem:$0x18100] =	vst v63  }
0x98: {  	_ = 	snop  }
0x99: {  	[hbm4b:s6+s2] =	stream.indirect_vreg.scatter [tilespmem:s0], [sflag:$0x1], $0x80, v3, vm0, $0xb8;
	[tilespmem:$0x18100] =	vst v63  }
0x9a: {  	v3 =	vld [tilespmem:$0x90];
	_ =	sdelay $0x4  }
0x9b: {  	v61 =	vshrl.u32 v3, $0x3  }
0x9c: {  	v4 =	vmul.u32 $0x30, v61  }
0x9d: {  	v3 =	vand.u32 $0x7, v3  }
0x9e: {  	v3 =	vor.u32 v3, v4  }
0x9f: {  	v4 =	vperm.xlane v3, v0;
	_ =	sdelay $0x1  }
0xa0: {  	v4 =	vadd.s32 v1, v4;
	_ =	sdelay $0x3  }
0xa1: {  	s13 =	simm.s32 $0xF100;
	v3 =	vperm.xlane v3, v2  }
0xa2: {  	[hbm4b:s4+s2] =	stream.indirect_vreg.scatter [tilespmem:s13], [sflag:$0x1], $0x80, v4, vm0, $0xb8;
	[tilespmem:$0x18100] =	vst v63  }
0xa3: {  	v3 =	vadd.s32 v1, v3  }
0xa4: {  	[hbm4b:s5+s2] =	stream.indirect_vreg.scatter [tilespmem:s14], [sflag:$0x1], $0x80, v4, vm0, $0xb8;
	[tilespmem:$0x18100] =	vst v63  }
0xa5: {  	_ = 	snop  }
0xa6: {  	[hbm4b:s6+s2] =	stream.indirect_vreg.scatter [tilespmem:s15], [sflag:$0x1], $0x80, v4, vm0, $0xb8;
	[tilespmem:$0x18100] =	vst v63  }
0xa7: {  	_ = 	snop  }
0xa8: {  	[hbm4b:s4+s2] =	stream.indirect_vreg.scatter [tilespmem:s16], [sflag:$0x1], $0x80, v3, vm0, $0xb8;
	[tilespmem:$0x18100] =	vst v63  }
0xa9: {  	_ = 	snop  }
0xaa: {  	[hbm4b:s5+s2] =	stream.indirect_vreg.scatter [tilespmem:s17], [sflag:$0x1], $0x80, v3, vm0, $0xb8;
	[tilespmem:$0x18100] =	vst v63  }
0xab: {  	_ = 	snop  }
0xac: {  	[hbm4b:s6+s2] =	stream.indirect_vreg.scatter [tilespmem:s18], [sflag:$0x1], $0x80, v3, vm0, $0xb8;
	[tilespmem:$0x18100] =	vst v63  }
0xad: {  	v3 =	vld [tilespmem:$0xA0];
	_ =	sdelay $0x4  }
0xae: {  	v62 =	vshrl.u32 v3, $0x3  }
0xaf: {  	v4 =	vmul.u32 $0x30, v62  }
0xb0: {  	v3 =	vand.u32 $0x7, v3  }
0xb1: {  	v3 =	vor.u32 v3, v4  }
0xb2: {  	v4 =	vperm.xlane v3, v0;
	_ =	sdelay $0x1  }
0xb3: {  	v4 =	vadd.s32 v1, v4;
	_ =	sdelay $0x3  }
0xb4: {  	v3 =	vperm.xlane v3, v2  }
0xb5: {  	[hbm4b:s4+s2] =	stream.indirect_vreg.scatter [tilespmem:s19], [sflag:$0x1], $0x80, v4, vm0, $0xb8;
	[tilespmem:$0x18100] =	vst v63  }
0xb6: {  	v3 =	vadd.s32 v1, v3  }
0xb7: {  	[hbm4b:s5+s2] =	stream.indirect_vreg.scatter [tilespmem:s20], [sflag:$0x1], $0x80, v4, vm0, $0xb8;
	[tilespmem:$0x18100] =	vst v63  }
0xb8: {  	_ = 	snop  }
0xb9: {  	[hbm4b:s6+s2] =	stream.indirect_vreg.scatter [tilespmem:s21], [sflag:$0x1], $0x80, v4, vm0, $0xb8;
	[tilespmem:$0x18100] =	vst v63  }
0xba: {  	_ = 	snop  }
0xbb: {  	[hbm4b:s4+s2] =	stream.indirect_vreg.scatter [tilespmem:s22], [sflag:$0x1], $0x80, v3, vm0, $0xb8;
	[tilespmem:$0x18100] =	vst v63  }
0xbc: {  	_ = 	snop  }
0xbd: {  	[hbm4b:s5+s2] =	stream.indirect_vreg.scatter [tilespmem:s23], [sflag:$0x1], $0x80, v3, vm0, $0xb8;
	[tilespmem:$0x18100] =	vst v63  }
0xbe: {  	_ = 	snop  }
0xbf: {  	[hbm4b:s6+s2] =	stream.indirect_vreg.scatter [tilespmem:s24], [sflag:$0x1], $0x80, v3, vm0, $0xb8;
	[tilespmem:$0x18100] =	vst v63  }
0xc0: {  	v3 =	vld [tilespmem:$0xB0];
	_ =	sdelay $0x4  }
0xc1: {  	v63 =	vshrl.u32 v3, $0x3  }
0xc2: {  	v4 =	vmul.u32 $0x30, v63  }
0xc3: {  	v3 =	vand.u32 $0x7, v3  }
0xc4: {  	v3 =	vor.u32 v3, v4  }
0xc5: {  	v4 =	vperm.xlane v3, v0;
	_ =	sdelay $0x1  }
0xc6: {  	v4 =	vadd.s32 v1, v4;
	_ =	sdelay $0x3  }
0xc7: {  	v3 =	vperm.xlane v3, v2  }
0xc8: {  	[hbm4b:s4+s2] =	stream.indirect_vreg.scatter [tilespmem:s25], [sflag:$0x1], $0x80, v4, vm0, $0xb8;
	[tilespmem:$0x18100] =	vst v63  }
0xc9: {  	v3 =	vadd.s32 v1, v3  }
0xca: {  	[hbm4b:s5+s2] =	stream.indirect_vreg.scatter [tilespmem:s26], [sflag:$0x1], $0x80, v4, vm0, $0xb8;
	[tilespmem:$0x18100] =	vst v63  }
0xcb: {  	_ = 	snop  }
0xcc: {  	[hbm4b:s6+s2] =	stream.indirect_vreg.scatter [tilespmem:s28], [sflag:$0x1], $0x80, v4, vm0, $0xb8;
	[tilespmem:$0x18100] =	vst v63  }
0xcd: {  	_ = 	snop  }
0xce: {  	[hbm4b:s4+s2] =	stream.indirect_vreg.scatter [tilespmem:s29], [sflag:$0x1], $0x80, v3, vm0, $0xb8;
	[tilespmem:$0x18100] =	vst v63  }
0xcf: {  	_ = 	snop  }
0xd0: {  	[hbm4b:s5+s2] =	stream.indirect_vreg.scatter [tilespmem:s30], [sflag:$0x1], $0x80, v3, vm0, $0xb8;
	[tilespmem:$0x18100] =	vst v63  }
0xd1: {  	_ = 	snop  }
0xd2: {  	[hbm4b:s6+s2] =	stream.indirect_vreg.scatter [tilespmem:s31], [sflag:$0x1], $0x80, v3, vm0, $0xb8;
	[tilespmem:$0x18100] =	vst v63  }
0xd3: {  	p0 =	sne.s32 s7, $0x1;
	_ =	swait.ge [sflag:s1], $0xC000  }
.Ltmp0:
0xd4: {  	[sflag:s1] =	ssyncset.done $0x0;
	(pc) =	sbr.rel @p0 .LBB2_1-.Ltmp0, $4  }
0xd5: {  	[sflag:s1] =	ssyncadd.s32 $0xFFFF4000  }
0xd6: {  	_ =	swait.ge [sflag:s11], $0xC000  }
0xd7: {  	[sflag:s11] =	ssyncset.done $0x0  }
0xd8: {  	s7 =	sadd.s32 $0xFFFFFFFF, s7;
	[sflag:s11] =	ssyncadd.s32 $0xFFFF4000  }
0xd9: {  	_ =	sfence.sel $0x180000  }
0xda: {  	[bflag:$0x0] =	sbarrier.arrive $0xFFFF  }
0xdb: {  	_ =	strace $0x90000047  }
0xdc: {  	s0 =	stileid.u32;
	[bflag:$0x2] =	sbarrier.arrive $0xFFFF  }
0xdd: {  	p0 =	sne.s32 s0, $0x0;
	s0 =	rddreg [dreg:$0x2]  }
0xde: {  	s0 =	sadd.s32 @!p0 $0x100000, s0  }
0xdf: {  	[sflag:s0] =	ssyncadd.tile.s32 @!p0 $0x1;
	_ =	shalt  }
.Lfunc_end2:
_tile_overlayer_lowered:
.L_overlay_start_2:
0xe0: {  	(tag) =	ssettag $0x2  }
0xe1: {  	s0 =	rddreg [dreg:$0x0];
	s2 =	stileid.u32  }
0xe2: {  	s1 =	rddreg [dreg:$0x1];
	p0 =	sne.s32 s2, $0x0  }
0xe3: {  	s3 =	rddreg [dreg:$0x2];
	[bflag:$0x3] =	sbarrier.arrive $0xFFFF;
	s2 =	simm.s32 @!p0 $0x1C04  }
0xe4: {  	[timem:s3], [sflag:s2] =	dma.local @!p0 [hbm:s0], s1  }
0xe5: {  	s0 =	simm.s32 @!p0 $0x4  }
0xe6: {  	_ =	swait.ge @!p0 [sflag:s0], s1  }
0xe7: {  	s1 =	ssub.s32 @!p0 $0x0, s1;
	[sflag:s0] =	ssyncset.done @!p0 $0x0  }
0xe8: {  	[sflag:s0] =	ssyncadd.s32 @!p0 s1  }
0xe9: {  	[bflag:$0x3] =	sbarrier.arrive $0xFFFF  }
0xea: {  	_ =	shalt  }

// kernel: kernel.9.cloned.1.call-start
scs
__scs_entry_jumppad:
0x0: {  	(pc) =	sbr.rel $0x88, $3  }
0x1: {  	(tag) =	ssettag $0x0;
	lr =	simm.s32 $0x1  }
0x2: {  	[smem:$0x3F9A] =	sst lr;
	_ =	strace $0xD0000000  }
0x3: {  	_ = 	snop  }
0x4: {  	_ = 	snop  }
0x5: {  	_ = 	snop  }
0x6: {  	_ = 	snop  }
0x7: {  	_ = 	snop  }
__scs_overlays_trampoline_lowered:
0x8: {  	[smem:$0x3FA9] =	sst s0  }
0x9: {  	[smem:$0x3FAA] =	sst s1  }
0xa: {  	[smem:$0x3FAB] =	sst s2  }
0xb: {  	[smem:$0x3FAC] =	sst s3  }
0xc: {  	[smem:$0x3FAD] =	sst s4  }
0xd: {  	[smem:$0x3FAE] =	sst s5  }
0xe: {  	[smem:$0x3FAF] =	sst s6  }
0xf: {  	[smem:$0x3FB0] =	sst s7  }
0x10: {  	[smem:$0x3FB1] =	sst s8  }
0x11: {  	[smem:$0x3FB2] =	sst s9;
	s0 =	simm.s32 @!p0 $0x0  }
0x12: {  	s1 =	sld [smem:$0x3F98];
	s0 =	simm.s32 @p0 $0x1  }
0x13: {  	[smem:$0x3FB3] =	sst s0;
	s0 =	simm.s32 @!p1 $0x0  }
0x14: {  	s2 =	sld [smem:$0x3F97];
	s0 =	simm.s32 @p1 $0x1  }
0x15: {  	[smem:$0x3FB4] =	sst s0;
	s0 =	simm.s32 @!p2 $0x0  }
0x16: {  	s3 =	sld [smem:$0x3FDB];
	s0 =	simm.s32 @p2 $0x1  }
0x17: {  	s4 =	simm.s32 $0x1BF5;
	[smem:$0x3FB6] =	sst s0  }
0x18: {  	s0 =	sld [smem:$0x3F99];
	_ =	swait.ge [sflag:s4], $0x0  }
0x19: {  	s7 =	sld [smem:$0x3F9A]  }
0x1a: {  	s8 =	sadd.s32 $0xFFFFE003, lr  }
0x1b: {  	s9 =	sadd.s32 $0xFFFFFEF7, lr;
	s5 =	simm.s32 $0xFFFFFFFF;
	p2 =	slt.u32 s8, $0xFFFFF086  }
0x1c: {  	p1 =	slt.u32 s9, $0xF7A;
	s5 =	simm.s32 @!p2 $0x0  }
0x1d: {  	s5 =	simm.s32 @p1 $0x1;
	p0 =	seq.s32 s7, s2  }
0x1e: {  	s7 =	smul.u32 @!p0 $0xF7A, s2;
	p2 =	seq.s32 @!p0 s5, $0x0  }
0x1f: {  	s9 =	smul.u32 $0xF7A, s1;
	s8 =	simm.s32 @!p0 $0x1BF5;
	p2 =	por !p2, p0  }
0x20: {  	[sflag:s8] =	ssyncset.s32 @!p0 $0xFFFFF086;
	s6 =	sadd.s32 @!p0 s3, s7;
	s7 =	simm.s32 @!p0 $0x108  }
0x21: {  	s3 =	sadd.s32 s3, s9;
	s6 =	sadd.s32 @!p0 $0x88, s6;
	s7 =	simm.s32 @p2 $0x1082  }
0x22: {  	[simem:s7], [sflag:s8] =	dma.local @!p0 [hbm:s6], $0xF7A  }
0x23: {  	s9 =	sor.u32 $0xD0000000, s2;
	s6 =	simm.s32 $0x108;
	_ =	swait.ge @!p0 [sflag:s8], $0x0  }
0x24: {  	s3 =	sadd.s32 $0x88, s3;
	s6 =	simm.s32 @!p1 $0x1082;
	[sflag:s4] =	ssyncset.s32 $0xFFFFF086  }
0x25: {  	[simem:s6], [sflag:s4] =	dma.local [hbm:s3], $0xF7A  }
0x26: {  	[smem:$0x3F9A] =	sst s1;
	(tag) =	ssettag s2;
	_ =	strace s9  }
0x27: {  	s1 =	sld [smem:$0x3FAA]  }
0x28: {  	s2 =	sld [smem:$0x3FAB]  }
0x29: {  	s4 =	sld [smem:$0x3FAD]  }
0x2a: {  	p0 =	seq.s32 s5, $0x0;
	s5 =	sld [smem:$0x3FAE]  }
0x2b: {  	s6 =	sld [smem:$0x3FAF]  }
0x2c: {  	s7 =	sld [smem:$0x3FB0]  }
0x2d: {  	s3 =	simm.s32 $0x108;
	s8 =	sld [smem:$0x3FB1]  }
0x2e: {  	s3 =	simm.s32 @!p0 $0x1082;
	s9 =	sld [smem:$0x3FB2]  }
0x2f: {  	lr =	sadd.s32 s0, s3;
	s0 =	sld [smem:$0x3FA9]  }
0x30: {  	s3 =	sld [smem:$0x3FAC]  }
0x31: {  	[smem:$0x3FB5] =	sst s10  }
0x32: {  	s10 =	sld [smem:$0x3FB3];
	_ =	sdelay $0x3  }
0x33: {  	p0 =	seq.s32 s10, $0x1;
	s10 =	sld [smem:$0x3FB5];
	_ =	sdelay $0x3  }
0x34: {  	[smem:$0x3FB5] =	sst s10  }
0x35: {  	s10 =	sld [smem:$0x3FB4];
	_ =	sdelay $0x3  }
0x36: {  	p1 =	seq.s32 s10, $0x1;
	s10 =	sld [smem:$0x3FB5];
	_ =	sdelay $0x3  }
0x37: {  	[smem:$0x3FB5] =	sst s10  }
0x38: {  	s10 =	sld [smem:$0x3FB6]  }
0x39: {  	_ = 	snop;
	(pc) =	sbr.ind lr, $3  }
0x3a: {  	_ = 	snop  }
0x3b: {  	_ = 	snop  }
0x3c: {  	p2 =	seq.s32 s10, $0x1;
	s10 =	sld [smem:$0x3FB5]  }
0x3d: {  	_ =	shalt  }
0x3e: {  	_ =	shalt  }
0x3f: {  	_ =	shalt  }
0x40: {  	_ =	shalt  }
0x41: {  	_ =	shalt  }
0x42: {  	_ =	shalt  }
0x43: {  	_ =	shalt  }
0x44: {  	_ =	shalt  }
0x45: {  	_ =	shalt  }
0x46: {  	_ =	shalt  }
0x47: {  	_ =	shalt  }
0x48: {  	_ =	shalt  }
0x49: {  	_ =	shalt  }
0x4a: {  	_ =	shalt  }
0x4b: {  	_ =	shalt  }
0x4c: {  	_ =	shalt  }
0x4d: {  	_ =	shalt  }
0x4e: {  	_ =	shalt  }
0x4f: {  	_ =	shalt  }
0x50: {  	_ =	shalt  }
0x51: {  	_ =	shalt  }
0x52: {  	_ =	shalt  }
0x53: {  	_ =	shalt  }
0x54: {  	_ =	shalt  }
0x55: {  	_ =	shalt  }
0x56: {  	_ =	shalt  }
0x57: {  	_ =	shalt  }
0x58: {  	_ =	shalt  }
0x59: {  	_ =	shalt  }
0x5a: {  	_ =	shalt  }
0x5b: {  	_ =	shalt  }
0x5c: {  	_ =	shalt  }
0x5d: {  	_ =	shalt  }
0x5e: {  	_ =	shalt  }
0x5f: {  	_ =	shalt  }
0x60: {  	_ =	shalt  }
0x61: {  	_ =	shalt  }
0x62: {  	_ =	shalt  }
0x63: {  	_ =	shalt  }
0x64: {  	_ =	shalt  }
0x65: {  	_ =	shalt  }
0x66: {  	_ =	shalt  }
0x67: {  	_ =	shalt  }
0x68: {  	_ =	shalt  }
0x69: {  	_ =	shalt  }
0x6a: {  	_ =	shalt  }
0x6b: {  	_ =	shalt  }
0x6c: {  	_ =	shalt  }
0x6d: {  	_ =	shalt  }
0x6e: {  	_ =	shalt  }
0x6f: {  	_ =	shalt  }
0x70: {  	_ =	shalt  }
0x71: {  	_ =	shalt  }
0x72: {  	_ =	shalt  }
0x73: {  	_ =	shalt  }
0x74: {  	_ =	shalt  }
0x75: {  	_ =	shalt  }
0x76: {  	_ =	shalt  }
0x77: {  	_ =	shalt  }
0x78: {  	_ =	shalt  }
0x79: {  	_ =	shalt  }
0x7a: {  	_ =	shalt  }
0x7b: {  	_ =	shalt  }
0x7c: {  	_ =	shalt  }
0x7d: {  	_ =	shalt  }
0x7e: {  	_ =	shalt  }
0x7f: {  	_ =	shalt  }
0x80: {  	_ =	shalt  }
0x81: {  	_ =	shalt  }
0x82: {  	_ =	shalt  }
0x83: {  	_ =	shalt  }
0x84: {  	_ =	shalt  }
0x85: {  	_ =	shalt  }
0x86: {  	_ =	shalt  }
0x87: {  	_ =	shalt  }
.Lfunc_end0:
.L_simem_size_0:
called_computation.1_lowered:
.L_overlay_start_0:
0x88: {  	s2 =	sld [smem:$0x3FD9]  }
0x89: {  	s3 =	sld [smem:$0x3FFE];
	_ =	sdelay $0x1  }
0x8a: {  	s1 =	srdreg.scid  }
0x8b: {  	s0 =	sand.u32 $0x1, s1  }
0x8c: {  	s17 =	sshll.u32 s0, $0xA;
	s2 =	sadd.s32 s3, s2  }
0x8d: {  	s2 =	sadd.s32 s2, s17  }
0x8e: {  	[smem:$0x3FC1] =	sst s2  }
0x8f: {  	_ = 	snop  }
0x90: {  	s2 =	sld [smem:$0x3FD0];
	(tm) =	ssettm $0x1  }
0x91: {  	s18 =	sld [smem:$0x3FFB];
	_ =	sdelay $0x3  }
0x92: {  	_ =	strace s18  }
0x93: {  	s3 =	sld [smem:$0x3FFC];
	_ =	sdelay $0x3  }
0x94: {  	_ =	strace s3  }
0x95: {  	s3 =	sld [smem:$0x3FFD];
	_ =	sdelay $0x3  }
0x96: {  	_ =	strace s3  }
0x97: {  	_ =	strace $0x8FFFFFFF  }
0x98: {  	s19 =	sld [smem:$0x3FDB];
	_ =	sdelay $0x1  }
0x99: {  	s4 =	simm.s32 $_scs_section_size  }
0x9a: {  	s5 =	simm.s32 $_size__tile_overlayer_lowered;
	s6 =	simm.s32 $_tile_overlayer_lowered  }
0x9b: {  	s22 =	simm.s32 $0x1BFF;
	s21 =	sshll.u32 s6, $0x1;
	s3 =	sadd.s32 s4, s19  }
0x9c: {  	s7 =	simm.s32 $0x0;
	s20 =	sshll.u32 s5, $0x1;
	s5 =	sadd.s32 s21, s3  }
0x9d: {  	[timem:s7], [sflag:s22] =	dma.local [hbm:s5], s20  }
0x9e: {  	_ =	swait.ge [sflag:s22], s20  }
0x9f: {  	s4 =	ssub.s32 $0x0, s20;
	[sflag:s22] =	ssyncset.done $0x0  }
0xa0: {  	[sflag:s22] =	ssyncadd.s32 s4;
	_ =	sdelay $0x1  }
0xa1: {  	s23 =	simm.s32 $0x1B8B  }
0xa2: {  	_ =	swait.ge [sflag:s23], $0x1  }
0xa3: {  	[sflag:s23] =	ssyncset.done $0x0  }
0xa4: {  	s25 =	simm.s32 $0x1B8E;
	s24 =	sld [smem:$0x3FFE];
	[sflag:s23] =	ssyncadd.s32 $0xFFFFFFFF  }
0xa5: {  	s26 =	simm.s32 $execute0_lowered;
	[smem:$0x3FD2] =	sst s25  }
0xa6: {  	s5 =	sshll.u32 s26, $0x1;
	_ =	strace $0x80000049;
	[dreg:$0x1] =	wrdreg $0xFFFFFFFF  }
0xa7: {  	s28 =	simm.s32 $_size_execute0_lowered;
	s3 =	sadd.s32 s3, s5;
	[dreg:$0x0] =	wrdreg $0x0  }
0xa8: {  	s5 =	sshll.u32 s28, $0x1;
	[dreg:$0x2] =	wrdreg s3  }
0xa9: {  	[dreg:$0x3] =	wrdreg s5  }
0xaa: {  	[dreg:$0x4] =	wrdreg $0xC0  }
0xab: {  	_ =	task [dreg:s7], $0x5FFFF  }
0xac: {  	[dreg:$0x1] =	wrdreg $0xFFFFFFFF  }
0xad: {  	[dreg:$0x0] =	wrdreg $0x60  }
0xae: {  	[dreg:$0x2] =	wrdreg s24  }
0xaf: {  	[dreg:$0x3] =	wrdreg s2  }
0xb0: {  	[dreg:$0x4] =	wrdreg $0x9  }
0xb1: {  	_ =	task.clear_ibuf [dreg:s7], $0x5FFFF;
	_ =	strace $0x90000049  }
0xb2: {  	s29 =	simm.s32 $0x9;
	_ =	strace $0x8000004B  }
0xb3: {  	_ =	swait.ge [sflag:s29], $0x1  }
0xb4: {  	[sflag:s29] =	ssyncadd.s32 $0xFFFFFFFF  }
0xb5: {  	_ =	strace $0x9000004B  }
0xb6: {  	_ =	sfence  }
0xb7: {  	s30 =	sld [smem:$0x0];
	_ =	sdelay $0x2  }
0xb8: {  	s31 =	sshll.u32 s1, $0xD;
	s1 =	sshrl.u32 s1, $0x2  }
0xb9: {  	s3 =	sand.u32 $0x4000, s31;
	s1 =	sadd.s32 s1, s30  }
0xba: {  	s0 =	sor.u32 s3, s0;
	s1 =	sshll.u32 s1, $0x11  }
0xbb: {  	s0 =	sor.u32 s1, s0  }
0xbc: {  	s0 =	sadd.s32 $0x8F2B, s0  }
0xbd: {  	[sflag:s0] =	ssyncadd.remote.s32 $0x1  }
0xbe: {  	_ =	sfence.sel $0xFFFF  }
0xbf: {  	[dreg:$0x0] =	wrdreg $0xFFFFFFFF;
	(pc) =	sbr.abs _section_cstart, $3  }
0xc0: {  	[dreg:$0x1] =	wrdreg $0xFFFFFFFF  }
0xc1: {  	_ =	task.clear_ibuf [dreg:s7], $0x2FFFF;
	_ =	strace $0x9FFFFFFF  }
0xc2: {  	(tm) =	ssettm $0x7FFFFFFF  }
0xc3: {  	_ =	shalt  }
tec
execute0_lowered:
.L_overlay_start_1:
0x0: {  	(tag) =	ssettag $0x1  }
0x1: {  	s0 =	rddreg [dreg:$0x0]  }
0x2: {  	s1 =	rddreg [dreg:$0x1];
	s2 =	simm.s32 $0x0;
	s3 =	srdreg.scid  }
0x3: {  	s5 =	stileid.u32;
	s15 =	simm.s32 $0x200;
	s21 =	simm.s32 $0x6200  }
0x4: {  	s20 =	simm.s32 $0x14A00;
	s22 =	simm.s32 $0x15200;
	s23 =	simm.s32 $0x15A00  }
0x5: {  	s24 =	simm.s32 $0x16200;
	s25 =	simm.s32 $0x16A00;
	s28 =	simm.s32 $0x17A00  }
0x6: {  	s29 =	simm.s32 $0x1;
	s30 =	simm.s32 $0x2;
	s31 =	simm.s32 $0x0  }
0x7: {  	[smem:$0x7FF] =	sst s2;
	s4 =	sand.u32 $0x1, s3;
	s3 =	sadd.s32 $0x120400, s0  }
0x8: {  	s5 =	sshll.u32 s5, $0x4;
	s7 =	sadd.s32 $0x120200, s0;
	s6 =	sshll.u32 s4, $0x3  }
0x9: {  	_ =	strace $0x8000004A;
	s4 =	ssub.s32 $0x2, s4;
	s8 =	sor.u32 s6, s5  }
0xa: {  	s26 =	sshrl.u32 s4, $0x1;
	s9 =	sor.u32 $0x100, s8;
	s10 =	smul.u32 $0x1800, s8  }
0xb: {  	s12 =	ssub.s32 s4, s26;
	s4 =	sadd.s32 s0, s8;
	s6 =	sadd.s32 s7, s8  }
0xc: {  	s11 =	smul.u32 $0x300, s8;
	s8 =	sadd.s32 $0x120500, s0;
	s26 =	simm.s32 $0x17200  }
0xd: {  	v2 =	vlaneseq.u32;
	s5 =	sadd.s32 s0, s9;
	s7 =	sadd.s32 s7, s9;
	s10 =	sshrl.u32 s10, $0x3  }
0xe: {  	vm0 =	vmmov $0xffff;
	v1 =	vshrl.u32 v2, $0x3;
	s9 =	sadd.s32 $0x120600, s0;
	s12 =	smax.u32 s12, $0x1;
	s13 =	sadd.s32 s1, s10  }
0xf: {  	v0 =	vand.u32 $0x7, v2;
	v2 =	vor.u32 $0x8, v2;
	v1 =	vmul.u32 $0x8, v1;
	s10 =	sadd.s32 s1, s11;
	s11 =	sadd.s32 $0xC00, s13;
	s13 =	simm.s32 $0x3  }
.LBB2_1:
0x10: {  	[tilespmem:s2], [sflag:$0x3] =	stream.linear.gather [hbm4b:s4+s2], $0x40, $0x38;
	[tilespmem:$0x18200] =	vst v63  }
0x11: {  	_ =	swait.ge [sflag:s13], $0x40  }
0x12: {  	[sflag:s13] =	ssyncset.done $0x0  }
0x13: {  	s0 =	simm.s32 $0x80;
	[sflag:s13] =	ssyncadd.s32 $0xFFFFFFC0  }
0x14: {  	[tilespmem:s0], [sflag:$0x3] =	stream.linear.gather [hbm4b:s5+s2], $0x40, $0x38;
	[tilespmem:$0x18200] =	vst v63  }
0x15: {  	_ =	swait.ge [sflag:s13], $0x40  }
0x16: {  	[sflag:s13] =	ssyncset.done $0x0  }
0x17: {  	s0 =	simm.s32 $0x100;
	[sflag:s13] =	ssyncadd.s32 $0xFFFFFFC0  }
0x18: {  	[tilespmem:s0], [sflag:$0x3] =	stream.linear.gather [hbm4b:s6+s2], $0x40, $0x38;
	[tilespmem:$0x18200] =	vst v63  }
0x19: {  	_ =	swait.ge [sflag:s13], $0x40  }
0x1a: {  	[sflag:s13] =	ssyncset.done $0x0  }
0x1b: {  	s1 =	simm.s32 $0x180;
	[sflag:s13] =	ssyncadd.s32 $0xFFFFFFC0  }
0x1c: {  	[tilespmem:s1], [sflag:$0x3] =	stream.linear.gather [hbm4b:s7+s2], $0x40, $0x38;
	[tilespmem:$0x18200] =	vst v63  }
0x1d: {  	_ =	swait.ge [sflag:s13], $0x40  }
0x1e: {  	[sflag:s13] =	ssyncset.done $0x0  }
0x1f: {  	[sflag:s13] =	ssyncadd.s32 $0xFFFFFFC0  }
0x20: {  	v3 =	vld [tilespmem:$0x0];
	_ =	sdelay $0x4  }
0x21: {  	v4 =	vshrl.u32 v3, $0x3  }
0x22: {  	v4 =	vmul.u32 $0x30, v4  }
0x23: {  	v3 =	vand.u32 $0x7, v3  }
0x24: {  	v3 =	vor.u32 v3, v4  }
0x25: {  	v4 =	vperm.xlane v3, v0;
	_ =	sdelay $0x1  }
0x26: {  	v4 =	vadd.s32 v1, v4;
	_ =	sdelay $0x3  }
0x27: {  	v3 =	vperm.xlane v3, v2  }
0x28: {  	[tilespmem:s15], [sflag:$0x1] =	stream.indirect_vreg.gather [hbm4b:s3+s2], $0x80, v4, vm0, $0xb8;
	[tilespmem:$0x18200] =	vst v63  }
0x29: {  	s14 =	simm.s32 $0xA00;
	v3 =	vadd.s32 v1, v3  }
0x2a: {  	[tilespmem:s14], [sflag:$0x1] =	stream.indirect_vreg.gather [hbm4b:s8+s2], $0x80, v4, vm0, $0xb8;
	[tilespmem:$0x18200] =	vst v63  }
0x2b: {  	s16 =	simm.s32 $0x1200  }
0x2c: {  	[tilespmem:s16], [sflag:$0x1] =	stream.indirect_vreg.gather [hbm4b:s9+s2], $0x80, v4, vm0, $0xb8;
	[tilespmem:$0x18200] =	vst v63  }
0x2d: {  	s17 =	simm.s32 $0x1A00  }
0x2e: {  	[tilespmem:s17], [sflag:$0x1] =	stream.indirect_vreg.gather [hbm4b:s3+s2], $0x80, v3, vm0, $0xb8;
	[tilespmem:$0x18200] =	vst v63  }
0x2f: {  	s18 =	simm.s32 $0x2200  }
0x30: {  	[tilespmem:s18], [sflag:$0x1] =	stream.indirect_vreg.gather [hbm4b:s8+s2], $0x80, v3, vm0, $0xb8;
	[tilespmem:$0x18200] =	vst v63  }
0x31: {  	s19 =	simm.s32 $0x2A00  }
0x32: {  	[tilespmem:s19], [sflag:$0x1] =	stream.indirect_vreg.gather [hbm4b:s9+s2], $0x80, v3, vm0, $0xb8;
	[tilespmem:$0x18200] =	vst v63  }
0x33: {  	v3 =	vld [tilespmem:$0x10];
	_ =	sdelay $0x4  }
0x34: {  	v4 =	vshrl.u32 v3, $0x3  }
0x35: {  	v4 =	vmul.u32 $0x30, v4  }
0x36: {  	v3 =	vand.u32 $0x7, v3  }
0x37: {  	v3 =	vor.u32 v3, v4  }
0x38: {  	v4 =	vperm.xlane v3, v0;
	_ =	sdelay $0x1  }
0x39: {  	v4 =	vadd.s32 v1, v4;
	_ =	sdelay $0x3  }
0x3a: {  	s16 =	simm.s32 $0x3200;
	v3 =	vperm.xlane v3, v2  }
0x3b: {  	[tilespmem:s16], [sflag:$0x1] =	stream.indirect_vreg.gather [hbm4b:s3+s2], $0x80, v4, vm0, $0xb8;
	[tilespmem:$0x18200] =	vst v63  }
0x3c: {  	s17 =	simm.s32 $0x3A00;
	v3 =	vadd.s32 v1, v3  }
0x3d: {  	[tilespmem:s17], [sflag:$0x1] =	stream.indirect_vreg.gather [hbm4b:s8+s2], $0x80, v4, vm0, $0xb8;
	[tilespmem:$0x18200] =	vst v63  }
0x3e: {  	s18 =	simm.s32 $0x4200  }
0x3f: {  	[tilespmem:s18], [sflag:$0x1] =	stream.indirect_vreg.gather [hbm4b:s9+s2], $0x80, v4, vm0, $0xb8;
	[tilespmem:$0x18200] =	vst v63  }
0x40: {  	s19 =	simm.s32 $0x4A00  }
0x41: {  	[tilespmem:s19], [sflag:$0x1] =	stream.indirect_vreg.gather [hbm4b:s3+s2], $0x80, v3, vm0, $0xb8;
	[tilespmem:$0x18200] =	vst v63  }
0x42: {  	s16 =	simm.s32 $0x5200  }
0x43: {  	[tilespmem:s16], [sflag:$0x1] =	stream.indirect_vreg.gather [hbm4b:s8+s2], $0x80, v3, vm0, $0xb8;
	[tilespmem:$0x18200] =	vst v63  }
0x44: {  	s17 =	simm.s32 $0x5A00  }
0x45: {  	[tilespmem:s17], [sflag:$0x1] =	stream.indirect_vreg.gather [hbm4b:s9+s2], $0x80, v3, vm0, $0xb8;
	[tilespmem:$0x18200] =	vst v63  }
0x46: {  	v3 =	vld [tilespmem:$0x80];
	_ =	sdelay $0x4  }
0x47: {  	v4 =	vshrl.u32 v3, $0x3  }
0x48: {  	v4 =	vmul.u32 $0x30, v4  }
0x49: {  	v3 =	vand.u32 $0x7, v3  }
0x4a: {  	v3 =	vor.u32 v3, v4  }
0x4b: {  	v4 =	vperm.xlane v3, v0;
	_ =	sdelay $0x1  }
0x4c: {  	v4 =	vadd.s32 v1, v4;
	_ =	sdelay $0x3  }
0x4d: {  	s18 =	simm.s32 $0xC200;
	v3 =	vperm.xlane v3, v2  }
0x4e: {  	[tilespmem:s18], [sflag:$0x1] =	stream.indirect_vreg.gather [hbm4b:s3+s2], $0x80, v4, vm0, $0xb8;
	[tilespmem:$0x18200] =	vst v63  }
0x4f: {  	s19 =	simm.s32 $0xCA00;
	v3 =	vadd.s32 v1, v3  }
0x50: {  	[tilespmem:s19], [sflag:$0x1] =	stream.indirect_vreg.gather [hbm4b:s8+s2], $0x80, v4, vm0, $0xb8;
	[tilespmem:$0x18200] =	vst v63  }
0x51: {  	s16 =	simm.s32 $0xD200  }
0x52: {  	[tilespmem:s16], [sflag:$0x1] =	stream.indirect_vreg.gather [hbm4b:s9+s2], $0x80, v4, vm0, $0xb8;
	[tilespmem:$0x18200] =	vst v63  }
0x53: {  	s17 =	simm.s32 $0xDA00  }
0x54: {  	[tilespmem:s17], [sflag:$0x1] =	stream.indirect_vreg.gather [hbm4b:s3+s2], $0x80, v3, vm0, $0xb8;
	[tilespmem:$0x18200] =	vst v63  }
0x55: {  	s18 =	simm.s32 $0xE200  }
0x56: {  	[tilespmem:s18], [sflag:$0x1] =	stream.indirect_vreg.gather [hbm4b:s8+s2], $0x80, v3, vm0, $0xb8;
	[tilespmem:$0x18200] =	vst v63  }
0x57: {  	s19 =	simm.s32 $0xEA00  }
0x58: {  	[tilespmem:s19], [sflag:$0x1] =	stream.indirect_vreg.gather [hbm4b:s9+s2], $0x80, v3, vm0, $0xb8;
	[tilespmem:$0x18200] =	vst v63  }
0x59: {  	v3 =	vld [tilespmem:$0x90];
	_ =	sdelay $0x4  }
0x5a: {  	v4 =	vshrl.u32 v3, $0x3  }
0x5b: {  	v4 =	vmul.u32 $0x30, v4  }
0x5c: {  	v3 =	vand.u32 $0x7, v3  }
0x5d: {  	v3 =	vor.u32 v3, v4  }
0x5e: {  	v4 =	vperm.xlane v3, v0;
	_ =	sdelay $0x1  }
0x5f: {  	v4 =	vadd.s32 v1, v4;
	_ =	sdelay $0x3  }
0x60: {  	s16 =	simm.s32 $0xF200;
	v3 =	vperm.xlane v3, v2  }
0x61: {  	[tilespmem:s16], [sflag:$0x1] =	stream.indirect_vreg.gather [hbm4b:s3+s2], $0x80, v4, vm0, $0xb8;
	[tilespmem:$0x18200] =	vst v63  }
0x62: {  	s17 =	simm.s32 $0xFA00;
	v3 =	vadd.s32 v1, v3  }
0x63: {  	[tilespmem:s17], [sflag:$0x1] =	stream.indirect_vreg.gather [hbm4b:s8+s2], $0x80, v4, vm0, $0xb8;
	[tilespmem:$0x18200] =	vst v63  }
0x64: {  	s18 =	simm.s32 $0x10200  }
0x65: {  	[tilespmem:s18], [sflag:$0x1] =	stream.indirect_vreg.gather [hbm4b:s9+s2], $0x80, v4, vm0, $0xb8;
	[tilespmem:$0x18200] =	vst v63  }
0x66: {  	s19 =	simm.s32 $0x10A00  }
0x67: {  	[tilespmem:s19], [sflag:$0x1] =	stream.indirect_vreg.gather [hbm4b:s3+s2], $0x80, v3, vm0, $0xb8;
	[tilespmem:$0x18200] =	vst v63  }
0x68: {  	s16 =	simm.s32 $0x11200  }
0x69: {  	[tilespmem:s16], [sflag:$0x1] =	stream.indirect_vreg.gather [hbm4b:s8+s2], $0x80, v3, vm0, $0xb8;
	[tilespmem:$0x18200] =	vst v63  }
0x6a: {  	s17 =	simm.s32 $0x11A00  }
0x6b: {  	[tilespmem:s17], [sflag:$0x1] =	stream.indirect_vreg.gather [hbm4b:s9+s2], $0x80, v3, vm0, $0xb8;
	[tilespmem:$0x18200] =	vst v63  }
0x6c: {  	v3 =	vld [tilespmem:$0x20];
	_ =	sdelay $0x4  }
0x6d: {  	v4 =	vshrl.u32 v3, $0x3  }
0x6e: {  	v4 =	vmul.u32 $0x30, v4  }
0x6f: {  	v3 =	vand.u32 $0x7, v3  }
0x70: {  	v3 =	vor.u32 v3, v4  }
0x71: {  	v4 =	vperm.xlane v3, v0;
	_ =	sdelay $0x1  }
0x72: {  	v4 =	vadd.s32 v1, v4;
	_ =	sdelay $0x3  }
0x73: {  	v3 =	vperm.xlane v3, v2  }
0x74: {  	[tilespmem:s21], [sflag:$0x2] =	stream.indirect_vreg.gather [hbm4b:s3+s2], $0x80, v4, vm0, $0xb8;
	[tilespmem:$0x18200] =	vst v63  }
0x75: {  	s18 =	simm.s32 $0x6A00;
	v3 =	vadd.s32 v1, v3  }
0x76: {  	[tilespmem:s18], [sflag:$0x2] =	stream.indirect_vreg.gather [hbm4b:s8+s2], $0x80, v4, vm0, $0xb8;
	[tilespmem:$0x18200] =	vst v63  }
0x77: {  	s19 =	simm.s32 $0x7200  }
0x78: {  	[tilespmem:s19], [sflag:$0x2] =	stream.indirect_vreg.gather [hbm4b:s9+s2], $0x80, v4, vm0, $0xb8;
	[tilespmem:$0x18200] =	vst v63  }
0x79: {  	s16 =	simm.s32 $0x7A00  }
0x7a: {  	[tilespmem:s16], [sflag:$0x2] =	stream.indirect_vreg.gather [hbm4b:s3+s2], $0x80, v3, vm0, $0xb8;
	[tilespmem:$0x18200] =	vst v63  }
0x7b: {  	s17 =	simm.s32 $0x8200  }
0x7c: {  	[tilespmem:s17], [sflag:$0x2] =	stream.indirect_vreg.gather [hbm4b:s8+s2], $0x80, v3, vm0, $0xb8;
	[tilespmem:$0x18200] =	vst v63  }
0x7d: {  	s18 =	simm.s32 $0x8A00  }
0x7e: {  	[tilespmem:s18], [sflag:$0x2] =	stream.indirect_vreg.gather [hbm4b:s9+s2], $0x80, v3, vm0, $0xb8;
	[tilespmem:$0x18200] =	vst v63  }
0x7f: {  	v3 =	vld [tilespmem:$0x30];
	_ =	sdelay $0x4  }
0x80: {  	v4 =	vshrl.u32 v3, $0x3  }
0x81: {  	v4 =	vmul.u32 $0x30, v4  }
0x82: {  	v3 =	vand.u32 $0x7, v3  }
0x83: {  	v3 =	vor.u32 v3, v4  }
0x84: {  	v4 =	vperm.xlane v3, v0;
	_ =	sdelay $0x1  }
0x85: {  	v4 =	vadd.s32 v1, v4;
	_ =	sdelay $0x3  }
0x86: {  	s19 =	simm.s32 $0x9200;
	v3 =	vperm.xlane v3, v2  }
0x87: {  	[tilespmem:s19], [sflag:$0x2] =	stream.indirect_vreg.gather [hbm4b:s3+s2], $0x80, v4, vm0, $0xb8;
	[tilespmem:$0x18200] =	vst v63  }
0x88: {  	s16 =	simm.s32 $0x9A00;
	v3 =	vadd.s32 v1, v3  }
0x89: {  	[tilespmem:s16], [sflag:$0x2] =	stream.indirect_vreg.gather [hbm4b:s8+s2], $0x80, v4, vm0, $0xb8;
	[tilespmem:$0x18200] =	vst v63  }
0x8a: {  	s17 =	simm.s32 $0xA200  }
0x8b: {  	[tilespmem:s17], [sflag:$0x2] =	stream.indirect_vreg.gather [hbm4b:s9+s2], $0x80, v4, vm0, $0xb8;
	[tilespmem:$0x18200] =	vst v63  }
0x8c: {  	s18 =	simm.s32 $0xAA00  }
0x8d: {  	[tilespmem:s18], [sflag:$0x2] =	stream.indirect_vreg.gather [hbm4b:s3+s2], $0x80, v3, vm0, $0xb8;
	[tilespmem:$0x18200] =	vst v63  }
0x8e: {  	s19 =	simm.s32 $0xB200  }
0x8f: {  	[tilespmem:s19], [sflag:$0x2] =	stream.indirect_vreg.gather [hbm4b:s8+s2], $0x80, v3, vm0, $0xb8;
	[tilespmem:$0x18200] =	vst v63  }
0x90: {  	s16 =	simm.s32 $0xBA00  }
0x91: {  	[tilespmem:s16], [sflag:$0x2] =	stream.indirect_vreg.gather [hbm4b:s9+s2], $0x80, v3, vm0, $0xb8;
	[tilespmem:$0x18200] =	vst v63  }
0x92: {  	v3 =	vld [tilespmem:$0xA0];
	_ =	sdelay $0x4  }
0x93: {  	v4 =	vshrl.u32 v3, $0x3  }
0x94: {  	v4 =	vmul.u32 $0x30, v4  }
0x95: {  	v3 =	vand.u32 $0x7, v3  }
0x96: {  	v3 =	vor.u32 v3, v4  }
0x97: {  	v4 =	vperm.xlane v3, v0;
	_ =	sdelay $0x1  }
0x98: {  	v4 =	vadd.s32 v1, v4;
	_ =	sdelay $0x3  }
0x99: {  	s17 =	simm.s32 $0x12200;
	v3 =	vperm.xlane v3, v2  }
0x9a: {  	[tilespmem:s17], [sflag:$0x2] =	stream.indirect_vreg.gather [hbm4b:s3+s2], $0x80, v4, vm0, $0xb8;
	[tilespmem:$0x18200] =	vst v63  }
0x9b: {  	s18 =	simm.s32 $0x12A00;
	v3 =	vadd.s32 v1, v3  }
0x9c: {  	[tilespmem:s18], [sflag:$0x2] =	stream.indirect_vreg.gather [hbm4b:s8+s2], $0x80, v4, vm0, $0xb8;
	[tilespmem:$0x18200] =	vst v63  }
0x9d: {  	s19 =	simm.s32 $0x13200  }
0x9e: {  	[tilespmem:s19], [sflag:$0x2] =	stream.indirect_vreg.gather [hbm4b:s9+s2], $0x80, v4, vm0, $0xb8;
	[tilespmem:$0x18200] =	vst v63  }
0x9f: {  	s16 =	simm.s32 $0x13A00  }
0xa0: {  	[tilespmem:s16], [sflag:$0x2] =	stream.indirect_vreg.gather [hbm4b:s3+s2], $0x80, v3, vm0, $0xb8;
	[tilespmem:$0x18200] =	vst v63  }
0xa1: {  	s17 =	simm.s32 $0x14200  }
0xa2: {  	[tilespmem:s17], [sflag:$0x2] =	stream.indirect_vreg.gather [hbm4b:s8+s2], $0x80, v3, vm0, $0xb8;
	[tilespmem:$0x18200] =	vst v63  }
0xa3: {  	_ = 	snop  }
0xa4: {  	[tilespmem:s20], [sflag:$0x2] =	stream.indirect_vreg.gather [hbm4b:s9+s2], $0x80, v3, vm0, $0xb8;
	[tilespmem:$0x18200] =	vst v63  }
0xa5: {  	v3 =	vld [tilespmem:$0xB0];
	_ =	sdelay $0x4  }
0xa6: {  	v4 =	vshrl.u32 v3, $0x3  }
0xa7: {  	v4 =	vmul.u32 $0x30, v4  }
0xa8: {  	v3 =	vand.u32 $0x7, v3  }
0xa9: {  	v3 =	vor.u32 v3, v4  }
0xaa: {  	v4 =	vperm.xlane v3, v0;
	_ =	sdelay $0x1  }
0xab: {  	v4 =	vadd.s32 v1, v4;
	_ =	sdelay $0x3  }
0xac: {  	v3 =	vperm.xlane v3, v2  }
0xad: {  	[tilespmem:s22], [sflag:$0x2] =	stream.indirect_vreg.gather [hbm4b:s3+s2], $0x80, v4, vm0, $0xb8;
	[tilespmem:$0x18200] =	vst v63  }
0xae: {  	v3 =	vadd.s32 v1, v3  }
0xaf: {  	[tilespmem:s23], [sflag:$0x2] =	stream.indirect_vreg.gather [hbm4b:s8+s2], $0x80, v4, vm0, $0xb8;
	[tilespmem:$0x18200] =	vst v63  }
0xb0: {  	_ = 	snop  }
0xb1: {  	[tilespmem:s24], [sflag:$0x2] =	stream.indirect_vreg.gather [hbm4b:s9+s2], $0x80, v4, vm0, $0xb8;
	[tilespmem:$0x18200] =	vst v63  }
0xb2: {  	_ = 	snop  }
0xb3: {  	[tilespmem:s25], [sflag:$0x2] =	stream.indirect_vreg.gather [hbm4b:s3+s2], $0x80, v3, vm0, $0xb8;
	[tilespmem:$0x18200] =	vst v63  }
0xb4: {  	_ = 	snop  }
0xb5: {  	[tilespmem:s26], [sflag:$0x2] =	stream.indirect_vreg.gather [hbm4b:s8+s2], $0x80, v3, vm0, $0xb8;
	[tilespmem:$0x18200] =	vst v63  }
0xb6: {  	_ = 	snop  }
0xb7: {  	[tilespmem:s28], [sflag:$0x2] =	stream.indirect_vreg.gather [hbm4b:s9+s2], $0x80, v3, vm0, $0xb8;
	[tilespmem:$0x18200] =	vst v63  }
0xb8: {  	_ =	swait.ge [sflag:s29], $0x6000  }
0xb9: {  	[sflag:s29] =	ssyncset.done $0x0  }
0xba: {  	s18 =	simm.s32 $0x0;
	[sflag:s29] =	ssyncadd.s32 $0xFFFFA000  }
0xbb: {  	s14 =	smul.u32 $0x1800, s18;
	_ =	swait.ge [sflag:s29], $0x6000  }
0xbc: {  	s16 =	sand.u32 $0x380, s2;
	[sflag:s29] =	ssyncset.done $0x0  }
0xbd: {  	s17 =	sor.u32 s16, s14;
	[sflag:s29] =	ssyncadd.s32 $0xFFFFA000  }
0xbe: {  	v4 =	vld [tilespmem:s17+$0x210]  }
0xbf: {  	v3 =	vld [tilespmem:s17+$0xC210]  }
0xc0: {  	v6 =	vld [tilespmem:s17+$0x220]  }
0xc1: {  	v5 =	vld [tilespmem:s17+$0xC220]  }
0xc2: {  	v10 =	vld [tilespmem:s17+$0x230]  }
0xc3: {  	v9 =	vld [tilespmem:s17+$0xC230]  }
0xc4: {  	v12 =	vld [tilespmem:s17+$0x240]  }
0xc5: {  	v11 =	vld [tilespmem:s17+$0xC240]  }
0xc6: {  	v13 =	vld [tilespmem:s17+$0x260]  }
0xc7: {  	v14 =	vld [tilespmem:s17+$0x270]  }
0xc8: {  	v15 =	vld [tilespmem:s17+$0x600]  }
0xc9: {  	v16 =	vld [tilespmem:s17+$0x610]  }
0xca: {  	v17 =	vld [tilespmem:s17+$0x620]  }
0xcb: {  	v18 =	vld [tilespmem:s17+$0x630]  }
0xcc: {  	v19 =	vld [tilespmem:s17+$0x640]  }
0xcd: {  	v20 =	vld [tilespmem:s17+$0x650]  }
0xce: {  	v21 =	vld [tilespmem:s17+$0x660]  }
0xcf: {  	v22 =	vld [tilespmem:s17+$0x670]  }
0xd0: {  	v23 =	vld [tilespmem:s17+$0xA00]  }
0xd1: {  	v24 =	vld [tilespmem:s17+$0xA10]  }
0xd2: {  	v25 =	vld [tilespmem:s17+$0xA20]  }
0xd3: {  	v26 =	vld [tilespmem:s17+$0xA30]  }
0xd4: {  	v27 =	vld [tilespmem:s17+$0xA40]  }
0xd5: {  	v28 =	vld [tilespmem:s17+$0xA50]  }
0xd6: {  	v29 =	vld [tilespmem:s17+$0xA60]  }
0xd7: {  	v30 =	vld [tilespmem:s17+$0xA70]  }
0xd8: {  	v31 =	vld [tilespmem:s17+$0xE00]  }
0xd9: {  	v32 =	vld [tilespmem:s17+$0xE10]  }
0xda: {  	v33 =	vld [tilespmem:s17+$0xE20]  }
0xdb: {  	v34 =	vld [tilespmem:s17+$0xE30]  }
0xdc: {  	v35 =	vld [tilespmem:s17+$0xE40]  }
0xdd: {  	v36 =	vld [tilespmem:s17+$0xE50]  }
0xde: {  	v37 =	vld [tilespmem:s17+$0xE60]  }
0xdf: {  	v38 =	vld [tilespmem:s17+$0xE70]  }
0xe0: {  	v39 =	vld [tilespmem:s17+$0x1200]  }
0xe1: {  	v40 =	vld [tilespmem:s17+$0x1210]  }
0xe2: {  	v41 =	vld [tilespmem:s17+$0x1220]  }
0xe3: {  	v42 =	vld [tilespmem:s17+$0x1230]  }
0xe4: {  	v43 =	vld [tilespmem:s17+$0x1240]  }
0xe5: {  	v45 =	vld [tilespmem:s17+$0x1260]  }
0xe6: {  	v46 =	vld [tilespmem:s17+$0x1600]  }
0xe7: {  	v47 =	vld [tilespmem:s17+$0x1610]  }
0xe8: {  	v48 =	vld [tilespmem:s17+$0xD610]  }
0xe9: {  	v49 =	vld [tilespmem:s17+$0xD630]  }
0xea: {  	v50 =	vld [tilespmem:s17+$0x1620]  }
0xeb: {  	v7 =	vld.msk [tilespmem:s0+$0x0 ss:$0x0], $0xffff  }
0xec: {  	v8 =	vld.msk [tilespmem:s1+$0x0 ss:$0x0], $0xffff  }
0xed: {  	v51 =	vld [tilespmem:s17+$0x1630]  }
0xee: {  	v52 =	vld [tilespmem:s17+$0xD620]  }
0xef: {  	v53 =	vld [tilespmem:s17+$0xD600]  }
0xf0: {  	v54 =	vld [tilespmem:s17+$0x1270]  }
0xf1: {  	v55 =	vld [tilespmem:s17+$0xD270]  }
0xf2: {  	v57 =	vld [tilespmem:s17+$0xD250];
	v51 =	vmul.f32 v51, v7  }
0xf3: {  	v56 =	vld [tilespmem:s17+$0xD260];
	v49 =	vmul.f32 v49, v8;
	v50 =	vmul.f32 v50, v7  }
0xf4: {  	v44 =	vld [tilespmem:s17+$0x1250];
	v52 =	vmul.f32 v52, v8;
	v47 =	vmul.f32 v47, v7  }
0xf5: {  	v58 =	vld [tilespmem:s17+$0xD240];
	v48 =	vmul.f32 v48, v8;
	v46 =	vmul.f32 v46, v7  }
0xf6: {  	v63 =	vmul.f32 v53, v8;
	v53 =	vld [tilespmem:s17+$0xD230];
	v59 =	vmul.f32 v54, v7;
	v49 =	vadd.f32 v49, v51  }
0xf7: {  	v60 =	vmul.f32 v55, v8;
	v62 =	vmul.f32 v57, v8;
	v57 =	vld [tilespmem:s17+$0xCE60];
	v50 =	vadd.f32 v52, v50  }
0xf8: {  	v45 =	vmul.f32 v45, v7;
	v61 =	vmul.f32 v56, v8;
	v55 =	vld [tilespmem:s17+$0xCA70];
	v47 =	vadd.f32 v48, v47;
	[tilespmem:s17+$0x1630] =	vst v49  }
0xf9: {  	v44 =	vmul.f32 v44, v7;
	v43 =	vmul.f32 v43, v7;
	v56 =	vld [tilespmem:s17+$0xCA60];
	v46 =	vadd.f32 v63, v46;
	[tilespmem:s17+$0x1620] =	vst v50  }
0xfa: {  	v42 =	vmul.f32 v42, v7;
	v41 =	vmul.f32 v41, v7;
	v48 =	vld [tilespmem:s17+$0xD220];
	v52 =	vadd.f32 v60, v59;
	[tilespmem:s17+$0x1610] =	vst v47  }
0xfb: {  	v12 =	vmul.f32 v12, v7;
	v11 =	vmul.f32 v11, v8;
	v45 =	vadd.f32 v61, v45;
	v59 =	vld [tilespmem:s17+$0xCE50];
	[tilespmem:s17+$0x1600] =	vst v46  }
0xfc: {  	v40 =	vmul.f32 v40, v7;
	v63 =	vmul.f32 v58, v8;
	v44 =	vadd.f32 v62, v44;
	v60 =	vld [tilespmem:s17+$0xCE40];
	[tilespmem:s17+$0x1270] =	vst v52  }
0xfd: {  	v39 =	vmul.f32 v39, v7;
	v61 =	vld [tilespmem:s17+$0xCE30];
	v11 =	vadd.f32 v11, v12;
	[tilespmem:s17+$0x1260] =	vst v45;
	v58 =	vmul.f32 v53, v8  }
0xfe: {  	v37 =	vmul.f32 v37, v7;
	v62 =	vld [tilespmem:s17+$0xCE20];
	v43 =	vadd.f32 v63, v43;
	[tilespmem:s17+$0x1250] =	vst v44;
	v46 =	vmul.f32 v57, v8  }
0xff: {  	v38 =	vmul.f32 v38, v7;
	v49 =	vld [tilespmem:s17+$0xD210];
	[tilespmem:s17+$0x240] =	vst v11;
	v48 =	vmul.f32 v48, v8;
	v42 =	vadd.f32 v58, v42  }
0x100: {  	v36 =	vmul.f32 v36, v7;
	v50 =	vld [tilespmem:s17+$0xD200];
	[tilespmem:s17+$0x1240] =	vst v43;
	v54 =	vmul.f32 v59, v8;
	v37 =	vadd.f32 v46, v37  }
0x101: {  	v35 =	vmul.f32 v35, v7;
	v47 =	vld [tilespmem:s17+$0xCE70];
	v45 =	vmul.f32 v60, v8;
	v41 =	vadd.f32 v48, v41;
	[tilespmem:s17+$0x1230] =	vst v42  }
0x102: {  	v34 =	vmul.f32 v34, v7;
	v63 =	vld [tilespmem:s17+$0xCE10];
	v44 =	vmul.f32 v61, v8;
	v36 =	vadd.f32 v54, v36;
	[tilespmem:s17+$0xE60] =	vst v37  }
0x103: {  	v33 =	vmul.f32 v33, v7;
	v53 =	vld [tilespmem:s17+$0xCE00];
	v43 =	vmul.f32 v62, v8;
	v35 =	vadd.f32 v45, v35;
	[tilespmem:s17+$0x1220] =	vst v41  }
0x104: {  	v32 =	vmul.f32 v32, v7;
	v58 =	vld [tilespmem:s17+$0xCA40];
	v49 =	vmul.f32 v49, v8;
	v34 =	vadd.f32 v44, v34;
	[tilespmem:s17+$0xE50] =	vst v36  }
0x105: {  	v31 =	vmul.f32 v31, v7;
	v59 =	vld [tilespmem:s17+$0xCA30];
	v50 =	vmul.f32 v50, v8;
	v33 =	vadd.f32 v43, v33;
	[tilespmem:s17+$0xE40] =	vst v35  }
0x106: {  	v6 =	vmul.f32 v6, v7;
	v60 =	vld [tilespmem:s17+$0xCA20];
	v47 =	vmul.f32 v47, v8;
	v40 =	vadd.f32 v49, v40;
	[tilespmem:s17+$0xE30] =	vst v34  }
0x107: {  	v5 =	vmul.f32 v5, v8;
	v61 =	vld [tilespmem:s17+$0xCA10];
	v42 =	vmul.f32 v63, v8;
	v39 =	vadd.f32 v50, v39;
	[tilespmem:s17+$0xE20] =	vst v33  }
0x108: {  	v27 =	vmul.f32 v27, v7;
	v12 =	vld [tilespmem:s17+$0x1660];
	v38 =	vadd.f32 v47, v38;
	v41 =	vmul.f32 v53, v8;
	[tilespmem:s17+$0x1210] =	vst v40  }
0x109: {  	v5 =	vadd.f32 v5, v6;
	v6 =	vld [tilespmem:s17+$0x200];
	v32 =	vadd.f32 v42, v32;
	v37 =	vmul.f32 v58, v8;
	[tilespmem:s17+$0x1200] =	vst v39  }
0x10a: {  	v26 =	vmul.f32 v26, v7;
	v57 =	vld [tilespmem:s17+$0xCA50];
	v36 =	vmul.f32 v59, v8;
	[tilespmem:s17+$0xE70] =	vst v38;
	v31 =	vadd.f32 v41, v31  }
0x10b: {  	v25 =	vmul.f32 v25, v7;
	v62 =	vld [tilespmem:s17+$0xCA00];
	v35 =	vmul.f32 v60, v8;
	[tilespmem:s17+$0xE10] =	vst v32;
	v27 =	vadd.f32 v37, v27  }
0x10c: {  	v24 =	vmul.f32 v24, v7;
	v63 =	vld [tilespmem:s17+$0xC670];
	v34 =	vmul.f32 v61, v8;
	v26 =	vadd.f32 v36, v26;
	[tilespmem:s17+$0xE00] =	vst v31  }
0x10d: {  	v30 =	vmul.f32 v30, v7;
	v40 =	vmul.f32 v55, v8;
	v25 =	vadd.f32 v35, v25;
	v31 =	vld [tilespmem:s17+$0xC660];
	[tilespmem:s17+$0xA40] =	vst v27  }
0x10e: {  	v29 =	vmul.f32 v29, v7;
	v39 =	vmul.f32 v56, v8;
	v24 =	vadd.f32 v34, v24;
	v27 =	vld [tilespmem:s17+$0xC620];
	[tilespmem:s17+$0xA30] =	vst v26  }
0x10f: {  	v28 =	vmul.f32 v28, v7;
	v38 =	vmul.f32 v57, v8;
	v30 =	vadd.f32 v40, v30;
	v26 =	vld [tilespmem:s17+$0xC610];
	[tilespmem:s17+$0xA20] =	vst v25  }
0x110: {  	v23 =	vmul.f32 v23, v7;
	v33 =	vmul.f32 v62, v8;
	v29 =	vadd.f32 v39, v29;
	v25 =	vld [tilespmem:s17+$0xC600];
	[tilespmem:s17+$0xA10] =	vst v24  }
0x111: {  	v22 =	vmul.f32 v22, v7;
	v32 =	vmul.f32 v63, v8;
	v28 =	vadd.f32 v38, v28;
	[tilespmem:s17+$0xA70] =	vst v30;
	v30 =	vld [tilespmem:s17+$0xC650]  }
0x112: {  	v21 =	vmul.f32 v21, v7;
	v23 =	vadd.f32 v33, v23;
	[tilespmem:s17+$0xA60] =	vst v29;
	v29 =	vld [tilespmem:s17+$0xC640];
	v31 =	vmul.f32 v31, v8  }
0x113: {  	v17 =	vmul.f32 v17, v7;
	v22 =	vadd.f32 v32, v22;
	[tilespmem:s17+$0xA50] =	vst v28;
	v28 =	vld [tilespmem:s17+$0xC630];
	v27 =	vmul.f32 v27, v8  }
0x114: {  	v16 =	vmul.f32 v16, v7;
	[tilespmem:s17+$0xA00] =	vst v23;
	v23 =	vld [tilespmem:s17+$0xC260];
	v26 =	vmul.f32 v26, v8;
	v21 =	vadd.f32 v31, v21  }
0x115: {  	v15 =	vmul.f32 v15, v7;
	v24 =	vld [tilespmem:s17+$0xC270];
	[tilespmem:s17+$0x670] =	vst v22;
	v25 =	vmul.f32 v25, v8;
	v17 =	vadd.f32 v27, v17  }
0x116: {  	v20 =	vmul.f32 v20, v7;
	v22 =	vld [tilespmem:s17+$0x250];
	v30 =	vmul.f32 v30, v8;
	v16 =	vadd.f32 v26, v16;
	[tilespmem:s17+$0x660] =	vst v21  }
0x117: {  	v19 =	vmul.f32 v19, v7;
	v29 =	vmul.f32 v29, v8;
	v15 =	vadd.f32 v25, v15;
	v21 =	vld [tilespmem:s17+$0xC250];
	[tilespmem:s17+$0x620] =	vst v17  }
0x118: {  	v18 =	vmul.f32 v18, v7;
	v28 =	vmul.f32 v28, v8;
	v20 =	vadd.f32 v30, v20;
	v17 =	vld [tilespmem:s17+$0x1640];
	[tilespmem:s17+$0x610] =	vst v16  }
0x119: {  	v13 =	vmul.f32 v13, v7;
	v23 =	vmul.f32 v23, v8;
	v19 =	vadd.f32 v29, v19;
	[tilespmem:s17+$0x600] =	vst v15;
	v15 =	vld [tilespmem:s17+$0x1650]  }
0x11a: {  	v14 =	vmul.f32 v14, v7;
	v24 =	vmul.f32 v24, v8;
	v18 =	vadd.f32 v28, v18;
	[tilespmem:s17+$0x650] =	vst v20;
	v20 =	vld [tilespmem:s17+$0xD640]  }
0x11b: {  	v10 =	vmul.f32 v10, v7;
	v9 =	vmul.f32 v9, v8;
	v13 =	vadd.f32 v23, v13;
	[tilespmem:s17+$0x640] =	vst v19;
	v19 =	vld [tilespmem:s17+$0xD650]  }
0x11c: {  	v4 =	vmul.f32 v4, v7;
	v3 =	vmul.f32 v3, v8;
	v14 =	vadd.f32 v24, v14;
	[tilespmem:s17+$0x630] =	vst v18;
	v18 =	vld [tilespmem:s17+$0xD660]  }
0x11d: {  	v9 =	vadd.f32 v9, v10;
	v10 =	vmul.f32 v22, v7;
	v16 =	vld [tilespmem:s17+$0xD670];
	[tilespmem:s17+$0x260] =	vst v13;
	v13 =	vmul.f32 v21, v8  }
0x11e: {  	v3 =	vadd.f32 v3, v4;
	[tilespmem:s17+$0x270] =	vst v14;
	v14 =	vld [tilespmem:s17+$0x1670]  }
0x11f: {  	s19 =	simm.s32 $0x0;
	[tilespmem:s17+$0x230] =	vst v9;
	v9 =	vld [tilespmem:s17+$0xC200];
	v11 =	vmul.f32 v17, v7;
	v17 =	vmul.f32 v20, v8;
	v4 =	vadd.f32 v13, v10  }
0x120: {  	s14 =	smul.u32 $0x1800, s19;
	s16 =	simm.s32 $0x80;
	[tilespmem:s17+$0x220] =	vst v5;
	v5 =	vmul.f32 v15, v7;
	v10 =	vmul.f32 v19, v8  }
0x121: {  	s18 =	sand.u32 $0x380, s16;
	v11 =	vadd.f32 v17, v11;
	[tilespmem:s17+$0x250] =	vst v4;
	v4 =	vmul.f32 v12, v7;
	v12 =	vmul.f32 v18, v8  }
0x122: {  	s14 =	sor.u32 s18, s14;
	[tilespmem:s17+$0x210] =	vst v3;
	v5 =	vadd.f32 v10, v5  }
0x123: {  	v3 =	vld [tilespmem:s14+$0x210];
	v10 =	vmul.f32 v14, v7;
	[tilespmem:s17+$0x1640] =	vst v11;
	v11 =	vmul.f32 v16, v8;
	v12 =	vadd.f32 v12, v4  }
0x124: {  	v7 =	vmul.f32 v6, v7;
	v8 =	vmul.f32 v9, v8;
	v4 =	vld [tilespmem:s14+$0xC210];
	[tilespmem:s17+$0x1650] =	vst v5  }
0x125: {  	v9 =	vadd.f32 v11, v10;
	v6 =	vld [tilespmem:s14+$0x220];
	[tilespmem:s17+$0x1660] =	vst v12  }
0x126: {  	v7 =	vadd.f32 v8, v7;
	v5 =	vld [tilespmem:s14+$0xC220]  }
0x127: {  	v8 =	vld [tilespmem:s14+$0x230];
	[tilespmem:s17+$0x1670] =	vst v9  }
0x128: {  	v18 =	vld [tilespmem:s14+$0x630];
	[tilespmem:s17+$0x200] =	vst v7  }
0x129: {  	v7 =	vld [tilespmem:s14+$0xC230]  }
0x12a: {  	v10 =	vld [tilespmem:s14+$0x240]  }
0x12b: {  	v9 =	vld [tilespmem:s14+$0xC240]  }
0x12c: {  	v12 =	vld [tilespmem:s14+$0x250]  }
0x12d: {  	v11 =	vld [tilespmem:s14+$0xC250]  }
0x12e: {  	v13 =	vld [tilespmem:s14+$0x260]  }
0x12f: {  	v14 =	vld [tilespmem:s14+$0x270]  }
0x130: {  	v15 =	vld [tilespmem:s14+$0x600]  }
0x131: {  	v16 =	vld [tilespmem:s14+$0x610]  }
0x132: {  	v17 =	vld [tilespmem:s14+$0x620]  }
0x133: {  	v19 =	vld [tilespmem:s14+$0x640]  }
0x134: {  	v20 =	vld [tilespmem:s14+$0x650]  }
0x135: {  	v21 =	vld [tilespmem:s14+$0x660]  }
0x136: {  	v22 =	vld [tilespmem:s14+$0x670]  }
0x137: {  	v23 =	vld [tilespmem:s14+$0xA00]  }
0x138: {  	v24 =	vld [tilespmem:s14+$0xA10]  }
0x139: {  	v25 =	vld [tilespmem:s14+$0xA20]  }
0x13a: {  	v26 =	vld [tilespmem:s14+$0xA30]  }
0x13b: {  	v27 =	vld [tilespmem:s14+$0xA40]  }
0x13c: {  	v28 =	vld [tilespmem:s14+$0xA50]  }
0x13d: {  	v29 =	vld [tilespmem:s14+$0xA60]  }
0x13e: {  	v30 =	vld [tilespmem:s14+$0xA70]  }
0x13f: {  	v32 =	vld [tilespmem:s14+$0xE00]  }
0x140: {  	v34 =	vld [tilespmem:s14+$0xE10]  }
0x141: {  	v35 =	vld [tilespmem:s14+$0xE20]  }
0x142: {  	v36 =	vld [tilespmem:s14+$0xE30]  }
0x143: {  	v37 =	vld [tilespmem:s14+$0xE40]  }
0x144: {  	v38 =	vld [tilespmem:s14+$0xE50]  }
0x145: {  	v39 =	vld [tilespmem:s14+$0xE60]  }
0x146: {  	v40 =	vld [tilespmem:s14+$0xE70]  }
0x147: {  	v41 =	vld [tilespmem:s14+$0x1200]  }
0x148: {  	v42 =	vld [tilespmem:s14+$0x1210]  }
0x149: {  	v43 =	vld [tilespmem:s14+$0x1220]  }
0x14a: {  	v44 =	vld [tilespmem:s14+$0x1230]  }
0x14b: {  	v45 =	vld [tilespmem:s14+$0x1240]  }
0x14c: {  	v46 =	vld [tilespmem:s14+$0x1250]  }
0x14d: {  	v47 =	vld [tilespmem:s14+$0x1260]  }
0x14e: {  	v48 =	vld [tilespmem:s14+$0x1600]  }
0x14f: {  	v50 =	vld [tilespmem:s14+$0x1610]  }
0x150: {  	v49 =	vld [tilespmem:s14+$0xD610]  }
0x151: {  	s17 =	simm.s32 $0x2;
	v51 =	vld [tilespmem:s14+$0xD630]  }
.LBB2_2:
0x152: {  	p0 =	sne.s32 s17, $0x1F;
	v52 =	vld [tilespmem:s14+$0x1620];
	s0 =	sadd.s32 $0x1, s0  }
0x153: {  	s1 =	sadd.s32 $0x1, s1;
	v33 =	vld.msk [tilespmem:s0+$0x0 ss:$0x0], $0xffff  }
0x154: {  	v31 =	vld.msk [tilespmem:s1+$0x0 ss:$0x0], $0xffff  }
0x155: {  	v53 =	vld [tilespmem:s14+$0x1630]  }
0x156: {  	v54 =	vld [tilespmem:s14+$0xD620]  }
0x157: {  	v55 =	vld [tilespmem:s14+$0xD600]  }
0x158: {  	v56 =	vld [tilespmem:s14+$0x1270]  }
0x159: {  	v50 =	vmul.f32 v50, v33;
	v52 =	vmul.f32 v52, v33;
	v57 =	vld [tilespmem:s14+$0xD270]  }
0x15a: {  	v51 =	vmul.f32 v51, v31;
	v58 =	vld [tilespmem:s14+$0xD260];
	v53 =	vmul.f32 v53, v33  }
0x15b: {  	v49 =	vmul.f32 v49, v31;
	v59 =	vld [tilespmem:s14+$0xD250];
	v54 =	vmul.f32 v54, v31  }
0x15c: {  	v48 =	vmul.f32 v48, v33;
	v60 =	vld [tilespmem:s14+$0xD240];
	v55 =	vmul.f32 v55, v31;
	v51 =	vadd.f32 v51, v53  }
0x15d: {  	v49 =	vadd.f32 v49, v50;
	v53 =	vld [tilespmem:s14+$0xD230];
	v56 =	vmul.f32 v56, v33;
	v50 =	vadd.f32 v54, v52  }
0x15e: {  	v47 =	vmul.f32 v47, v33;
	v52 =	vld [tilespmem:s14+$0xD220];
	v54 =	vmul.f32 v57, v31;
	v48 =	vadd.f32 v55, v48;
	[tilespmem:s14+$0x1630] =	vst v51  }
0x15f: {  	v46 =	vmul.f32 v46, v33;
	v51 =	vld [tilespmem:s14+$0xD210];
	v55 =	vmul.f32 v58, v31;
	[tilespmem:s14+$0x1620] =	vst v50  }
0x160: {  	v45 =	vmul.f32 v45, v33;
	v50 =	vld [tilespmem:s14+$0xD200];
	v57 =	vmul.f32 v59, v31;
	v54 =	vadd.f32 v54, v56;
	[tilespmem:s14+$0x1610] =	vst v49  }
0x161: {  	v44 =	vmul.f32 v44, v33;
	v49 =	vld [tilespmem:s14+$0xCE70];
	v56 =	vmul.f32 v60, v31;
	v47 =	vadd.f32 v55, v47;
	[tilespmem:s14+$0x1600] =	vst v48  }
0x162: {  	v43 =	vmul.f32 v43, v33;
	v48 =	vld [tilespmem:s14+$0xCE60];
	v53 =	vmul.f32 v53, v31;
	v46 =	vadd.f32 v57, v46;
	[tilespmem:s14+$0x1270] =	vst v54  }
0x163: {  	v42 =	vmul.f32 v42, v33;
	v54 =	vld [tilespmem:s14+$0xCE50];
	v52 =	vmul.f32 v52, v31;
	v45 =	vadd.f32 v56, v45;
	[tilespmem:s14+$0x1260] =	vst v47  }
0x164: {  	v41 =	vmul.f32 v41, v33;
	v47 =	vld [tilespmem:s14+$0xCE40];
	v51 =	vmul.f32 v51, v31;
	v44 =	vadd.f32 v53, v44;
	[tilespmem:s14+$0x1250] =	vst v46  }
0x165: {  	v40 =	vmul.f32 v40, v33;
	v46 =	vld [tilespmem:s14+$0xCE30];
	v50 =	vmul.f32 v50, v31;
	v43 =	vadd.f32 v52, v43;
	[tilespmem:s14+$0x1240] =	vst v45  }
0x166: {  	v39 =	vmul.f32 v39, v33;
	v45 =	vld [tilespmem:s14+$0xCE20];
	v49 =	vmul.f32 v49, v31;
	v42 =	vadd.f32 v51, v42;
	[tilespmem:s14+$0x1230] =	vst v44  }
0x167: {  	v38 =	vmul.f32 v38, v33;
	v44 =	vld [tilespmem:s14+$0xCE10];
	v48 =	vmul.f32 v48, v31;
	v41 =	vadd.f32 v50, v41;
	[tilespmem:s14+$0x1220] =	vst v43  }
0x168: {  	v37 =	vmul.f32 v37, v33;
	v43 =	vld [tilespmem:s14+$0xCE00];
	v50 =	vmul.f32 v54, v31;
	v40 =	vadd.f32 v49, v40;
	[tilespmem:s14+$0x1210] =	vst v42  }
0x169: {  	v36 =	vmul.f32 v36, v33;
	v42 =	vld [tilespmem:s14+$0xCA70];
	v47 =	vmul.f32 v47, v31;
	v39 =	vadd.f32 v48, v39;
	[tilespmem:s14+$0x1200] =	vst v41  }
0x16a: {  	v35 =	vmul.f32 v35, v33;
	v41 =	vld [tilespmem:s14+$0xCA60];
	v46 =	vmul.f32 v46, v31;
	v38 =	vadd.f32 v50, v38;
	[tilespmem:s14+$0xE70] =	vst v40  }
0x16b: {  	v34 =	vmul.f32 v34, v33;
	v40 =	vld [tilespmem:s14+$0xCA50];
	v45 =	vmul.f32 v45, v31;
	v37 =	vadd.f32 v47, v37;
	[tilespmem:s14+$0xE60] =	vst v39  }
0x16c: {  	v32 =	vmul.f32 v32, v33;
	v39 =	vld [tilespmem:s14+$0xCA40];
	v44 =	vmul.f32 v44, v31;
	v36 =	vadd.f32 v46, v36;
	[tilespmem:s14+$0xE50] =	vst v38  }
0x16d: {  	v30 =	vmul.f32 v30, v33;
	v38 =	vld [tilespmem:s14+$0xCA30];
	v43 =	vmul.f32 v43, v31;
	v35 =	vadd.f32 v45, v35;
	[tilespmem:s14+$0xE40] =	vst v37  }
0x16e: {  	v29 =	vmul.f32 v29, v33;
	v37 =	vld [tilespmem:s14+$0xCA20];
	v42 =	vmul.f32 v42, v31;
	v34 =	vadd.f32 v44, v34;
	[tilespmem:s14+$0xE30] =	vst v36  }
0x16f: {  	v28 =	vmul.f32 v28, v33;
	v36 =	vld [tilespmem:s14+$0xCA10];
	v41 =	vmul.f32 v41, v31;
	v32 =	vadd.f32 v43, v32;
	[tilespmem:s14+$0xE20] =	vst v35  }
0x170: {  	v27 =	vmul.f32 v27, v33;
	v35 =	vld [tilespmem:s14+$0xCA00];
	v40 =	vmul.f32 v40, v31;
	v30 =	vadd.f32 v42, v30;
	[tilespmem:s14+$0xE10] =	vst v34  }
0x171: {  	v26 =	vmul.f32 v26, v33;
	v34 =	vld [tilespmem:s14+$0xC670];
	v39 =	vmul.f32 v39, v31;
	v29 =	vadd.f32 v41, v29;
	[tilespmem:s14+$0xE00] =	vst v32  }
0x172: {  	v25 =	vmul.f32 v25, v33;
	v32 =	vld [tilespmem:s14+$0xC660];
	v38 =	vmul.f32 v38, v31;
	v28 =	vadd.f32 v40, v28;
	[tilespmem:s14+$0xA70] =	vst v30  }
0x173: {  	v24 =	vmul.f32 v24, v33;
	v30 =	vld [tilespmem:s14+$0xC650];
	v37 =	vmul.f32 v37, v31;
	v27 =	vadd.f32 v39, v27;
	[tilespmem:s14+$0xA60] =	vst v29  }
0x174: {  	v23 =	vmul.f32 v23, v33;
	v29 =	vld [tilespmem:s14+$0xC640];
	v36 =	vmul.f32 v36, v31;
	v26 =	vadd.f32 v38, v26;
	[tilespmem:s14+$0xA50] =	vst v28  }
0x175: {  	v22 =	vmul.f32 v22, v33;
	v28 =	vld [tilespmem:s14+$0xC630];
	v35 =	vmul.f32 v35, v31;
	v25 =	vadd.f32 v37, v25;
	[tilespmem:s14+$0xA40] =	vst v27  }
0x176: {  	v21 =	vmul.f32 v21, v33;
	v27 =	vld [tilespmem:s14+$0xC620];
	v34 =	vmul.f32 v34, v31;
	v24 =	vadd.f32 v36, v24;
	[tilespmem:s14+$0xA30] =	vst v26  }
0x177: {  	v20 =	vmul.f32 v20, v33;
	v26 =	vld [tilespmem:s14+$0xC610];
	v32 =	vmul.f32 v32, v31;
	v23 =	vadd.f32 v35, v23;
	[tilespmem:s14+$0xA20] =	vst v25  }
0x178: {  	v19 =	vmul.f32 v19, v33;
	v25 =	vld [tilespmem:s14+$0xC600];
	v30 =	vmul.f32 v30, v31;
	v22 =	vadd.f32 v34, v22;
	[tilespmem:s14+$0xA10] =	vst v24  }
0x179: {  	v18 =	vmul.f32 v18, v33;
	v24 =	vld [tilespmem:s14+$0xC270];
	v29 =	vmul.f32 v29, v31;
	v21 =	vadd.f32 v32, v21;
	[tilespmem:s14+$0xA00] =	vst v23  }
0x17a: {  	v17 =	vmul.f32 v17, v33;
	v23 =	vld [tilespmem:s14+$0xC260];
	v28 =	vmul.f32 v28, v31;
	v20 =	vadd.f32 v30, v20;
	[tilespmem:s14+$0x670] =	vst v22  }
0x17b: {  	v16 =	vmul.f32 v16, v33;
	v22 =	vmul.f32 v27, v31;
	v19 =	vadd.f32 v29, v19;
	[tilespmem:s14+$0x660] =	vst v21;
	v21 =	vld [tilespmem:s14+$0xD640]  }
0x17c: {  	v15 =	vmul.f32 v15, v33;
	v26 =	vmul.f32 v26, v31;
	v18 =	vadd.f32 v28, v18;
	[tilespmem:s14+$0x650] =	vst v20;
	v20 =	vld [tilespmem:s14+$0xD650]  }
0x17d: {  	v14 =	vmul.f32 v14, v33;
	v25 =	vmul.f32 v25, v31;
	v17 =	vadd.f32 v22, v17;
	[tilespmem:s14+$0x640] =	vst v19;
	v19 =	vld [tilespmem:s14+$0xD660]  }
0x17e: {  	v13 =	vmul.f32 v13, v33;
	v22 =	vmul.f32 v24, v31;
	v16 =	vadd.f32 v26, v16;
	[tilespmem:s14+$0x630] =	vst v18;
	v18 =	vld [tilespmem:s14+$0xD670]  }
0x17f: {  	v12 =	vmul.f32 v12, v33;
	v23 =	vmul.f32 v23, v31;
	v15 =	vadd.f32 v25, v15;
	[tilespmem:s14+$0x620] =	vst v17;
	v17 =	vld [tilespmem:s14+$0x1640]  }
0x180: {  	v10 =	vmul.f32 v10, v33;
	v11 =	vmul.f32 v11, v31;
	v14 =	vadd.f32 v22, v14;
	[tilespmem:s14+$0x610] =	vst v16;
	v16 =	vld [tilespmem:s14+$0x1650]  }
0x181: {  	v8 =	vmul.f32 v8, v33;
	v9 =	vmul.f32 v9, v31;
	v13 =	vadd.f32 v23, v13;
	[tilespmem:s14+$0x600] =	vst v15;
	v15 =	vld [tilespmem:s14+$0x1660]  }
0x182: {  	v6 =	vmul.f32 v6, v33;
	v7 =	vmul.f32 v7, v31;
	v11 =	vadd.f32 v11, v12;
	[tilespmem:s14+$0x270] =	vst v14;
	v12 =	vld [tilespmem:s14+$0x1670]  }
0x183: {  	v3 =	vmul.f32 v3, v33;
	v5 =	vmul.f32 v5, v31;
	v9 =	vadd.f32 v9, v10;
	v14 =	vld [tilespmem:s14+$0x200];
	[tilespmem:s14+$0x260] =	vst v13  }
0x184: {  	v4 =	vmul.f32 v4, v31;
	v7 =	vadd.f32 v7, v8;
	v10 =	vld [tilespmem:s14+$0xC200];
	[tilespmem:s14+$0x250] =	vst v11;
	v8 =	vmul.f32 v17, v33  }
0x185: {  	s18 =	sshrl.u32 s17, $0x3;
	v5 =	vadd.f32 v5, v6;
	v6 =	vmul.f32 v21, v31;
	[tilespmem:s14+$0x240] =	vst v9;
	v9 =	vmul.f32 v16, v33  }
0x186: {  	s16 =	sadd.s32 $0x80, s16;
	s18 =	smul.u32 $0x1800, s18;
	v3 =	vadd.f32 v4, v3;
	v4 =	vmul.f32 v20, v31;
	[tilespmem:s14+$0x230] =	vst v7;
	v7 =	vmul.f32 v15, v33  }
0x187: {  	s19 =	sand.u32 $0x380, s16;
	[tilespmem:s14+$0x220] =	vst v5;
	v5 =	vadd.f32 v6, v8;
	v6 =	vmul.f32 v19, v31;
	v8 =	vmul.f32 v12, v33  }
0x188: {  	s18 =	sor.u32 s19, s18;
	v9 =	vadd.f32 v4, v9;
	v12 =	vmul.f32 v18, v31;
	v11 =	vmul.f32 v14, v33;
	[tilespmem:s14+$0x210] =	vst v3  }
0x189: {  	v3 =	vld [tilespmem:s18+$0x210];
	v10 =	vmul.f32 v10, v31;
	[tilespmem:s14+$0x1640] =	vst v5;
	v5 =	vadd.f32 v6, v7  }
0x18a: {  	v7 =	vadd.f32 v12, v8;
	v4 =	vld [tilespmem:s18+$0xC210];
	[tilespmem:s14+$0x1650] =	vst v9  }
0x18b: {  	v6 =	vld [tilespmem:s18+$0x220];
	v9 =	vadd.f32 v10, v11;
	[tilespmem:s14+$0x1660] =	vst v5  }
0x18c: {  	v5 =	vld [tilespmem:s18+$0xC220];
	[tilespmem:s14+$0x1670] =	vst v7  }
0x18d: {  	v8 =	vld [tilespmem:s18+$0x230];
	[tilespmem:s14+$0x200] =	vst v9;
	s14 =	smov.u32 s18  }
0x18e: {  	v7 =	vld [tilespmem:s14+$0xC230]  }
0x18f: {  	v10 =	vld [tilespmem:s14+$0x240]  }
0x190: {  	v9 =	vld [tilespmem:s14+$0xC240]  }
0x191: {  	v12 =	vld [tilespmem:s14+$0x250]  }
0x192: {  	v11 =	vld [tilespmem:s14+$0xC250]  }
0x193: {  	v13 =	vld [tilespmem:s14+$0x260]  }
0x194: {  	v14 =	vld [tilespmem:s14+$0x270]  }
0x195: {  	v15 =	vld [tilespmem:s14+$0x600]  }
0x196: {  	v16 =	vld [tilespmem:s14+$0x610]  }
0x197: {  	v17 =	vld [tilespmem:s14+$0x620]  }
0x198: {  	v18 =	vld [tilespmem:s14+$0x630]  }
0x199: {  	v19 =	vld [tilespmem:s14+$0x640]  }
0x19a: {  	v20 =	vld [tilespmem:s14+$0x650]  }
0x19b: {  	v21 =	vld [tilespmem:s14+$0x660]  }
0x19c: {  	v22 =	vld [tilespmem:s14+$0x670]  }
0x19d: {  	v23 =	vld [tilespmem:s14+$0xA00]  }
0x19e: {  	v24 =	vld [tilespmem:s14+$0xA10]  }
0x19f: {  	v25 =	vld [tilespmem:s14+$0xA20]  }
0x1a0: {  	v26 =	vld [tilespmem:s14+$0xA30]  }
0x1a1: {  	v27 =	vld [tilespmem:s14+$0xA40]  }
0x1a2: {  	v28 =	vld [tilespmem:s14+$0xA50]  }
0x1a3: {  	v29 =	vld [tilespmem:s14+$0xA60]  }
0x1a4: {  	v30 =	vld [tilespmem:s14+$0xA70]  }
0x1a5: {  	v32 =	vld [tilespmem:s14+$0xE00]  }
0x1a6: {  	v34 =	vld [tilespmem:s14+$0xE10]  }
0x1a7: {  	v35 =	vld [tilespmem:s14+$0xE20]  }
0x1a8: {  	v36 =	vld [tilespmem:s14+$0xE30]  }
0x1a9: {  	v37 =	vld [tilespmem:s14+$0xE40]  }
0x1aa: {  	v38 =	vld [tilespmem:s14+$0xE50]  }
0x1ab: {  	v39 =	vld [tilespmem:s14+$0xE60]  }
0x1ac: {  	v40 =	vld [tilespmem:s14+$0xE70]  }
0x1ad: {  	v41 =	vld [tilespmem:s14+$0x1200]  }
0x1ae: {  	v42 =	vld [tilespmem:s14+$0x1210]  }
0x1af: {  	v43 =	vld [tilespmem:s14+$0x1220]  }
0x1b0: {  	v44 =	vld [tilespmem:s14+$0x1230]  }
0x1b1: {  	v45 =	vld [tilespmem:s14+$0x1240]  }
0x1b2: {  	v46 =	vld [tilespmem:s14+$0x1250]  }
.Ltmp0:
0x1b3: {  	v47 =	vld [tilespmem:s14+$0x1260];
	(pc) =	sbr.rel @p0 .LBB2_2-.Ltmp0, $4  }
0x1b4: {  	v48 =	vld [tilespmem:s14+$0x1600]  }
0x1b5: {  	v50 =	vld [tilespmem:s14+$0x1610]  }
0x1b6: {  	v49 =	vld [tilespmem:s14+$0xD610]  }
0x1b7: {  	s17 =	sadd.s32 $0x1, s17;
	v51 =	vld [tilespmem:s14+$0xD630]  }
0x1b8: {  	v52 =	vld [tilespmem:s14+$0x1620]  }
0x1b9: {  	s0 =	sadd.s32 $0x1, s0;
	v53 =	vld [tilespmem:s14+$0x1630]  }
0x1ba: {  	s16 =	sadd.s32 $0x1, s1;
	v31 =	vld.msk [tilespmem:s0+$0x0 ss:$0x0], $0xffff  }
0x1bb: {  	v33 =	vld.msk [tilespmem:s16+$0x0 ss:$0x0], $0xffff  }
0x1bc: {  	v54 =	vld [tilespmem:s14+$0xD620]  }
0x1bd: {  	v55 =	vld [tilespmem:s14+$0xD600]  }
0x1be: {  	v56 =	vld [tilespmem:s14+$0x1270]  }
0x1bf: {  	v57 =	vld [tilespmem:s14+$0xD270];
	v53 =	vmul.f32 v53, v31  }
0x1c0: {  	v58 =	vld [tilespmem:s14+$0xD260];
	v51 =	vmul.f32 v51, v33;
	v52 =	vmul.f32 v52, v31  }
0x1c1: {  	v54 =	vmul.f32 v54, v33;
	v50 =	vmul.f32 v50, v31  }
0x1c2: {  	v49 =	vmul.f32 v49, v33;
	v48 =	vmul.f32 v48, v31  }
0x1c3: {  	v59 =	vld [tilespmem:s14+$0xD250];
	v62 =	vmul.f32 v55, v33;
	v63 =	vmul.f32 v56, v31  }
0x1c4: {  	v60 =	vld [tilespmem:s14+$0xD240];
	v57 =	vmul.f32 v57, v33;
	v47 =	vmul.f32 v47, v31;
	v51 =	vadd.f32 v51, v53  }
0x1c5: {  	v61 =	vld [tilespmem:s14+$0xD220];
	v58 =	vmul.f32 v58, v33;
	v46 =	vmul.f32 v46, v31;
	v52 =	vadd.f32 v54, v52  }
0x1c6: {  	v45 =	vmul.f32 v45, v31;
	v44 =	vmul.f32 v44, v31;
	v53 =	vld [tilespmem:s14+$0xD230];
	v49 =	vadd.f32 v49, v50;
	[tilespmem:s14+$0x1630] =	vst v51  }
0x1c7: {  	v43 =	vmul.f32 v43, v31;
	v42 =	vmul.f32 v42, v31;
	v50 =	vld [tilespmem:s14+$0xD200];
	v48 =	vadd.f32 v62, v48;
	[tilespmem:s14+$0x1620] =	vst v52  }
0x1c8: {  	v41 =	vmul.f32 v41, v31;
	v62 =	vmul.f32 v59, v33;
	v47 =	vadd.f32 v58, v47;
	v59 =	vld [tilespmem:s14+$0xCE20];
	[tilespmem:s14+$0x1610] =	vst v49  }
0x1c9: {  	v40 =	vmul.f32 v40, v31;
	v51 =	vld [tilespmem:s14+$0xD210];
	v52 =	vadd.f32 v57, v63;
	[tilespmem:s14+$0x1600] =	vst v48;
	v63 =	vmul.f32 v60, v33  }
0x1ca: {  	v39 =	vmul.f32 v39, v31;
	v58 =	vmul.f32 v61, v33;
	v49 =	vld [tilespmem:s14+$0xCE70];
	v46 =	vadd.f32 v62, v46;
	[tilespmem:s14+$0x1260] =	vst v47  }
0x1cb: {  	v38 =	vmul.f32 v38, v31;
	v48 =	vld [tilespmem:s14+$0xCE60];
	[tilespmem:s14+$0x1270] =	vst v52;
	v45 =	vadd.f32 v63, v45;
	v53 =	vmul.f32 v53, v33  }
0x1cc: {  	v37 =	vmul.f32 v37, v31;
	v47 =	vld [tilespmem:s14+$0xCE40];
	v43 =	vadd.f32 v58, v43;
	[tilespmem:s14+$0x1250] =	vst v46;
	v50 =	vmul.f32 v50, v33  }
0x1cd: {  	v35 =	vmul.f32 v35, v31;
	v57 =	vld [tilespmem:s14+$0xCE30];
	[tilespmem:s14+$0x1240] =	vst v45;
	v45 =	vmul.f32 v59, v33;
	v44 =	vadd.f32 v53, v44  }
0x1ce: {  	v36 =	vmul.f32 v36, v31;
	v52 =	vld [tilespmem:s14+$0xCE50];
	[tilespmem:s14+$0x1220] =	vst v43;
	v51 =	vmul.f32 v51, v33;
	v41 =	vadd.f32 v50, v41  }
0x1cf: {  	v34 =	vmul.f32 v34, v31;
	v60 =	vld [tilespmem:s14+$0xCE10];
	v49 =	vmul.f32 v49, v33;
	v35 =	vadd.f32 v45, v35;
	[tilespmem:s14+$0x1230] =	vst v44  }
0x1d0: {  	v30 =	vmul.f32 v30, v31;
	v63 =	vld [tilespmem:s14+$0xCA60];
	v48 =	vmul.f32 v48, v33;
	v42 =	vadd.f32 v51, v42;
	[tilespmem:s14+$0x1200] =	vst v41  }
0x1d1: {  	v29 =	vmul.f32 v29, v31;
	v58 =	vld [tilespmem:s14+$0xCA00];
	v47 =	vmul.f32 v47, v33;
	v40 =	vadd.f32 v49, v40;
	[tilespmem:s14+$0xE20] =	vst v35  }
0x1d2: {  	v28 =	vmul.f32 v28, v31;
	v62 =	vld [tilespmem:s14+$0xCA70];
	v46 =	vmul.f32 v57, v33;
	v39 =	vadd.f32 v48, v39;
	[tilespmem:s14+$0x1210] =	vst v42  }
0x1d3: {  	v27 =	vmul.f32 v27, v31;
	v54 =	vld [tilespmem:s14+$0xCA40];
	v52 =	vmul.f32 v52, v33;
	v37 =	vadd.f32 v47, v37;
	[tilespmem:s14+$0xE70] =	vst v40  }
0x1d4: {  	v26 =	vmul.f32 v26, v31;
	v53 =	vld [tilespmem:s14+$0xCA50];
	v36 =	vadd.f32 v46, v36;
	v44 =	vmul.f32 v60, v33;
	[tilespmem:s14+$0xE60] =	vst v39  }
0x1d5: {  	v25 =	vmul.f32 v25, v31;
	v57 =	vld [tilespmem:s14+$0xCA10];
	v41 =	vmul.f32 v63, v33;
	v38 =	vadd.f32 v52, v38;
	[tilespmem:s14+$0xE40] =	vst v37  }
0x1d6: {  	v55 =	vld [tilespmem:s14+$0xCA30];
	v23 =	vmul.f32 v23, v31;
	v35 =	vmul.f32 v58, v33;
	[tilespmem:s14+$0xE30] =	vst v36;
	v34 =	vadd.f32 v44, v34  }
0x1d7: {  	v24 =	vmul.f32 v24, v31;
	v59 =	vld [tilespmem:s14+$0xC670];
	v42 =	vmul.f32 v62, v33;
	v29 =	vadd.f32 v41, v29;
	[tilespmem:s14+$0xE50] =	vst v38  }
0x1d8: {  	v56 =	vld [tilespmem:s14+$0xCA20];
	v22 =	vmul.f32 v22, v31;
	v39 =	vmul.f32 v54, v33;
	v23 =	vadd.f32 v35, v23;
	[tilespmem:s14+$0xE10] =	vst v34  }
0x1d9: {  	v21 =	vmul.f32 v21, v31;
	v60 =	vld [tilespmem:s14+$0xC660];
	v40 =	vmul.f32 v53, v33;
	v30 =	vadd.f32 v42, v30;
	[tilespmem:s14+$0xA60] =	vst v29  }
0x1da: {  	v20 =	vmul.f32 v20, v31;
	v36 =	vmul.f32 v57, v33;
	v29 =	vld [tilespmem:s14+$0xC640];
	v27 =	vadd.f32 v39, v27;
	[tilespmem:s14+$0xA00] =	vst v23  }
0x1db: {  	v19 =	vmul.f32 v19, v31;
	v38 =	vmul.f32 v55, v33;
	v28 =	vadd.f32 v40, v28;
	[tilespmem:s14+$0xA70] =	vst v30;
	v30 =	vld [tilespmem:s14+$0xC650]  }
0x1dc: {  	v10 =	vmul.f32 v10, v31;
	v61 =	vld [tilespmem:s14+$0xCE00];
	v34 =	vmul.f32 v59, v33;
	v24 =	vadd.f32 v36, v24;
	[tilespmem:s14+$0xA40] =	vst v27  }
0x1dd: {  	v9 =	vmul.f32 v9, v33;
	v37 =	vmul.f32 v56, v33;
	v26 =	vadd.f32 v38, v26;
	[tilespmem:s14+$0xA50] =	vst v28;
	v28 =	vld [tilespmem:s14+$0xC630]  }
0x1de: {  	v12 =	vmul.f32 v12, v31;
	v11 =	vmul.f32 v11, v33;
	v27 =	vld [tilespmem:s14+$0xC620];
	v22 =	vadd.f32 v34, v22;
	[tilespmem:s14+$0xA10] =	vst v24  }
0x1df: {  	v9 =	vadd.f32 v9, v10;
	v10 =	vld [tilespmem:s14+$0xC200];
	v25 =	vadd.f32 v37, v25;
	v24 =	vmul.f32 v60, v33;
	[tilespmem:s14+$0xA30] =	vst v26  }
0x1e0: {  	v11 =	vadd.f32 v11, v12;
	v26 =	vld [tilespmem:s14+$0xC610];
	[tilespmem:s14+$0x670] =	vst v22;
	v22 =	vmul.f32 v29, v33;
	v23 =	vmul.f32 v30, v33  }
0x1e1: {  	v18 =	vmul.f32 v18, v31;
	v43 =	vmul.f32 v61, v33;
	[tilespmem:s14+$0xA20] =	vst v25;
	v25 =	vld [tilespmem:s14+$0xC600];
	v21 =	vadd.f32 v24, v21  }
0x1e2: {  	[tilespmem:s14+$0x250] =	vst v11;
	v61 =	vld [tilespmem:s14+$0xC270];
	v19 =	vadd.f32 v22, v19;
	v20 =	vadd.f32 v23, v20;
	v23 =	vmul.f32 v28, v33  }
0x1e3: {  	v17 =	vmul.f32 v17, v31;
	v24 =	vld [tilespmem:s14+$0xC260];
	[tilespmem:s14+$0x660] =	vst v21;
	v22 =	vmul.f32 v27, v33  }
0x1e4: {  	v21 =	vld [tilespmem:s14+$0xD640];
	[tilespmem:s14+$0x640] =	vst v19;
	v18 =	vadd.f32 v23, v18  }
0x1e5: {  	v16 =	vmul.f32 v16, v31;
	v19 =	vld [tilespmem:s14+$0xD660];
	v17 =	vadd.f32 v22, v17;
	[tilespmem:s14+$0x650] =	vst v20;
	v23 =	vmul.f32 v26, v33  }
0x1e6: {  	v15 =	vmul.f32 v15, v31;
	v22 =	vld [tilespmem:s14+$0xD670];
	[tilespmem:s14+$0x630] =	vst v18;
	v18 =	vmul.f32 v25, v33  }
0x1e7: {  	v14 =	vmul.f32 v14, v31;
	v20 =	vld [tilespmem:s14+$0xD650];
	[tilespmem:s14+$0x620] =	vst v17;
	v17 =	vmul.f32 v61, v33;
	v16 =	vadd.f32 v23, v16  }
0x1e8: {  	v8 =	vmul.f32 v8, v31;
	v7 =	vmul.f32 v7, v33;
	[tilespmem:s14+$0x240] =	vst v9;
	v15 =	vadd.f32 v18, v15;
	v18 =	vld [tilespmem:s14+$0x1640]  }
0x1e9: {  	v6 =	vmul.f32 v6, v31;
	v5 =	vmul.f32 v5, v33;
	v14 =	vadd.f32 v17, v14;
	[tilespmem:s14+$0x610] =	vst v16;
	v16 =	vld [tilespmem:s14+$0x1650]  }
0x1ea: {  	v3 =	vmul.f32 v3, v31;
	v4 =	vmul.f32 v4, v33;
	v7 =	vadd.f32 v7, v8;
	[tilespmem:s14+$0x600] =	vst v15;
	v15 =	vld [tilespmem:s14+$0x1660]  }
0x1eb: {  	v32 =	vmul.f32 v32, v31;
	v5 =	vadd.f32 v5, v6;
	[tilespmem:s14+$0x270] =	vst v14;
	v14 =	vld [tilespmem:s14+$0x1670]  }
0x1ec: {  	v13 =	vmul.f32 v13, v31;
	v12 =	vld [tilespmem:s14+$0x200];
	v3 =	vadd.f32 v4, v3;
	[tilespmem:s14+$0x230] =	vst v7;
	v23 =	vmul.f32 v24, v33  }
0x1ed: {  	[tilespmem:s14+$0x220] =	vst v5;
	v32 =	vadd.f32 v43, v32;
	v6 =	vmul.f32 v21, v33;
	v8 =	vmul.f32 v18, v31  }
0x1ee: {  	[tilespmem:s14+$0x210] =	vst v3;
	v13 =	vadd.f32 v23, v13;
	v4 =	vmul.f32 v20, v33;
	v9 =	vmul.f32 v16, v31  }
0x1ef: {  	[tilespmem:s14+$0xE00] =	vst v32;
	v7 =	vmul.f32 v15, v31;
	v5 =	vadd.f32 v6, v8;
	v6 =	vmul.f32 v19, v33  }
0x1f0: {  	[tilespmem:s14+$0x260] =	vst v13;
	v8 =	vmul.f32 v14, v31;
	v3 =	vadd.f32 v4, v9;
	v4 =	vmul.f32 v22, v33  }
0x1f1: {  	v10 =	vmul.f32 v10, v33;
	v9 =	vmul.f32 v12, v31;
	[tilespmem:s14+$0x1640] =	vst v5;
	v5 =	vadd.f32 v6, v7  }
0x1f2: {  	[tilespmem:s14+$0x1650] =	vst v3;
	v3 =	vadd.f32 v4, v8  }
0x1f3: {  	v4 =	vadd.f32 v10, v9;
	[tilespmem:s14+$0x1660] =	vst v5  }
0x1f4: {  	[tilespmem:s14+$0x1670] =	vst v3  }
0x1f5: {  	[tilespmem:s14+$0x200] =	vst v4  }
0x1f6: {  	[hbm4b:s10+s2] =	stream.linear.scatter [tilespmem:s15], [sflag:$0x1], $0x6000, $0x38;
	[tilespmem:$0x18200] =	vst v63  }
0x1f7: {  	_ =	swait.ge [sflag:s30], $0x6000  }
0x1f8: {  	[sflag:s30] =	ssyncset.done $0x0  }
0x1f9: {  	s17 =	simm.s32 $0x4;
	[sflag:s30] =	ssyncadd.s32 $0xFFFFA000  }
0x1fa: {  	s18 =	simm.s32 $0x1000;
	s0 =	smul.u32 $0x1800, s17;
	_ =	swait.ge [sflag:s30], $0x6000  }
0x1fb: {  	s1 =	sand.u32 $0x380, s18;
	[sflag:s30] =	ssyncset.done $0x0  }
0x1fc: {  	s17 =	sor.u32 s1, s0;
	[sflag:s30] =	ssyncadd.s32 $0xFFFFA000  }
0x1fd: {  	v4 =	vld [tilespmem:s17+$0x210]  }
0x1fe: {  	v3 =	vld [tilespmem:s17+$0xC210]  }
0x1ff: {  	v6 =	vld [tilespmem:s17+$0x220]  }
0x200: {  	v5 =	vld [tilespmem:s17+$0xC220]  }
0x201: {  	v10 =	vld [tilespmem:s17+$0x230]  }
0x202: {  	v7 =	vld [tilespmem:s17+$0xC230]  }
0x203: {  	v12 =	vld [tilespmem:s17+$0x240]  }
0x204: {  	v11 =	vld [tilespmem:s17+$0xC240]  }
0x205: {  	v13 =	vld [tilespmem:s17+$0x260]  }
0x206: {  	v14 =	vld [tilespmem:s17+$0x270]  }
0x207: {  	v15 =	vld [tilespmem:s17+$0x600]  }
0x208: {  	v16 =	vld [tilespmem:s17+$0x610]  }
0x209: {  	v17 =	vld [tilespmem:s17+$0x620]  }
0x20a: {  	v18 =	vld [tilespmem:s17+$0x630]  }
0x20b: {  	v19 =	vld [tilespmem:s17+$0x640]  }
0x20c: {  	v20 =	vld [tilespmem:s17+$0x650]  }
0x20d: {  	v21 =	vld [tilespmem:s17+$0x660]  }
0x20e: {  	v22 =	vld [tilespmem:s17+$0x670]  }
0x20f: {  	v23 =	vld [tilespmem:s17+$0xA00]  }
0x210: {  	v24 =	vld [tilespmem:s17+$0xA10]  }
0x211: {  	v25 =	vld [tilespmem:s17+$0xA20]  }
0x212: {  	v26 =	vld [tilespmem:s17+$0xA30]  }
0x213: {  	v27 =	vld [tilespmem:s17+$0xA40]  }
0x214: {  	v28 =	vld [tilespmem:s17+$0xA50]  }
0x215: {  	v29 =	vld [tilespmem:s17+$0xA60]  }
0x216: {  	v30 =	vld [tilespmem:s17+$0xA70]  }
0x217: {  	v31 =	vld [tilespmem:s17+$0xE00]  }
0x218: {  	v32 =	vld [tilespmem:s17+$0xE10]  }
0x219: {  	v33 =	vld [tilespmem:s17+$0xE20]  }
0x21a: {  	v34 =	vld [tilespmem:s17+$0xE30]  }
0x21b: {  	v35 =	vld [tilespmem:s17+$0xE40]  }
0x21c: {  	v36 =	vld [tilespmem:s17+$0xE50]  }
0x21d: {  	v37 =	vld [tilespmem:s17+$0xE60]  }
0x21e: {  	v38 =	vld [tilespmem:s17+$0xE70]  }
0x21f: {  	v39 =	vld [tilespmem:s17+$0x1200]  }
0x220: {  	v40 =	vld [tilespmem:s17+$0x1210]  }
0x221: {  	v41 =	vld [tilespmem:s17+$0x1220]  }
0x222: {  	v42 =	vld [tilespmem:s17+$0x1230]  }
0x223: {  	v43 =	vld [tilespmem:s17+$0x1240]  }
0x224: {  	v44 =	vld [tilespmem:s17+$0x1250]  }
0x225: {  	v45 =	vld [tilespmem:s17+$0x1260]  }
0x226: {  	v46 =	vld [tilespmem:s17+$0x1600]  }
0x227: {  	v47 =	vld [tilespmem:s17+$0x1610]  }
0x228: {  	v48 =	vld [tilespmem:s17+$0xD610]  }
0x229: {  	v49 =	vld [tilespmem:s17+$0xD630]  }
0x22a: {  	s1 =	simm.s32 $0x120;
	v50 =	vld [tilespmem:s17+$0x1620]  }
0x22b: {  	v8 =	vld.msk [tilespmem:s1+$0x0 ss:$0x0], $0xffff  }
0x22c: {  	s14 =	simm.s32 $0x1A0;
	v62 =	vld [tilespmem:s17+$0x1630]  }
0x22d: {  	v9 =	vld.msk [tilespmem:s14+$0x0 ss:$0x0], $0xffff  }
0x22e: {  	v52 =	vld [tilespmem:s17+$0xD620]  }
0x22f: {  	v63 =	vld [tilespmem:s17+$0xD600]  }
0x230: {  	v54 =	vld [tilespmem:s17+$0x1270]  }
0x231: {  	v60 =	vld [tilespmem:s17+$0xD270];
	v51 =	vmul.f32 v62, v8  }
0x232: {  	v61 =	vld [tilespmem:s17+$0xD260];
	v49 =	vmul.f32 v49, v9;
	v50 =	vmul.f32 v50, v8  }
0x233: {  	v58 =	vld [tilespmem:s17+$0xD240];
	v52 =	vmul.f32 v52, v9;
	v47 =	vmul.f32 v47, v8  }
0x234: {  	v53 =	vld [tilespmem:s17+$0xD230];
	v48 =	vmul.f32 v48, v9;
	v46 =	vmul.f32 v46, v8  }
0x235: {  	v57 =	vld [tilespmem:s17+$0xCE60];
	v63 =	vmul.f32 v63, v9;
	v59 =	vmul.f32 v54, v8;
	v49 =	vadd.f32 v49, v51  }
0x236: {  	v55 =	vld [tilespmem:s17+$0xCA70];
	v60 =	vmul.f32 v60, v9;
	v45 =	vmul.f32 v45, v8;
	v50 =	vadd.f32 v52, v50  }
0x237: {  	v56 =	vld [tilespmem:s17+$0xCA60];
	v61 =	vmul.f32 v61, v9;
	v44 =	vmul.f32 v44, v8;
	v47 =	vadd.f32 v48, v47;
	[tilespmem:s17+$0x1630] =	vst v49  }
0x238: {  	v62 =	vld [tilespmem:s17+$0xD250];
	v43 =	vmul.f32 v43, v8;
	v42 =	vmul.f32 v42, v8;
	v46 =	vadd.f32 v63, v46;
	[tilespmem:s17+$0x1620] =	vst v50  }
0x239: {  	v12 =	vmul.f32 v12, v8;
	v11 =	vmul.f32 v11, v9;
	v48 =	vld [tilespmem:s17+$0xD220];
	v52 =	vadd.f32 v60, v59;
	[tilespmem:s17+$0x1610] =	vst v47  }
0x23a: {  	v41 =	vmul.f32 v41, v8;
	v63 =	vmul.f32 v58, v9;
	v45 =	vadd.f32 v61, v45;
	v59 =	vld [tilespmem:s17+$0xCE50];
	[tilespmem:s17+$0x1600] =	vst v46  }
0x23b: {  	v40 =	vmul.f32 v40, v8;
	v58 =	vmul.f32 v53, v9;
	v60 =	vld [tilespmem:s17+$0xCE40];
	v11 =	vadd.f32 v11, v12;
	[tilespmem:s17+$0x1270] =	vst v52  }
0x23c: {  	v37 =	vmul.f32 v37, v8;
	v49 =	vld [tilespmem:s17+$0xD210];
	v43 =	vadd.f32 v63, v43;
	[tilespmem:s17+$0x1260] =	vst v45;
	v46 =	vmul.f32 v57, v9  }
0x23d: {  	v39 =	vmul.f32 v39, v8;
	v50 =	vld [tilespmem:s17+$0xD200];
	v42 =	vadd.f32 v58, v42;
	[tilespmem:s17+$0x240] =	vst v11;
	v62 =	vmul.f32 v62, v9  }
0x23e: {  	v38 =	vmul.f32 v38, v8;
	v47 =	vld [tilespmem:s17+$0xCE70];
	[tilespmem:s17+$0x1240] =	vst v43;
	v37 =	vadd.f32 v46, v37;
	v48 =	vmul.f32 v48, v9  }
0x23f: {  	v36 =	vmul.f32 v36, v8;
	v61 =	vld [tilespmem:s17+$0xCE30];
	[tilespmem:s17+$0x1230] =	vst v42;
	v44 =	vadd.f32 v62, v44;
	v54 =	vmul.f32 v59, v9  }
0x240: {  	v35 =	vmul.f32 v35, v8;
	v63 =	vld [tilespmem:s17+$0xCE10];
	v45 =	vmul.f32 v60, v9;
	[tilespmem:s17+$0xE60] =	vst v37;
	v41 =	vadd.f32 v48, v41  }
0x241: {  	v34 =	vmul.f32 v34, v8;
	v58 =	vld [tilespmem:s17+$0xCA40];
	v49 =	vmul.f32 v49, v9;
	[tilespmem:s17+$0x1250] =	vst v44;
	v36 =	vadd.f32 v54, v36  }
0x242: {  	v32 =	vmul.f32 v32, v8;
	v53 =	vld [tilespmem:s17+$0xCE00];
	v50 =	vmul.f32 v50, v9;
	v35 =	vadd.f32 v45, v35;
	[tilespmem:s17+$0x1220] =	vst v41  }
0x243: {  	v31 =	vmul.f32 v31, v8;
	v62 =	vld [tilespmem:s17+$0xCE20];
	v47 =	vmul.f32 v47, v9;
	v40 =	vadd.f32 v49, v40;
	[tilespmem:s17+$0xE50] =	vst v36  }
0x244: {  	v6 =	vmul.f32 v6, v8;
	v59 =	vld [tilespmem:s17+$0xCA30];
	v44 =	vmul.f32 v61, v9;
	v39 =	vadd.f32 v50, v39;
	[tilespmem:s17+$0xE40] =	vst v35  }
0x245: {  	v5 =	vmul.f32 v5, v9;
	v60 =	vld [tilespmem:s17+$0xCA20];
	v42 =	vmul.f32 v63, v9;
	v38 =	vadd.f32 v47, v38;
	[tilespmem:s17+$0x1210] =	vst v40  }
0x246: {  	v27 =	vmul.f32 v27, v8;
	v12 =	vld [tilespmem:s17+$0x1660];
	v37 =	vmul.f32 v58, v9;
	v34 =	vadd.f32 v44, v34;
	[tilespmem:s17+$0x1200] =	vst v39  }
0x247: {  	v5 =	vadd.f32 v5, v6;
	v6 =	vld [tilespmem:s17+$0x200];
	v41 =	vmul.f32 v53, v9;
	v32 =	vadd.f32 v42, v32;
	[tilespmem:s17+$0xE70] =	vst v38  }
0x248: {  	v33 =	vmul.f32 v33, v8;
	v57 =	vld [tilespmem:s17+$0xCA50];
	v27 =	vadd.f32 v37, v27;
	v43 =	vmul.f32 v62, v9;
	[tilespmem:s17+$0xE30] =	vst v34  }
0x249: {  	v26 =	vmul.f32 v26, v8;
	v61 =	vld [tilespmem:s17+$0xCA10];
	v36 =	vmul.f32 v59, v9;
	v31 =	vadd.f32 v41, v31;
	[tilespmem:s17+$0xE10] =	vst v32  }
0x24a: {  	v25 =	vmul.f32 v25, v8;
	v62 =	vld [tilespmem:s17+$0xCA00];
	v35 =	vmul.f32 v60, v9;
	[tilespmem:s17+$0xA40] =	vst v27;
	v33 =	vadd.f32 v43, v33  }
0x24b: {  	v30 =	vmul.f32 v30, v8;
	v63 =	vld [tilespmem:s17+$0xC670];
	v40 =	vmul.f32 v55, v9;
	v26 =	vadd.f32 v36, v26;
	[tilespmem:s17+$0xE00] =	vst v31  }
0x24c: {  	v29 =	vmul.f32 v29, v8;
	v39 =	vmul.f32 v56, v9;
	v27 =	vld [tilespmem:s17+$0xC620];
	v25 =	vadd.f32 v35, v25;
	[tilespmem:s17+$0xE20] =	vst v33  }
0x24d: {  	v28 =	vmul.f32 v28, v8;
	v38 =	vmul.f32 v57, v9;
	v30 =	vadd.f32 v40, v30;
	v31 =	vld [tilespmem:s17+$0xC660];
	[tilespmem:s17+$0xA30] =	vst v26  }
0x24e: {  	v24 =	vmul.f32 v24, v8;
	v34 =	vmul.f32 v61, v9;
	v29 =	vadd.f32 v39, v29;
	v26 =	vld [tilespmem:s17+$0xC610];
	[tilespmem:s17+$0xA20] =	vst v25  }
0x24f: {  	v23 =	vmul.f32 v23, v8;
	v28 =	vadd.f32 v38, v28;
	v25 =	vld [tilespmem:s17+$0xC600];
	[tilespmem:s17+$0xA70] =	vst v30;
	v33 =	vmul.f32 v62, v9  }
0x250: {  	v22 =	vmul.f32 v22, v8;
	v32 =	vmul.f32 v63, v9;
	v24 =	vadd.f32 v34, v24;
	v30 =	vld [tilespmem:s17+$0xC650];
	[tilespmem:s17+$0xA60] =	vst v29  }
0x251: {  	v17 =	vmul.f32 v17, v8;
	v29 =	vld [tilespmem:s17+$0xC640];
	[tilespmem:s17+$0xA50] =	vst v28;
	v27 =	vmul.f32 v27, v9;
	v23 =	vadd.f32 v33, v23  }
0x252: {  	v21 =	vmul.f32 v21, v8;
	v22 =	vadd.f32 v32, v22;
	v28 =	vld [tilespmem:s17+$0xC630];
	[tilespmem:s17+$0xA10] =	vst v24;
	v31 =	vmul.f32 v31, v9  }
0x253: {  	v16 =	vmul.f32 v16, v8;
	v17 =	vadd.f32 v27, v17;
	[tilespmem:s17+$0xA00] =	vst v23;
	v23 =	vld [tilespmem:s17+$0xC260];
	v26 =	vmul.f32 v26, v9  }
0x254: {  	v15 =	vmul.f32 v15, v8;
	v24 =	vld [tilespmem:s17+$0xC270];
	[tilespmem:s17+$0x670] =	vst v22;
	v25 =	vmul.f32 v25, v9;
	v21 =	vadd.f32 v31, v21  }
0x255: {  	v20 =	vmul.f32 v20, v8;
	v22 =	vld [tilespmem:s17+$0x250];
	v30 =	vmul.f32 v30, v9;
	[tilespmem:s17+$0x620] =	vst v17;
	v16 =	vadd.f32 v26, v16  }
0x256: {  	v19 =	vmul.f32 v19, v8;
	v29 =	vmul.f32 v29, v9;
	v17 =	vld [tilespmem:s17+$0x1640];
	v15 =	vadd.f32 v25, v15;
	[tilespmem:s17+$0x660] =	vst v21  }
0x257: {  	v18 =	vmul.f32 v18, v8;
	v28 =	vmul.f32 v28, v9;
	v20 =	vadd.f32 v30, v20;
	v21 =	vld [tilespmem:s17+$0xC250];
	[tilespmem:s17+$0x610] =	vst v16  }
0x258: {  	v13 =	vmul.f32 v13, v8;
	v19 =	vadd.f32 v29, v19;
	[tilespmem:s17+$0x600] =	vst v15;
	v15 =	vld [tilespmem:s17+$0x1650];
	v23 =	vmul.f32 v23, v9  }
0x259: {  	v14 =	vmul.f32 v14, v8;
	v24 =	vmul.f32 v24, v9;
	v18 =	vadd.f32 v28, v18;
	[tilespmem:s17+$0x650] =	vst v20;
	v20 =	vld [tilespmem:s17+$0xD640]  }
0x25a: {  	v10 =	vmul.f32 v10, v8;
	v7 =	vmul.f32 v7, v9;
	[tilespmem:s17+$0x640] =	vst v19;
	v19 =	vld [tilespmem:s17+$0xD650];
	v13 =	vadd.f32 v23, v13  }
0x25b: {  	v4 =	vmul.f32 v4, v8;
	v3 =	vmul.f32 v3, v9;
	v14 =	vadd.f32 v24, v14;
	[tilespmem:s17+$0x630] =	vst v18;
	v18 =	vld [tilespmem:s17+$0xD660]  }
0x25c: {  	v7 =	vadd.f32 v7, v10;
	v10 =	vmul.f32 v22, v8;
	v16 =	vld [tilespmem:s17+$0xD670];
	[tilespmem:s17+$0x260] =	vst v13;
	v13 =	vmul.f32 v21, v9  }
0x25d: {  	v3 =	vadd.f32 v3, v4;
	[tilespmem:s17+$0x270] =	vst v14;
	v14 =	vld [tilespmem:s17+$0x1670]  }
0x25e: {  	s19 =	simm.s32 $0x4;
	[tilespmem:s17+$0x230] =	vst v7;
	v7 =	vld [tilespmem:s17+$0xC200];
	v11 =	vmul.f32 v17, v8;
	v17 =	vmul.f32 v20, v9;
	v4 =	vadd.f32 v13, v10  }
0x25f: {  	s16 =	simm.s32 $0x1080;
	s0 =	smul.u32 $0x1800, s19;
	[tilespmem:s17+$0x220] =	vst v5;
	v5 =	vmul.f32 v15, v8;
	v10 =	vmul.f32 v19, v9  }
0x260: {  	s18 =	sand.u32 $0x380, s16;
	v11 =	vadd.f32 v17, v11;
	[tilespmem:s17+$0x250] =	vst v4;
	v4 =	vmul.f32 v12, v8;
	v12 =	vmul.f32 v18, v9  }
0x261: {  	s0 =	sor.u32 s18, s0;
	[tilespmem:s17+$0x210] =	vst v3;
	v5 =	vadd.f32 v10, v5  }
0x262: {  	v3 =	vld [tilespmem:s0+$0x210];
	v10 =	vmul.f32 v14, v8;
	[tilespmem:s17+$0x1640] =	vst v11;
	v11 =	vmul.f32 v16, v9;
	v12 =	vadd.f32 v12, v4  }
0x263: {  	v7 =	vmul.f32 v7, v9;
	v8 =	vmul.f32 v6, v8;
	v4 =	vld [tilespmem:s0+$0xC210];
	[tilespmem:s17+$0x1650] =	vst v5  }
0x264: {  	v9 =	vadd.f32 v11, v10;
	v6 =	vld [tilespmem:s0+$0x220];
	[tilespmem:s17+$0x1660] =	vst v12  }
0x265: {  	v7 =	vadd.f32 v7, v8;
	v5 =	vld [tilespmem:s0+$0xC220]  }
0x266: {  	[tilespmem:s17+$0x1670] =	vst v9;
	v8 =	vld [tilespmem:s0+$0x230]  }
0x267: {  	[tilespmem:s17+$0x200] =	vst v7;
	v18 =	vld [tilespmem:s0+$0x630]  }
0x268: {  	v7 =	vld [tilespmem:s0+$0xC230]  }
0x269: {  	v10 =	vld [tilespmem:s0+$0x240]  }
0x26a: {  	v9 =	vld [tilespmem:s0+$0xC240]  }
0x26b: {  	v12 =	vld [tilespmem:s0+$0x250]  }
0x26c: {  	v11 =	vld [tilespmem:s0+$0xC250]  }
0x26d: {  	v13 =	vld [tilespmem:s0+$0x260]  }
0x26e: {  	v14 =	vld [tilespmem:s0+$0x270]  }
0x26f: {  	v15 =	vld [tilespmem:s0+$0x600]  }
0x270: {  	v16 =	vld [tilespmem:s0+$0x610]  }
0x271: {  	v17 =	vld [tilespmem:s0+$0x620]  }
0x272: {  	v19 =	vld [tilespmem:s0+$0x640]  }
0x273: {  	v20 =	vld [tilespmem:s0+$0x650]  }
0x274: {  	v21 =	vld [tilespmem:s0+$0x660]  }
0x275: {  	v22 =	vld [tilespmem:s0+$0x670]  }
0x276: {  	v23 =	vld [tilespmem:s0+$0xA00]  }
0x277: {  	v24 =	vld [tilespmem:s0+$0xA10]  }
0x278: {  	v25 =	vld [tilespmem:s0+$0xA20]  }
0x279: {  	v26 =	vld [tilespmem:s0+$0xA30]  }
0x27a: {  	v27 =	vld [tilespmem:s0+$0xA40]  }
0x27b: {  	v28 =	vld [tilespmem:s0+$0xA50]  }
0x27c: {  	v29 =	vld [tilespmem:s0+$0xA60]  }
0x27d: {  	v30 =	vld [tilespmem:s0+$0xA70]  }
0x27e: {  	v32 =	vld [tilespmem:s0+$0xE00]  }
0x27f: {  	v34 =	vld [tilespmem:s0+$0xE10]  }
0x280: {  	v35 =	vld [tilespmem:s0+$0xE20]  }
0x281: {  	v36 =	vld [tilespmem:s0+$0xE30]  }
0x282: {  	v37 =	vld [tilespmem:s0+$0xE40]  }
0x283: {  	v38 =	vld [tilespmem:s0+$0xE50]  }
0x284: {  	v39 =	vld [tilespmem:s0+$0xE60]  }
0x285: {  	v40 =	vld [tilespmem:s0+$0xE70]  }
0x286: {  	v41 =	vld [tilespmem:s0+$0x1200]  }
0x287: {  	v42 =	vld [tilespmem:s0+$0x1210]  }
0x288: {  	v43 =	vld [tilespmem:s0+$0x1220]  }
0x289: {  	v44 =	vld [tilespmem:s0+$0x1230]  }
0x28a: {  	v45 =	vld [tilespmem:s0+$0x1240]  }
0x28b: {  	v46 =	vld [tilespmem:s0+$0x1250]  }
0x28c: {  	v47 =	vld [tilespmem:s0+$0x1260]  }
0x28d: {  	v48 =	vld [tilespmem:s0+$0x1600]  }
0x28e: {  	v50 =	vld [tilespmem:s0+$0x1610]  }
0x28f: {  	v49 =	vld [tilespmem:s0+$0xD610]  }
0x290: {  	s17 =	simm.s32 $0x22;
	v51 =	vld [tilespmem:s0+$0xD630]  }
.LBB2_4:
0x291: {  	p0 =	sne.s32 s17, $0x3F;
	v52 =	vld [tilespmem:s0+$0x1620];
	s1 =	sadd.s32 $0x1, s1  }
0x292: {  	s14 =	sadd.s32 $0x1, s14;
	v33 =	vld.msk [tilespmem:s1+$0x0 ss:$0x0], $0xffff  }
0x293: {  	v31 =	vld.msk [tilespmem:s14+$0x0 ss:$0x0], $0xffff  }
0x294: {  	v53 =	vld [tilespmem:s0+$0x1630]  }
0x295: {  	v54 =	vld [tilespmem:s0+$0xD620]  }
0x296: {  	v55 =	vld [tilespmem:s0+$0xD600]  }
0x297: {  	v56 =	vld [tilespmem:s0+$0x1270]  }
0x298: {  	v50 =	vmul.f32 v50, v33;
	v52 =	vmul.f32 v52, v33;
	v57 =	vld [tilespmem:s0+$0xD270]  }
0x299: {  	v51 =	vmul.f32 v51, v31;
	v58 =	vld [tilespmem:s0+$0xD260];
	v53 =	vmul.f32 v53, v33  }
0x29a: {  	v49 =	vmul.f32 v49, v31;
	v59 =	vld [tilespmem:s0+$0xD250];
	v54 =	vmul.f32 v54, v31  }
0x29b: {  	v48 =	vmul.f32 v48, v33;
	v60 =	vld [tilespmem:s0+$0xD240];
	v55 =	vmul.f32 v55, v31;
	v51 =	vadd.f32 v51, v53  }
0x29c: {  	v49 =	vadd.f32 v49, v50;
	v53 =	vld [tilespmem:s0+$0xD230];
	v56 =	vmul.f32 v56, v33;
	v50 =	vadd.f32 v54, v52  }
0x29d: {  	v47 =	vmul.f32 v47, v33;
	v52 =	vld [tilespmem:s0+$0xD220];
	v54 =	vmul.f32 v57, v31;
	v48 =	vadd.f32 v55, v48;
	[tilespmem:s0+$0x1630] =	vst v51  }
0x29e: {  	v46 =	vmul.f32 v46, v33;
	v51 =	vld [tilespmem:s0+$0xD210];
	v55 =	vmul.f32 v58, v31;
	[tilespmem:s0+$0x1620] =	vst v50  }
0x29f: {  	v45 =	vmul.f32 v45, v33;
	v50 =	vld [tilespmem:s0+$0xD200];
	v57 =	vmul.f32 v59, v31;
	v54 =	vadd.f32 v54, v56;
	[tilespmem:s0+$0x1610] =	vst v49  }
0x2a0: {  	v44 =	vmul.f32 v44, v33;
	v49 =	vld [tilespmem:s0+$0xCE70];
	v56 =	vmul.f32 v60, v31;
	v47 =	vadd.f32 v55, v47;
	[tilespmem:s0+$0x1600] =	vst v48  }
0x2a1: {  	v43 =	vmul.f32 v43, v33;
	v48 =	vld [tilespmem:s0+$0xCE60];
	v53 =	vmul.f32 v53, v31;
	v46 =	vadd.f32 v57, v46;
	[tilespmem:s0+$0x1270] =	vst v54  }
0x2a2: {  	v42 =	vmul.f32 v42, v33;
	v54 =	vld [tilespmem:s0+$0xCE50];
	v52 =	vmul.f32 v52, v31;
	v45 =	vadd.f32 v56, v45;
	[tilespmem:s0+$0x1260] =	vst v47  }
0x2a3: {  	v41 =	vmul.f32 v41, v33;
	v47 =	vld [tilespmem:s0+$0xCE40];
	v51 =	vmul.f32 v51, v31;
	v44 =	vadd.f32 v53, v44;
	[tilespmem:s0+$0x1250] =	vst v46  }
0x2a4: {  	v40 =	vmul.f32 v40, v33;
	v46 =	vld [tilespmem:s0+$0xCE30];
	v50 =	vmul.f32 v50, v31;
	v43 =	vadd.f32 v52, v43;
	[tilespmem:s0+$0x1240] =	vst v45  }
0x2a5: {  	v39 =	vmul.f32 v39, v33;
	v45 =	vld [tilespmem:s0+$0xCE20];
	v49 =	vmul.f32 v49, v31;
	v42 =	vadd.f32 v51, v42;
	[tilespmem:s0+$0x1230] =	vst v44  }
0x2a6: {  	v38 =	vmul.f32 v38, v33;
	v44 =	vld [tilespmem:s0+$0xCE10];
	v48 =	vmul.f32 v48, v31;
	v41 =	vadd.f32 v50, v41;
	[tilespmem:s0+$0x1220] =	vst v43  }
0x2a7: {  	v37 =	vmul.f32 v37, v33;
	v43 =	vld [tilespmem:s0+$0xCE00];
	v50 =	vmul.f32 v54, v31;
	v40 =	vadd.f32 v49, v40;
	[tilespmem:s0+$0x1210] =	vst v42  }
0x2a8: {  	v36 =	vmul.f32 v36, v33;
	v42 =	vld [tilespmem:s0+$0xCA70];
	v47 =	vmul.f32 v47, v31;
	v39 =	vadd.f32 v48, v39;
	[tilespmem:s0+$0x1200] =	vst v41  }
0x2a9: {  	v35 =	vmul.f32 v35, v33;
	v41 =	vld [tilespmem:s0+$0xCA60];
	v46 =	vmul.f32 v46, v31;
	v38 =	vadd.f32 v50, v38;
	[tilespmem:s0+$0xE70] =	vst v40  }
0x2aa: {  	v34 =	vmul.f32 v34, v33;
	v40 =	vld [tilespmem:s0+$0xCA50];
	v45 =	vmul.f32 v45, v31;
	v37 =	vadd.f32 v47, v37;
	[tilespmem:s0+$0xE60] =	vst v39  }
0x2ab: {  	v32 =	vmul.f32 v32, v33;
	v39 =	vld [tilespmem:s0+$0xCA40];
	v44 =	vmul.f32 v44, v31;
	v36 =	vadd.f32 v46, v36;
	[tilespmem:s0+$0xE50] =	vst v38  }
0x2ac: {  	v30 =	vmul.f32 v30, v33;
	v38 =	vld [tilespmem:s0+$0xCA30];
	v43 =	vmul.f32 v43, v31;
	v35 =	vadd.f32 v45, v35;
	[tilespmem:s0+$0xE40] =	vst v37  }
0x2ad: {  	v29 =	vmul.f32 v29, v33;
	v37 =	vld [tilespmem:s0+$0xCA20];
	v42 =	vmul.f32 v42, v31;
	v34 =	vadd.f32 v44, v34;
	[tilespmem:s0+$0xE30] =	vst v36  }
0x2ae: {  	v28 =	vmul.f32 v28, v33;
	v36 =	vld [tilespmem:s0+$0xCA10];
	v41 =	vmul.f32 v41, v31;
	v32 =	vadd.f32 v43, v32;
	[tilespmem:s0+$0xE20] =	vst v35  }
0x2af: {  	v27 =	vmul.f32 v27, v33;
	v35 =	vld [tilespmem:s0+$0xCA00];
	v40 =	vmul.f32 v40, v31;
	v30 =	vadd.f32 v42, v30;
	[tilespmem:s0+$0xE10] =	vst v34  }
0x2b0: {  	v26 =	vmul.f32 v26, v33;
	v34 =	vld [tilespmem:s0+$0xC670];
	v39 =	vmul.f32 v39, v31;
	v29 =	vadd.f32 v41, v29;
	[tilespmem:s0+$0xE00] =	vst v32  }
0x2b1: {  	v25 =	vmul.f32 v25, v33;
	v32 =	vld [tilespmem:s0+$0xC660];
	v38 =	vmul.f32 v38, v31;
	v28 =	vadd.f32 v40, v28;
	[tilespmem:s0+$0xA70] =	vst v30  }
0x2b2: {  	v24 =	vmul.f32 v24, v33;
	v30 =	vld [tilespmem:s0+$0xC650];
	v37 =	vmul.f32 v37, v31;
	v27 =	vadd.f32 v39, v27;
	[tilespmem:s0+$0xA60] =	vst v29  }
0x2b3: {  	v23 =	vmul.f32 v23, v33;
	v29 =	vld [tilespmem:s0+$0xC640];
	v36 =	vmul.f32 v36, v31;
	v26 =	vadd.f32 v38, v26;
	[tilespmem:s0+$0xA50] =	vst v28  }
0x2b4: {  	v22 =	vmul.f32 v22, v33;
	v28 =	vld [tilespmem:s0+$0xC630];
	v35 =	vmul.f32 v35, v31;
	v25 =	vadd.f32 v37, v25;
	[tilespmem:s0+$0xA40] =	vst v27  }
0x2b5: {  	v21 =	vmul.f32 v21, v33;
	v27 =	vld [tilespmem:s0+$0xC620];
	v34 =	vmul.f32 v34, v31;
	v24 =	vadd.f32 v36, v24;
	[tilespmem:s0+$0xA30] =	vst v26  }
0x2b6: {  	v20 =	vmul.f32 v20, v33;
	v26 =	vld [tilespmem:s0+$0xC610];
	v32 =	vmul.f32 v32, v31;
	v23 =	vadd.f32 v35, v23;
	[tilespmem:s0+$0xA20] =	vst v25  }
0x2b7: {  	v19 =	vmul.f32 v19, v33;
	v25 =	vld [tilespmem:s0+$0xC600];
	v30 =	vmul.f32 v30, v31;
	v22 =	vadd.f32 v34, v22;
	[tilespmem:s0+$0xA10] =	vst v24  }
0x2b8: {  	v18 =	vmul.f32 v18, v33;
	v24 =	vld [tilespmem:s0+$0xC270];
	v29 =	vmul.f32 v29, v31;
	v21 =	vadd.f32 v32, v21;
	[tilespmem:s0+$0xA00] =	vst v23  }
0x2b9: {  	v17 =	vmul.f32 v17, v33;
	v23 =	vld [tilespmem:s0+$0xC260];
	v28 =	vmul.f32 v28, v31;
	v20 =	vadd.f32 v30, v20;
	[tilespmem:s0+$0x670] =	vst v22  }
0x2ba: {  	v16 =	vmul.f32 v16, v33;
	v22 =	vmul.f32 v27, v31;
	v19 =	vadd.f32 v29, v19;
	[tilespmem:s0+$0x660] =	vst v21;
	v21 =	vld [tilespmem:s0+$0xD640]  }
0x2bb: {  	v15 =	vmul.f32 v15, v33;
	v26 =	vmul.f32 v26, v31;
	v18 =	vadd.f32 v28, v18;
	[tilespmem:s0+$0x650] =	vst v20;
	v20 =	vld [tilespmem:s0+$0xD650]  }
0x2bc: {  	v14 =	vmul.f32 v14, v33;
	v25 =	vmul.f32 v25, v31;
	v17 =	vadd.f32 v22, v17;
	[tilespmem:s0+$0x640] =	vst v19;
	v19 =	vld [tilespmem:s0+$0xD660]  }
0x2bd: {  	v13 =	vmul.f32 v13, v33;
	v22 =	vmul.f32 v24, v31;
	v16 =	vadd.f32 v26, v16;
	[tilespmem:s0+$0x630] =	vst v18;
	v18 =	vld [tilespmem:s0+$0xD670]  }
0x2be: {  	v12 =	vmul.f32 v12, v33;
	v23 =	vmul.f32 v23, v31;
	v15 =	vadd.f32 v25, v15;
	[tilespmem:s0+$0x620] =	vst v17;
	v17 =	vld [tilespmem:s0+$0x1640]  }
0x2bf: {  	v10 =	vmul.f32 v10, v33;
	v11 =	vmul.f32 v11, v31;
	v14 =	vadd.f32 v22, v14;
	[tilespmem:s0+$0x610] =	vst v16;
	v16 =	vld [tilespmem:s0+$0x1650]  }
0x2c0: {  	v8 =	vmul.f32 v8, v33;
	v9 =	vmul.f32 v9, v31;
	v13 =	vadd.f32 v23, v13;
	[tilespmem:s0+$0x600] =	vst v15;
	v15 =	vld [tilespmem:s0+$0x1660]  }
0x2c1: {  	v6 =	vmul.f32 v6, v33;
	v7 =	vmul.f32 v7, v31;
	v11 =	vadd.f32 v11, v12;
	[tilespmem:s0+$0x270] =	vst v14;
	v12 =	vld [tilespmem:s0+$0x1670]  }
0x2c2: {  	v3 =	vmul.f32 v3, v33;
	v5 =	vmul.f32 v5, v31;
	v9 =	vadd.f32 v9, v10;
	v14 =	vld [tilespmem:s0+$0x200];
	[tilespmem:s0+$0x260] =	vst v13  }
0x2c3: {  	v4 =	vmul.f32 v4, v31;
	v7 =	vadd.f32 v7, v8;
	v10 =	vld [tilespmem:s0+$0xC200];
	[tilespmem:s0+$0x250] =	vst v11;
	v8 =	vmul.f32 v17, v33  }
0x2c4: {  	s18 =	sshrl.u32 s17, $0x3;
	v5 =	vadd.f32 v5, v6;
	v6 =	vmul.f32 v21, v31;
	[tilespmem:s0+$0x240] =	vst v9;
	v9 =	vmul.f32 v16, v33  }
0x2c5: {  	s16 =	sadd.s32 $0x80, s16;
	s18 =	smul.u32 $0x1800, s18;
	v3 =	vadd.f32 v4, v3;
	v4 =	vmul.f32 v20, v31;
	[tilespmem:s0+$0x230] =	vst v7;
	v7 =	vmul.f32 v15, v33  }
0x2c6: {  	s19 =	sand.u32 $0x380, s16;
	[tilespmem:s0+$0x220] =	vst v5;
	v5 =	vadd.f32 v6, v8;
	v6 =	vmul.f32 v19, v31;
	v8 =	vmul.f32 v12, v33  }
0x2c7: {  	s18 =	sor.u32 s19, s18;
	v9 =	vadd.f32 v4, v9;
	v12 =	vmul.f32 v18, v31;
	v11 =	vmul.f32 v14, v33;
	[tilespmem:s0+$0x210] =	vst v3  }
0x2c8: {  	v3 =	vld [tilespmem:s18+$0x210];
	v10 =	vmul.f32 v10, v31;
	[tilespmem:s0+$0x1640] =	vst v5;
	v5 =	vadd.f32 v6, v7  }
0x2c9: {  	v7 =	vadd.f32 v12, v8;
	v4 =	vld [tilespmem:s18+$0xC210];
	[tilespmem:s0+$0x1650] =	vst v9  }
0x2ca: {  	v6 =	vld [tilespmem:s18+$0x220];
	v9 =	vadd.f32 v10, v11;
	[tilespmem:s0+$0x1660] =	vst v5  }
0x2cb: {  	v5 =	vld [tilespmem:s18+$0xC220];
	[tilespmem:s0+$0x1670] =	vst v7  }
0x2cc: {  	v8 =	vld [tilespmem:s18+$0x230];
	[tilespmem:s0+$0x200] =	vst v9;
	s0 =	smov.u32 s18  }
0x2cd: {  	v7 =	vld [tilespmem:s0+$0xC230]  }
0x2ce: {  	v10 =	vld [tilespmem:s0+$0x240]  }
0x2cf: {  	v9 =	vld [tilespmem:s0+$0xC240]  }
0x2d0: {  	v12 =	vld [tilespmem:s0+$0x250]  }
0x2d1: {  	v11 =	vld [tilespmem:s0+$0xC250]  }
0x2d2: {  	v13 =	vld [tilespmem:s0+$0x260]  }
0x2d3: {  	v14 =	vld [tilespmem:s0+$0x270]  }
0x2d4: {  	v15 =	vld [tilespmem:s0+$0x600]  }
0x2d5: {  	v16 =	vld [tilespmem:s0+$0x610]  }
0x2d6: {  	v17 =	vld [tilespmem:s0+$0x620]  }
0x2d7: {  	v18 =	vld [tilespmem:s0+$0x630]  }
0x2d8: {  	v19 =	vld [tilespmem:s0+$0x640]  }
0x2d9: {  	v20 =	vld [tilespmem:s0+$0x650]  }
0x2da: {  	v21 =	vld [tilespmem:s0+$0x660]  }
0x2db: {  	v22 =	vld [tilespmem:s0+$0x670]  }
0x2dc: {  	v23 =	vld [tilespmem:s0+$0xA00]  }
0x2dd: {  	v24 =	vld [tilespmem:s0+$0xA10]  }
0x2de: {  	v25 =	vld [tilespmem:s0+$0xA20]  }
0x2df: {  	v26 =	vld [tilespmem:s0+$0xA30]  }
0x2e0: {  	v27 =	vld [tilespmem:s0+$0xA40]  }
0x2e1: {  	v28 =	vld [tilespmem:s0+$0xA50]  }
0x2e2: {  	v29 =	vld [tilespmem:s0+$0xA60]  }
0x2e3: {  	v30 =	vld [tilespmem:s0+$0xA70]  }
0x2e4: {  	v32 =	vld [tilespmem:s0+$0xE00]  }
0x2e5: {  	v34 =	vld [tilespmem:s0+$0xE10]  }
0x2e6: {  	v35 =	vld [tilespmem:s0+$0xE20]  }
0x2e7: {  	v36 =	vld [tilespmem:s0+$0xE30]  }
0x2e8: {  	v37 =	vld [tilespmem:s0+$0xE40]  }
0x2e9: {  	v38 =	vld [tilespmem:s0+$0xE50]  }
0x2ea: {  	v39 =	vld [tilespmem:s0+$0xE60]  }
0x2eb: {  	v40 =	vld [tilespmem:s0+$0xE70]  }
0x2ec: {  	v41 =	vld [tilespmem:s0+$0x1200]  }
0x2ed: {  	v42 =	vld [tilespmem:s0+$0x1210]  }
0x2ee: {  	v43 =	vld [tilespmem:s0+$0x1220]  }
0x2ef: {  	v44 =	vld [tilespmem:s0+$0x1230]  }
0x2f0: {  	v45 =	vld [tilespmem:s0+$0x1240]  }
0x2f1: {  	v46 =	vld [tilespmem:s0+$0x1250]  }
.Ltmp1:
0x2f2: {  	v47 =	vld [tilespmem:s0+$0x1260];
	(pc) =	sbr.rel @p0 .LBB2_4-.Ltmp1, $4  }
0x2f3: {  	v48 =	vld [tilespmem:s0+$0x1600]  }
0x2f4: {  	v50 =	vld [tilespmem:s0+$0x1610]  }
0x2f5: {  	v49 =	vld [tilespmem:s0+$0xD610]  }
0x2f6: {  	s17 =	sadd.s32 $0x1, s17;
	v51 =	vld [tilespmem:s0+$0xD630]  }
0x2f7: {  	v52 =	vld [tilespmem:s0+$0x1620]  }
0x2f8: {  	s1 =	sadd.s32 $0x1, s1;
	v53 =	vld [tilespmem:s0+$0x1630]  }
0x2f9: {  	s19 =	sadd.s32 $0x1, s14;
	v31 =	vld.msk [tilespmem:s1+$0x0 ss:$0x0], $0xffff  }
0x2fa: {  	v33 =	vld.msk [tilespmem:s19+$0x0 ss:$0x0], $0xffff  }
0x2fb: {  	v54 =	vld [tilespmem:s0+$0xD620];
	_ =	sdelay $0x1  }
0x2fc: {  	v55 =	vld [tilespmem:s0+$0xD600]  }
0x2fd: {  	v56 =	vld [tilespmem:s0+$0x1270]  }
0x2fe: {  	v58 =	vld [tilespmem:s0+$0xD260];
	v53 =	vmul.f32 v53, v31;
	v51 =	vmul.f32 v51, v33  }
0x2ff: {  	v57 =	vld [tilespmem:s0+$0xD270];
	v52 =	vmul.f32 v52, v31;
	v54 =	vmul.f32 v54, v33  }
0x300: {  	v59 =	vld [tilespmem:s0+$0xD250];
	v50 =	vmul.f32 v50, v31;
	v49 =	vmul.f32 v49, v33  }
0x301: {  	v60 =	vld [tilespmem:s0+$0xD240];
	v48 =	vmul.f32 v48, v31;
	v62 =	vmul.f32 v55, v33;
	v51 =	vadd.f32 v51, v53  }
0x302: {  	v61 =	vld [tilespmem:s0+$0xD220];
	v63 =	vmul.f32 v56, v31;
	v47 =	vmul.f32 v47, v31;
	v52 =	vadd.f32 v54, v52  }
0x303: {  	v58 =	vmul.f32 v58, v33;
	v55 =	vld [tilespmem:s0+$0xC660];
	v12 =	vmul.f32 v12, v31;
	v49 =	vadd.f32 v49, v50;
	[tilespmem:s0+$0x1630] =	vst v51  }
0x304: {  	v56 =	vld [tilespmem:s0+$0xC650];
	v11 =	vmul.f32 v11, v33;
	v10 =	vmul.f32 v10, v31;
	v48 =	vadd.f32 v62, v48;
	[tilespmem:s0+$0x1620] =	vst v52  }
0x305: {  	v9 =	vmul.f32 v9, v33;
	v8 =	vmul.f32 v8, v31;
	v53 =	vld [tilespmem:s0+$0xD230];
	v47 =	vadd.f32 v58, v47;
	[tilespmem:s0+$0x1610] =	vst v49  }
0x306: {  	v7 =	vmul.f32 v7, v33;
	v6 =	vmul.f32 v6, v31;
	v50 =	vld [tilespmem:s0+$0xD200];
	v11 =	vadd.f32 v11, v12;
	[tilespmem:s0+$0x1600] =	vst v48  }
0x307: {  	v5 =	vmul.f32 v5, v33;
	v3 =	vmul.f32 v3, v31;
	v58 =	vld [tilespmem:s0+$0xCE20];
	v9 =	vadd.f32 v9, v10;
	[tilespmem:s0+$0x1260] =	vst v47  }
0x308: {  	v4 =	vmul.f32 v4, v33;
	v62 =	vmul.f32 v59, v33;
	v59 =	vld [tilespmem:s0+$0xCE10];
	v7 =	vadd.f32 v7, v8;
	[tilespmem:s0+$0x250] =	vst v11  }
0x309: {  	v57 =	vmul.f32 v57, v33;
	v54 =	vld [tilespmem:s0+$0xC670];
	v5 =	vadd.f32 v5, v6;
	[tilespmem:s0+$0x240] =	vst v9  }
0x30a: {  	v46 =	vmul.f32 v46, v31;
	v3 =	vadd.f32 v4, v3;
	v51 =	vld [tilespmem:s0+$0xD210];
	[tilespmem:s0+$0x230] =	vst v7  }
0x30b: {  	v45 =	vmul.f32 v45, v31;
	v49 =	vld [tilespmem:s0+$0xCE70];
	v52 =	vadd.f32 v57, v63;
	v63 =	vmul.f32 v60, v33;
	[tilespmem:s0+$0x220] =	vst v5  }
0x30c: {  	v43 =	vmul.f32 v43, v31;
	v48 =	vld [tilespmem:s0+$0xCE60];
	v46 =	vadd.f32 v62, v46;
	v57 =	vmul.f32 v61, v33;
	[tilespmem:s0+$0x210] =	vst v3  }
0x30d: {  	v44 =	vmul.f32 v44, v31;
	v47 =	vld [tilespmem:s0+$0xCE40];
	[tilespmem:s0+$0x1270] =	vst v52;
	v45 =	vadd.f32 v63, v45;
	v53 =	vmul.f32 v53, v33  }
0x30e: {  	v41 =	vmul.f32 v41, v31;
	v60 =	vld [tilespmem:s0+$0xCE00];
	[tilespmem:s0+$0x1250] =	vst v46;
	v43 =	vadd.f32 v57, v43;
	v50 =	vmul.f32 v50, v33  }
0x30f: {  	v35 =	vmul.f32 v35, v31;
	v61 =	vld [tilespmem:s0+$0xCA70];
	[tilespmem:s0+$0x1240] =	vst v45;
	v45 =	vmul.f32 v58, v33;
	v44 =	vadd.f32 v53, v44  }
0x310: {  	v42 =	vmul.f32 v42, v31;
	v52 =	vld [tilespmem:s0+$0xCE50];
	[tilespmem:s0+$0x1220] =	vst v43;
	v51 =	vmul.f32 v51, v33;
	v41 =	vadd.f32 v50, v41  }
0x311: {  	v40 =	vmul.f32 v40, v31;
	v46 =	vld [tilespmem:s0+$0xCE30];
	v49 =	vmul.f32 v49, v33;
	v35 =	vadd.f32 v45, v35;
	[tilespmem:s0+$0x1230] =	vst v44  }
0x312: {  	v39 =	vmul.f32 v39, v31;
	v62 =	vld [tilespmem:s0+$0xCA60];
	v48 =	vmul.f32 v48, v33;
	v42 =	vadd.f32 v51, v42;
	[tilespmem:s0+$0x1200] =	vst v41  }
0x313: {  	v37 =	vmul.f32 v37, v31;
	v57 =	vld [tilespmem:s0+$0xC640];
	v47 =	vmul.f32 v47, v33;
	v40 =	vadd.f32 v49, v40;
	[tilespmem:s0+$0xE20] =	vst v35  }
0x314: {  	v32 =	vmul.f32 v32, v31;
	v58 =	vld [tilespmem:s0+$0xC630];
	v43 =	vmul.f32 v60, v33;
	v39 =	vadd.f32 v48, v39;
	[tilespmem:s0+$0x1210] =	vst v42  }
0x315: {  	v38 =	vmul.f32 v38, v31;
	v50 =	vld [tilespmem:s0+$0xCA30];
	v63 =	vmul.f32 v52, v33;
	v37 =	vadd.f32 v47, v37;
	[tilespmem:s0+$0xE70] =	vst v40  }
0x316: {  	v36 =	vmul.f32 v36, v31;
	v53 =	vld [tilespmem:s0+$0xCA00];
	v46 =	vmul.f32 v46, v33;
	v32 =	vadd.f32 v43, v32;
	[tilespmem:s0+$0xE60] =	vst v39  }
0x317: {  	v34 =	vmul.f32 v34, v31;
	v60 =	vld [tilespmem:s0+$0xC610];
	v44 =	vmul.f32 v59, v33;
	v38 =	vadd.f32 v63, v38;
	[tilespmem:s0+$0xE40] =	vst v37  }
0x318: {  	v29 =	vmul.f32 v29, v31;
	v45 =	vld [tilespmem:s0+$0x1640];
	v41 =	vmul.f32 v62, v33;
	v36 =	vadd.f32 v46, v36;
	[tilespmem:s0+$0xE00] =	vst v32  }
0x319: {  	v21 =	vmul.f32 v21, v31;
	v48 =	vld [tilespmem:s0+$0xCA50];
	v62 =	vmul.f32 v55, v33;
	v34 =	vadd.f32 v44, v34;
	[tilespmem:s0+$0xE50] =	vst v38  }
0x31a: {  	v30 =	vmul.f32 v30, v31;
	v49 =	vld [tilespmem:s0+$0xCA40];
	v42 =	vmul.f32 v61, v33;
	v29 =	vadd.f32 v41, v29;
	[tilespmem:s0+$0xE30] =	vst v36  }
0x31b: {  	v23 =	vmul.f32 v23, v31;
	v51 =	vld [tilespmem:s0+$0xCA20];
	v21 =	vadd.f32 v62, v21;
	v35 =	vmul.f32 v53, v33;
	[tilespmem:s0+$0xE10] =	vst v34  }
0x31c: {  	v16 =	vmul.f32 v16, v31;
	v52 =	vld [tilespmem:s0+$0xCA10];
	v41 =	vmul.f32 v60, v33;
	v30 =	vadd.f32 v42, v30;
	[tilespmem:s0+$0xA60] =	vst v29  }
0x31d: {  	v26 =	vmul.f32 v26, v31;
	v59 =	vld [tilespmem:s0+$0xC620];
	v38 =	vmul.f32 v50, v33;
	[tilespmem:s0+$0x660] =	vst v21;
	v23 =	vadd.f32 v35, v23  }
0x31e: {  	v22 =	vmul.f32 v22, v31;
	v43 =	vld [tilespmem:s0+$0xD670];
	v34 =	vmul.f32 v54, v33;
	v16 =	vadd.f32 v41, v16;
	[tilespmem:s0+$0xA70] =	vst v30  }
0x31f: {  	v28 =	vmul.f32 v28, v31;
	v61 =	vld [tilespmem:s0+$0xC600];
	v40 =	vmul.f32 v48, v33;
	v26 =	vadd.f32 v38, v26;
	[tilespmem:s0+$0xA00] =	vst v23  }
0x320: {  	v27 =	vmul.f32 v27, v31;
	v63 =	vld [tilespmem:s0+$0xC270];
	v39 =	vmul.f32 v49, v33;
	v22 =	vadd.f32 v34, v22;
	[tilespmem:s0+$0x610] =	vst v16  }
0x321: {  	v25 =	vmul.f32 v25, v31;
	v46 =	vld [tilespmem:s0+$0x1650];
	v37 =	vmul.f32 v51, v33;
	v28 =	vadd.f32 v40, v28;
	[tilespmem:s0+$0xA30] =	vst v26  }
0x322: {  	v24 =	vmul.f32 v24, v31;
	v50 =	vld [tilespmem:s0+$0xC200];
	v36 =	vmul.f32 v52, v33;
	v27 =	vadd.f32 v39, v27;
	[tilespmem:s0+$0x670] =	vst v22  }
0x323: {  	v19 =	vmul.f32 v19, v31;
	v35 =	vmul.f32 v57, v33;
	v48 =	vld [tilespmem:s0+$0x1660];
	v25 =	vadd.f32 v37, v25;
	[tilespmem:s0+$0xA50] =	vst v28  }
0x324: {  	v20 =	vmul.f32 v20, v31;
	v51 =	vld [tilespmem:s0+$0x200];
	v30 =	vmul.f32 v56, v33;
	v24 =	vadd.f32 v36, v24;
	[tilespmem:s0+$0xA40] =	vst v27  }
0x325: {  	v18 =	vmul.f32 v18, v31;
	v34 =	vld [tilespmem:s0+$0xC260];
	v37 =	vmul.f32 v58, v33;
	v19 =	vadd.f32 v35, v19;
	[tilespmem:s0+$0xA20] =	vst v25  }
0x326: {  	v17 =	vmul.f32 v17, v31;
	v38 =	vld [tilespmem:s0+$0xD650];
	v39 =	vmul.f32 v59, v33;
	v20 =	vadd.f32 v30, v20;
	[tilespmem:s0+$0xA10] =	vst v24  }
0x327: {  	v15 =	vmul.f32 v15, v31;
	v36 =	vld [tilespmem:s0+$0xD640];
	v42 =	vmul.f32 v61, v33;
	v18 =	vadd.f32 v37, v18;
	[tilespmem:s0+$0x640] =	vst v19  }
0x328: {  	v14 =	vmul.f32 v14, v31;
	v40 =	vld [tilespmem:s0+$0xD660];
	v44 =	vmul.f32 v63, v33;
	v17 =	vadd.f32 v39, v17;
	[tilespmem:s0+$0x650] =	vst v20  }
0x329: {  	v49 =	vld [tilespmem:s0+$0x1670];
	v15 =	vadd.f32 v42, v15;
	v10 =	vmul.f32 v50, v33;
	v61 =	vmul.f32 v51, v31;
	[tilespmem:s0+$0x630] =	vst v18  }
0x32a: {  	v13 =	vmul.f32 v13, v31;
	v14 =	vadd.f32 v44, v14;
	[tilespmem:s0+$0x620] =	vst v17;
	v47 =	vmul.f32 v34, v33  }
0x32b: {  	v54 =	vmul.f32 v46, v31;
	[tilespmem:s0+$0x600] =	vst v15;
	v55 =	vmul.f32 v38, v33;
	v63 =	vadd.f32 v10, v61  }
0x32c: {  	v52 =	vmul.f32 v45, v31;
	[tilespmem:s0+$0x270] =	vst v14;
	v53 =	vmul.f32 v36, v33;
	v13 =	vadd.f32 v47, v13  }
0x32d: {  	v56 =	vmul.f32 v48, v31;
	v58 =	vmul.f32 v40, v33;
	v3 =	vadd.f32 v55, v54;
	[tilespmem:s0+$0x200] =	vst v63  }
0x32e: {  	v60 =	vmul.f32 v43, v33;
	v59 =	vmul.f32 v49, v31;
	v57 =	vadd.f32 v53, v52;
	[tilespmem:s0+$0x260] =	vst v13  }
0x32f: {  	v62 =	vadd.f32 v58, v56;
	[tilespmem:s0+$0x1650] =	vst v3  }
0x330: {  	v3 =	vadd.f32 v60, v59;
	[tilespmem:s0+$0x1640] =	vst v57  }
0x331: {  	[tilespmem:s0+$0x1660] =	vst v62  }
0x332: {  	s31 =	sadd.s32 $0x1, s31;
	[tilespmem:s0+$0x1670] =	vst v3  }
0x333: {  	[hbm4b:s11+s2] =	stream.linear.scatter [tilespmem:s21], [sflag:$0x2], $0x6000, $0x38;
	[tilespmem:$0x18200] =	vst v63  }
0x334: {  	p0 =	sne.s32 s31, s12;
	_ =	swait.ge [sflag:s29], $0x6000  }
.Ltmp2:
0x335: {  	[sflag:s29] =	ssyncset.done $0x0;
	(pc) =	sbr.rel @p0 .LBB2_1-.Ltmp2, $4  }
0x336: {  	[sflag:s29] =	ssyncadd.s32 $0xFFFFA000  }
0x337: {  	_ =	swait.ge [sflag:s30], $0x6000  }
0x338: {  	[sflag:s30] =	ssyncset.done $0x0  }
0x339: {  	[sflag:s30] =	ssyncadd.s32 $0xFFFFA000  }
0x33a: {  	_ =	sfence.sel $0x180000  }
0x33b: {  	[bflag:$0x0] =	sbarrier.arrive $0xFFFF  }
0x33c: {  	_ =	strace $0x9000004A  }
0x33d: {  	s0 =	stileid.u32;
	[bflag:$0x2] =	sbarrier.arrive $0xFFFF  }
0x33e: {  	p0 =	sne.s32 s0, $0x0;
	s0 =	rddreg [dreg:$0x2]  }
0x33f: {  	s0 =	sadd.s32 @!p0 $0x100000, s0  }
0x340: {  	[sflag:s0] =	ssyncadd.tile.s32 @!p0 $0x1;
	_ =	shalt  }
.Lfunc_end2:
_tile_overlayer_lowered:
.L_overlay_start_2:
0x341: {  	(tag) =	ssettag $0x2  }
0x342: {  	s0 =	rddreg [dreg:$0x0];
	s2 =	stileid.u32  }
0x343: {  	s1 =	rddreg [dreg:$0x1];
	p0 =	sne.s32 s2, $0x0  }
0x344: {  	s3 =	rddreg [dreg:$0x2];
	[bflag:$0x3] =	sbarrier.arrive $0xFFFF;
	s2 =	simm.s32 @!p0 $0x1C03  }
0x345: {  	[timem:s3], [sflag:s2] =	dma.local @!p0 [hbm:s0], s1  }
0x346: {  	s0 =	simm.s32 @!p0 $0x3  }
0x347: {  	_ =	swait.ge @!p0 [sflag:s0], s1  }
0x348: {  	s1 =	ssub.s32 @!p0 $0x0, s1;
	[sflag:s0] =	ssyncset.done @!p0 $0x0  }
0x349: {  	[sflag:s0] =	ssyncadd.s32 @!p0 s1  }
0x34a: {  	[bflag:$0x3] =	sbarrier.arrive $0xFFFF  }
0x34b: {  	_ =	shalt  }

</sc_bundles>
